<compile_context>
chip_gen: v7x
topology: tpu7x:2x2x1
jax: 0.10.2.dev20260603
libtpu: 0.0.44.dev20260713+nightly
codegen_flags: <defaults>
</compile_context>

<pallas_src>
import functools

import jax
import jax.numpy as jnp
from jax import lax
from jax.experimental import pallas as pl
from jax.experimental.pallas import tpu as pltpu
from jax.experimental.pallas import tpu_sc as plsc

N = 10000
E = 320000
NC, NS = 2, 16
NW = NC * NS
CH = 128
NCH_E = 80
NCH_C = 160
E_PAD = NW * NCH_E * CH
N_ACC = 10112
RPT = N_ACC // NS

_SC_PARAMS = pltpu.CompilerParams(use_tc_tiling_on_sc=False)


def _seg_body(nch, bb, pp, col_split, compute_deg, y, srcs, dsts, zeros,
              *rest):
    if compute_deg:
        (ones_in, out, dout, src_v, dst_v, rows, acc, ones_v, dacc,
         *sems) = rest
    else:
        out, src_v, dst_v, rows, acc, *sems = rest
    gsem = sems[:bb]
    ssem = sems[bb:bb + bb]
    dsem = sems[-1]
    cid = lax.axis_index("c")
    sid = lax.axis_index("s")
    r0 = sid * RPT
    pltpu.sync_copy(zeros.at[pl.ds(r0, RPT)], acc.at[pl.ds(r0, RPT)])
    if compute_deg:
        pltpu.sync_copy(ones_in.at[pl.ds(r0, RPT)], dacc.at[pl.ds(r0, RPT)])
        pltpu.sync_copy(ones_in.at[pl.ds(N_ACC, CH)], ones_v)
    if col_split:
        table = y.at[cid]
        pltpu.sync_copy(srcs.at[sid], src_v)
        pltpu.sync_copy(dsts.at[sid], dst_v)
    else:
        table = y
        wid = cid * NS + sid
        pltpu.sync_copy(srcs.at[wid], src_v)
        pltpu.sync_copy(dsts.at[wid], dst_v)
    plsc.subcore_barrier()

    def gather(c, slot):
        pltpu.async_copy(table.at[src_v.at[c]], rows.at[slot], gsem[slot])

    def wait_gather(c, slot):
        pltpu.make_async_copy(table.at[src_v.at[c]], rows.at[slot],
                              gsem[slot]).wait()

    def scatter(c, slot):
        pltpu.async_copy(rows.at[slot], acc.at[dst_v.at[c]], ssem[slot],
                         add=True)

    def wait_scatter(c, slot):
        pltpu.make_async_copy(rows.at[slot], acc.at[dst_v.at[c]],
                              ssem[slot]).wait()

    for b in range(pp):
        gather(b, b)

    def step(c0, carry):
        for b in range(bb):
            c = c0 * bb + b
            nxt = c + pp
            nslot = (b + pp) % bb

            @pl.when(nxt < nch)
            def _():
                @pl.when(nxt >= bb)
                def _():
                    wait_scatter(nxt - bb, nslot)
                gather(nxt, nslot)
            wait_gather(c, b)
            scatter(c, b)
        if compute_deg:
            for b in range(bb):
                c = c0 * bb + b
                pltpu.async_copy(ones_v, dacc.at[dst_v.at[c]], dsem,
                                 add=True)
            for b in range(bb):
                c = c0 * bb + b
                pltpu.make_async_copy(ones_v, dacc.at[dst_v.at[c]],
                                      dsem).wait()
        return carry

    lax.fori_loop(0, nch // bb, step, 0)
    for b in range(bb):
        c = nch - bb + b
        wait_scatter(c, c % bb)
    plsc.subcore_barrier()
    pltpu.sync_copy(acc.at[pl.ds(r0, RPT)], out.at[cid, pl.ds(r0, RPT)])
    if compute_deg:
        pltpu.sync_copy(dacc.at[pl.ds(r0, RPT)], dout.at[cid, pl.ds(r0, RPT)])


def _make_seg_sum(d, col_split, chw, bb, pp, compute_deg=False):
    ept = (NCH_C if col_split else NCH_E) * CH
    nch = ept // chw
    mesh = plsc.VectorSubcoreMesh(core_axis_name="c", subcore_axis_name="s")
    out_type = [jax.ShapeDtypeStruct((NC, N_ACC, d), jnp.float32)]
    scratch = [
        pltpu.VMEM((nch, chw), jnp.int32),
        pltpu.VMEM((nch, chw), jnp.int32),
        pltpu.VMEM((bb, chw, d), jnp.float32),
        pltpu.VMEM_SHARED((N_ACC, d), jnp.float32),
    ]
    if compute_deg:
        out_type.append(jax.ShapeDtypeStruct((NC, N_ACC, 16), jnp.float32))
        scratch += [pltpu.VMEM((chw, 16), jnp.float32),
                    pltpu.VMEM_SHARED((N_ACC, 16), jnp.float32)]
    scratch += [pltpu.SemaphoreType.DMA] * (2 * bb + 1)
    return pl.kernel(
        functools.partial(_seg_body, nch, bb, pp, col_split, compute_deg),
        out_type=tuple(out_type),
        mesh=mesh, scratch_types=scratch, compiler_params=_SC_PARAMS)


def _deg_body(dsts, ones_in, dout, dst_v, ones_v, dacc, sem):
    cid = lax.axis_index("c")
    sid = lax.axis_index("s")
    wid = cid * NS + sid
    r0 = sid * RPT
    pltpu.sync_copy(ones_in.at[pl.ds(r0, RPT)], dacc.at[pl.ds(r0, RPT)])
    pltpu.sync_copy(dsts.at[wid], dst_v)
    pltpu.sync_copy(ones_in.at[pl.ds(N_ACC, CH)], ones_v)
    plsc.subcore_barrier()

    def step(c0, carry):
        for b in range(8):
            c = c0 * 8 + b
            pltpu.async_copy(ones_v, dacc.at[dst_v.at[c]], sem, add=True)
        for b in range(8):
            c = c0 * 8 + b
            pltpu.make_async_copy(ones_v, dacc.at[dst_v.at[c]], sem).wait()
        return carry

    lax.fori_loop(0, NCH_E // 8, step, 0)
    plsc.subcore_barrier()
    pltpu.sync_copy(dacc.at[pl.ds(r0, RPT)], dout.at[cid, pl.ds(r0, RPT)])


_deg_kernel = pl.kernel(
    _deg_body,
    out_type=jax.ShapeDtypeStruct((NC, N_ACC, 16), jnp.float32),
    mesh=plsc.VectorSubcoreMesh(core_axis_name="c", subcore_axis_name="s"),
    scratch_types=[
        pltpu.VMEM((NCH_E, CH), jnp.int32),
        pltpu.VMEM((CH, 16), jnp.float32),
        pltpu.VMEM_SHARED((N_ACC, 16), jnp.float32),
        pltpu.SemaphoreType.DMA,
    ],
    compiler_params=_SC_PARAMS)


def _mm2_body(x_ref, wl_ref, wr_ref, y_ref, z_ref):
    x = x_ref[...]
    y_ref[0] = jnp.dot(x, wl_ref[0], preferred_element_type=jnp.float32)
    y_ref[1] = jnp.dot(x, wl_ref[1], preferred_element_type=jnp.float32)
    z_ref[...] = jnp.dot(x, wr_ref[...], preferred_element_type=jnp.float32)


def _norm(s_ref, d_ref, z_ref, b_ref):
    s = jnp.concatenate([s_ref[0], s_ref[1]], axis=1)
    deg = d_ref[0, :, 0:1] + d_ref[1, :, 0:1]
    return s / jnp.maximum(deg, 1.0) + b_ref[...] + z_ref[...]


def _mid_body(s_ref, d_ref, z_ref, b_ref, g_ref, be_ref, wl_ref, wr_ref,
              y_ref, zo_ref):
    t = _norm(s_ref, d_ref, z_ref, b_ref)
    m = jnp.mean(t, axis=-1, keepdims=True)
    v = jnp.mean((t - m) ** 2, axis=-1, keepdims=True)
    h = (t - m) / jnp.sqrt(v + 1e-5) * g_ref[...] + be_ref[...]
    h = jnp.maximum(h, 0.0)
    if y_ref.shape[0] == 2:
        y_ref[0] = jnp.dot(h, wl_ref[0], preferred_element_type=jnp.float32)
        y_ref[1] = jnp.dot(h, wl_ref[1], preferred_element_type=jnp.float32)
    else:
        y_ref[...] = jnp.dot(h, wl_ref[...],
                             preferred_element_type=jnp.float32)
    zo_ref[...] = jnp.dot(h, wr_ref[...], preferred_element_type=jnp.float32)


def _fin_body(s_ref, d_ref, z_ref, b_ref, o_ref):
    s = s_ref[0] + s_ref[1]
    deg = d_ref[0, :, 0:1] + d_ref[1, :, 0:1]
    o_ref[...] = s / jnp.maximum(deg, 1.0) + b_ref[...] + z_ref[...]


BLK = 1000
GRID = N // BLK


def _tc_mm2(x, wl2, wr):
    din = x.shape[1]
    dh = wl2.shape[2]
    return pl.pallas_call(
        _mm2_body,
        grid=(GRID,),
        in_specs=[
            pl.BlockSpec((BLK, din), lambda i: (i, 0)),
            pl.BlockSpec((NC, din, dh), lambda i: (0, 0, 0)),
            pl.BlockSpec((din, din), lambda i: (0, 0)),
        ],
        out_specs=[
            pl.BlockSpec((NC, BLK, dh), lambda i: (0, i, 0)),
            pl.BlockSpec((BLK, din), lambda i: (i, 0)),
        ],
        out_shape=[jax.ShapeDtypeStruct((NC, N, dh), jnp.float32),
                   jax.ShapeDtypeStruct((N, din), jnp.float32)],
    )(x, wl2, wr)


def _tc_mid(s, dg, z, b, g, be, wl, wr, split_out):
    din = z.shape[1]
    if split_out:
        dh = wl.shape[2]
        wl_spec = pl.BlockSpec((NC, din, dh), lambda i: (0, 0, 0))
        y_spec = pl.BlockSpec((NC, BLK, dh), lambda i: (0, i, 0))
        y_shape = jax.ShapeDtypeStruct((NC, N, dh), jnp.float32)
        dout = din
    else:
        dout = wl.shape[1]
        wl_spec = pl.BlockSpec((din, dout), lambda i: (0, 0))
        y_spec = pl.BlockSpec((BLK, dout), lambda i: (i, 0))
        y_shape = jax.ShapeDtypeStruct((N, dout), jnp.float32)
    return pl.pallas_call(
        _mid_body,
        grid=(GRID,),
        in_specs=[
            pl.BlockSpec((NC, BLK, din // 2), lambda i: (0, i, 0)),
            pl.BlockSpec((NC, BLK, 16), lambda i: (0, i, 0)),
            pl.BlockSpec((BLK, din), lambda i: (i, 0)),
            pl.BlockSpec((1, din), lambda i: (0, 0)),
            pl.BlockSpec((1, din), lambda i: (0, 0)),
            pl.BlockSpec((1, din), lambda i: (0, 0)),
            wl_spec,
            pl.BlockSpec((din, dout), lambda i: (0, 0)),
        ],
        out_specs=[
            y_spec,
            pl.BlockSpec((BLK, dout), lambda i: (i, 0)),
        ],
        out_shape=[y_shape,
                   jax.ShapeDtypeStruct((N, dout), jnp.float32)],
    )(s, dg, z, b, g, be, wl, wr)


def _tc_fin(s, dg, z, b):
    dout = z.shape[1]
    return pl.pallas_call(
        _fin_body,
        grid=(GRID,),
        in_specs=[
            pl.BlockSpec((NC, BLK, dout), lambda i: (0, i, 0)),
            pl.BlockSpec((NC, BLK, 16), lambda i: (0, i, 0)),
            pl.BlockSpec((BLK, dout), lambda i: (i, 0)),
            pl.BlockSpec((1, dout), lambda i: (0, 0)),
        ],
        out_specs=pl.BlockSpec((BLK, dout), lambda i: (i, 0)),
        out_shape=jax.ShapeDtypeStruct((N, dout), jnp.float32),
    )(s, dg, z, b)


_seg_sum_col_deg = _make_seg_sum(64, True, 128, 4, 3, True)
_seg_sum_col = _make_seg_sum(64, True, 128, 5, 3)
_seg_sum_edge = _make_seg_sum(64, False, 128, 8, 5)


def kernel(x, edge_index, W1l, b1l, W1r, W2l, b2l, W2r, W3l, b3l, W3r,
           gamma, beta):
    src = edge_index[0]
    dst = edge_index[1]
    pad = E_PAD - E
    src_p = jnp.concatenate([src, jnp.zeros((pad,), jnp.int32)])
    dst_p = jnp.concatenate([dst, jnp.full((pad,), N, jnp.int32)])
    src_e = src_p.reshape(NW, NCH_E, CH)
    dst_e = dst_p.reshape(NW, NCH_E, CH)
    src_c = src_p.reshape(NS, NCH_C, CH)
    dst_c = dst_p.reshape(NS, NCH_C, CH)
    z64 = jnp.zeros((N_ACC, 64), jnp.float32)
    ones_deg = jnp.concatenate([jnp.zeros((N_ACC, 16), jnp.float32),
                                jnp.full((CH, 16), 0.5, jnp.float32)])
    b1 = b1l.reshape(1, -1)
    b2 = b2l.reshape(1, -1)
    b3 = b3l.reshape(1, -1)
    g = gamma.reshape(1, -1)
    be = beta.reshape(1, -1)
    w1l2 = W1l.reshape(128, NC, 64).transpose(1, 0, 2)
    w2l2 = W2l.reshape(128, NC, 64).transpose(1, 0, 2)

    y1, zz1 = _tc_mm2(x, w1l2, W1r)
    s1, dg = _seg_sum_col_deg(y1, src_c, dst_c, z64, ones_deg)
    y2, zz2 = _tc_mid(s1, dg, zz1, b1, g, be, w2l2, W2r, True)
    s2, = _seg_sum_col(y2, src_c, dst_c, z64)
    y3, zz3 = _tc_mid(s2, dg, zz2, b2, g, be, W3l, W3r, False)
    s3, = _seg_sum_edge(y3, src_e, dst_e, z64)
    return _tc_fin(s3, dg, zz3, b3)

# --- scband reference (transcript-rebuilt; emitter-appended) ---
"""Pipeline reference for scband-graph-sagetask-distributor-3762391351459 (READ-ONLY COPY).

The authoritative reference and input builder live on the scoring server;
editing this copy changes nothing except your own understanding.
"""

import jax, jax.numpy as jnp
import numpy as np

N = 10000
E = 320000
D_IN = 128
D_H = 128
D_OUT = 64


def _sage_conv(x, edge_index, Wl, bl, Wr):
    # PyG-style SAGEConv with mean aggregation:
    # out = lin_l(mean_{j in N(i)} x_j) + lin_r(x_i)
    src = edge_index[0]
    dst = edge_index[1]
    msg = jnp.take(x, src, axis=0)
    agg = jax.ops.segment_sum(msg, dst, num_segments=N)
    deg = jax.ops.segment_sum(jnp.ones((edge_index.shape[1],), x.dtype), dst, num_segments=N)
    agg = agg / jnp.clip(deg, 1.0)[:, None]
    return agg @ Wl + bl + x @ Wr


def _layer_norm(x, gamma, beta):
    m = jnp.mean(x, axis=-1, keepdims=True)
    v = jnp.var(x, axis=-1, keepdims=True)
    return (x - m) / jnp.sqrt(v + 1e-5) * gamma + beta


def setup_inputs(seed: int = 0) -> dict:
    key = jax.random.key(seed)
    ks = jax.random.split(key, 16)
    x = jax.random.normal(ks[0], (N, D_IN), dtype=jnp.float32)
    edge_index = jax.random.randint(ks[1], (2, E), 0, N, dtype=jnp.int32)
    s_in = 1.0 / np.sqrt(D_IN)
    s_h = 1.0 / np.sqrt(D_H)
    W1l = jax.random.uniform(ks[2], (D_IN, D_H), jnp.float32, -s_in, s_in)
    b1l = jax.random.uniform(ks[3], (D_H,), jnp.float32, -s_in, s_in)
    W1r = jax.random.uniform(ks[4], (D_IN, D_H), jnp.float32, -s_in, s_in)
    W2l = jax.random.uniform(ks[5], (D_H, D_H), jnp.float32, -s_h, s_h)
    b2l = jax.random.uniform(ks[6], (D_H,), jnp.float32, -s_h, s_h)
    W2r = jax.random.uniform(ks[7], (D_H, D_H), jnp.float32, -s_h, s_h)
    W3l = jax.random.uniform(ks[8], (D_H, D_OUT), jnp.float32, -s_h, s_h)
    b3l = jax.random.uniform(ks[9], (D_OUT,), jnp.float32, -s_h, s_h)
    W3r = jax.random.uniform(ks[10], (D_H, D_OUT), jnp.float32, -s_h, s_h)
    gamma = jnp.ones((D_H,), jnp.float32)
    beta = jnp.zeros((D_H,), jnp.float32)
    return {"x": x, "edge_index": edge_index, "W1l": W1l, "b1l": b1l, "W1r": W1r,
            "W2l": W2l, "b2l": b2l, "W2r": W2r, "W3l": W3l, "b3l": b3l, "W3r": W3r,
            "gamma": gamma, "beta": beta}


def reference(x, edge_index, W1l, b1l, W1r, W2l, b2l, W2r, W3l, b3l, W3r, gamma, beta):
    # layer 1 (dropout is identity at inference)
    h = _sage_conv(x, edge_index, W1l, b1l, W1r)
    h = _layer_norm(h, gamma, beta)
    h = jax.nn.relu(h)
    # layer 2 (shared layer_norm params, matching the torch module)
    h = _sage_conv(h, edge_index, W2l, b2l, W2r)
    h = _layer_norm(h, gamma, beta)
    h = jax.nn.relu(h)
    # final layer, no norm/activation; batch is None so no pooling
    out = _sage_conv(h, edge_index, W3l, b3l, W3r)
    return out

if __name__ == "__main__":
    import jax
    _d = setup_inputs()
    print(jax.jit(kernel)(*tuple(_d.values())))

</pallas_src>

<mosaic_0001>
#map = affine_map<(d0, d1) -> (0, 0, 0)>
#map1 = affine_map<(d0, d1) -> (0, 0)>
module attributes {stable_mosaic.version = 14 : i64} {
  func.func @_seg_body(%arg0: i32, %arg1: i32, %arg2: memref<2x10000x64xf32, #tpu.memory_space<hbm>>, %arg3: memref<16x160x128xi32, #tpu.memory_space<hbm>>, %arg4: memref<16x160x128xi32, #tpu.memory_space<hbm>>, %arg5: memref<10112x64xf32, #tpu.memory_space<hbm>>, %arg6: memref<2x10112x64xf32, #tpu.memory_space<hbm>>, %arg7: memref<160x128xi32, #tpu.memory_space<vmem>>, %arg8: memref<160x128xi32, #tpu.memory_space<vmem>>, %arg9: memref<5x128x64xf32, #tpu.memory_space<vmem>>, %arg10: memref<10112x64xf32, #tpu.memory_space<vmem_shared>>, %arg11: memref<!tpu.dma_semaphore, #tpu.memory_space<semaphore_mem>>, %arg12: memref<!tpu.dma_semaphore, #tpu.memory_space<semaphore_mem>>, %arg13: memref<!tpu.dma_semaphore, #tpu.memory_space<semaphore_mem>>, %arg14: memref<!tpu.dma_semaphore, #tpu.memory_space<semaphore_mem>>, %arg15: memref<!tpu.dma_semaphore, #tpu.memory_space<semaphore_mem>>, %arg16: memref<!tpu.dma_semaphore, #tpu.memory_space<semaphore_mem>>, %arg17: memref<!tpu.dma_semaphore, #tpu.memory_space<semaphore_mem>>, %arg18: memref<!tpu.dma_semaphore, #tpu.memory_space<semaphore_mem>>, %arg19: memref<!tpu.dma_semaphore, #tpu.memory_space<semaphore_mem>>, %arg20: memref<!tpu.dma_semaphore, #tpu.memory_space<semaphore_mem>>, %arg21: memref<!tpu.dma_semaphore, #tpu.memory_space<semaphore_mem>>) attributes {dimension_semantics = [#tpu.dimension_semantics<core_parallel>, #tpu.dimension_semantics<subcore_parallel>], iteration_bounds = array<i64: 2, 16>, scalar_prefetch = 0 : i64, scratch_operands = 15 : i64, tpu.core_type = #tpu.core_type<sc_vector_subcore>, window_params = [{transform_indices = #map}, {transform_indices = #map}, {transform_indices = #map}, {transform_indices = #map1}, {transform_indices = #map}]} {
    %mul3A = arith.constant 632 : i32
    %mul3A_0 = arith.muli %arg1, %mul3A : i32
    "tpu.region"() ({
      %run_scoped3A = tpu.sem_alloc : memref<!tpu.dma_semaphore, #tpu.memory_space<semaphore_mem>>
      %dma_start3A_113 = arith.constant 0 : i32
      %dma_start3A_114 = tpu.memref_slice %arg10[%mul3A_0, %dma_start3A_113] : memref<10112x64xf32, #tpu.memory_space<vmem_shared>> -> memref<632x64xf32, #tpu.memory_space<vmem_shared>>
      %dma_start3A_115 = arith.constant 0 : i32
      %dma_start3A_116 = tpu.memref_slice %arg5[%mul3A_0, %dma_start3A_115] : memref<10112x64xf32, #tpu.memory_space<hbm>> -> memref<632x64xf32, #tpu.memory_space<hbm>>
      tpu.enqueue_dma source(%dma_start3A_116 : memref<632x64xf32, #tpu.memory_space<hbm>>) target(%dma_start3A_114 : memref<632x64xf32, #tpu.memory_space<vmem_shared>>) target_semaphore(%run_scoped3A : memref<!tpu.dma_semaphore, #tpu.memory_space<semaphore_mem>>)
      %dma_wait3A_117 = arith.constant 0 : i32
      %dma_wait3A_118 = tpu.memref_slice %arg10[%mul3A_0, %dma_wait3A_117] : memref<10112x64xf32, #tpu.memory_space<vmem_shared>> -> memref<632x64xf32, #tpu.memory_space<vmem_shared>>
      %dma_wait3A_119 = arith.constant 0 : i32
      %dma_wait3A_120 = tpu.memref_slice %arg5[%mul3A_0, %dma_wait3A_119] : memref<10112x64xf32, #tpu.memory_space<hbm>> -> memref<632x64xf32, #tpu.memory_space<hbm>>
      tpu.wait_dma2 semaphore(%run_scoped3A : memref<!tpu.dma_semaphore, #tpu.memory_space<semaphore_mem>>) src(%dma_wait3A_120 : memref<632x64xf32, #tpu.memory_space<hbm>>) dst(%dma_wait3A_118 : memref<632x64xf32, #tpu.memory_space<vmem_shared>>)
      tpu.yield
    }) : () -> ()
    "tpu.region"() ({
      %run_scoped3A = tpu.sem_alloc : memref<!tpu.dma_semaphore, #tpu.memory_space<semaphore_mem>>
      %dma_start3A_113 = arith.constant 0 : i32
      %dma_start3A_114 = arith.constant 0 : i32
      %dma_start3A_115 = tpu.memref_slice %arg3[%arg1, %dma_start3A_113, %dma_start3A_114] : memref<16x160x128xi32, #tpu.memory_space<hbm>> -> memref<1x160x128xi32, #tpu.memory_space<hbm>>
      %dma_start3A_116 = tpu.memref_squeeze %dma_start3A_115 : memref<1x160x128xi32, #tpu.memory_space<hbm>> -> memref<160x128xi32, #tpu.memory_space<hbm>>
      %dma_start3A_117 = arith.constant 0 : i32
      %dma_start3A_118 = arith.constant 0 : i32
      %dma_start3A_119 = tpu.memref_slice %arg3[%arg1, %dma_start3A_117, %dma_start3A_118] : memref<16x160x128xi32, #tpu.memory_space<hbm>> -> memref<1x160x128xi32, #tpu.memory_space<hbm>>
      %dma_start3A_120 = tpu.memref_squeeze %dma_start3A_119 : memref<1x160x128xi32, #tpu.memory_space<hbm>> -> memref<160x128xi32, #tpu.memory_space<hbm>>
      tpu.enqueue_dma source(%dma_start3A_120 : memref<160x128xi32, #tpu.memory_space<hbm>>) target(%arg7 : memref<160x128xi32, #tpu.memory_space<vmem>>) target_semaphore(%run_scoped3A : memref<!tpu.dma_semaphore, #tpu.memory_space<semaphore_mem>>)
      %dma_wait3A_121 = arith.constant 0 : i32
      %dma_wait3A_122 = arith.constant 0 : i32
      %dma_wait3A_123 = tpu.memref_slice %arg3[%arg1, %dma_wait3A_121, %dma_wait3A_122] : memref<16x160x128xi32, #tpu.memory_space<hbm>> -> memref<1x160x128xi32, #tpu.memory_space<hbm>>
      %dma_wait3A_124 = tpu.memref_squeeze %dma_wait3A_123 : memref<1x160x128xi32, #tpu.memory_space<hbm>> -> memref<160x128xi32, #tpu.memory_space<hbm>>
      %dma_wait3A_125 = arith.constant 0 : i32
      %dma_wait3A_126 = arith.constant 0 : i32
      %dma_wait3A_127 = tpu.memref_slice %arg3[%arg1, %dma_wait3A_125, %dma_wait3A_126] : memref<16x160x128xi32, #tpu.memory_space<hbm>> -> memref<1x160x128xi32, #tpu.memory_space<hbm>>
      %dma_wait3A_128 = tpu.memref_squeeze %dma_wait3A_127 : memref<1x160x128xi32, #tpu.memory_space<hbm>> -> memref<160x128xi32, #tpu.memory_space<hbm>>
      tpu.wait_dma2 semaphore(%run_scoped3A : memref<!tpu.dma_semaphore, #tpu.memory_space<semaphore_mem>>) src(%dma_wait3A_128 : memref<160x128xi32, #tpu.memory_space<hbm>>) dst(%arg7 : memref<160x128xi32, #tpu.memory_space<vmem>>)
      tpu.yield
    }) : () -> ()
    "tpu.region"() ({
      %run_scoped3A = tpu.sem_alloc : memref<!tpu.dma_semaphore, #tpu.memory_space<semaphore_mem>>
      %dma_start3A_113 = arith.constant 0 : i32
      %dma_start3A_114 = arith.constant 0 : i32
      %dma_start3A_115 = tpu.memref_slice %arg4[%arg1, %dma_start3A_113, %dma_start3A_114] : memref<16x160x128xi32, #tpu.memory_space<hbm>> -> memref<1x160x128xi32, #tpu.memory_space<hbm>>
      %dma_start3A_116 = tpu.memref_squeeze %dma_start3A_115 : memref<1x160x128xi32, #tpu.memory_space<hbm>> -> memref<160x128xi32, #tpu.memory_space<hbm>>
      %dma_start3A_117 = arith.constant 0 : i32
      %dma_start3A_118 = arith.constant 0 : i32
      %dma_start3A_119 = tpu.memref_slice %arg4[%arg1, %dma_start3A_117, %dma_start3A_118] : memref<16x160x128xi32, #tpu.memory_space<hbm>> -> memref<1x160x128xi32, #tpu.memory_space<hbm>>
      %dma_start3A_120 = tpu.memref_squeeze %dma_start3A_119 : memref<1x160x128xi32, #tpu.memory_space<hbm>> -> memref<160x128xi32, #tpu.memory_space<hbm>>
      tpu.enqueue_dma source(%dma_start3A_120 : memref<160x128xi32, #tpu.memory_space<hbm>>) target(%arg8 : memref<160x128xi32, #tpu.memory_space<vmem>>) target_semaphore(%run_scoped3A : memref<!tpu.dma_semaphore, #tpu.memory_space<semaphore_mem>>)
      %dma_wait3A_121 = arith.constant 0 : i32
      %dma_wait3A_122 = arith.constant 0 : i32
      %dma_wait3A_123 = tpu.memref_slice %arg4[%arg1, %dma_wait3A_121, %dma_wait3A_122] : memref<16x160x128xi32, #tpu.memory_space<hbm>> -> memref<1x160x128xi32, #tpu.memory_space<hbm>>
      %dma_wait3A_124 = tpu.memref_squeeze %dma_wait3A_123 : memref<1x160x128xi32, #tpu.memory_space<hbm>> -> memref<160x128xi32, #tpu.memory_space<hbm>>
      %dma_wait3A_125 = arith.constant 0 : i32
      %dma_wait3A_126 = arith.constant 0 : i32
      %dma_wait3A_127 = tpu.memref_slice %arg4[%arg1, %dma_wait3A_125, %dma_wait3A_126] : memref<16x160x128xi32, #tpu.memory_space<hbm>> -> memref<1x160x128xi32, #tpu.memory_space<hbm>>
      %dma_wait3A_128 = tpu.memref_squeeze %dma_wait3A_127 : memref<1x160x128xi32, #tpu.memory_space<hbm>> -> memref<160x128xi32, #tpu.memory_space<hbm>>
      tpu.wait_dma2 semaphore(%run_scoped3A : memref<!tpu.dma_semaphore, #tpu.memory_space<semaphore_mem>>) src(%dma_wait3A_128 : memref<160x128xi32, #tpu.memory_space<hbm>>) dst(%arg8 : memref<160x128xi32, #tpu.memory_space<vmem>>)
      tpu.yield
    }) : () -> ()
    %barrier3A = arith.constant 0 : index
    tpu.barrier barrier_id(%barrier3A)
    %dma_start3A = arith.constant 0 : i32
    %dma_start3A_1 = arith.constant 0 : i32
    %dma_start3A_2 = arith.constant 0 : i32
    %dma_start3A_3 = arith.constant 0 : i32
    %dma_start3A_4 = tpu.memref_slice %arg9[%dma_start3A_1, %dma_start3A_2, %dma_start3A_3] : memref<5x128x64xf32, #tpu.memory_space<vmem>> -> memref<1x128x64xf32, #tpu.memory_space<vmem>>
    %dma_start3A_5 = tpu.memref_squeeze %dma_start3A_4 : memref<1x128x64xf32, #tpu.memory_space<vmem>> -> memref<128x64xf32, #tpu.memory_space<vmem>>
    %dma_start3A_6 = arith.constant 0 : i32
    %dma_start3A_7 = tpu.memref_slice %arg7[%dma_start3A, %dma_start3A_6] : memref<160x128xi32, #tpu.memory_space<vmem>> -> memref<1x128xi32, #tpu.memory_space<vmem>>
    %dma_start3A_8 = tpu.memref_squeeze %dma_start3A_7 : memref<1x128xi32, #tpu.memory_space<vmem>> -> memref<128xi32, #tpu.memory_space<vmem>>
    %dma_start3A_9 = arith.constant 0 : i32
    %dma_start3A_10 = arith.constant 0 : i32
    %dma_start3A_11 = tpu.memref_slice %arg2[%arg0, %dma_start3A_9, %dma_start3A_10] : memref<2x10000x64xf32, #tpu.memory_space<hbm>> -> memref<1x10000x64xf32, #tpu.memory_space<hbm>>
    %dma_start3A_12 = tpu.memref_squeeze %dma_start3A_11 : memref<1x10000x64xf32, #tpu.memory_space<hbm>> -> memref<10000x64xf32, #tpu.memory_space<hbm>>
    %dma_start3A_13 = arith.constant 0 : i32
    %dma_start3A_14 = arith.constant 0 : i32
    %dma_start3A_15 = tpu.memref_slice %dma_start3A_12[%dma_start3A_13, %dma_start3A_14] : memref<10000x64xf32, #tpu.memory_space<hbm>> -> memref<10000x64xf32, #tpu.memory_space<hbm>>
    tpu.enqueue_indirect_dma source(%dma_start3A_15 : memref<10000x64xf32, #tpu.memory_space<hbm>>) target(%dma_start3A_5 : memref<128x64xf32, #tpu.memory_space<vmem>>) offsets(%dma_start3A_8 : memref<128xi32, #tpu.memory_space<vmem>>) semaphore(%arg11 : memref<!tpu.dma_semaphore, #tpu.memory_space<semaphore_mem>>)
    %dma_start3A_16 = arith.constant 1 : i32
    %dma_start3A_17 = arith.constant 1 : i32
    %dma_start3A_18 = arith.constant 0 : i32
    %dma_start3A_19 = arith.constant 0 : i32
    %dma_start3A_20 = tpu.memref_slice %arg9[%dma_start3A_17, %dma_start3A_18, %dma_start3A_19] : memref<5x128x64xf32, #tpu.memory_space<vmem>> -> memref<1x128x64xf32, #tpu.memory_space<vmem>>
    %dma_start3A_21 = tpu.memref_squeeze %dma_start3A_20 : memref<1x128x64xf32, #tpu.memory_space<vmem>> -> memref<128x64xf32, #tpu.memory_space<vmem>>
    %dma_start3A_22 = arith.constant 0 : i32
    %dma_start3A_23 = tpu.memref_slice %arg7[%dma_start3A_16, %dma_start3A_22] : memref<160x128xi32, #tpu.memory_space<vmem>> -> memref<1x128xi32, #tpu.memory_space<vmem>>
    %dma_start3A_24 = tpu.memref_squeeze %dma_start3A_23 : memref<1x128xi32, #tpu.memory_space<vmem>> -> memref<128xi32, #tpu.memory_space<vmem>>
    %dma_start3A_25 = arith.constant 0 : i32
    %dma_start3A_26 = arith.constant 0 : i32
    %dma_start3A_27 = tpu.memref_slice %arg2[%arg0, %dma_start3A_25, %dma_start3A_26] : memref<2x10000x64xf32, #tpu.memory_space<hbm>> -> memref<1x10000x64xf32, #tpu.memory_space<hbm>>
    %dma_start3A_28 = tpu.memref_squeeze %dma_start3A_27 : memref<1x10000x64xf32, #tpu.memory_space<hbm>> -> memref<10000x64xf32, #tpu.memory_space<hbm>>
    %dma_start3A_29 = arith.constant 0 : i32
    %dma_start3A_30 = arith.constant 0 : i32
    %dma_start3A_31 = tpu.memref_slice %dma_start3A_28[%dma_start3A_29, %dma_start3A_30] : memref<10000x64xf32, #tpu.memory_space<hbm>> -> memref<10000x64xf32, #tpu.memory_space<hbm>>
    tpu.enqueue_indirect_dma source(%dma_start3A_31 : memref<10000x64xf32, #tpu.memory_space<hbm>>) target(%dma_start3A_21 : memref<128x64xf32, #tpu.memory_space<vmem>>) offsets(%dma_start3A_24 : memref<128xi32, #tpu.memory_space<vmem>>) semaphore(%arg12 : memref<!tpu.dma_semaphore, #tpu.memory_space<semaphore_mem>>)
    %dma_start3A_32 = arith.constant 2 : i32
    %dma_start3A_33 = arith.constant 2 : i32
    %dma_start3A_34 = arith.constant 0 : i32
    %dma_start3A_35 = arith.constant 0 : i32
    %dma_start3A_36 = tpu.memref_slice %arg9[%dma_start3A_33, %dma_start3A_34, %dma_start3A_35] : memref<5x128x64xf32, #tpu.memory_space<vmem>> -> memref<1x128x64xf32, #tpu.memory_space<vmem>>
    %dma_start3A_37 = tpu.memref_squeeze %dma_start3A_36 : memref<1x128x64xf32, #tpu.memory_space<vmem>> -> memref<128x64xf32, #tpu.memory_space<vmem>>
    %dma_start3A_38 = arith.constant 0 : i32
    %dma_start3A_39 = tpu.memref_slice %arg7[%dma_start3A_32, %dma_start3A_38] : memref<160x128xi32, #tpu.memory_space<vmem>> -> memref<1x128xi32, #tpu.memory_space<vmem>>
    %dma_start3A_40 = tpu.memref_squeeze %dma_start3A_39 : memref<1x128xi32, #tpu.memory_space<vmem>> -> memref<128xi32, #tpu.memory_space<vmem>>
    %dma_start3A_41 = arith.constant 0 : i32
    %dma_start3A_42 = arith.constant 0 : i32
    %dma_start3A_43 = tpu.memref_slice %arg2[%arg0, %dma_start3A_41, %dma_start3A_42] : memref<2x10000x64xf32, #tpu.memory_space<hbm>> -> memref<1x10000x64xf32, #tpu.memory_space<hbm>>
    %dma_start3A_44 = tpu.memref_squeeze %dma_start3A_43 : memref<1x10000x64xf32, #tpu.memory_space<hbm>> -> memref<10000x64xf32, #tpu.memory_space<hbm>>
    %dma_start3A_45 = arith.constant 0 : i32
    %dma_start3A_46 = arith.constant 0 : i32
    %dma_start3A_47 = tpu.memref_slice %dma_start3A_44[%dma_start3A_45, %dma_start3A_46] : memref<10000x64xf32, #tpu.memory_space<hbm>> -> memref<10000x64xf32, #tpu.memory_space<hbm>>
    tpu.enqueue_indirect_dma source(%dma_start3A_47 : memref<10000x64xf32, #tpu.memory_space<hbm>>) target(%dma_start3A_37 : memref<128x64xf32, #tpu.memory_space<vmem>>) offsets(%dma_start3A_40 : memref<128xi32, #tpu.memory_space<vmem>>) semaphore(%arg13 : memref<!tpu.dma_semaphore, #tpu.memory_space<semaphore_mem>>)
    %scan3A = arith.constant 0 : i32
    %scan3A_48 = arith.constant 0 : i32
    %scan3A_49 = arith.constant 32 : i32
    %scan3A_50 = arith.addi %scan3A_48, %scan3A_49 : i32
    %scan3A_51 = arith.constant 1 : i32
    scf.for %scan3A_113 = %scan3A_48 to %scan3A_50 step %scan3A_51  : i32 {
      %mul3A_114 = arith.constant 5 : i32
      %mul3A_115 = arith.muli %scan3A_113, %mul3A_114 : i32
      %add3A = arith.constant 0 : i32
      %add3A_116 = arith.addi %mul3A_115, %add3A : i32
      %add3A_117 = arith.constant 3 : i32
      %add3A_118 = arith.addi %add3A_116, %add3A_117 : i32
      %lt3A = arith.constant 160 : i32
      %lt3A_119 = arith.cmpi slt, %add3A_118, %lt3A : i32
      %convert_element_type3A = arith.extui %lt3A_119 : i1 to i32
      %cond3A = arith.constant 0 : i32
      %cond3A_120 = arith.cmpi ne, %convert_element_type3A, %cond3A : i32
      scf.if %cond3A_120 {
        %ge3A = arith.constant 5 : i32
        %ge3A_295 = arith.cmpi sge, %add3A_118, %ge3A : i32
        %convert_element_type3A_296 = arith.extui %ge3A_295 : i1 to i32
        %cond3A_297 = arith.constant 0 : i32
        %cond3A_298 = arith.cmpi ne, %convert_element_type3A_296, %cond3A_297 : i32
        scf.if %cond3A_298 {
          %sub3A = arith.constant 5 : i32
          %sub3A_314 = arith.subi %add3A_118, %sub3A : i32
          %dma_wait3A_315 = arith.constant 3 : i32
          %dma_wait3A_316 = arith.constant 0 : i32
          %dma_wait3A_317 = arith.constant 0 : i32
          %dma_wait3A_318 = tpu.memref_slice %arg9[%dma_wait3A_315, %dma_wait3A_316, %dma_wait3A_317] : memref<5x128x64xf32, #tpu.memory_space<vmem>> -> memref<1x128x64xf32, #tpu.memory_space<vmem>>
          %dma_wait3A_319 = tpu.memref_squeeze %dma_wait3A_318 : memref<1x128x64xf32, #tpu.memory_space<vmem>> -> memref<128x64xf32, #tpu.memory_space<vmem>>
          %dma_wait3A_320 = arith.constant 0 : i32
          %dma_wait3A_321 = tpu.memref_slice %arg8[%sub3A_314, %dma_wait3A_320] : memref<160x128xi32, #tpu.memory_space<vmem>> -> memref<1x128xi32, #tpu.memory_space<vmem>>
          %dma_wait3A_322 = tpu.memref_squeeze %dma_wait3A_321 : memref<1x128xi32, #tpu.memory_space<vmem>> -> memref<128xi32, #tpu.memory_space<vmem>>
          %dma_wait3A_323 = arith.constant 0 : i32
          %dma_wait3A_324 = arith.constant 0 : i32
          %dma_wait3A_325 = tpu.memref_slice %arg10[%dma_wait3A_323, %dma_wait3A_324] : memref<10112x64xf32, #tpu.memory_space<vmem_shared>> -> memref<10112x64xf32, #tpu.memory_space<vmem_shared>>
          tpu.wait_indirect_dma semaphore(%arg19 : memref<!tpu.dma_semaphore, #tpu.memory_space<semaphore_mem>>) src(%dma_wait3A_319 : memref<128x64xf32, #tpu.memory_space<vmem>>) dst(%dma_wait3A_325 : memref<10112x64xf32, #tpu.memory_space<vmem_shared>>)
        } else {
        }
        %dma_start3A_299 = arith.constant 3 : i32
        %dma_start3A_300 = arith.constant 0 : i32
        %dma_start3A_301 = arith.constant 0 : i32
        %dma_start3A_302 = tpu.memref_slice %arg9[%dma_start3A_299, %dma_start3A_300, %dma_start3A_301] : memref<5x128x64xf32, #tpu.memory_space<vmem>> -> memref<1x128x64xf32, #tpu.memory_space<vmem>>
        %dma_start3A_303 = tpu.memref_squeeze %dma_start3A_302 : memref<1x128x64xf32, #tpu.memory_space<vmem>> -> memref<128x64xf32, #tpu.memory_space<vmem>>
        %dma_start3A_304 = arith.constant 0 : i32
        %dma_start3A_305 = tpu.memref_slice %arg7[%add3A_118, %dma_start3A_304] : memref<160x128xi32, #tpu.memory_space<vmem>> -> memref<1x128xi32, #tpu.memory_space<vmem>>
        %dma_start3A_306 = tpu.memref_squeeze %dma_start3A_305 : memref<1x128xi32, #tpu.memory_space<vmem>> -> memref<128xi32, #tpu.memory_space<vmem>>
        %dma_start3A_307 = arith.constant 0 : i32
        %dma_start3A_308 = arith.constant 0 : i32
        %dma_start3A_309 = tpu.memref_slice %arg2[%arg0, %dma_start3A_307, %dma_start3A_308] : memref<2x10000x64xf32, #tpu.memory_space<hbm>> -> memref<1x10000x64xf32, #tpu.memory_space<hbm>>
        %dma_start3A_310 = tpu.memref_squeeze %dma_start3A_309 : memref<1x10000x64xf32, #tpu.memory_space<hbm>> -> memref<10000x64xf32, #tpu.memory_space<hbm>>
        %dma_start3A_311 = arith.constant 0 : i32
        %dma_start3A_312 = arith.constant 0 : i32
        %dma_start3A_313 = tpu.memref_slice %dma_start3A_310[%dma_start3A_311, %dma_start3A_312] : memref<10000x64xf32, #tpu.memory_space<hbm>> -> memref<10000x64xf32, #tpu.memory_space<hbm>>
        tpu.enqueue_indirect_dma source(%dma_start3A_313 : memref<10000x64xf32, #tpu.memory_space<hbm>>) target(%dma_start3A_303 : memref<128x64xf32, #tpu.memory_space<vmem>>) offsets(%dma_start3A_306 : memref<128xi32, #tpu.memory_space<vmem>>) semaphore(%arg14 : memref<!tpu.dma_semaphore, #tpu.memory_space<semaphore_mem>>)
      } else {
      }
      %dma_wait3A_121 = arith.constant 0 : i32
      %dma_wait3A_122 = arith.constant 0 : i32
      %dma_wait3A_123 = arith.constant 0 : i32
      %dma_wait3A_124 = tpu.memref_slice %arg9[%dma_wait3A_121, %dma_wait3A_122, %dma_wait3A_123] : memref<5x128x64xf32, #tpu.memory_space<vmem>> -> memref<1x128x64xf32, #tpu.memory_space<vmem>>
      %dma_wait3A_125 = tpu.memref_squeeze %dma_wait3A_124 : memref<1x128x64xf32, #tpu.memory_space<vmem>> -> memref<128x64xf32, #tpu.memory_space<vmem>>
      %dma_wait3A_126 = arith.constant 0 : i32
      %dma_wait3A_127 = tpu.memref_slice %arg7[%add3A_116, %dma_wait3A_126] : memref<160x128xi32, #tpu.memory_space<vmem>> -> memref<1x128xi32, #tpu.memory_space<vmem>>
      %dma_wait3A_128 = tpu.memref_squeeze %dma_wait3A_127 : memref<1x128xi32, #tpu.memory_space<vmem>> -> memref<128xi32, #tpu.memory_space<vmem>>
      %dma_wait3A_129 = arith.constant 0 : i32
      %dma_wait3A_130 = arith.constant 0 : i32
      %dma_wait3A_131 = tpu.memref_slice %arg2[%arg0, %dma_wait3A_129, %dma_wait3A_130] : memref<2x10000x64xf32, #tpu.memory_space<hbm>> -> memref<1x10000x64xf32, #tpu.memory_space<hbm>>
      %dma_wait3A_132 = tpu.memref_squeeze %dma_wait3A_131 : memref<1x10000x64xf32, #tpu.memory_space<hbm>> -> memref<10000x64xf32, #tpu.memory_space<hbm>>
      %dma_wait3A_133 = arith.constant 0 : i32
      %dma_wait3A_134 = arith.constant 0 : i32
      %dma_wait3A_135 = tpu.memref_slice %dma_wait3A_132[%dma_wait3A_133, %dma_wait3A_134] : memref<10000x64xf32, #tpu.memory_space<hbm>> -> memref<10000x64xf32, #tpu.memory_space<hbm>>
      tpu.wait_indirect_dma semaphore(%arg11 : memref<!tpu.dma_semaphore, #tpu.memory_space<semaphore_mem>>) src(%dma_wait3A_135 : memref<10000x64xf32, #tpu.memory_space<hbm>>) dst(%dma_wait3A_125 : memref<128x64xf32, #tpu.memory_space<vmem>>)
      %dma_start3A_136 = arith.constant 0 : i32
      %dma_start3A_137 = arith.constant 0 : i32
      %dma_start3A_138 = arith.constant 0 : i32
      %dma_start3A_139 = tpu.memref_slice %arg9[%dma_start3A_136, %dma_start3A_137, %dma_start3A_138] : memref<5x128x64xf32, #tpu.memory_space<vmem>> -> memref<1x128x64xf32, #tpu.memory_space<vmem>>
      %dma_start3A_140 = tpu.memref_squeeze %dma_start3A_139 : memref<1x128x64xf32, #tpu.memory_space<vmem>> -> memref<128x64xf32, #tpu.memory_space<vmem>>
      %dma_start3A_141 = arith.constant 0 : i32
      %dma_start3A_142 = tpu.memref_slice %arg8[%add3A_116, %dma_start3A_141] : memref<160x128xi32, #tpu.memory_space<vmem>> -> memref<1x128xi32, #tpu.memory_space<vmem>>
      %dma_start3A_143 = tpu.memref_squeeze %dma_start3A_142 : memref<1x128xi32, #tpu.memory_space<vmem>> -> memref<128xi32, #tpu.memory_space<vmem>>
      %dma_start3A_144 = arith.constant 0 : i32
      %dma_start3A_145 = arith.constant 0 : i32
      %dma_start3A_146 = tpu.memref_slice %arg10[%dma_start3A_144, %dma_start3A_145] : memref<10112x64xf32, #tpu.memory_space<vmem_shared>> -> memref<10112x64xf32, #tpu.memory_space<vmem_shared>>
      tpu.enqueue_indirect_dma source(%dma_start3A_140 : memref<128x64xf32, #tpu.memory_space<vmem>>) target(%dma_start3A_146 : memref<10112x64xf32, #tpu.memory_space<vmem_shared>>) offsets(%dma_start3A_143 : memref<128xi32, #tpu.memory_space<vmem>>) semaphore(%arg16 : memref<!tpu.dma_semaphore, #tpu.memory_space<semaphore_mem>>) {add = true}
      %mul3A_147 = arith.constant 5 : i32
      %mul3A_148 = arith.muli %scan3A_113, %mul3A_147 : i32
      %add3A_149 = arith.constant 1 : i32
      %add3A_150 = arith.addi %mul3A_148, %add3A_149 : i32
      %add3A_151 = arith.constant 3 : i32
      %add3A_152 = arith.addi %add3A_150, %add3A_151 : i32
      %lt3A_153 = arith.constant 160 : i32
      %lt3A_154 = arith.cmpi slt, %add3A_152, %lt3A_153 : i32
      %convert_element_type3A_155 = arith.extui %lt3A_154 : i1 to i32
      %cond3A_156 = arith.constant 0 : i32
      %cond3A_157 = arith.cmpi ne, %convert_element_type3A_155, %cond3A_156 : i32
      scf.if %cond3A_157 {
        %ge3A = arith.constant 5 : i32
        %ge3A_295 = arith.cmpi sge, %add3A_152, %ge3A : i32
        %convert_element_type3A_296 = arith.extui %ge3A_295 : i1 to i32
        %cond3A_297 = arith.constant 0 : i32
        %cond3A_298 = arith.cmpi ne, %convert_element_type3A_296, %cond3A_297 : i32
        scf.if %cond3A_298 {
          %sub3A = arith.constant 5 : i32
          %sub3A_314 = arith.subi %add3A_152, %sub3A : i32
          %dma_wait3A_315 = arith.constant 4 : i32
          %dma_wait3A_316 = arith.constant 0 : i32
          %dma_wait3A_317 = arith.constant 0 : i32
          %dma_wait3A_318 = tpu.memref_slice %arg9[%dma_wait3A_315, %dma_wait3A_316, %dma_wait3A_317] : memref<5x128x64xf32, #tpu.memory_space<vmem>> -> memref<1x128x64xf32, #tpu.memory_space<vmem>>
          %dma_wait3A_319 = tpu.memref_squeeze %dma_wait3A_318 : memref<1x128x64xf32, #tpu.memory_space<vmem>> -> memref<128x64xf32, #tpu.memory_space<vmem>>
          %dma_wait3A_320 = arith.constant 0 : i32
          %dma_wait3A_321 = tpu.memref_slice %arg8[%sub3A_314, %dma_wait3A_320] : memref<160x128xi32, #tpu.memory_space<vmem>> -> memref<1x128xi32, #tpu.memory_space<vmem>>
          %dma_wait3A_322 = tpu.memref_squeeze %dma_wait3A_321 : memref<1x128xi32, #tpu.memory_space<vmem>> -> memref<128xi32, #tpu.memory_space<vmem>>
          %dma_wait3A_323 = arith.constant 0 : i32
          %dma_wait3A_324 = arith.constant 0 : i32
          %dma_wait3A_325 = tpu.memref_slice %arg10[%dma_wait3A_323, %dma_wait3A_324] : memref<10112x64xf32, #tpu.memory_space<vmem_shared>> -> memref<10112x64xf32, #tpu.memory_space<vmem_shared>>
          tpu.wait_indirect_dma semaphore(%arg20 : memref<!tpu.dma_semaphore, #tpu.memory_space<semaphore_mem>>) src(%dma_wait3A_319 : memref<128x64xf32, #tpu.memory_space<vmem>>) dst(%dma_wait3A_325 : memref<10112x64xf32, #tpu.memory_space<vmem_shared>>)
        } else {
        }
        %dma_start3A_299 = arith.constant 4 : i32
        %dma_start3A_300 = arith.constant 0 : i32
        %dma_start3A_301 = arith.constant 0 : i32
        %dma_start3A_302 = tpu.memref_slice %arg9[%dma_start3A_299, %dma_start3A_300, %dma_start3A_301] : memref<5x128x64xf32, #tpu.memory_space<vmem>> -> memref<1x128x64xf32, #tpu.memory_space<vmem>>
        %dma_start3A_303 = tpu.memref_squeeze %dma_start3A_302 : memref<1x128x64xf32, #tpu.memory_space<vmem>> -> memref<128x64xf32, #tpu.memory_space<vmem>>
        %dma_start3A_304 = arith.constant 0 : i32
        %dma_start3A_305 = tpu.memref_slice %arg7[%add3A_152, %dma_start3A_304] : memref<160x128xi32, #tpu.memory_space<vmem>> -> memref<1x128xi32, #tpu.memory_space<vmem>>
        %dma_start3A_306 = tpu.memref_squeeze %dma_start3A_305 : memref<1x128xi32, #tpu.memory_space<vmem>> -> memref<128xi32, #tpu.memory_space<vmem>>
        %dma_start3A_307 = arith.constant 0 : i32
        %dma_start3A_308 = arith.constant 0 : i32
        %dma_start3A_309 = tpu.memref_slice %arg2[%arg0, %dma_start3A_307, %dma_start3A_308] : memref<2x10000x64xf32, #tpu.memory_space<hbm>> -> memref<1x10000x64xf32, #tpu.memory_space<hbm>>
        %dma_start3A_310 = tpu.memref_squeeze %dma_start3A_309 : memref<1x10000x64xf32, #tpu.memory_space<hbm>> -> memref<10000x64xf32, #tpu.memory_space<hbm>>
        %dma_start3A_311 = arith.constant 0 : i32
        %dma_start3A_312 = arith.constant 0 : i32
        %dma_start3A_313 = tpu.memref_slice %dma_start3A_310[%dma_start3A_311, %dma_start3A_312] : memref<10000x64xf32, #tpu.memory_space<hbm>> -> memref<10000x64xf32, #tpu.memory_space<hbm>>
        tpu.enqueue_indirect_dma source(%dma_start3A_313 : memref<10000x64xf32, #tpu.memory_space<hbm>>) target(%dma_start3A_303 : memref<128x64xf32, #tpu.memory_space<vmem>>) offsets(%dma_start3A_306 : memref<128xi32, #tpu.memory_space<vmem>>) semaphore(%arg15 : memref<!tpu.dma_semaphore, #tpu.memory_space<semaphore_mem>>)
      } else {
      }
      %dma_wait3A_158 = arith.constant 1 : i32
      %dma_wait3A_159 = arith.constant 0 : i32
      %dma_wait3A_160 = arith.constant 0 : i32
      %dma_wait3A_161 = tpu.memref_slice %arg9[%dma_wait3A_158, %dma_wait3A_159, %dma_wait3A_160] : memref<5x128x64xf32, #tpu.memory_space<vmem>> -> memref<1x128x64xf32, #tpu.memory_space<vmem>>
      %dma_wait3A_162 = tpu.memref_squeeze %dma_wait3A_161 : memref<1x128x64xf32, #tpu.memory_space<vmem>> -> memref<128x64xf32, #tpu.memory_space<vmem>>
      %dma_wait3A_163 = arith.constant 0 : i32
      %dma_wait3A_164 = tpu.memref_slice %arg7[%add3A_150, %dma_wait3A_163] : memref<160x128xi32, #tpu.memory_space<vmem>> -> memref<1x128xi32, #tpu.memory_space<vmem>>
      %dma_wait3A_165 = tpu.memref_squeeze %dma_wait3A_164 : memref<1x128xi32, #tpu.memory_space<vmem>> -> memref<128xi32, #tpu.memory_space<vmem>>
      %dma_wait3A_166 = arith.constant 0 : i32
      %dma_wait3A_167 = arith.constant 0 : i32
      %dma_wait3A_168 = tpu.memref_slice %arg2[%arg0, %dma_wait3A_166, %dma_wait3A_167] : memref<2x10000x64xf32, #tpu.memory_space<hbm>> -> memref<1x10000x64xf32, #tpu.memory_space<hbm>>
      %dma_wait3A_169 = tpu.memref_squeeze %dma_wait3A_168 : memref<1x10000x64xf32, #tpu.memory_space<hbm>> -> memref<10000x64xf32, #tpu.memory_space<hbm>>
      %dma_wait3A_170 = arith.constant 0 : i32
      %dma_wait3A_171 = arith.constant 0 : i32
      %dma_wait3A_172 = tpu.memref_slice %dma_wait3A_169[%dma_wait3A_170, %dma_wait3A_171] : memref<10000x64xf32, #tpu.memory_space<hbm>> -> memref<10000x64xf32, #tpu.memory_space<hbm>>
      tpu.wait_indirect_dma semaphore(%arg12 : memref<!tpu.dma_semaphore, #tpu.memory_space<semaphore_mem>>) src(%dma_wait3A_172 : memref<10000x64xf32, #tpu.memory_space<hbm>>) dst(%dma_wait3A_162 : memref<128x64xf32, #tpu.memory_space<vmem>>)
      %dma_start3A_173 = arith.constant 1 : i32
      %dma_start3A_174 = arith.constant 0 : i32
      %dma_start3A_175 = arith.constant 0 : i32
      %dma_start3A_176 = tpu.memref_slice %arg9[%dma_start3A_173, %dma_start3A_174, %dma_start3A_175] : memref<5x128x64xf32, #tpu.memory_space<vmem>> -> memref<1x128x64xf32, #tpu.memory_space<vmem>>
      %dma_start3A_177 = tpu.memref_squeeze %dma_start3A_176 : memref<1x128x64xf32, #tpu.memory_space<vmem>> -> memref<128x64xf32, #tpu.memory_space<vmem>>
      %dma_start3A_178 = arith.constant 0 : i32
      %dma_start3A_179 = tpu.memref_slice %arg8[%add3A_150, %dma_start3A_178] : memref<160x128xi32, #tpu.memory_space<vmem>> -> memref<1x128xi32, #tpu.memory_space<vmem>>
      %dma_start3A_180 = tpu.memref_squeeze %dma_start3A_179 : memref<1x128xi32, #tpu.memory_space<vmem>> -> memref<128xi32, #tpu.memory_space<vmem>>
      %dma_start3A_181 = arith.constant 0 : i32
      %dma_start3A_182 = arith.constant 0 : i32
      %dma_start3A_183 = tpu.memref_slice %arg10[%dma_start3A_181, %dma_start3A_182] : memref<10112x64xf32, #tpu.memory_space<vmem_shared>> -> memref<10112x64xf32, #tpu.memory_space<vmem_shared>>
      tpu.enqueue_indirect_dma source(%dma_start3A_177 : memref<128x64xf32, #tpu.memory_space<vmem>>) target(%dma_start3A_183 : memref<10112x64xf32, #tpu.memory_space<vmem_shared>>) offsets(%dma_start3A_180 : memref<128xi32, #tpu.memory_space<vmem>>) semaphore(%arg17 : memref<!tpu.dma_semaphore, #tpu.memory_space<semaphore_mem>>) {add = true}
      %mul3A_184 = arith.constant 5 : i32
      %mul3A_185 = arith.muli %scan3A_113, %mul3A_184 : i32
      %add3A_186 = arith.constant 2 : i32
      %add3A_187 = arith.addi %mul3A_185, %add3A_186 : i32
      %add3A_188 = arith.constant 3 : i32
      %add3A_189 = arith.addi %add3A_187, %add3A_188 : i32
      %lt3A_190 = arith.constant 160 : i32
      %lt3A_191 = arith.cmpi slt, %add3A_189, %lt3A_190 : i32
      %convert_element_type3A_192 = arith.extui %lt3A_191 : i1 to i32
      %cond3A_193 = arith.constant 0 : i32
      %cond3A_194 = arith.cmpi ne, %convert_element_type3A_192, %cond3A_193 : i32
      scf.if %cond3A_194 {
        %ge3A = arith.constant 5 : i32
        %ge3A_295 = arith.cmpi sge, %add3A_189, %ge3A : i32
        %convert_element_type3A_296 = arith.extui %ge3A_295 : i1 to i32
        %cond3A_297 = arith.constant 0 : i32
        %cond3A_298 = arith.cmpi ne, %convert_element_type3A_296, %cond3A_297 : i32
        scf.if %cond3A_298 {
          %sub3A = arith.constant 5 : i32
          %sub3A_314 = arith.subi %add3A_189, %sub3A : i32
          %dma_wait3A_315 = arith.constant 0 : i32
          %dma_wait3A_316 = arith.constant 0 : i32
          %dma_wait3A_317 = arith.constant 0 : i32
          %dma_wait3A_318 = tpu.memref_slice %arg9[%dma_wait3A_315, %dma_wait3A_316, %dma_wait3A_317] : memref<5x128x64xf32, #tpu.memory_space<vmem>> -> memref<1x128x64xf32, #tpu.memory_space<vmem>>
          %dma_wait3A_319 = tpu.memref_squeeze %dma_wait3A_318 : memref<1x128x64xf32, #tpu.memory_space<vmem>> -> memref<128x64xf32, #tpu.memory_space<vmem>>
          %dma_wait3A_320 = arith.constant 0 : i32
          %dma_wait3A_321 = tpu.memref_slice %arg8[%sub3A_314, %dma_wait3A_320] : memref<160x128xi32, #tpu.memory_space<vmem>> -> memref<1x128xi32, #tpu.memory_space<vmem>>
          %dma_wait3A_322 = tpu.memref_squeeze %dma_wait3A_321 : memref<1x128xi32, #tpu.memory_space<vmem>> -> memref<128xi32, #tpu.memory_space<vmem>>
          %dma_wait3A_323 = arith.constant 0 : i32
          %dma_wait3A_324 = arith.constant 0 : i32
          %dma_wait3A_325 = tpu.memref_slice %arg10[%dma_wait3A_323, %dma_wait3A_324] : memref<10112x64xf32, #tpu.memory_space<vmem_shared>> -> memref<10112x64xf32, #tpu.memory_space<vmem_shared>>
          tpu.wait_indirect_dma semaphore(%arg16 : memref<!tpu.dma_semaphore, #tpu.memory_space<semaphore_mem>>) src(%dma_wait3A_319 : memref<128x64xf32, #tpu.memory_space<vmem>>) dst(%dma_wait3A_325 : memref<10112x64xf32, #tpu.memory_space<vmem_shared>>)
        } else {
        }
        %dma_start3A_299 = arith.constant 0 : i32
        %dma_start3A_300 = arith.constant 0 : i32
        %dma_start3A_301 = arith.constant 0 : i32
        %dma_start3A_302 = tpu.memref_slice %arg9[%dma_start3A_299, %dma_start3A_300, %dma_start3A_301] : memref<5x128x64xf32, #tpu.memory_space<vmem>> -> memref<1x128x64xf32, #tpu.memory_space<vmem>>
        %dma_start3A_303 = tpu.memref_squeeze %dma_start3A_302 : memref<1x128x64xf32, #tpu.memory_space<vmem>> -> memref<128x64xf32, #tpu.memory_space<vmem>>
        %dma_start3A_304 = arith.constant 0 : i32
        %dma_start3A_305 = tpu.memref_slice %arg7[%add3A_189, %dma_start3A_304] : memref<160x128xi32, #tpu.memory_space<vmem>> -> memref<1x128xi32, #tpu.memory_space<vmem>>
        %dma_start3A_306 = tpu.memref_squeeze %dma_start3A_305 : memref<1x128xi32, #tpu.memory_space<vmem>> -> memref<128xi32, #tpu.memory_space<vmem>>
        %dma_start3A_307 = arith.constant 0 : i32
        %dma_start3A_308 = arith.constant 0 : i32
        %dma_start3A_309 = tpu.memref_slice %arg2[%arg0, %dma_start3A_307, %dma_start3A_308] : memref<2x10000x64xf32, #tpu.memory_space<hbm>> -> memref<1x10000x64xf32, #tpu.memory_space<hbm>>
        %dma_start3A_310 = tpu.memref_squeeze %dma_start3A_309 : memref<1x10000x64xf32, #tpu.memory_space<hbm>> -> memref<10000x64xf32, #tpu.memory_space<hbm>>
        %dma_start3A_311 = arith.constant 0 : i32
        %dma_start3A_312 = arith.constant 0 : i32
        %dma_start3A_313 = tpu.memref_slice %dma_start3A_310[%dma_start3A_311, %dma_start3A_312] : memref<10000x64xf32, #tpu.memory_space<hbm>> -> memref<10000x64xf32, #tpu.memory_space<hbm>>
        tpu.enqueue_indirect_dma source(%dma_start3A_313 : memref<10000x64xf32, #tpu.memory_space<hbm>>) target(%dma_start3A_303 : memref<128x64xf32, #tpu.memory_space<vmem>>) offsets(%dma_start3A_306 : memref<128xi32, #tpu.memory_space<vmem>>) semaphore(%arg11 : memref<!tpu.dma_semaphore, #tpu.memory_space<semaphore_mem>>)
      } else {
      }
      %dma_wait3A_195 = arith.constant 2 : i32
      %dma_wait3A_196 = arith.constant 0 : i32
      %dma_wait3A_197 = arith.constant 0 : i32
      %dma_wait3A_198 = tpu.memref_slice %arg9[%dma_wait3A_195, %dma_wait3A_196, %dma_wait3A_197] : memref<5x128x64xf32, #tpu.memory_space<vmem>> -> memref<1x128x64xf32, #tpu.memory_space<vmem>>
      %dma_wait3A_199 = tpu.memref_squeeze %dma_wait3A_198 : memref<1x128x64xf32, #tpu.memory_space<vmem>> -> memref<128x64xf32, #tpu.memory_space<vmem>>
      %dma_wait3A_200 = arith.constant 0 : i32
      %dma_wait3A_201 = tpu.memref_slice %arg7[%add3A_187, %dma_wait3A_200] : memref<160x128xi32, #tpu.memory_space<vmem>> -> memref<1x128xi32, #tpu.memory_space<vmem>>
      %dma_wait3A_202 = tpu.memref_squeeze %dma_wait3A_201 : memref<1x128xi32, #tpu.memory_space<vmem>> -> memref<128xi32, #tpu.memory_space<vmem>>
      %dma_wait3A_203 = arith.constant 0 : i32
      %dma_wait3A_204 = arith.constant 0 : i32
      %dma_wait3A_205 = tpu.memref_slice %arg2[%arg0, %dma_wait3A_203, %dma_wait3A_204] : memref<2x10000x64xf32, #tpu.memory_space<hbm>> -> memref<1x10000x64xf32, #tpu.memory_space<hbm>>
      %dma_wait3A_206 = tpu.memref_squeeze %dma_wait3A_205 : memref<1x10000x64xf32, #tpu.memory_space<hbm>> -> memref<10000x64xf32, #tpu.memory_space<hbm>>
      %dma_wait3A_207 = arith.constant 0 : i32
      %dma_wait3A_208 = arith.constant 0 : i32
      %dma_wait3A_209 = tpu.memref_slice %dma_wait3A_206[%dma_wait3A_207, %dma_wait3A_208] : memref<10000x64xf32, #tpu.memory_space<hbm>> -> memref<10000x64xf32, #tpu.memory_space<hbm>>
      tpu.wait_indirect_dma semaphore(%arg13 : memref<!tpu.dma_semaphore, #tpu.memory_space<semaphore_mem>>) src(%dma_wait3A_209 : memref<10000x64xf32, #tpu.memory_space<hbm>>) dst(%dma_wait3A_199 : memref<128x64xf32, #tpu.memory_space<vmem>>)
      %dma_start3A_210 = arith.constant 2 : i32
      %dma_start3A_211 = arith.constant 0 : i32
      %dma_start3A_212 = arith.constant 0 : i32
      %dma_start3A_213 = tpu.memref_slice %arg9[%dma_start3A_210, %dma_start3A_211, %dma_start3A_212] : memref<5x128x64xf32, #tpu.memory_space<vmem>> -> memref<1x128x64xf32, #tpu.memory_space<vmem>>
      %dma_start3A_214 = tpu.memref_squeeze %dma_start3A_213 : memref<1x128x64xf32, #tpu.memory_space<vmem>> -> memref<128x64xf32, #tpu.memory_space<vmem>>
      %dma_start3A_215 = arith.constant 0 : i32
      %dma_start3A_216 = tpu.memref_slice %arg8[%add3A_187, %dma_start3A_215] : memref<160x128xi32, #tpu.memory_space<vmem>> -> memref<1x128xi32, #tpu.memory_space<vmem>>
      %dma_start3A_217 = tpu.memref_squeeze %dma_start3A_216 : memref<1x128xi32, #tpu.memory_space<vmem>> -> memref<128xi32, #tpu.memory_space<vmem>>
      %dma_start3A_218 = arith.constant 0 : i32
      %dma_start3A_219 = arith.constant 0 : i32
      %dma_start3A_220 = tpu.memref_slice %arg10[%dma_start3A_218, %dma_start3A_219] : memref<10112x64xf32, #tpu.memory_space<vmem_shared>> -> memref<10112x64xf32, #tpu.memory_space<vmem_shared>>
      tpu.enqueue_indirect_dma source(%dma_start3A_214 : memref<128x64xf32, #tpu.memory_space<vmem>>) target(%dma_start3A_220 : memref<10112x64xf32, #tpu.memory_space<vmem_shared>>) offsets(%dma_start3A_217 : memref<128xi32, #tpu.memory_space<vmem>>) semaphore(%arg18 : memref<!tpu.dma_semaphore, #tpu.memory_space<semaphore_mem>>) {add = true}
      %mul3A_221 = arith.constant 5 : i32
      %mul3A_222 = arith.muli %scan3A_113, %mul3A_221 : i32
      %add3A_223 = arith.constant 3 : i32
      %add3A_224 = arith.addi %mul3A_222, %add3A_223 : i32
      %add3A_225 = arith.constant 3 : i32
      %add3A_226 = arith.addi %add3A_224, %add3A_225 : i32
      %lt3A_227 = arith.constant 160 : i32
      %lt3A_228 = arith.cmpi slt, %add3A_226, %lt3A_227 : i32
      %convert_element_type3A_229 = arith.extui %lt3A_228 : i1 to i32
      %cond3A_230 = arith.constant 0 : i32
      %cond3A_231 = arith.cmpi ne, %convert_element_type3A_229, %cond3A_230 : i32
      scf.if %cond3A_231 {
        %ge3A = arith.constant 5 : i32
        %ge3A_295 = arith.cmpi sge, %add3A_226, %ge3A : i32
        %convert_element_type3A_296 = arith.extui %ge3A_295 : i1 to i32
        %cond3A_297 = arith.constant 0 : i32
        %cond3A_298 = arith.cmpi ne, %convert_element_type3A_296, %cond3A_297 : i32
        scf.if %cond3A_298 {
          %sub3A = arith.constant 5 : i32
          %sub3A_314 = arith.subi %add3A_226, %sub3A : i32
          %dma_wait3A_315 = arith.constant 1 : i32
          %dma_wait3A_316 = arith.constant 0 : i32
          %dma_wait3A_317 = arith.constant 0 : i32
          %dma_wait3A_318 = tpu.memref_slice %arg9[%dma_wait3A_315, %dma_wait3A_316, %dma_wait3A_317] : memref<5x128x64xf32, #tpu.memory_space<vmem>> -> memref<1x128x64xf32, #tpu.memory_space<vmem>>
          %dma_wait3A_319 = tpu.memref_squeeze %dma_wait3A_318 : memref<1x128x64xf32, #tpu.memory_space<vmem>> -> memref<128x64xf32, #tpu.memory_space<vmem>>
          %dma_wait3A_320 = arith.constant 0 : i32
          %dma_wait3A_321 = tpu.memref_slice %arg8[%sub3A_314, %dma_wait3A_320] : memref<160x128xi32, #tpu.memory_space<vmem>> -> memref<1x128xi32, #tpu.memory_space<vmem>>
          %dma_wait3A_322 = tpu.memref_squeeze %dma_wait3A_321 : memref<1x128xi32, #tpu.memory_space<vmem>> -> memref<128xi32, #tpu.memory_space<vmem>>
          %dma_wait3A_323 = arith.constant 0 : i32
          %dma_wait3A_324 = arith.constant 0 : i32
          %dma_wait3A_325 = tpu.memref_slice %arg10[%dma_wait3A_323, %dma_wait3A_324] : memref<10112x64xf32, #tpu.memory_space<vmem_shared>> -> memref<10112x64xf32, #tpu.memory_space<vmem_shared>>
          tpu.wait_indirect_dma semaphore(%arg17 : memref<!tpu.dma_semaphore, #tpu.memory_space<semaphore_mem>>) src(%dma_wait3A_319 : memref<128x64xf32, #tpu.memory_space<vmem>>) dst(%dma_wait3A_325 : memref<10112x64xf32, #tpu.memory_space<vmem_shared>>)
        } else {
        }
        %dma_start3A_299 = arith.constant 1 : i32
        %dma_start3A_300 = arith.constant 0 : i32
        %dma_start3A_301 = arith.constant 0 : i32
        %dma_start3A_302 = tpu.memref_slice %arg9[%dma_start3A_299, %dma_start3A_300, %dma_start3A_301] : memref<5x128x64xf32, #tpu.memory_space<vmem>> -> memref<1x128x64xf32, #tpu.memory_space<vmem>>
        %dma_start3A_303 = tpu.memref_squeeze %dma_start3A_302 : memref<1x128x64xf32, #tpu.memory_space<vmem>> -> memref<128x64xf32, #tpu.memory_space<vmem>>
        %dma_start3A_304 = arith.constant 0 : i32
        %dma_start3A_305 = tpu.memref_slice %arg7[%add3A_226, %dma_start3A_304] : memref<160x128xi32, #tpu.memory_space<vmem>> -> memref<1x128xi32, #tpu.memory_space<vmem>>
        %dma_start3A_306 = tpu.memref_squeeze %dma_start3A_305 : memref<1x128xi32, #tpu.memory_space<vmem>> -> memref<128xi32, #tpu.memory_space<vmem>>
        %dma_start3A_307 = arith.constant 0 : i32
        %dma_start3A_308 = arith.constant 0 : i32
        %dma_start3A_309 = tpu.memref_slice %arg2[%arg0, %dma_start3A_307, %dma_start3A_308] : memref<2x10000x64xf32, #tpu.memory_space<hbm>> -> memref<1x10000x64xf32, #tpu.memory_space<hbm>>
        %dma_start3A_310 = tpu.memref_squeeze %dma_start3A_309 : memref<1x10000x64xf32, #tpu.memory_space<hbm>> -> memref<10000x64xf32, #tpu.memory_space<hbm>>
        %dma_start3A_311 = arith.constant 0 : i32
        %dma_start3A_312 = arith.constant 0 : i32
        %dma_start3A_313 = tpu.memref_slice %dma_start3A_310[%dma_start3A_311, %dma_start3A_312] : memref<10000x64xf32, #tpu.memory_space<hbm>> -> memref<10000x64xf32, #tpu.memory_space<hbm>>
        tpu.enqueue_indirect_dma source(%dma_start3A_313 : memref<10000x64xf32, #tpu.memory_space<hbm>>) target(%dma_start3A_303 : memref<128x64xf32, #tpu.memory_space<vmem>>) offsets(%dma_start3A_306 : memref<128xi32, #tpu.memory_space<vmem>>) semaphore(%arg12 : memref<!tpu.dma_semaphore, #tpu.memory_space<semaphore_mem>>)
      } else {
      }
      %dma_wait3A_232 = arith.constant 3 : i32
      %dma_wait3A_233 = arith.constant 0 : i32
      %dma_wait3A_234 = arith.constant 0 : i32
      %dma_wait3A_235 = tpu.memref_slice %arg9[%dma_wait3A_232, %dma_wait3A_233, %dma_wait3A_234] : memref<5x128x64xf32, #tpu.memory_space<vmem>> -> memref<1x128x64xf32, #tpu.memory_space<vmem>>
      %dma_wait3A_236 = tpu.memref_squeeze %dma_wait3A_235 : memref<1x128x64xf32, #tpu.memory_space<vmem>> -> memref<128x64xf32, #tpu.memory_space<vmem>>
      %dma_wait3A_237 = arith.constant 0 : i32
      %dma_wait3A_238 = tpu.memref_slice %arg7[%add3A_224, %dma_wait3A_237] : memref<160x128xi32, #tpu.memory_space<vmem>> -> memref<1x128xi32, #tpu.memory_space<vmem>>
      %dma_wait3A_239 = tpu.memref_squeeze %dma_wait3A_238 : memref<1x128xi32, #tpu.memory_space<vmem>> -> memref<128xi32, #tpu.memory_space<vmem>>
      %dma_wait3A_240 = arith.constant 0 : i32
      %dma_wait3A_241 = arith.constant 0 : i32
      %dma_wait3A_242 = tpu.memref_slice %arg2[%arg0, %dma_wait3A_240, %dma_wait3A_241] : memref<2x10000x64xf32, #tpu.memory_space<hbm>> -> memref<1x10000x64xf32, #tpu.memory_space<hbm>>
      %dma_wait3A_243 = tpu.memref_squeeze %dma_wait3A_242 : memref<1x10000x64xf32, #tpu.memory_space<hbm>> -> memref<10000x64xf32, #tpu.memory_space<hbm>>
      %dma_wait3A_244 = arith.constant 0 : i32
      %dma_wait3A_245 = arith.constant 0 : i32
      %dma_wait3A_246 = tpu.memref_slice %dma_wait3A_243[%dma_wait3A_244, %dma_wait3A_245] : memref<10000x64xf32, #tpu.memory_space<hbm>> -> memref<10000x64xf32, #tpu.memory_space<hbm>>
      tpu.wait_indirect_dma semaphore(%arg14 : memref<!tpu.dma_semaphore, #tpu.memory_space<semaphore_mem>>) src(%dma_wait3A_246 : memref<10000x64xf32, #tpu.memory_space<hbm>>) dst(%dma_wait3A_236 : memref<128x64xf32, #tpu.memory_space<vmem>>)
      %dma_start3A_247 = arith.constant 3 : i32
      %dma_start3A_248 = arith.constant 0 : i32
      %dma_start3A_249 = arith.constant 0 : i32
      %dma_start3A_250 = tpu.memref_slice %arg9[%dma_start3A_247, %dma_start3A_248, %dma_start3A_249] : memref<5x128x64xf32, #tpu.memory_space<vmem>> -> memref<1x128x64xf32, #tpu.memory_space<vmem>>
      %dma_start3A_251 = tpu.memref_squeeze %dma_start3A_250 : memref<1x128x64xf32, #tpu.memory_space<vmem>> -> memref<128x64xf32, #tpu.memory_space<vmem>>
      %dma_start3A_252 = arith.constant 0 : i32
      %dma_start3A_253 = tpu.memref_slice %arg8[%add3A_224, %dma_start3A_252] : memref<160x128xi32, #tpu.memory_space<vmem>> -> memref<1x128xi32, #tpu.memory_space<vmem>>
      %dma_start3A_254 = tpu.memref_squeeze %dma_start3A_253 : memref<1x128xi32, #tpu.memory_space<vmem>> -> memref<128xi32, #tpu.memory_space<vmem>>
      %dma_start3A_255 = arith.constant 0 : i32
      %dma_start3A_256 = arith.constant 0 : i32
      %dma_start3A_257 = tpu.memref_slice %arg10[%dma_start3A_255, %dma_start3A_256] : memref<10112x64xf32, #tpu.memory_space<vmem_shared>> -> memref<10112x64xf32, #tpu.memory_space<vmem_shared>>
      tpu.enqueue_indirect_dma source(%dma_start3A_251 : memref<128x64xf32, #tpu.memory_space<vmem>>) target(%dma_start3A_257 : memref<10112x64xf32, #tpu.memory_space<vmem_shared>>) offsets(%dma_start3A_254 : memref<128xi32, #tpu.memory_space<vmem>>) semaphore(%arg19 : memref<!tpu.dma_semaphore, #tpu.memory_space<semaphore_mem>>) {add = true}
      %mul3A_258 = arith.constant 5 : i32
      %mul3A_259 = arith.muli %scan3A_113, %mul3A_258 : i32
      %add3A_260 = arith.constant 4 : i32
      %add3A_261 = arith.addi %mul3A_259, %add3A_260 : i32
      %add3A_262 = arith.constant 3 : i32
      %add3A_263 = arith.addi %add3A_261, %add3A_262 : i32
      %lt3A_264 = arith.constant 160 : i32
      %lt3A_265 = arith.cmpi slt, %add3A_263, %lt3A_264 : i32
      %convert_element_type3A_266 = arith.extui %lt3A_265 : i1 to i32
      %cond3A_267 = arith.constant 0 : i32
      %cond3A_268 = arith.cmpi ne, %convert_element_type3A_266, %cond3A_267 : i32
      scf.if %cond3A_268 {
        %ge3A = arith.constant 5 : i32
        %ge3A_295 = arith.cmpi sge, %add3A_263, %ge3A : i32
        %convert_element_type3A_296 = arith.extui %ge3A_295 : i1 to i32
        %cond3A_297 = arith.constant 0 : i32
        %cond3A_298 = arith.cmpi ne, %convert_element_type3A_296, %cond3A_297 : i32
        scf.if %cond3A_298 {
          %sub3A = arith.constant 5 : i32
          %sub3A_314 = arith.subi %add3A_263, %sub3A : i32
          %dma_wait3A_315 = arith.constant 2 : i32
          %dma_wait3A_316 = arith.constant 0 : i32
          %dma_wait3A_317 = arith.constant 0 : i32
          %dma_wait3A_318 = tpu.memref_slice %arg9[%dma_wait3A_315, %dma_wait3A_316, %dma_wait3A_317] : memref<5x128x64xf32, #tpu.memory_space<vmem>> -> memref<1x128x64xf32, #tpu.memory_space<vmem>>
          %dma_wait3A_319 = tpu.memref_squeeze %dma_wait3A_318 : memref<1x128x64xf32, #tpu.memory_space<vmem>> -> memref<128x64xf32, #tpu.memory_space<vmem>>
          %dma_wait3A_320 = arith.constant 0 : i32
          %dma_wait3A_321 = tpu.memref_slice %arg8[%sub3A_314, %dma_wait3A_320] : memref<160x128xi32, #tpu.memory_space<vmem>> -> memref<1x128xi32, #tpu.memory_space<vmem>>
          %dma_wait3A_322 = tpu.memref_squeeze %dma_wait3A_321 : memref<1x128xi32, #tpu.memory_space<vmem>> -> memref<128xi32, #tpu.memory_space<vmem>>
          %dma_wait3A_323 = arith.constant 0 : i32
          %dma_wait3A_324 = arith.constant 0 : i32
          %dma_wait3A_325 = tpu.memref_slice %arg10[%dma_wait3A_323, %dma_wait3A_324] : memref<10112x64xf32, #tpu.memory_space<vmem_shared>> -> memref<10112x64xf32, #tpu.memory_space<vmem_shared>>
          tpu.wait_indirect_dma semaphore(%arg18 : memref<!tpu.dma_semaphore, #tpu.memory_space<semaphore_mem>>) src(%dma_wait3A_319 : memref<128x64xf32, #tpu.memory_space<vmem>>) dst(%dma_wait3A_325 : memref<10112x64xf32, #tpu.memory_space<vmem_shared>>)
        } else {
        }
        %dma_start3A_299 = arith.constant 2 : i32
        %dma_start3A_300 = arith.constant 0 : i32
        %dma_start3A_301 = arith.constant 0 : i32
        %dma_start3A_302 = tpu.memref_slice %arg9[%dma_start3A_299, %dma_start3A_300, %dma_start3A_301] : memref<5x128x64xf32, #tpu.memory_space<vmem>> -> memref<1x128x64xf32, #tpu.memory_space<vmem>>
        %dma_start3A_303 = tpu.memref_squeeze %dma_start3A_302 : memref<1x128x64xf32, #tpu.memory_space<vmem>> -> memref<128x64xf32, #tpu.memory_space<vmem>>
        %dma_start3A_304 = arith.constant 0 : i32
        %dma_start3A_305 = tpu.memref_slice %arg7[%add3A_263, %dma_start3A_304] : memref<160x128xi32, #tpu.memory_space<vmem>> -> memref<1x128xi32, #tpu.memory_space<vmem>>
        %dma_start3A_306 = tpu.memref_squeeze %dma_start3A_305 : memref<1x128xi32, #tpu.memory_space<vmem>> -> memref<128xi32, #tpu.memory_space<vmem>>
        %dma_start3A_307 = arith.constant 0 : i32
        %dma_start3A_308 = arith.constant 0 : i32
        %dma_start3A_309 = tpu.memref_slice %arg2[%arg0, %dma_start3A_307, %dma_start3A_308] : memref<2x10000x64xf32, #tpu.memory_space<hbm>> -> memref<1x10000x64xf32, #tpu.memory_space<hbm>>
        %dma_start3A_310 = tpu.memref_squeeze %dma_start3A_309 : memref<1x10000x64xf32, #tpu.memory_space<hbm>> -> memref<10000x64xf32, #tpu.memory_space<hbm>>
        %dma_start3A_311 = arith.constant 0 : i32
        %dma_start3A_312 = arith.constant 0 : i32
        %dma_start3A_313 = tpu.memref_slice %dma_start3A_310[%dma_start3A_311, %dma_start3A_312] : memref<10000x64xf32, #tpu.memory_space<hbm>> -> memref<10000x64xf32, #tpu.memory_space<hbm>>
        tpu.enqueue_indirect_dma source(%dma_start3A_313 : memref<10000x64xf32, #tpu.memory_space<hbm>>) target(%dma_start3A_303 : memref<128x64xf32, #tpu.memory_space<vmem>>) offsets(%dma_start3A_306 : memref<128xi32, #tpu.memory_space<vmem>>) semaphore(%arg13 : memref<!tpu.dma_semaphore, #tpu.memory_space<semaphore_mem>>)
      } else {
      }
      %dma_wait3A_269 = arith.constant 4 : i32
      %dma_wait3A_270 = arith.constant 0 : i32
      %dma_wait3A_271 = arith.constant 0 : i32
      %dma_wait3A_272 = tpu.memref_slice %arg9[%dma_wait3A_269, %dma_wait3A_270, %dma_wait3A_271] : memref<5x128x64xf32, #tpu.memory_space<vmem>> -> memref<1x128x64xf32, #tpu.memory_space<vmem>>
      %dma_wait3A_273 = tpu.memref_squeeze %dma_wait3A_272 : memref<1x128x64xf32, #tpu.memory_space<vmem>> -> memref<128x64xf32, #tpu.memory_space<vmem>>
      %dma_wait3A_274 = arith.constant 0 : i32
      %dma_wait3A_275 = tpu.memref_slice %arg7[%add3A_261, %dma_wait3A_274] : memref<160x128xi32, #tpu.memory_space<vmem>> -> memref<1x128xi32, #tpu.memory_space<vmem>>
      %dma_wait3A_276 = tpu.memref_squeeze %dma_wait3A_275 : memref<1x128xi32, #tpu.memory_space<vmem>> -> memref<128xi32, #tpu.memory_space<vmem>>
      %dma_wait3A_277 = arith.constant 0 : i32
      %dma_wait3A_278 = arith.constant 0 : i32
      %dma_wait3A_279 = tpu.memref_slice %arg2[%arg0, %dma_wait3A_277, %dma_wait3A_278] : memref<2x10000x64xf32, #tpu.memory_space<hbm>> -> memref<1x10000x64xf32, #tpu.memory_space<hbm>>
      %dma_wait3A_280 = tpu.memref_squeeze %dma_wait3A_279 : memref<1x10000x64xf32, #tpu.memory_space<hbm>> -> memref<10000x64xf32, #tpu.memory_space<hbm>>
      %dma_wait3A_281 = arith.constant 0 : i32
      %dma_wait3A_282 = arith.constant 0 : i32
      %dma_wait3A_283 = tpu.memref_slice %dma_wait3A_280[%dma_wait3A_281, %dma_wait3A_282] : memref<10000x64xf32, #tpu.memory_space<hbm>> -> memref<10000x64xf32, #tpu.memory_space<hbm>>
      tpu.wait_indirect_dma semaphore(%arg15 : memref<!tpu.dma_semaphore, #tpu.memory_space<semaphore_mem>>) src(%dma_wait3A_283 : memref<10000x64xf32, #tpu.memory_space<hbm>>) dst(%dma_wait3A_273 : memref<128x64xf32, #tpu.memory_space<vmem>>)
      %dma_start3A_284 = arith.constant 4 : i32
      %dma_start3A_285 = arith.constant 0 : i32
      %dma_start3A_286 = arith.constant 0 : i32
      %dma_start3A_287 = tpu.memref_slice %arg9[%dma_start3A_284, %dma_start3A_285, %dma_start3A_286] : memref<5x128x64xf32, #tpu.memory_space<vmem>> -> memref<1x128x64xf32, #tpu.memory_space<vmem>>
      %dma_start3A_288 = tpu.memref_squeeze %dma_start3A_287 : memref<1x128x64xf32, #tpu.memory_space<vmem>> -> memref<128x64xf32, #tpu.memory_space<vmem>>
      %dma_start3A_289 = arith.constant 0 : i32
      %dma_start3A_290 = tpu.memref_slice %arg8[%add3A_261, %dma_start3A_289] : memref<160x128xi32, #tpu.memory_space<vmem>> -> memref<1x128xi32, #tpu.memory_space<vmem>>
      %dma_start3A_291 = tpu.memref_squeeze %dma_start3A_290 : memref<1x128xi32, #tpu.memory_space<vmem>> -> memref<128xi32, #tpu.memory_space<vmem>>
      %dma_start3A_292 = arith.constant 0 : i32
      %dma_start3A_293 = arith.constant 0 : i32
      %dma_start3A_294 = tpu.memref_slice %arg10[%dma_start3A_292, %dma_start3A_293] : memref<10112x64xf32, #tpu.memory_space<vmem_shared>> -> memref<10112x64xf32, #tpu.memory_space<vmem_shared>>
      tpu.enqueue_indirect_dma source(%dma_start3A_288 : memref<128x64xf32, #tpu.memory_space<vmem>>) target(%dma_start3A_294 : memref<10112x64xf32, #tpu.memory_space<vmem_shared>>) offsets(%dma_start3A_291 : memref<128xi32, #tpu.memory_space<vmem>>) semaphore(%arg20 : memref<!tpu.dma_semaphore, #tpu.memory_space<semaphore_mem>>) {add = true}
    }
    %scan3A_52 = arith.constant 32 : i32
    %dma_wait3A = arith.constant 0 : i32
    %dma_wait3A_53 = arith.constant 155 : i32
    %dma_wait3A_54 = arith.constant 0 : i32
    %dma_wait3A_55 = arith.constant 0 : i32
    %dma_wait3A_56 = tpu.memref_slice %arg9[%dma_wait3A, %dma_wait3A_54, %dma_wait3A_55] : memref<5x128x64xf32, #tpu.memory_space<vmem>> -> memref<1x128x64xf32, #tpu.memory_space<vmem>>
    %dma_wait3A_57 = tpu.memref_squeeze %dma_wait3A_56 : memref<1x128x64xf32, #tpu.memory_space<vmem>> -> memref<128x64xf32, #tpu.memory_space<vmem>>
    %dma_wait3A_58 = arith.constant 0 : i32
    %dma_wait3A_59 = tpu.memref_slice %arg8[%dma_wait3A_53, %dma_wait3A_58] : memref<160x128xi32, #tpu.memory_space<vmem>> -> memref<1x128xi32, #tpu.memory_space<vmem>>
    %dma_wait3A_60 = tpu.memref_squeeze %dma_wait3A_59 : memref<1x128xi32, #tpu.memory_space<vmem>> -> memref<128xi32, #tpu.memory_space<vmem>>
    %dma_wait3A_61 = arith.constant 0 : i32
    %dma_wait3A_62 = arith.constant 0 : i32
    %dma_wait3A_63 = tpu.memref_slice %arg10[%dma_wait3A_61, %dma_wait3A_62] : memref<10112x64xf32, #tpu.memory_space<vmem_shared>> -> memref<10112x64xf32, #tpu.memory_space<vmem_shared>>
    tpu.wait_indirect_dma semaphore(%arg16 : memref<!tpu.dma_semaphore, #tpu.memory_space<semaphore_mem>>) src(%dma_wait3A_57 : memref<128x64xf32, #tpu.memory_space<vmem>>) dst(%dma_wait3A_63 : memref<10112x64xf32, #tpu.memory_space<vmem_shared>>)
    %dma_wait3A_64 = arith.constant 1 : i32
    %dma_wait3A_65 = arith.constant 156 : i32
    %dma_wait3A_66 = arith.constant 0 : i32
    %dma_wait3A_67 = arith.constant 0 : i32
    %dma_wait3A_68 = tpu.memref_slice %arg9[%dma_wait3A_64, %dma_wait3A_66, %dma_wait3A_67] : memref<5x128x64xf32, #tpu.memory_space<vmem>> -> memref<1x128x64xf32, #tpu.memory_space<vmem>>
    %dma_wait3A_69 = tpu.memref_squeeze %dma_wait3A_68 : memref<1x128x64xf32, #tpu.memory_space<vmem>> -> memref<128x64xf32, #tpu.memory_space<vmem>>
    %dma_wait3A_70 = arith.constant 0 : i32
    %dma_wait3A_71 = tpu.memref_slice %arg8[%dma_wait3A_65, %dma_wait3A_70] : memref<160x128xi32, #tpu.memory_space<vmem>> -> memref<1x128xi32, #tpu.memory_space<vmem>>
    %dma_wait3A_72 = tpu.memref_squeeze %dma_wait3A_71 : memref<1x128xi32, #tpu.memory_space<vmem>> -> memref<128xi32, #tpu.memory_space<vmem>>
    %dma_wait3A_73 = arith.constant 0 : i32
    %dma_wait3A_74 = arith.constant 0 : i32
    %dma_wait3A_75 = tpu.memref_slice %arg10[%dma_wait3A_73, %dma_wait3A_74] : memref<10112x64xf32, #tpu.memory_space<vmem_shared>> -> memref<10112x64xf32, #tpu.memory_space<vmem_shared>>
    tpu.wait_indirect_dma semaphore(%arg17 : memref<!tpu.dma_semaphore, #tpu.memory_space<semaphore_mem>>) src(%dma_wait3A_69 : memref<128x64xf32, #tpu.memory_space<vmem>>) dst(%dma_wait3A_75 : memref<10112x64xf32, #tpu.memory_space<vmem_shared>>)
    %dma_wait3A_76 = arith.constant 2 : i32
    %dma_wait3A_77 = arith.constant 157 : i32
    %dma_wait3A_78 = arith.constant 0 : i32
    %dma_wait3A_79 = arith.constant 0 : i32
    %dma_wait3A_80 = tpu.memref_slice %arg9[%dma_wait3A_76, %dma_wait3A_78, %dma_wait3A_79] : memref<5x128x64xf32, #tpu.memory_space<vmem>> -> memref<1x128x64xf32, #tpu.memory_space<vmem>>
    %dma_wait3A_81 = tpu.memref_squeeze %dma_wait3A_80 : memref<1x128x64xf32, #tpu.memory_space<vmem>> -> memref<128x64xf32, #tpu.memory_space<vmem>>
    %dma_wait3A_82 = arith.constant 0 : i32
    %dma_wait3A_83 = tpu.memref_slice %arg8[%dma_wait3A_77, %dma_wait3A_82] : memref<160x128xi32, #tpu.memory_space<vmem>> -> memref<1x128xi32, #tpu.memory_space<vmem>>
    %dma_wait3A_84 = tpu.memref_squeeze %dma_wait3A_83 : memref<1x128xi32, #tpu.memory_space<vmem>> -> memref<128xi32, #tpu.memory_space<vmem>>
    %dma_wait3A_85 = arith.constant 0 : i32
    %dma_wait3A_86 = arith.constant 0 : i32
    %dma_wait3A_87 = tpu.memref_slice %arg10[%dma_wait3A_85, %dma_wait3A_86] : memref<10112x64xf32, #tpu.memory_space<vmem_shared>> -> memref<10112x64xf32, #tpu.memory_space<vmem_shared>>
    tpu.wait_indirect_dma semaphore(%arg18 : memref<!tpu.dma_semaphore, #tpu.memory_space<semaphore_mem>>) src(%dma_wait3A_81 : memref<128x64xf32, #tpu.memory_space<vmem>>) dst(%dma_wait3A_87 : memref<10112x64xf32, #tpu.memory_space<vmem_shared>>)
    %dma_wait3A_88 = arith.constant 3 : i32
    %dma_wait3A_89 = arith.constant 158 : i32
    %dma_wait3A_90 = arith.constant 0 : i32
    %dma_wait3A_91 = arith.constant 0 : i32
    %dma_wait3A_92 = tpu.memref_slice %arg9[%dma_wait3A_88, %dma_wait3A_90, %dma_wait3A_91] : memref<5x128x64xf32, #tpu.memory_space<vmem>> -> memref<1x128x64xf32, #tpu.memory_space<vmem>>
    %dma_wait3A_93 = tpu.memref_squeeze %dma_wait3A_92 : memref<1x128x64xf32, #tpu.memory_space<vmem>> -> memref<128x64xf32, #tpu.memory_space<vmem>>
    %dma_wait3A_94 = arith.constant 0 : i32
    %dma_wait3A_95 = tpu.memref_slice %arg8[%dma_wait3A_89, %dma_wait3A_94] : memref<160x128xi32, #tpu.memory_space<vmem>> -> memref<1x128xi32, #tpu.memory_space<vmem>>
    %dma_wait3A_96 = tpu.memref_squeeze %dma_wait3A_95 : memref<1x128xi32, #tpu.memory_space<vmem>> -> memref<128xi32, #tpu.memory_space<vmem>>
    %dma_wait3A_97 = arith.constant 0 : i32
    %dma_wait3A_98 = arith.constant 0 : i32
    %dma_wait3A_99 = tpu.memref_slice %arg10[%dma_wait3A_97, %dma_wait3A_98] : memref<10112x64xf32, #tpu.memory_space<vmem_shared>> -> memref<10112x64xf32, #tpu.memory_space<vmem_shared>>
    tpu.wait_indirect_dma semaphore(%arg19 : memref<!tpu.dma_semaphore, #tpu.memory_space<semaphore_mem>>) src(%dma_wait3A_93 : memref<128x64xf32, #tpu.memory_space<vmem>>) dst(%dma_wait3A_99 : memref<10112x64xf32, #tpu.memory_space<vmem_shared>>)
    %dma_wait3A_100 = arith.constant 4 : i32
    %dma_wait3A_101 = arith.constant 159 : i32
    %dma_wait3A_102 = arith.constant 0 : i32
    %dma_wait3A_103 = arith.constant 0 : i32
    %dma_wait3A_104 = tpu.memref_slice %arg9[%dma_wait3A_100, %dma_wait3A_102, %dma_wait3A_103] : memref<5x128x64xf32, #tpu.memory_space<vmem>> -> memref<1x128x64xf32, #tpu.memory_space<vmem>>
    %dma_wait3A_105 = tpu.memref_squeeze %dma_wait3A_104 : memref<1x128x64xf32, #tpu.memory_space<vmem>> -> memref<128x64xf32, #tpu.memory_space<vmem>>
    %dma_wait3A_106 = arith.constant 0 : i32
    %dma_wait3A_107 = tpu.memref_slice %arg8[%dma_wait3A_101, %dma_wait3A_106] : memref<160x128xi32, #tpu.memory_space<vmem>> -> memref<1x128xi32, #tpu.memory_space<vmem>>
    %dma_wait3A_108 = tpu.memref_squeeze %dma_wait3A_107 : memref<1x128xi32, #tpu.memory_space<vmem>> -> memref<128xi32, #tpu.memory_space<vmem>>
    %dma_wait3A_109 = arith.constant 0 : i32
    %dma_wait3A_110 = arith.constant 0 : i32
    %dma_wait3A_111 = tpu.memref_slice %arg10[%dma_wait3A_109, %dma_wait3A_110] : memref<10112x64xf32, #tpu.memory_space<vmem_shared>> -> memref<10112x64xf32, #tpu.memory_space<vmem_shared>>
    tpu.wait_indirect_dma semaphore(%arg20 : memref<!tpu.dma_semaphore, #tpu.memory_space<semaphore_mem>>) src(%dma_wait3A_105 : memref<128x64xf32, #tpu.memory_space<vmem>>) dst(%dma_wait3A_111 : memref<10112x64xf32, #tpu.memory_space<vmem_shared>>)
    %barrier3A_112 = arith.constant 0 : index
    tpu.barrier barrier_id(%barrier3A_112)
    "tpu.region"() ({
      %run_scoped3A = tpu.sem_alloc : memref<!tpu.dma_semaphore, #tpu.memory_space<semaphore_mem>>
      %dma_start3A_113 = arith.constant 0 : i32
      %dma_start3A_114 = tpu.memref_slice %arg6[%arg0, %mul3A_0, %dma_start3A_113] : memref<2x10112x64xf32, #tpu.memory_space<hbm>> -> memref<1x632x64xf32, #tpu.memory_space<hbm>>
      %dma_start3A_115 = tpu.memref_squeeze %dma_start3A_114 : memref<1x632x64xf32, #tpu.memory_space<hbm>> -> memref<632x64xf32, #tpu.memory_space<hbm>>
      %dma_start3A_116 = arith.constant 0 : i32
      %dma_start3A_117 = tpu.memref_slice %arg10[%mul3A_0, %dma_start3A_116] : memref<10112x64xf32, #tpu.memory_space<vmem_shared>> -> memref<632x64xf32, #tpu.memory_space<vmem_shared>>
      tpu.enqueue_dma source(%dma_start3A_117 : memref<632x64xf32, #tpu.memory_space<vmem_shared>>) target(%dma_start3A_115 : memref<632x64xf32, #tpu.memory_space<hbm>>) target_semaphore(%run_scoped3A : memref<!tpu.dma_semaphore, #tpu.memory_space<semaphore_mem>>)
      %dma_wait3A_118 = arith.constant 0 : i32
      %dma_wait3A_119 = tpu.memref_slice %arg6[%arg0, %mul3A_0, %dma_wait3A_118] : memref<2x10112x64xf32, #tpu.memory_space<hbm>> -> memref<1x632x64xf32, #tpu.memory_space<hbm>>
      %dma_wait3A_120 = tpu.memref_squeeze %dma_wait3A_119 : memref<1x632x64xf32, #tpu.memory_space<hbm>> -> memref<632x64xf32, #tpu.memory_space<hbm>>
      %dma_wait3A_121 = arith.constant 0 : i32
      %dma_wait3A_122 = tpu.memref_slice %arg10[%mul3A_0, %dma_wait3A_121] : memref<10112x64xf32, #tpu.memory_space<vmem_shared>> -> memref<632x64xf32, #tpu.memory_space<vmem_shared>>
      tpu.wait_dma2 semaphore(%run_scoped3A : memref<!tpu.dma_semaphore, #tpu.memory_space<semaphore_mem>>) src(%dma_wait3A_122 : memref<632x64xf32, #tpu.memory_space<vmem_shared>>) dst(%dma_wait3A_120 : memref<632x64xf32, #tpu.memory_space<hbm>>)
      tpu.yield
    }) : () -> ()
    return
  }
}

#map = affine_map<(d0, d1) -> (0, 0, 0)>
#map1 = affine_map<(d0, d1) -> (0, 0)>
module attributes {stable_mosaic.version = 14 : i64} {
  func.func @_seg_body(%arg0: i32, %arg1: i32, %arg2: memref<2x10000x64xf32, #tpu.memory_space<hbm>>, %arg3: memref<16x160x128xi32, #tpu.memory_space<hbm>>, %arg4: memref<16x160x128xi32, #tpu.memory_space<hbm>>, %arg5: memref<10112x64xf32, #tpu.memory_space<hbm>>, %arg6: memref<10240x16xf32, #tpu.memory_space<hbm>>, %arg7: memref<2x10112x64xf32, #tpu.memory_space<hbm>>, %arg8: memref<2x10112x16xf32, #tpu.memory_space<hbm>>, %arg9: memref<160x128xi32, #tpu.memory_space<vmem>>, %arg10: memref<160x128xi32, #tpu.memory_space<vmem>>, %arg11: memref<4x128x64xf32, #tpu.memory_space<vmem>>, %arg12: memref<10112x64xf32, #tpu.memory_space<vmem_shared>>, %arg13: memref<128x16xf32, #tpu.memory_space<vmem>>, %arg14: memref<10112x16xf32, #tpu.memory_space<vmem_shared>>, %arg15: memref<!tpu.dma_semaphore, #tpu.memory_space<semaphore_mem>>, %arg16: memref<!tpu.dma_semaphore, #tpu.memory_space<semaphore_mem>>, %arg17: memref<!tpu.dma_semaphore, #tpu.memory_space<semaphore_mem>>, %arg18: memref<!tpu.dma_semaphore, #tpu.memory_space<semaphore_mem>>, %arg19: memref<!tpu.dma_semaphore, #tpu.memory_space<semaphore_mem>>, %arg20: memref<!tpu.dma_semaphore, #tpu.memory_space<semaphore_mem>>, %arg21: memref<!tpu.dma_semaphore, #tpu.memory_space<semaphore_mem>>, %arg22: memref<!tpu.dma_semaphore, #tpu.memory_space<semaphore_mem>>, %arg23: memref<!tpu.dma_semaphore, #tpu.memory_space<semaphore_mem>>) attributes {dimension_semantics = [#tpu.dimension_semantics<core_parallel>, #tpu.dimension_semantics<subcore_parallel>], iteration_bounds = array<i64: 2, 16>, scalar_prefetch = 0 : i64, scratch_operands = 15 : i64, tpu.core_type = #tpu.core_type<sc_vector_subcore>, window_params = [{transform_indices = #map}, {transform_indices = #map}, {transform_indices = #map}, {transform_indices = #map1}, {transform_indices = #map1}, {transform_indices = #map}, {transform_indices = #map}]} {
    %mul3A = arith.constant 632 : i32
    %mul3A_0 = arith.muli %arg1, %mul3A : i32
    "tpu.region"() ({
      %run_scoped3A = tpu.sem_alloc : memref<!tpu.dma_semaphore, #tpu.memory_space<semaphore_mem>>
      %dma_start3A_101 = arith.constant 0 : i32
      %dma_start3A_102 = tpu.memref_slice %arg12[%mul3A_0, %dma_start3A_101] : memref<10112x64xf32, #tpu.memory_space<vmem_shared>> -> memref<632x64xf32, #tpu.memory_space<vmem_shared>>
      %dma_start3A_103 = arith.constant 0 : i32
      %dma_start3A_104 = tpu.memref_slice %arg5[%mul3A_0, %dma_start3A_103] : memref<10112x64xf32, #tpu.memory_space<hbm>> -> memref<632x64xf32, #tpu.memory_space<hbm>>
      tpu.enqueue_dma source(%dma_start3A_104 : memref<632x64xf32, #tpu.memory_space<hbm>>) target(%dma_start3A_102 : memref<632x64xf32, #tpu.memory_space<vmem_shared>>) target_semaphore(%run_scoped3A : memref<!tpu.dma_semaphore, #tpu.memory_space<semaphore_mem>>)
      %dma_wait3A_105 = arith.constant 0 : i32
      %dma_wait3A_106 = tpu.memref_slice %arg12[%mul3A_0, %dma_wait3A_105] : memref<10112x64xf32, #tpu.memory_space<vmem_shared>> -> memref<632x64xf32, #tpu.memory_space<vmem_shared>>
      %dma_wait3A_107 = arith.constant 0 : i32
      %dma_wait3A_108 = tpu.memref_slice %arg5[%mul3A_0, %dma_wait3A_107] : memref<10112x64xf32, #tpu.memory_space<hbm>> -> memref<632x64xf32, #tpu.memory_space<hbm>>
      tpu.wait_dma2 semaphore(%run_scoped3A : memref<!tpu.dma_semaphore, #tpu.memory_space<semaphore_mem>>) src(%dma_wait3A_108 : memref<632x64xf32, #tpu.memory_space<hbm>>) dst(%dma_wait3A_106 : memref<632x64xf32, #tpu.memory_space<vmem_shared>>)
      tpu.yield
    }) : () -> ()
    "tpu.region"() ({
      %run_scoped3A = tpu.sem_alloc : memref<!tpu.dma_semaphore, #tpu.memory_space<semaphore_mem>>
      %dma_start3A_101 = arith.constant 0 : i32
      %dma_start3A_102 = tpu.memref_slice %arg14[%mul3A_0, %dma_start3A_101] : memref<10112x16xf32, #tpu.memory_space<vmem_shared>> -> memref<632x16xf32, #tpu.memory_space<vmem_shared>>
      %dma_start3A_103 = arith.constant 0 : i32
      %dma_start3A_104 = tpu.memref_slice %arg6[%mul3A_0, %dma_start3A_103] : memref<10240x16xf32, #tpu.memory_space<hbm>> -> memref<632x16xf32, #tpu.memory_space<hbm>>
      tpu.enqueue_dma source(%dma_start3A_104 : memref<632x16xf32, #tpu.memory_space<hbm>>) target(%dma_start3A_102 : memref<632x16xf32, #tpu.memory_space<vmem_shared>>) target_semaphore(%run_scoped3A : memref<!tpu.dma_semaphore, #tpu.memory_space<semaphore_mem>>)
      %dma_wait3A_105 = arith.constant 0 : i32
      %dma_wait3A_106 = tpu.memref_slice %arg14[%mul3A_0, %dma_wait3A_105] : memref<10112x16xf32, #tpu.memory_space<vmem_shared>> -> memref<632x16xf32, #tpu.memory_space<vmem_shared>>
      %dma_wait3A_107 = arith.constant 0 : i32
      %dma_wait3A_108 = tpu.memref_slice %arg6[%mul3A_0, %dma_wait3A_107] : memref<10240x16xf32, #tpu.memory_space<hbm>> -> memref<632x16xf32, #tpu.memory_space<hbm>>
      tpu.wait_dma2 semaphore(%run_scoped3A : memref<!tpu.dma_semaphore, #tpu.memory_space<semaphore_mem>>) src(%dma_wait3A_108 : memref<632x16xf32, #tpu.memory_space<hbm>>) dst(%dma_wait3A_106 : memref<632x16xf32, #tpu.memory_space<vmem_shared>>)
      tpu.yield
    }) : () -> ()
    "tpu.region"() ({
      %run_scoped3A = tpu.sem_alloc : memref<!tpu.dma_semaphore, #tpu.memory_space<semaphore_mem>>
      %dma_start3A_101 = arith.constant 10112 : i32
      %dma_start3A_102 = arith.constant 0 : i32
      %dma_start3A_103 = tpu.memref_slice %arg6[%dma_start3A_101, %dma_start3A_102] : memref<10240x16xf32, #tpu.memory_space<hbm>> -> memref<128x16xf32, #tpu.memory_space<hbm>>
      %dma_start3A_104 = arith.constant 10112 : i32
      %dma_start3A_105 = arith.constant 0 : i32
      %dma_start3A_106 = tpu.memref_slice %arg6[%dma_start3A_104, %dma_start3A_105] : memref<10240x16xf32, #tpu.memory_space<hbm>> -> memref<128x16xf32, #tpu.memory_space<hbm>>
      tpu.enqueue_dma source(%dma_start3A_106 : memref<128x16xf32, #tpu.memory_space<hbm>>) target(%arg13 : memref<128x16xf32, #tpu.memory_space<vmem>>) target_semaphore(%run_scoped3A : memref<!tpu.dma_semaphore, #tpu.memory_space<semaphore_mem>>)
      %dma_wait3A_107 = arith.constant 10112 : i32
      %dma_wait3A_108 = arith.constant 0 : i32
      %dma_wait3A_109 = tpu.memref_slice %arg6[%dma_wait3A_107, %dma_wait3A_108] : memref<10240x16xf32, #tpu.memory_space<hbm>> -> memref<128x16xf32, #tpu.memory_space<hbm>>
      %dma_wait3A_110 = arith.constant 10112 : i32
      %dma_wait3A_111 = arith.constant 0 : i32
      %dma_wait3A_112 = tpu.memref_slice %arg6[%dma_wait3A_110, %dma_wait3A_111] : memref<10240x16xf32, #tpu.memory_space<hbm>> -> memref<128x16xf32, #tpu.memory_space<hbm>>
      tpu.wait_dma2 semaphore(%run_scoped3A : memref<!tpu.dma_semaphore, #tpu.memory_space<semaphore_mem>>) src(%dma_wait3A_112 : memref<128x16xf32, #tpu.memory_space<hbm>>) dst(%arg13 : memref<128x16xf32, #tpu.memory_space<vmem>>)
      tpu.yield
    }) : () -> ()
    "tpu.region"() ({
      %run_scoped3A = tpu.sem_alloc : memref<!tpu.dma_semaphore, #tpu.memory_space<semaphore_mem>>
      %dma_start3A_101 = arith.constant 0 : i32
      %dma_start3A_102 = arith.constant 0 : i32
      %dma_start3A_103 = tpu.memref_slice %arg3[%arg1, %dma_start3A_101, %dma_start3A_102] : memref<16x160x128xi32, #tpu.memory_space<hbm>> -> memref<1x160x128xi32, #tpu.memory_space<hbm>>
      %dma_start3A_104 = tpu.memref_squeeze %dma_start3A_103 : memref<1x160x128xi32, #tpu.memory_space<hbm>> -> memref<160x128xi32, #tpu.memory_space<hbm>>
      %dma_start3A_105 = arith.constant 0 : i32
      %dma_start3A_106 = arith.constant 0 : i32
      %dma_start3A_107 = tpu.memref_slice %arg3[%arg1, %dma_start3A_105, %dma_start3A_106] : memref<16x160x128xi32, #tpu.memory_space<hbm>> -> memref<1x160x128xi32, #tpu.memory_space<hbm>>
      %dma_start3A_108 = tpu.memref_squeeze %dma_start3A_107 : memref<1x160x128xi32, #tpu.memory_space<hbm>> -> memref<160x128xi32, #tpu.memory_space<hbm>>
      tpu.enqueue_dma source(%dma_start3A_108 : memref<160x128xi32, #tpu.memory_space<hbm>>) target(%arg9 : memref<160x128xi32, #tpu.memory_space<vmem>>) target_semaphore(%run_scoped3A : memref<!tpu.dma_semaphore, #tpu.memory_space<semaphore_mem>>)
      %dma_wait3A_109 = arith.constant 0 : i32
      %dma_wait3A_110 = arith.constant 0 : i32
      %dma_wait3A_111 = tpu.memref_slice %arg3[%arg1, %dma_wait3A_109, %dma_wait3A_110] : memref<16x160x128xi32, #tpu.memory_space<hbm>> -> memref<1x160x128xi32, #tpu.memory_space<hbm>>
      %dma_wait3A_112 = tpu.memref_squeeze %dma_wait3A_111 : memref<1x160x128xi32, #tpu.memory_space<hbm>> -> memref<160x128xi32, #tpu.memory_space<hbm>>
      %dma_wait3A_113 = arith.constant 0 : i32
      %dma_wait3A_114 = arith.constant 0 : i32
      %dma_wait3A_115 = tpu.memref_slice %arg3[%arg1, %dma_wait3A_113, %dma_wait3A_114] : memref<16x160x128xi32, #tpu.memory_space<hbm>> -> memref<1x160x128xi32, #tpu.memory_space<hbm>>
      %dma_wait3A_116 = tpu.memref_squeeze %dma_wait3A_115 : memref<1x160x128xi32, #tpu.memory_space<hbm>> -> memref<160x128xi32, #tpu.memory_space<hbm>>
      tpu.wait_dma2 semaphore(%run_scoped3A : memref<!tpu.dma_semaphore, #tpu.memory_space<semaphore_mem>>) src(%dma_wait3A_116 : memref<160x128xi32, #tpu.memory_space<hbm>>) dst(%arg9 : memref<160x128xi32, #tpu.memory_space<vmem>>)
      tpu.yield
    }) : () -> ()
    "tpu.region"() ({
      %run_scoped3A = tpu.sem_alloc : memref<!tpu.dma_semaphore, #tpu.memory_space<semaphore_mem>>
      %dma_start3A_101 = arith.constant 0 : i32
      %dma_start3A_102 = arith.constant 0 : i32
      %dma_start3A_103 = tpu.memref_slice %arg4[%arg1, %dma_start3A_101, %dma_start3A_102] : memref<16x160x128xi32, #tpu.memory_space<hbm>> -> memref<1x160x128xi32, #tpu.memory_space<hbm>>
      %dma_start3A_104 = tpu.memref_squeeze %dma_start3A_103 : memref<1x160x128xi32, #tpu.memory_space<hbm>> -> memref<160x128xi32, #tpu.memory_space<hbm>>
      %dma_start3A_105 = arith.constant 0 : i32
      %dma_start3A_106 = arith.constant 0 : i32
      %dma_start3A_107 = tpu.memref_slice %arg4[%arg1, %dma_start3A_105, %dma_start3A_106] : memref<16x160x128xi32, #tpu.memory_space<hbm>> -> memref<1x160x128xi32, #tpu.memory_space<hbm>>
      %dma_start3A_108 = tpu.memref_squeeze %dma_start3A_107 : memref<1x160x128xi32, #tpu.memory_space<hbm>> -> memref<160x128xi32, #tpu.memory_space<hbm>>
      tpu.enqueue_dma source(%dma_start3A_108 : memref<160x128xi32, #tpu.memory_space<hbm>>) target(%arg10 : memref<160x128xi32, #tpu.memory_space<vmem>>) target_semaphore(%run_scoped3A : memref<!tpu.dma_semaphore, #tpu.memory_space<semaphore_mem>>)
      %dma_wait3A_109 = arith.constant 0 : i32
      %dma_wait3A_110 = arith.constant 0 : i32
      %dma_wait3A_111 = tpu.memref_slice %arg4[%arg1, %dma_wait3A_109, %dma_wait3A_110] : memref<16x160x128xi32, #tpu.memory_space<hbm>> -> memref<1x160x128xi32, #tpu.memory_space<hbm>>
      %dma_wait3A_112 = tpu.memref_squeeze %dma_wait3A_111 : memref<1x160x128xi32, #tpu.memory_space<hbm>> -> memref<160x128xi32, #tpu.memory_space<hbm>>
      %dma_wait3A_113 = arith.constant 0 : i32
      %dma_wait3A_114 = arith.constant 0 : i32
      %dma_wait3A_115 = tpu.memref_slice %arg4[%arg1, %dma_wait3A_113, %dma_wait3A_114] : memref<16x160x128xi32, #tpu.memory_space<hbm>> -> memref<1x160x128xi32, #tpu.memory_space<hbm>>
      %dma_wait3A_116 = tpu.memref_squeeze %dma_wait3A_115 : memref<1x160x128xi32, #tpu.memory_space<hbm>> -> memref<160x128xi32, #tpu.memory_space<hbm>>
      tpu.wait_dma2 semaphore(%run_scoped3A : memref<!tpu.dma_semaphore, #tpu.memory_space<semaphore_mem>>) src(%dma_wait3A_116 : memref<160x128xi32, #tpu.memory_space<hbm>>) dst(%arg10 : memref<160x128xi32, #tpu.memory_space<vmem>>)
      tpu.yield
    }) : () -> ()
    %barrier3A = arith.constant 0 : index
    tpu.barrier barrier_id(%barrier3A)
    %dma_start3A = arith.constant 0 : i32
    %dma_start3A_1 = arith.constant 0 : i32
    %dma_start3A_2 = arith.constant 0 : i32
    %dma_start3A_3 = arith.constant 0 : i32
    %dma_start3A_4 = tpu.memref_slice %arg11[%dma_start3A_1, %dma_start3A_2, %dma_start3A_3] : memref<4x128x64xf32, #tpu.memory_space<vmem>> -> memref<1x128x64xf32, #tpu.memory_space<vmem>>
    %dma_start3A_5 = tpu.memref_squeeze %dma_start3A_4 : memref<1x128x64xf32, #tpu.memory_space<vmem>> -> memref<128x64xf32, #tpu.memory_space<vmem>>
    %dma_start3A_6 = arith.constant 0 : i32
    %dma_start3A_7 = tpu.memref_slice %arg9[%dma_start3A, %dma_start3A_6] : memref<160x128xi32, #tpu.memory_space<vmem>> -> memref<1x128xi32, #tpu.memory_space<vmem>>
    %dma_start3A_8 = tpu.memref_squeeze %dma_start3A_7 : memref<1x128xi32, #tpu.memory_space<vmem>> -> memref<128xi32, #tpu.memory_space<vmem>>
    %dma_start3A_9 = arith.constant 0 : i32
    %dma_start3A_10 = arith.constant 0 : i32
    %dma_start3A_11 = tpu.memref_slice %arg2[%arg0, %dma_start3A_9, %dma_start3A_10] : memref<2x10000x64xf32, #tpu.memory_space<hbm>> -> memref<1x10000x64xf32, #tpu.memory_space<hbm>>
    %dma_start3A_12 = tpu.memref_squeeze %dma_start3A_11 : memref<1x10000x64xf32, #tpu.memory_space<hbm>> -> memref<10000x64xf32, #tpu.memory_space<hbm>>
    %dma_start3A_13 = arith.constant 0 : i32
    %dma_start3A_14 = arith.constant 0 : i32
    %dma_start3A_15 = tpu.memref_slice %dma_start3A_12[%dma_start3A_13, %dma_start3A_14] : memref<10000x64xf32, #tpu.memory_space<hbm>> -> memref<10000x64xf32, #tpu.memory_space<hbm>>
    tpu.enqueue_indirect_dma source(%dma_start3A_15 : memref<10000x64xf32, #tpu.memory_space<hbm>>) target(%dma_start3A_5 : memref<128x64xf32, #tpu.memory_space<vmem>>) offsets(%dma_start3A_8 : memref<128xi32, #tpu.memory_space<vmem>>) semaphore(%arg15 : memref<!tpu.dma_semaphore, #tpu.memory_space<semaphore_mem>>)
    %dma_start3A_16 = arith.constant 1 : i32
    %dma_start3A_17 = arith.constant 1 : i32
    %dma_start3A_18 = arith.constant 0 : i32
    %dma_start3A_19 = arith.constant 0 : i32
    %dma_start3A_20 = tpu.memref_slice %arg11[%dma_start3A_17, %dma_start3A_18, %dma_start3A_19] : memref<4x128x64xf32, #tpu.memory_space<vmem>> -> memref<1x128x64xf32, #tpu.memory_space<vmem>>
    %dma_start3A_21 = tpu.memref_squeeze %dma_start3A_20 : memref<1x128x64xf32, #tpu.memory_space<vmem>> -> memref<128x64xf32, #tpu.memory_space<vmem>>
    %dma_start3A_22 = arith.constant 0 : i32
    %dma_start3A_23 = tpu.memref_slice %arg9[%dma_start3A_16, %dma_start3A_22] : memref<160x128xi32, #tpu.memory_space<vmem>> -> memref<1x128xi32, #tpu.memory_space<vmem>>
    %dma_start3A_24 = tpu.memref_squeeze %dma_start3A_23 : memref<1x128xi32, #tpu.memory_space<vmem>> -> memref<128xi32, #tpu.memory_space<vmem>>
    %dma_start3A_25 = arith.constant 0 : i32
    %dma_start3A_26 = arith.constant 0 : i32
    %dma_start3A_27 = tpu.memref_slice %arg2[%arg0, %dma_start3A_25, %dma_start3A_26] : memref<2x10000x64xf32, #tpu.memory_space<hbm>> -> memref<1x10000x64xf32, #tpu.memory_space<hbm>>
    %dma_start3A_28 = tpu.memref_squeeze %dma_start3A_27 : memref<1x10000x64xf32, #tpu.memory_space<hbm>> -> memref<10000x64xf32, #tpu.memory_space<hbm>>
    %dma_start3A_29 = arith.constant 0 : i32
    %dma_start3A_30 = arith.constant 0 : i32
    %dma_start3A_31 = tpu.memref_slice %dma_start3A_28[%dma_start3A_29, %dma_start3A_30] : memref<10000x64xf32, #tpu.memory_space<hbm>> -> memref<10000x64xf32, #tpu.memory_space<hbm>>
    tpu.enqueue_indirect_dma source(%dma_start3A_31 : memref<10000x64xf32, #tpu.memory_space<hbm>>) target(%dma_start3A_21 : memref<128x64xf32, #tpu.memory_space<vmem>>) offsets(%dma_start3A_24 : memref<128xi32, #tpu.memory_space<vmem>>) semaphore(%arg16 : memref<!tpu.dma_semaphore, #tpu.memory_space<semaphore_mem>>)
    %dma_start3A_32 = arith.constant 2 : i32
    %dma_start3A_33 = arith.constant 2 : i32
    %dma_start3A_34 = arith.constant 0 : i32
    %dma_start3A_35 = arith.constant 0 : i32
    %dma_start3A_36 = tpu.memref_slice %arg11[%dma_start3A_33, %dma_start3A_34, %dma_start3A_35] : memref<4x128x64xf32, #tpu.memory_space<vmem>> -> memref<1x128x64xf32, #tpu.memory_space<vmem>>
    %dma_start3A_37 = tpu.memref_squeeze %dma_start3A_36 : memref<1x128x64xf32, #tpu.memory_space<vmem>> -> memref<128x64xf32, #tpu.memory_space<vmem>>
    %dma_start3A_38 = arith.constant 0 : i32
    %dma_start3A_39 = tpu.memref_slice %arg9[%dma_start3A_32, %dma_start3A_38] : memref<160x128xi32, #tpu.memory_space<vmem>> -> memref<1x128xi32, #tpu.memory_space<vmem>>
    %dma_start3A_40 = tpu.memref_squeeze %dma_start3A_39 : memref<1x128xi32, #tpu.memory_space<vmem>> -> memref<128xi32, #tpu.memory_space<vmem>>
    %dma_start3A_41 = arith.constant 0 : i32
    %dma_start3A_42 = arith.constant 0 : i32
    %dma_start3A_43 = tpu.memref_slice %arg2[%arg0, %dma_start3A_41, %dma_start3A_42] : memref<2x10000x64xf32, #tpu.memory_space<hbm>> -> memref<1x10000x64xf32, #tpu.memory_space<hbm>>
    %dma_start3A_44 = tpu.memref_squeeze %dma_start3A_43 : memref<1x10000x64xf32, #tpu.memory_space<hbm>> -> memref<10000x64xf32, #tpu.memory_space<hbm>>
    %dma_start3A_45 = arith.constant 0 : i32
    %dma_start3A_46 = arith.constant 0 : i32
    %dma_start3A_47 = tpu.memref_slice %dma_start3A_44[%dma_start3A_45, %dma_start3A_46] : memref<10000x64xf32, #tpu.memory_space<hbm>> -> memref<10000x64xf32, #tpu.memory_space<hbm>>
    tpu.enqueue_indirect_dma source(%dma_start3A_47 : memref<10000x64xf32, #tpu.memory_space<hbm>>) target(%dma_start3A_37 : memref<128x64xf32, #tpu.memory_space<vmem>>) offsets(%dma_start3A_40 : memref<128xi32, #tpu.memory_space<vmem>>) semaphore(%arg17 : memref<!tpu.dma_semaphore, #tpu.memory_space<semaphore_mem>>)
    %scan3A = arith.constant 0 : i32
    %scan3A_48 = arith.constant 0 : i32
    %scan3A_49 = arith.constant 40 : i32
    %scan3A_50 = arith.addi %scan3A_48, %scan3A_49 : i32
    %scan3A_51 = arith.constant 1 : i32
    scf.for %scan3A_101 = %scan3A_48 to %scan3A_50 step %scan3A_51  : i32 {
      %mul3A_102 = arith.constant 4 : i32
      %mul3A_103 = arith.muli %scan3A_101, %mul3A_102 : i32
      %add3A = arith.constant 0 : i32
      %add3A_104 = arith.addi %mul3A_103, %add3A : i32
      %add3A_105 = arith.constant 3 : i32
      %add3A_106 = arith.addi %add3A_104, %add3A_105 : i32
      %lt3A = arith.constant 160 : i32
      %lt3A_107 = arith.cmpi slt, %add3A_106, %lt3A : i32
      %convert_element_type3A = arith.extui %lt3A_107 : i1 to i32
      %cond3A = arith.constant 0 : i32
      %cond3A_108 = arith.cmpi ne, %convert_element_type3A, %cond3A : i32
      scf.if %cond3A_108 {
        %ge3A = arith.constant 4 : i32
        %ge3A_326 = arith.cmpi sge, %add3A_106, %ge3A : i32
        %convert_element_type3A_327 = arith.extui %ge3A_326 : i1 to i32
        %cond3A_328 = arith.constant 0 : i32
        %cond3A_329 = arith.cmpi ne, %convert_element_type3A_327, %cond3A_328 : i32
        scf.if %cond3A_329 {
          %sub3A = arith.constant 4 : i32
          %sub3A_345 = arith.subi %add3A_106, %sub3A : i32
          %dma_wait3A_346 = arith.constant 3 : i32
          %dma_wait3A_347 = arith.constant 0 : i32
          %dma_wait3A_348 = arith.constant 0 : i32
          %dma_wait3A_349 = tpu.memref_slice %arg11[%dma_wait3A_346, %dma_wait3A_347, %dma_wait3A_348] : memref<4x128x64xf32, #tpu.memory_space<vmem>> -> memref<1x128x64xf32, #tpu.memory_space<vmem>>
          %dma_wait3A_350 = tpu.memref_squeeze %dma_wait3A_349 : memref<1x128x64xf32, #tpu.memory_space<vmem>> -> memref<128x64xf32, #tpu.memory_space<vmem>>
          %dma_wait3A_351 = arith.constant 0 : i32
          %dma_wait3A_352 = tpu.memref_slice %arg10[%sub3A_345, %dma_wait3A_351] : memref<160x128xi32, #tpu.memory_space<vmem>> -> memref<1x128xi32, #tpu.memory_space<vmem>>
          %dma_wait3A_353 = tpu.memref_squeeze %dma_wait3A_352 : memref<1x128xi32, #tpu.memory_space<vmem>> -> memref<128xi32, #tpu.memory_space<vmem>>
          %dma_wait3A_354 = arith.constant 0 : i32
          %dma_wait3A_355 = arith.constant 0 : i32
          %dma_wait3A_356 = tpu.memref_slice %arg12[%dma_wait3A_354, %dma_wait3A_355] : memref<10112x64xf32, #tpu.memory_space<vmem_shared>> -> memref<10112x64xf32, #tpu.memory_space<vmem_shared>>
          tpu.wait_indirect_dma semaphore(%arg22 : memref<!tpu.dma_semaphore, #tpu.memory_space<semaphore_mem>>) src(%dma_wait3A_350 : memref<128x64xf32, #tpu.memory_space<vmem>>) dst(%dma_wait3A_356 : memref<10112x64xf32, #tpu.memory_space<vmem_shared>>)
        } else {
        }
        %dma_start3A_330 = arith.constant 3 : i32
        %dma_start3A_331 = arith.constant 0 : i32
        %dma_start3A_332 = arith.constant 0 : i32
        %dma_start3A_333 = tpu.memref_slice %arg11[%dma_start3A_330, %dma_start3A_331, %dma_start3A_332] : memref<4x128x64xf32, #tpu.memory_space<vmem>> -> memref<1x128x64xf32, #tpu.memory_space<vmem>>
        %dma_start3A_334 = tpu.memref_squeeze %dma_start3A_333 : memref<1x128x64xf32, #tpu.memory_space<vmem>> -> memref<128x64xf32, #tpu.memory_space<vmem>>
        %dma_start3A_335 = arith.constant 0 : i32
        %dma_start3A_336 = tpu.memref_slice %arg9[%add3A_106, %dma_start3A_335] : memref<160x128xi32, #tpu.memory_space<vmem>> -> memref<1x128xi32, #tpu.memory_space<vmem>>
        %dma_start3A_337 = tpu.memref_squeeze %dma_start3A_336 : memref<1x128xi32, #tpu.memory_space<vmem>> -> memref<128xi32, #tpu.memory_space<vmem>>
        %dma_start3A_338 = arith.constant 0 : i32
        %dma_start3A_339 = arith.constant 0 : i32
        %dma_start3A_340 = tpu.memref_slice %arg2[%arg0, %dma_start3A_338, %dma_start3A_339] : memref<2x10000x64xf32, #tpu.memory_space<hbm>> -> memref<1x10000x64xf32, #tpu.memory_space<hbm>>
        %dma_start3A_341 = tpu.memref_squeeze %dma_start3A_340 : memref<1x10000x64xf32, #tpu.memory_space<hbm>> -> memref<10000x64xf32, #tpu.memory_space<hbm>>
        %dma_start3A_342 = arith.constant 0 : i32
        %dma_start3A_343 = arith.constant 0 : i32
        %dma_start3A_344 = tpu.memref_slice %dma_start3A_341[%dma_start3A_342, %dma_start3A_343] : memref<10000x64xf32, #tpu.memory_space<hbm>> -> memref<10000x64xf32, #tpu.memory_space<hbm>>
        tpu.enqueue_indirect_dma source(%dma_start3A_344 : memref<10000x64xf32, #tpu.memory_space<hbm>>) target(%dma_start3A_334 : memref<128x64xf32, #tpu.memory_space<vmem>>) offsets(%dma_start3A_337 : memref<128xi32, #tpu.memory_space<vmem>>) semaphore(%arg18 : memref<!tpu.dma_semaphore, #tpu.memory_space<semaphore_mem>>)
      } else {
      }
      %dma_wait3A_109 = arith.constant 0 : i32
      %dma_wait3A_110 = arith.constant 0 : i32
      %dma_wait3A_111 = arith.constant 0 : i32
      %dma_wait3A_112 = tpu.memref_slice %arg11[%dma_wait3A_109, %dma_wait3A_110, %dma_wait3A_111] : memref<4x128x64xf32, #tpu.memory_space<vmem>> -> memref<1x128x64xf32, #tpu.memory_space<vmem>>
      %dma_wait3A_113 = tpu.memref_squeeze %dma_wait3A_112 : memref<1x128x64xf32, #tpu.memory_space<vmem>> -> memref<128x64xf32, #tpu.memory_space<vmem>>
      %dma_wait3A_114 = arith.constant 0 : i32
      %dma_wait3A_115 = tpu.memref_slice %arg9[%add3A_104, %dma_wait3A_114] : memref<160x128xi32, #tpu.memory_space<vmem>> -> memref<1x128xi32, #tpu.memory_space<vmem>>
      %dma_wait3A_116 = tpu.memref_squeeze %dma_wait3A_115 : memref<1x128xi32, #tpu.memory_space<vmem>> -> memref<128xi32, #tpu.memory_space<vmem>>
      %dma_wait3A_117 = arith.constant 0 : i32
      %dma_wait3A_118 = arith.constant 0 : i32
      %dma_wait3A_119 = tpu.memref_slice %arg2[%arg0, %dma_wait3A_117, %dma_wait3A_118] : memref<2x10000x64xf32, #tpu.memory_space<hbm>> -> memref<1x10000x64xf32, #tpu.memory_space<hbm>>
      %dma_wait3A_120 = tpu.memref_squeeze %dma_wait3A_119 : memref<1x10000x64xf32, #tpu.memory_space<hbm>> -> memref<10000x64xf32, #tpu.memory_space<hbm>>
      %dma_wait3A_121 = arith.constant 0 : i32
      %dma_wait3A_122 = arith.constant 0 : i32
      %dma_wait3A_123 = tpu.memref_slice %dma_wait3A_120[%dma_wait3A_121, %dma_wait3A_122] : memref<10000x64xf32, #tpu.memory_space<hbm>> -> memref<10000x64xf32, #tpu.memory_space<hbm>>
      tpu.wait_indirect_dma semaphore(%arg15 : memref<!tpu.dma_semaphore, #tpu.memory_space<semaphore_mem>>) src(%dma_wait3A_123 : memref<10000x64xf32, #tpu.memory_space<hbm>>) dst(%dma_wait3A_113 : memref<128x64xf32, #tpu.memory_space<vmem>>)
      %dma_start3A_124 = arith.constant 0 : i32
      %dma_start3A_125 = arith.constant 0 : i32
      %dma_start3A_126 = arith.constant 0 : i32
      %dma_start3A_127 = tpu.memref_slice %arg11[%dma_start3A_124, %dma_start3A_125, %dma_start3A_126] : memref<4x128x64xf32, #tpu.memory_space<vmem>> -> memref<1x128x64xf32, #tpu.memory_space<vmem>>
      %dma_start3A_128 = tpu.memref_squeeze %dma_start3A_127 : memref<1x128x64xf32, #tpu.memory_space<vmem>> -> memref<128x64xf32, #tpu.memory_space<vmem>>
      %dma_start3A_129 = arith.constant 0 : i32
      %dma_start3A_130 = tpu.memref_slice %arg10[%add3A_104, %dma_start3A_129] : memref<160x128xi32, #tpu.memory_space<vmem>> -> memref<1x128xi32, #tpu.memory_space<vmem>>
      %dma_start3A_131 = tpu.memref_squeeze %dma_start3A_130 : memref<1x128xi32, #tpu.memory_space<vmem>> -> memref<128xi32, #tpu.memory_space<vmem>>
      %dma_start3A_132 = arith.constant 0 : i32
      %dma_start3A_133 = arith.constant 0 : i32
      %dma_start3A_134 = tpu.memref_slice %arg12[%dma_start3A_132, %dma_start3A_133] : memref<10112x64xf32, #tpu.memory_space<vmem_shared>> -> memref<10112x64xf32, #tpu.memory_space<vmem_shared>>
      tpu.enqueue_indirect_dma source(%dma_start3A_128 : memref<128x64xf32, #tpu.memory_space<vmem>>) target(%dma_start3A_134 : memref<10112x64xf32, #tpu.memory_space<vmem_shared>>) offsets(%dma_start3A_131 : memref<128xi32, #tpu.memory_space<vmem>>) semaphore(%arg19 : memref<!tpu.dma_semaphore, #tpu.memory_space<semaphore_mem>>) {add = true}
      %mul3A_135 = arith.constant 4 : i32
      %mul3A_136 = arith.muli %scan3A_101, %mul3A_135 : i32
      %add3A_137 = arith.constant 1 : i32
      %add3A_138 = arith.addi %mul3A_136, %add3A_137 : i32
      %add3A_139 = arith.constant 3 : i32
      %add3A_140 = arith.addi %add3A_138, %add3A_139 : i32
      %lt3A_141 = arith.constant 160 : i32
      %lt3A_142 = arith.cmpi slt, %add3A_140, %lt3A_141 : i32
      %convert_element_type3A_143 = arith.extui %lt3A_142 : i1 to i32
      %cond3A_144 = arith.constant 0 : i32
      %cond3A_145 = arith.cmpi ne, %convert_element_type3A_143, %cond3A_144 : i32
      scf.if %cond3A_145 {
        %ge3A = arith.constant 4 : i32
        %ge3A_326 = arith.cmpi sge, %add3A_140, %ge3A : i32
        %convert_element_type3A_327 = arith.extui %ge3A_326 : i1 to i32
        %cond3A_328 = arith.constant 0 : i32
        %cond3A_329 = arith.cmpi ne, %convert_element_type3A_327, %cond3A_328 : i32
        scf.if %cond3A_329 {
          %sub3A = arith.constant 4 : i32
          %sub3A_345 = arith.subi %add3A_140, %sub3A : i32
          %dma_wait3A_346 = arith.constant 0 : i32
          %dma_wait3A_347 = arith.constant 0 : i32
          %dma_wait3A_348 = arith.constant 0 : i32
          %dma_wait3A_349 = tpu.memref_slice %arg11[%dma_wait3A_346, %dma_wait3A_347, %dma_wait3A_348] : memref<4x128x64xf32, #tpu.memory_space<vmem>> -> memref<1x128x64xf32, #tpu.memory_space<vmem>>
          %dma_wait3A_350 = tpu.memref_squeeze %dma_wait3A_349 : memref<1x128x64xf32, #tpu.memory_space<vmem>> -> memref<128x64xf32, #tpu.memory_space<vmem>>
          %dma_wait3A_351 = arith.constant 0 : i32
          %dma_wait3A_352 = tpu.memref_slice %arg10[%sub3A_345, %dma_wait3A_351] : memref<160x128xi32, #tpu.memory_space<vmem>> -> memref<1x128xi32, #tpu.memory_space<vmem>>
          %dma_wait3A_353 = tpu.memref_squeeze %dma_wait3A_352 : memref<1x128xi32, #tpu.memory_space<vmem>> -> memref<128xi32, #tpu.memory_space<vmem>>
          %dma_wait3A_354 = arith.constant 0 : i32
          %dma_wait3A_355 = arith.constant 0 : i32
          %dma_wait3A_356 = tpu.memref_slice %arg12[%dma_wait3A_354, %dma_wait3A_355] : memref<10112x64xf32, #tpu.memory_space<vmem_shared>> -> memref<10112x64xf32, #tpu.memory_space<vmem_shared>>
          tpu.wait_indirect_dma semaphore(%arg19 : memref<!tpu.dma_semaphore, #tpu.memory_space<semaphore_mem>>) src(%dma_wait3A_350 : memref<128x64xf32, #tpu.memory_space<vmem>>) dst(%dma_wait3A_356 : memref<10112x64xf32, #tpu.memory_space<vmem_shared>>)
        } else {
        }
        %dma_start3A_330 = arith.constant 0 : i32
        %dma_start3A_331 = arith.constant 0 : i32
        %dma_start3A_332 = arith.constant 0 : i32
        %dma_start3A_333 = tpu.memref_slice %arg11[%dma_start3A_330, %dma_start3A_331, %dma_start3A_332] : memref<4x128x64xf32, #tpu.memory_space<vmem>> -> memref<1x128x64xf32, #tpu.memory_space<vmem>>
        %dma_start3A_334 = tpu.memref_squeeze %dma_start3A_333 : memref<1x128x64xf32, #tpu.memory_space<vmem>> -> memref<128x64xf32, #tpu.memory_space<vmem>>
        %dma_start3A_335 = arith.constant 0 : i32
        %dma_start3A_336 = tpu.memref_slice %arg9[%add3A_140, %dma_start3A_335] : memref<160x128xi32, #tpu.memory_space<vmem>> -> memref<1x128xi32, #tpu.memory_space<vmem>>
        %dma_start3A_337 = tpu.memref_squeeze %dma_start3A_336 : memref<1x128xi32, #tpu.memory_space<vmem>> -> memref<128xi32, #tpu.memory_space<vmem>>
        %dma_start3A_338 = arith.constant 0 : i32
        %dma_start3A_339 = arith.constant 0 : i32
        %dma_start3A_340 = tpu.memref_slice %arg2[%arg0, %dma_start3A_338, %dma_start3A_339] : memref<2x10000x64xf32, #tpu.memory_space<hbm>> -> memref<1x10000x64xf32, #tpu.memory_space<hbm>>
        %dma_start3A_341 = tpu.memref_squeeze %dma_start3A_340 : memref<1x10000x64xf32, #tpu.memory_space<hbm>> -> memref<10000x64xf32, #tpu.memory_space<hbm>>
        %dma_start3A_342 = arith.constant 0 : i32
        %dma_start3A_343 = arith.constant 0 : i32
        %dma_start3A_344 = tpu.memref_slice %dma_start3A_341[%dma_start3A_342, %dma_start3A_343] : memref<10000x64xf32, #tpu.memory_space<hbm>> -> memref<10000x64xf32, #tpu.memory_space<hbm>>
        tpu.enqueue_indirect_dma source(%dma_start3A_344 : memref<10000x64xf32, #tpu.memory_space<hbm>>) target(%dma_start3A_334 : memref<128x64xf32, #tpu.memory_space<vmem>>) offsets(%dma_start3A_337 : memref<128xi32, #tpu.memory_space<vmem>>) semaphore(%arg15 : memref<!tpu.dma_semaphore, #tpu.memory_space<semaphore_mem>>)
      } else {
      }
      %dma_wait3A_146 = arith.constant 1 : i32
      %dma_wait3A_147 = arith.constant 0 : i32
      %dma_wait3A_148 = arith.constant 0 : i32
      %dma_wait3A_149 = tpu.memref_slice %arg11[%dma_wait3A_146, %dma_wait3A_147, %dma_wait3A_148] : memref<4x128x64xf32, #tpu.memory_space<vmem>> -> memref<1x128x64xf32, #tpu.memory_space<vmem>>
      %dma_wait3A_150 = tpu.memref_squeeze %dma_wait3A_149 : memref<1x128x64xf32, #tpu.memory_space<vmem>> -> memref<128x64xf32, #tpu.memory_space<vmem>>
      %dma_wait3A_151 = arith.constant 0 : i32
      %dma_wait3A_152 = tpu.memref_slice %arg9[%add3A_138, %dma_wait3A_151] : memref<160x128xi32, #tpu.memory_space<vmem>> -> memref<1x128xi32, #tpu.memory_space<vmem>>
      %dma_wait3A_153 = tpu.memref_squeeze %dma_wait3A_152 : memref<1x128xi32, #tpu.memory_space<vmem>> -> memref<128xi32, #tpu.memory_space<vmem>>
      %dma_wait3A_154 = arith.constant 0 : i32
      %dma_wait3A_155 = arith.constant 0 : i32
      %dma_wait3A_156 = tpu.memref_slice %arg2[%arg0, %dma_wait3A_154, %dma_wait3A_155] : memref<2x10000x64xf32, #tpu.memory_space<hbm>> -> memref<1x10000x64xf32, #tpu.memory_space<hbm>>
      %dma_wait3A_157 = tpu.memref_squeeze %dma_wait3A_156 : memref<1x10000x64xf32, #tpu.memory_space<hbm>> -> memref<10000x64xf32, #tpu.memory_space<hbm>>
      %dma_wait3A_158 = arith.constant 0 : i32
      %dma_wait3A_159 = arith.constant 0 : i32
      %dma_wait3A_160 = tpu.memref_slice %dma_wait3A_157[%dma_wait3A_158, %dma_wait3A_159] : memref<10000x64xf32, #tpu.memory_space<hbm>> -> memref<10000x64xf32, #tpu.memory_space<hbm>>
      tpu.wait_indirect_dma semaphore(%arg16 : memref<!tpu.dma_semaphore, #tpu.memory_space<semaphore_mem>>) src(%dma_wait3A_160 : memref<10000x64xf32, #tpu.memory_space<hbm>>) dst(%dma_wait3A_150 : memref<128x64xf32, #tpu.memory_space<vmem>>)
      %dma_start3A_161 = arith.constant 1 : i32
      %dma_start3A_162 = arith.constant 0 : i32
      %dma_start3A_163 = arith.constant 0 : i32
      %dma_start3A_164 = tpu.memref_slice %arg11[%dma_start3A_161, %dma_start3A_162, %dma_start3A_163] : memref<4x128x64xf32, #tpu.memory_space<vmem>> -> memref<1x128x64xf32, #tpu.memory_space<vmem>>
      %dma_start3A_165 = tpu.memref_squeeze %dma_start3A_164 : memref<1x128x64xf32, #tpu.memory_space<vmem>> -> memref<128x64xf32, #tpu.memory_space<vmem>>
      %dma_start3A_166 = arith.constant 0 : i32
      %dma_start3A_167 = tpu.memref_slice %arg10[%add3A_138, %dma_start3A_166] : memref<160x128xi32, #tpu.memory_space<vmem>> -> memref<1x128xi32, #tpu.memory_space<vmem>>
      %dma_start3A_168 = tpu.memref_squeeze %dma_start3A_167 : memref<1x128xi32, #tpu.memory_space<vmem>> -> memref<128xi32, #tpu.memory_space<vmem>>
      %dma_start3A_169 = arith.constant 0 : i32
      %dma_start3A_170 = arith.constant 0 : i32
      %dma_start3A_171 = tpu.memref_slice %arg12[%dma_start3A_169, %dma_start3A_170] : memref<10112x64xf32, #tpu.memory_space<vmem_shared>> -> memref<10112x64xf32, #tpu.memory_space<vmem_shared>>
      tpu.enqueue_indirect_dma source(%dma_start3A_165 : memref<128x64xf32, #tpu.memory_space<vmem>>) target(%dma_start3A_171 : memref<10112x64xf32, #tpu.memory_space<vmem_shared>>) offsets(%dma_start3A_168 : memref<128xi32, #tpu.memory_space<vmem>>) semaphore(%arg20 : memref<!tpu.dma_semaphore, #tpu.memory_space<semaphore_mem>>) {add = true}
      %mul3A_172 = arith.constant 4 : i32
      %mul3A_173 = arith.muli %scan3A_101, %mul3A_172 : i32
      %add3A_174 = arith.constant 2 : i32
      %add3A_175 = arith.addi %mul3A_173, %add3A_174 : i32
      %add3A_176 = arith.constant 3 : i32
      %add3A_177 = arith.addi %add3A_175, %add3A_176 : i32
      %lt3A_178 = arith.constant 160 : i32
      %lt3A_179 = arith.cmpi slt, %add3A_177, %lt3A_178 : i32
      %convert_element_type3A_180 = arith.extui %lt3A_179 : i1 to i32
      %cond3A_181 = arith.constant 0 : i32
      %cond3A_182 = arith.cmpi ne, %convert_element_type3A_180, %cond3A_181 : i32
      scf.if %cond3A_182 {
        %ge3A = arith.constant 4 : i32
        %ge3A_326 = arith.cmpi sge, %add3A_177, %ge3A : i32
        %convert_element_type3A_327 = arith.extui %ge3A_326 : i1 to i32
        %cond3A_328 = arith.constant 0 : i32
        %cond3A_329 = arith.cmpi ne, %convert_element_type3A_327, %cond3A_328 : i32
        scf.if %cond3A_329 {
          %sub3A = arith.constant 4 : i32
          %sub3A_345 = arith.subi %add3A_177, %sub3A : i32
          %dma_wait3A_346 = arith.constant 1 : i32
          %dma_wait3A_347 = arith.constant 0 : i32
          %dma_wait3A_348 = arith.constant 0 : i32
          %dma_wait3A_349 = tpu.memref_slice %arg11[%dma_wait3A_346, %dma_wait3A_347, %dma_wait3A_348] : memref<4x128x64xf32, #tpu.memory_space<vmem>> -> memref<1x128x64xf32, #tpu.memory_space<vmem>>
          %dma_wait3A_350 = tpu.memref_squeeze %dma_wait3A_349 : memref<1x128x64xf32, #tpu.memory_space<vmem>> -> memref<128x64xf32, #tpu.memory_space<vmem>>
          %dma_wait3A_351 = arith.constant 0 : i32
          %dma_wait3A_352 = tpu.memref_slice %arg10[%sub3A_345, %dma_wait3A_351] : memref<160x128xi32, #tpu.memory_space<vmem>> -> memref<1x128xi32, #tpu.memory_space<vmem>>
          %dma_wait3A_353 = tpu.memref_squeeze %dma_wait3A_352 : memref<1x128xi32, #tpu.memory_space<vmem>> -> memref<128xi32, #tpu.memory_space<vmem>>
          %dma_wait3A_354 = arith.constant 0 : i32
          %dma_wait3A_355 = arith.constant 0 : i32
          %dma_wait3A_356 = tpu.memref_slice %arg12[%dma_wait3A_354, %dma_wait3A_355] : memref<10112x64xf32, #tpu.memory_space<vmem_shared>> -> memref<10112x64xf32, #tpu.memory_space<vmem_shared>>
          tpu.wait_indirect_dma semaphore(%arg20 : memref<!tpu.dma_semaphore, #tpu.memory_space<semaphore_mem>>) src(%dma_wait3A_350 : memref<128x64xf32, #tpu.memory_space<vmem>>) dst(%dma_wait3A_356 : memref<10112x64xf32, #tpu.memory_space<vmem_shared>>)
        } else {
        }
        %dma_start3A_330 = arith.constant 1 : i32
        %dma_start3A_331 = arith.constant 0 : i32
        %dma_start3A_332 = arith.constant 0 : i32
        %dma_start3A_333 = tpu.memref_slice %arg11[%dma_start3A_330, %dma_start3A_331, %dma_start3A_332] : memref<4x128x64xf32, #tpu.memory_space<vmem>> -> memref<1x128x64xf32, #tpu.memory_space<vmem>>
        %dma_start3A_334 = tpu.memref_squeeze %dma_start3A_333 : memref<1x128x64xf32, #tpu.memory_space<vmem>> -> memref<128x64xf32, #tpu.memory_space<vmem>>
        %dma_start3A_335 = arith.constant 0 : i32
        %dma_start3A_336 = tpu.memref_slice %arg9[%add3A_177, %dma_start3A_335] : memref<160x128xi32, #tpu.memory_space<vmem>> -> memref<1x128xi32, #tpu.memory_space<vmem>>
        %dma_start3A_337 = tpu.memref_squeeze %dma_start3A_336 : memref<1x128xi32, #tpu.memory_space<vmem>> -> memref<128xi32, #tpu.memory_space<vmem>>
        %dma_start3A_338 = arith.constant 0 : i32
        %dma_start3A_339 = arith.constant 0 : i32
        %dma_start3A_340 = tpu.memref_slice %arg2[%arg0, %dma_start3A_338, %dma_start3A_339] : memref<2x10000x64xf32, #tpu.memory_space<hbm>> -> memref<1x10000x64xf32, #tpu.memory_space<hbm>>
        %dma_start3A_341 = tpu.memref_squeeze %dma_start3A_340 : memref<1x10000x64xf32, #tpu.memory_space<hbm>> -> memref<10000x64xf32, #tpu.memory_space<hbm>>
        %dma_start3A_342 = arith.constant 0 : i32
        %dma_start3A_343 = arith.constant 0 : i32
        %dma_start3A_344 = tpu.memref_slice %dma_start3A_341[%dma_start3A_342, %dma_start3A_343] : memref<10000x64xf32, #tpu.memory_space<hbm>> -> memref<10000x64xf32, #tpu.memory_space<hbm>>
        tpu.enqueue_indirect_dma source(%dma_start3A_344 : memref<10000x64xf32, #tpu.memory_space<hbm>>) target(%dma_start3A_334 : memref<128x64xf32, #tpu.memory_space<vmem>>) offsets(%dma_start3A_337 : memref<128xi32, #tpu.memory_space<vmem>>) semaphore(%arg16 : memref<!tpu.dma_semaphore, #tpu.memory_space<semaphore_mem>>)
      } else {
      }
      %dma_wait3A_183 = arith.constant 2 : i32
      %dma_wait3A_184 = arith.constant 0 : i32
      %dma_wait3A_185 = arith.constant 0 : i32
      %dma_wait3A_186 = tpu.memref_slice %arg11[%dma_wait3A_183, %dma_wait3A_184, %dma_wait3A_185] : memref<4x128x64xf32, #tpu.memory_space<vmem>> -> memref<1x128x64xf32, #tpu.memory_space<vmem>>
      %dma_wait3A_187 = tpu.memref_squeeze %dma_wait3A_186 : memref<1x128x64xf32, #tpu.memory_space<vmem>> -> memref<128x64xf32, #tpu.memory_space<vmem>>
      %dma_wait3A_188 = arith.constant 0 : i32
      %dma_wait3A_189 = tpu.memref_slice %arg9[%add3A_175, %dma_wait3A_188] : memref<160x128xi32, #tpu.memory_space<vmem>> -> memref<1x128xi32, #tpu.memory_space<vmem>>
      %dma_wait3A_190 = tpu.memref_squeeze %dma_wait3A_189 : memref<1x128xi32, #tpu.memory_space<vmem>> -> memref<128xi32, #tpu.memory_space<vmem>>
      %dma_wait3A_191 = arith.constant 0 : i32
      %dma_wait3A_192 = arith.constant 0 : i32
      %dma_wait3A_193 = tpu.memref_slice %arg2[%arg0, %dma_wait3A_191, %dma_wait3A_192] : memref<2x10000x64xf32, #tpu.memory_space<hbm>> -> memref<1x10000x64xf32, #tpu.memory_space<hbm>>
      %dma_wait3A_194 = tpu.memref_squeeze %dma_wait3A_193 : memref<1x10000x64xf32, #tpu.memory_space<hbm>> -> memref<10000x64xf32, #tpu.memory_space<hbm>>
      %dma_wait3A_195 = arith.constant 0 : i32
      %dma_wait3A_196 = arith.constant 0 : i32
      %dma_wait3A_197 = tpu.memref_slice %dma_wait3A_194[%dma_wait3A_195, %dma_wait3A_196] : memref<10000x64xf32, #tpu.memory_space<hbm>> -> memref<10000x64xf32, #tpu.memory_space<hbm>>
      tpu.wait_indirect_dma semaphore(%arg17 : memref<!tpu.dma_semaphore, #tpu.memory_space<semaphore_mem>>) src(%dma_wait3A_197 : memref<10000x64xf32, #tpu.memory_space<hbm>>) dst(%dma_wait3A_187 : memref<128x64xf32, #tpu.memory_space<vmem>>)
      %dma_start3A_198 = arith.constant 2 : i32
      %dma_start3A_199 = arith.constant 0 : i32
      %dma_start3A_200 = arith.constant 0 : i32
      %dma_start3A_201 = tpu.memref_slice %arg11[%dma_start3A_198, %dma_start3A_199, %dma_start3A_200] : memref<4x128x64xf32, #tpu.memory_space<vmem>> -> memref<1x128x64xf32, #tpu.memory_space<vmem>>
      %dma_start3A_202 = tpu.memref_squeeze %dma_start3A_201 : memref<1x128x64xf32, #tpu.memory_space<vmem>> -> memref<128x64xf32, #tpu.memory_space<vmem>>
      %dma_start3A_203 = arith.constant 0 : i32
      %dma_start3A_204 = tpu.memref_slice %arg10[%add3A_175, %dma_start3A_203] : memref<160x128xi32, #tpu.memory_space<vmem>> -> memref<1x128xi32, #tpu.memory_space<vmem>>
      %dma_start3A_205 = tpu.memref_squeeze %dma_start3A_204 : memref<1x128xi32, #tpu.memory_space<vmem>> -> memref<128xi32, #tpu.memory_space<vmem>>
      %dma_start3A_206 = arith.constant 0 : i32
      %dma_start3A_207 = arith.constant 0 : i32
      %dma_start3A_208 = tpu.memref_slice %arg12[%dma_start3A_206, %dma_start3A_207] : memref<10112x64xf32, #tpu.memory_space<vmem_shared>> -> memref<10112x64xf32, #tpu.memory_space<vmem_shared>>
      tpu.enqueue_indirect_dma source(%dma_start3A_202 : memref<128x64xf32, #tpu.memory_space<vmem>>) target(%dma_start3A_208 : memref<10112x64xf32, #tpu.memory_space<vmem_shared>>) offsets(%dma_start3A_205 : memref<128xi32, #tpu.memory_space<vmem>>) semaphore(%arg21 : memref<!tpu.dma_semaphore, #tpu.memory_space<semaphore_mem>>) {add = true}
      %mul3A_209 = arith.constant 4 : i32
      %mul3A_210 = arith.muli %scan3A_101, %mul3A_209 : i32
      %add3A_211 = arith.constant 3 : i32
      %add3A_212 = arith.addi %mul3A_210, %add3A_211 : i32
      %add3A_213 = arith.constant 3 : i32
      %add3A_214 = arith.addi %add3A_212, %add3A_213 : i32
      %lt3A_215 = arith.constant 160 : i32
      %lt3A_216 = arith.cmpi slt, %add3A_214, %lt3A_215 : i32
      %convert_element_type3A_217 = arith.extui %lt3A_216 : i1 to i32
      %cond3A_218 = arith.constant 0 : i32
      %cond3A_219 = arith.cmpi ne, %convert_element_type3A_217, %cond3A_218 : i32
      scf.if %cond3A_219 {
        %ge3A = arith.constant 4 : i32
        %ge3A_326 = arith.cmpi sge, %add3A_214, %ge3A : i32
        %convert_element_type3A_327 = arith.extui %ge3A_326 : i1 to i32
        %cond3A_328 = arith.constant 0 : i32
        %cond3A_329 = arith.cmpi ne, %convert_element_type3A_327, %cond3A_328 : i32
        scf.if %cond3A_329 {
          %sub3A = arith.constant 4 : i32
          %sub3A_345 = arith.subi %add3A_214, %sub3A : i32
          %dma_wait3A_346 = arith.constant 2 : i32
          %dma_wait3A_347 = arith.constant 0 : i32
          %dma_wait3A_348 = arith.constant 0 : i32
          %dma_wait3A_349 = tpu.memref_slice %arg11[%dma_wait3A_346, %dma_wait3A_347, %dma_wait3A_348] : memref<4x128x64xf32, #tpu.memory_space<vmem>> -> memref<1x128x64xf32, #tpu.memory_space<vmem>>
          %dma_wait3A_350 = tpu.memref_squeeze %dma_wait3A_349 : memref<1x128x64xf32, #tpu.memory_space<vmem>> -> memref<128x64xf32, #tpu.memory_space<vmem>>
          %dma_wait3A_351 = arith.constant 0 : i32
          %dma_wait3A_352 = tpu.memref_slice %arg10[%sub3A_345, %dma_wait3A_351] : memref<160x128xi32, #tpu.memory_space<vmem>> -> memref<1x128xi32, #tpu.memory_space<vmem>>
          %dma_wait3A_353 = tpu.memref_squeeze %dma_wait3A_352 : memref<1x128xi32, #tpu.memory_space<vmem>> -> memref<128xi32, #tpu.memory_space<vmem>>
          %dma_wait3A_354 = arith.constant 0 : i32
          %dma_wait3A_355 = arith.constant 0 : i32
          %dma_wait3A_356 = tpu.memref_slice %arg12[%dma_wait3A_354, %dma_wait3A_355] : memref<10112x64xf32, #tpu.memory_space<vmem_shared>> -> memref<10112x64xf32, #tpu.memory_space<vmem_shared>>
          tpu.wait_indirect_dma semaphore(%arg21 : memref<!tpu.dma_semaphore, #tpu.memory_space<semaphore_mem>>) src(%dma_wait3A_350 : memref<128x64xf32, #tpu.memory_space<vmem>>) dst(%dma_wait3A_356 : memref<10112x64xf32, #tpu.memory_space<vmem_shared>>)
        } else {
        }
        %dma_start3A_330 = arith.constant 2 : i32
        %dma_start3A_331 = arith.constant 0 : i32
        %dma_start3A_332 = arith.constant 0 : i32
        %dma_start3A_333 = tpu.memref_slice %arg11[%dma_start3A_330, %dma_start3A_331, %dma_start3A_332] : memref<4x128x64xf32, #tpu.memory_space<vmem>> -> memref<1x128x64xf32, #tpu.memory_space<vmem>>
        %dma_start3A_334 = tpu.memref_squeeze %dma_start3A_333 : memref<1x128x64xf32, #tpu.memory_space<vmem>> -> memref<128x64xf32, #tpu.memory_space<vmem>>
        %dma_start3A_335 = arith.constant 0 : i32
        %dma_start3A_336 = tpu.memref_slice %arg9[%add3A_214, %dma_start3A_335] : memref<160x128xi32, #tpu.memory_space<vmem>> -> memref<1x128xi32, #tpu.memory_space<vmem>>
        %dma_start3A_337 = tpu.memref_squeeze %dma_start3A_336 : memref<1x128xi32, #tpu.memory_space<vmem>> -> memref<128xi32, #tpu.memory_space<vmem>>
        %dma_start3A_338 = arith.constant 0 : i32
        %dma_start3A_339 = arith.constant 0 : i32
        %dma_start3A_340 = tpu.memref_slice %arg2[%arg0, %dma_start3A_338, %dma_start3A_339] : memref<2x10000x64xf32, #tpu.memory_space<hbm>> -> memref<1x10000x64xf32, #tpu.memory_space<hbm>>
        %dma_start3A_341 = tpu.memref_squeeze %dma_start3A_340 : memref<1x10000x64xf32, #tpu.memory_space<hbm>> -> memref<10000x64xf32, #tpu.memory_space<hbm>>
        %dma_start3A_342 = arith.constant 0 : i32
        %dma_start3A_343 = arith.constant 0 : i32
        %dma_start3A_344 = tpu.memref_slice %dma_start3A_341[%dma_start3A_342, %dma_start3A_343] : memref<10000x64xf32, #tpu.memory_space<hbm>> -> memref<10000x64xf32, #tpu.memory_space<hbm>>
        tpu.enqueue_indirect_dma source(%dma_start3A_344 : memref<10000x64xf32, #tpu.memory_space<hbm>>) target(%dma_start3A_334 : memref<128x64xf32, #tpu.memory_space<vmem>>) offsets(%dma_start3A_337 : memref<128xi32, #tpu.memory_space<vmem>>) semaphore(%arg17 : memref<!tpu.dma_semaphore, #tpu.memory_space<semaphore_mem>>)
      } else {
      }
      %dma_wait3A_220 = arith.constant 3 : i32
      %dma_wait3A_221 = arith.constant 0 : i32
      %dma_wait3A_222 = arith.constant 0 : i32
      %dma_wait3A_223 = tpu.memref_slice %arg11[%dma_wait3A_220, %dma_wait3A_221, %dma_wait3A_222] : memref<4x128x64xf32, #tpu.memory_space<vmem>> -> memref<1x128x64xf32, #tpu.memory_space<vmem>>
      %dma_wait3A_224 = tpu.memref_squeeze %dma_wait3A_223 : memref<1x128x64xf32, #tpu.memory_space<vmem>> -> memref<128x64xf32, #tpu.memory_space<vmem>>
      %dma_wait3A_225 = arith.constant 0 : i32
      %dma_wait3A_226 = tpu.memref_slice %arg9[%add3A_212, %dma_wait3A_225] : memref<160x128xi32, #tpu.memory_space<vmem>> -> memref<1x128xi32, #tpu.memory_space<vmem>>
      %dma_wait3A_227 = tpu.memref_squeeze %dma_wait3A_226 : memref<1x128xi32, #tpu.memory_space<vmem>> -> memref<128xi32, #tpu.memory_space<vmem>>
      %dma_wait3A_228 = arith.constant 0 : i32
      %dma_wait3A_229 = arith.constant 0 : i32
      %dma_wait3A_230 = tpu.memref_slice %arg2[%arg0, %dma_wait3A_228, %dma_wait3A_229] : memref<2x10000x64xf32, #tpu.memory_space<hbm>> -> memref<1x10000x64xf32, #tpu.memory_space<hbm>>
      %dma_wait3A_231 = tpu.memref_squeeze %dma_wait3A_230 : memref<1x10000x64xf32, #tpu.memory_space<hbm>> -> memref<10000x64xf32, #tpu.memory_space<hbm>>
      %dma_wait3A_232 = arith.constant 0 : i32
      %dma_wait3A_233 = arith.constant 0 : i32
      %dma_wait3A_234 = tpu.memref_slice %dma_wait3A_231[%dma_wait3A_232, %dma_wait3A_233] : memref<10000x64xf32, #tpu.memory_space<hbm>> -> memref<10000x64xf32, #tpu.memory_space<hbm>>
      tpu.wait_indirect_dma semaphore(%arg18 : memref<!tpu.dma_semaphore, #tpu.memory_space<semaphore_mem>>) src(%dma_wait3A_234 : memref<10000x64xf32, #tpu.memory_space<hbm>>) dst(%dma_wait3A_224 : memref<128x64xf32, #tpu.memory_space<vmem>>)
      %dma_start3A_235 = arith.constant 3 : i32
      %dma_start3A_236 = arith.constant 0 : i32
      %dma_start3A_237 = arith.constant 0 : i32
      %dma_start3A_238 = tpu.memref_slice %arg11[%dma_start3A_235, %dma_start3A_236, %dma_start3A_237] : memref<4x128x64xf32, #tpu.memory_space<vmem>> -> memref<1x128x64xf32, #tpu.memory_space<vmem>>
      %dma_start3A_239 = tpu.memref_squeeze %dma_start3A_238 : memref<1x128x64xf32, #tpu.memory_space<vmem>> -> memref<128x64xf32, #tpu.memory_space<vmem>>
      %dma_start3A_240 = arith.constant 0 : i32
      %dma_start3A_241 = tpu.memref_slice %arg10[%add3A_212, %dma_start3A_240] : memref<160x128xi32, #tpu.memory_space<vmem>> -> memref<1x128xi32, #tpu.memory_space<vmem>>
      %dma_start3A_242 = tpu.memref_squeeze %dma_start3A_241 : memref<1x128xi32, #tpu.memory_space<vmem>> -> memref<128xi32, #tpu.memory_space<vmem>>
      %dma_start3A_243 = arith.constant 0 : i32
      %dma_start3A_244 = arith.constant 0 : i32
      %dma_start3A_245 = tpu.memref_slice %arg12[%dma_start3A_243, %dma_start3A_244] : memref<10112x64xf32, #tpu.memory_space<vmem_shared>> -> memref<10112x64xf32, #tpu.memory_space<vmem_shared>>
      tpu.enqueue_indirect_dma source(%dma_start3A_239 : memref<128x64xf32, #tpu.memory_space<vmem>>) target(%dma_start3A_245 : memref<10112x64xf32, #tpu.memory_space<vmem_shared>>) offsets(%dma_start3A_242 : memref<128xi32, #tpu.memory_space<vmem>>) semaphore(%arg22 : memref<!tpu.dma_semaphore, #tpu.memory_space<semaphore_mem>>) {add = true}
      %mul3A_246 = arith.constant 4 : i32
      %mul3A_247 = arith.muli %scan3A_101, %mul3A_246 : i32
      %add3A_248 = arith.constant 0 : i32
      %add3A_249 = arith.addi %mul3A_247, %add3A_248 : i32
      %dma_start3A_250 = arith.constant 0 : i32
      %dma_start3A_251 = tpu.memref_slice %arg10[%add3A_249, %dma_start3A_250] : memref<160x128xi32, #tpu.memory_space<vmem>> -> memref<1x128xi32, #tpu.memory_space<vmem>>
      %dma_start3A_252 = tpu.memref_squeeze %dma_start3A_251 : memref<1x128xi32, #tpu.memory_space<vmem>> -> memref<128xi32, #tpu.memory_space<vmem>>
      %dma_start3A_253 = arith.constant 0 : i32
      %dma_start3A_254 = arith.constant 0 : i32
      %dma_start3A_255 = tpu.memref_slice %arg14[%dma_start3A_253, %dma_start3A_254] : memref<10112x16xf32, #tpu.memory_space<vmem_shared>> -> memref<10112x16xf32, #tpu.memory_space<vmem_shared>>
      tpu.enqueue_indirect_dma source(%arg13 : memref<128x16xf32, #tpu.memory_space<vmem>>) target(%dma_start3A_255 : memref<10112x16xf32, #tpu.memory_space<vmem_shared>>) offsets(%dma_start3A_252 : memref<128xi32, #tpu.memory_space<vmem>>) semaphore(%arg23 : memref<!tpu.dma_semaphore, #tpu.memory_space<semaphore_mem>>) {add = true}
      %mul3A_256 = arith.constant 4 : i32
      %mul3A_257 = arith.muli %scan3A_101, %mul3A_256 : i32
      %add3A_258 = arith.constant 1 : i32
      %add3A_259 = arith.addi %mul3A_257, %add3A_258 : i32
      %dma_start3A_260 = arith.constant 0 : i32
      %dma_start3A_261 = tpu.memref_slice %arg10[%add3A_259, %dma_start3A_260] : memref<160x128xi32, #tpu.memory_space<vmem>> -> memref<1x128xi32, #tpu.memory_space<vmem>>
      %dma_start3A_262 = tpu.memref_squeeze %dma_start3A_261 : memref<1x128xi32, #tpu.memory_space<vmem>> -> memref<128xi32, #tpu.memory_space<vmem>>
      %dma_start3A_263 = arith.constant 0 : i32
      %dma_start3A_264 = arith.constant 0 : i32
      %dma_start3A_265 = tpu.memref_slice %arg14[%dma_start3A_263, %dma_start3A_264] : memref<10112x16xf32, #tpu.memory_space<vmem_shared>> -> memref<10112x16xf32, #tpu.memory_space<vmem_shared>>
      tpu.enqueue_indirect_dma source(%arg13 : memref<128x16xf32, #tpu.memory_space<vmem>>) target(%dma_start3A_265 : memref<10112x16xf32, #tpu.memory_space<vmem_shared>>) offsets(%dma_start3A_262 : memref<128xi32, #tpu.memory_space<vmem>>) semaphore(%arg23 : memref<!tpu.dma_semaphore, #tpu.memory_space<semaphore_mem>>) {add = true}
      %mul3A_266 = arith.constant 4 : i32
      %mul3A_267 = arith.muli %scan3A_101, %mul3A_266 : i32
      %add3A_268 = arith.constant 2 : i32
      %add3A_269 = arith.addi %mul3A_267, %add3A_268 : i32
      %dma_start3A_270 = arith.constant 0 : i32
      %dma_start3A_271 = tpu.memref_slice %arg10[%add3A_269, %dma_start3A_270] : memref<160x128xi32, #tpu.memory_space<vmem>> -> memref<1x128xi32, #tpu.memory_space<vmem>>
      %dma_start3A_272 = tpu.memref_squeeze %dma_start3A_271 : memref<1x128xi32, #tpu.memory_space<vmem>> -> memref<128xi32, #tpu.memory_space<vmem>>
      %dma_start3A_273 = arith.constant 0 : i32
      %dma_start3A_274 = arith.constant 0 : i32
      %dma_start3A_275 = tpu.memref_slice %arg14[%dma_start3A_273, %dma_start3A_274] : memref<10112x16xf32, #tpu.memory_space<vmem_shared>> -> memref<10112x16xf32, #tpu.memory_space<vmem_shared>>
      tpu.enqueue_indirect_dma source(%arg13 : memref<128x16xf32, #tpu.memory_space<vmem>>) target(%dma_start3A_275 : memref<10112x16xf32, #tpu.memory_space<vmem_shared>>) offsets(%dma_start3A_272 : memref<128xi32, #tpu.memory_space<vmem>>) semaphore(%arg23 : memref<!tpu.dma_semaphore, #tpu.memory_space<semaphore_mem>>) {add = true}
      %mul3A_276 = arith.constant 4 : i32
      %mul3A_277 = arith.muli %scan3A_101, %mul3A_276 : i32
      %add3A_278 = arith.constant 3 : i32
      %add3A_279 = arith.addi %mul3A_277, %add3A_278 : i32
      %dma_start3A_280 = arith.constant 0 : i32
      %dma_start3A_281 = tpu.memref_slice %arg10[%add3A_279, %dma_start3A_280] : memref<160x128xi32, #tpu.memory_space<vmem>> -> memref<1x128xi32, #tpu.memory_space<vmem>>
      %dma_start3A_282 = tpu.memref_squeeze %dma_start3A_281 : memref<1x128xi32, #tpu.memory_space<vmem>> -> memref<128xi32, #tpu.memory_space<vmem>>
      %dma_start3A_283 = arith.constant 0 : i32
      %dma_start3A_284 = arith.constant 0 : i32
      %dma_start3A_285 = tpu.memref_slice %arg14[%dma_start3A_283, %dma_start3A_284] : memref<10112x16xf32, #tpu.memory_space<vmem_shared>> -> memref<10112x16xf32, #tpu.memory_space<vmem_shared>>
      tpu.enqueue_indirect_dma source(%arg13 : memref<128x16xf32, #tpu.memory_space<vmem>>) target(%dma_start3A_285 : memref<10112x16xf32, #tpu.memory_space<vmem_shared>>) offsets(%dma_start3A_282 : memref<128xi32, #tpu.memory_space<vmem>>) semaphore(%arg23 : memref<!tpu.dma_semaphore, #tpu.memory_space<semaphore_mem>>) {add = true}
      %mul3A_286 = arith.constant 4 : i32
      %mul3A_287 = arith.muli %scan3A_101, %mul3A_286 : i32
      %add3A_288 = arith.constant 0 : i32
      %add3A_289 = arith.addi %mul3A_287, %add3A_288 : i32
      %dma_wait3A_290 = arith.constant 0 : i32
      %dma_wait3A_291 = tpu.memref_slice %arg10[%add3A_289, %dma_wait3A_290] : memref<160x128xi32, #tpu.memory_space<vmem>> -> memref<1x128xi32, #tpu.memory_space<vmem>>
      %dma_wait3A_292 = tpu.memref_squeeze %dma_wait3A_291 : memref<1x128xi32, #tpu.memory_space<vmem>> -> memref<128xi32, #tpu.memory_space<vmem>>
      %dma_wait3A_293 = arith.constant 0 : i32
      %dma_wait3A_294 = arith.constant 0 : i32
      %dma_wait3A_295 = tpu.memref_slice %arg14[%dma_wait3A_293, %dma_wait3A_294] : memref<10112x16xf32, #tpu.memory_space<vmem_shared>> -> memref<10112x16xf32, #tpu.memory_space<vmem_shared>>
      tpu.wait_indirect_dma semaphore(%arg23 : memref<!tpu.dma_semaphore, #tpu.memory_space<semaphore_mem>>) src(%arg13 : memref<128x16xf32, #tpu.memory_space<vmem>>) dst(%dma_wait3A_295 : memref<10112x16xf32, #tpu.memory_space<vmem_shared>>)
      %mul3A_296 = arith.constant 4 : i32
      %mul3A_297 = arith.muli %scan3A_101, %mul3A_296 : i32
      %add3A_298 = arith.constant 1 : i32
      %add3A_299 = arith.addi %mul3A_297, %add3A_298 : i32
      %dma_wait3A_300 = arith.constant 0 : i32
      %dma_wait3A_301 = tpu.memref_slice %arg10[%add3A_299, %dma_wait3A_300] : memref<160x128xi32, #tpu.memory_space<vmem>> -> memref<1x128xi32, #tpu.memory_space<vmem>>
      %dma_wait3A_302 = tpu.memref_squeeze %dma_wait3A_301 : memref<1x128xi32, #tpu.memory_space<vmem>> -> memref<128xi32, #tpu.memory_space<vmem>>
      %dma_wait3A_303 = arith.constant 0 : i32
      %dma_wait3A_304 = arith.constant 0 : i32
      %dma_wait3A_305 = tpu.memref_slice %arg14[%dma_wait3A_303, %dma_wait3A_304] : memref<10112x16xf32, #tpu.memory_space<vmem_shared>> -> memref<10112x16xf32, #tpu.memory_space<vmem_shared>>
      tpu.wait_indirect_dma semaphore(%arg23 : memref<!tpu.dma_semaphore, #tpu.memory_space<semaphore_mem>>) src(%arg13 : memref<128x16xf32, #tpu.memory_space<vmem>>) dst(%dma_wait3A_305 : memref<10112x16xf32, #tpu.memory_space<vmem_shared>>)
      %mul3A_306 = arith.constant 4 : i32
      %mul3A_307 = arith.muli %scan3A_101, %mul3A_306 : i32
      %add3A_308 = arith.constant 2 : i32
      %add3A_309 = arith.addi %mul3A_307, %add3A_308 : i32
      %dma_wait3A_310 = arith.constant 0 : i32
      %dma_wait3A_311 = tpu.memref_slice %arg10[%add3A_309, %dma_wait3A_310] : memref<160x128xi32, #tpu.memory_space<vmem>> -> memref<1x128xi32, #tpu.memory_space<vmem>>
      %dma_wait3A_312 = tpu.memref_squeeze %dma_wait3A_311 : memref<1x128xi32, #tpu.memory_space<vmem>> -> memref<128xi32, #tpu.memory_space<vmem>>
      %dma_wait3A_313 = arith.constant 0 : i32
      %dma_wait3A_314 = arith.constant 0 : i32
      %dma_wait3A_315 = tpu.memref_slice %arg14[%dma_wait3A_313, %dma_wait3A_314] : memref<10112x16xf32, #tpu.memory_space<vmem_shared>> -> memref<10112x16xf32, #tpu.memory_space<vmem_shared>>
      tpu.wait_indirect_dma semaphore(%arg23 : memref<!tpu.dma_semaphore, #tpu.memory_space<semaphore_mem>>) src(%arg13 : memref<128x16xf32, #tpu.memory_space<vmem>>) dst(%dma_wait3A_315 : memref<10112x16xf32, #tpu.memory_space<vmem_shared>>)
      %mul3A_316 = arith.constant 4 : i32
      %mul3A_317 = arith.muli %scan3A_101, %mul3A_316 : i32
      %add3A_318 = arith.constant 3 : i32
      %add3A_319 = arith.addi %mul3A_317, %add3A_318 : i32
      %dma_wait3A_320 = arith.constant 0 : i32
      %dma_wait3A_321 = tpu.memref_slice %arg10[%add3A_319, %dma_wait3A_320] : memref<160x128xi32, #tpu.memory_space<vmem>> -> memref<1x128xi32, #tpu.memory_space<vmem>>
      %dma_wait3A_322 = tpu.memref_squeeze %dma_wait3A_321 : memref<1x128xi32, #tpu.memory_space<vmem>> -> memref<128xi32, #tpu.memory_space<vmem>>
      %dma_wait3A_323 = arith.constant 0 : i32
      %dma_wait3A_324 = arith.constant 0 : i32
      %dma_wait3A_325 = tpu.memref_slice %arg14[%dma_wait3A_323, %dma_wait3A_324] : memref<10112x16xf32, #tpu.memory_space<vmem_shared>> -> memref<10112x16xf32, #tpu.memory_space<vmem_shared>>
      tpu.wait_indirect_dma semaphore(%arg23 : memref<!tpu.dma_semaphore, #tpu.memory_space<semaphore_mem>>) src(%arg13 : memref<128x16xf32, #tpu.memory_space<vmem>>) dst(%dma_wait3A_325 : memref<10112x16xf32, #tpu.memory_space<vmem_shared>>)
    }
    %scan3A_52 = arith.constant 40 : i32
    %dma_wait3A = arith.constant 0 : i32
    %dma_wait3A_53 = arith.constant 156 : i32
    %dma_wait3A_54 = arith.constant 0 : i32
    %dma_wait3A_55 = arith.constant 0 : i32
    %dma_wait3A_56 = tpu.memref_slice %arg11[%dma_wait3A, %dma_wait3A_54, %dma_wait3A_55] : memref<4x128x64xf32, #tpu.memory_space<vmem>> -> memref<1x128x64xf32, #tpu.memory_space<vmem>>
    %dma_wait3A_57 = tpu.memref_squeeze %dma_wait3A_56 : memref<1x128x64xf32, #tpu.memory_space<vmem>> -> memref<128x64xf32, #tpu.memory_space<vmem>>
    %dma_wait3A_58 = arith.constant 0 : i32
    %dma_wait3A_59 = tpu.memref_slice %arg10[%dma_wait3A_53, %dma_wait3A_58] : memref<160x128xi32, #tpu.memory_space<vmem>> -> memref<1x128xi32, #tpu.memory_space<vmem>>
    %dma_wait3A_60 = tpu.memref_squeeze %dma_wait3A_59 : memref<1x128xi32, #tpu.memory_space<vmem>> -> memref<128xi32, #tpu.memory_space<vmem>>
    %dma_wait3A_61 = arith.constant 0 : i32
    %dma_wait3A_62 = arith.constant 0 : i32
    %dma_wait3A_63 = tpu.memref_slice %arg12[%dma_wait3A_61, %dma_wait3A_62] : memref<10112x64xf32, #tpu.memory_space<vmem_shared>> -> memref<10112x64xf32, #tpu.memory_space<vmem_shared>>
    tpu.wait_indirect_dma semaphore(%arg19 : memref<!tpu.dma_semaphore, #tpu.memory_space<semaphore_mem>>) src(%dma_wait3A_57 : memref<128x64xf32, #tpu.memory_space<vmem>>) dst(%dma_wait3A_63 : memref<10112x64xf32, #tpu.memory_space<vmem_shared>>)
    %dma_wait3A_64 = arith.constant 1 : i32
    %dma_wait3A_65 = arith.constant 157 : i32
    %dma_wait3A_66 = arith.constant 0 : i32
    %dma_wait3A_67 = arith.constant 0 : i32
    %dma_wait3A_68 = tpu.memref_slice %arg11[%dma_wait3A_64, %dma_wait3A_66, %dma_wait3A_67] : memref<4x128x64xf32, #tpu.memory_space<vmem>> -> memref<1x128x64xf32, #tpu.memory_space<vmem>>
    %dma_wait3A_69 = tpu.memref_squeeze %dma_wait3A_68 : memref<1x128x64xf32, #tpu.memory_space<vmem>> -> memref<128x64xf32, #tpu.memory_space<vmem>>
    %dma_wait3A_70 = arith.constant 0 : i32
    %dma_wait3A_71 = tpu.memref_slice %arg10[%dma_wait3A_65, %dma_wait3A_70] : memref<160x128xi32, #tpu.memory_space<vmem>> -> memref<1x128xi32, #tpu.memory_space<vmem>>
    %dma_wait3A_72 = tpu.memref_squeeze %dma_wait3A_71 : memref<1x128xi32, #tpu.memory_space<vmem>> -> memref<128xi32, #tpu.memory_space<vmem>>
    %dma_wait3A_73 = arith.constant 0 : i32
    %dma_wait3A_74 = arith.constant 0 : i32
    %dma_wait3A_75 = tpu.memref_slice %arg12[%dma_wait3A_73, %dma_wait3A_74] : memref<10112x64xf32, #tpu.memory_space<vmem_shared>> -> memref<10112x64xf32, #tpu.memory_space<vmem_shared>>
    tpu.wait_indirect_dma semaphore(%arg20 : memref<!tpu.dma_semaphore, #tpu.memory_space<semaphore_mem>>) src(%dma_wait3A_69 : memref<128x64xf32, #tpu.memory_space<vmem>>) dst(%dma_wait3A_75 : memref<10112x64xf32, #tpu.memory_space<vmem_shared>>)
    %dma_wait3A_76 = arith.constant 2 : i32
    %dma_wait3A_77 = arith.constant 158 : i32
    %dma_wait3A_78 = arith.constant 0 : i32
    %dma_wait3A_79 = arith.constant 0 : i32
    %dma_wait3A_80 = tpu.memref_slice %arg11[%dma_wait3A_76, %dma_wait3A_78, %dma_wait3A_79] : memref<4x128x64xf32, #tpu.memory_space<vmem>> -> memref<1x128x64xf32, #tpu.memory_space<vmem>>
    %dma_wait3A_81 = tpu.memref_squeeze %dma_wait3A_80 : memref<1x128x64xf32, #tpu.memory_space<vmem>> -> memref<128x64xf32, #tpu.memory_space<vmem>>
    %dma_wait3A_82 = arith.constant 0 : i32
    %dma_wait3A_83 = tpu.memref_slice %arg10[%dma_wait3A_77, %dma_wait3A_82] : memref<160x128xi32, #tpu.memory_space<vmem>> -> memref<1x128xi32, #tpu.memory_space<vmem>>
    %dma_wait3A_84 = tpu.memref_squeeze %dma_wait3A_83 : memref<1x128xi32, #tpu.memory_space<vmem>> -> memref<128xi32, #tpu.memory_space<vmem>>
    %dma_wait3A_85 = arith.constant 0 : i32
    %dma_wait3A_86 = arith.constant 0 : i32
    %dma_wait3A_87 = tpu.memref_slice %arg12[%dma_wait3A_85, %dma_wait3A_86] : memref<10112x64xf32, #tpu.memory_space<vmem_shared>> -> memref<10112x64xf32, #tpu.memory_space<vmem_shared>>
    tpu.wait_indirect_dma semaphore(%arg21 : memref<!tpu.dma_semaphore, #tpu.memory_space<semaphore_mem>>) src(%dma_wait3A_81 : memref<128x64xf32, #tpu.memory_space<vmem>>) dst(%dma_wait3A_87 : memref<10112x64xf32, #tpu.memory_space<vmem_shared>>)
    %dma_wait3A_88 = arith.constant 3 : i32
    %dma_wait3A_89 = arith.constant 159 : i32
    %dma_wait3A_90 = arith.constant 0 : i32
    %dma_wait3A_91 = arith.constant 0 : i32
    %dma_wait3A_92 = tpu.memref_slice %arg11[%dma_wait3A_88, %dma_wait3A_90, %dma_wait3A_91] : memref<4x128x64xf32, #tpu.memory_space<vmem>> -> memref<1x128x64xf32, #tpu.memory_space<vmem>>
    %dma_wait3A_93 = tpu.memref_squeeze %dma_wait3A_92 : memref<1x128x64xf32, #tpu.memory_space<vmem>> -> memref<128x64xf32, #tpu.memory_space<vmem>>
    %dma_wait3A_94 = arith.constant 0 : i32
    %dma_wait3A_95 = tpu.memref_slice %arg10[%dma_wait3A_89, %dma_wait3A_94] : memref<160x128xi32, #tpu.memory_space<vmem>> -> memref<1x128xi32, #tpu.memory_space<vmem>>
    %dma_wait3A_96 = tpu.memref_squeeze %dma_wait3A_95 : memref<1x128xi32, #tpu.memory_space<vmem>> -> memref<128xi32, #tpu.memory_space<vmem>>
    %dma_wait3A_97 = arith.constant 0 : i32
    %dma_wait3A_98 = arith.constant 0 : i32
    %dma_wait3A_99 = tpu.memref_slice %arg12[%dma_wait3A_97, %dma_wait3A_98] : memref<10112x64xf32, #tpu.memory_space<vmem_shared>> -> memref<10112x64xf32, #tpu.memory_space<vmem_shared>>
    tpu.wait_indirect_dma semaphore(%arg22 : memref<!tpu.dma_semaphore, #tpu.memory_space<semaphore_mem>>) src(%dma_wait3A_93 : memref<128x64xf32, #tpu.memory_space<vmem>>) dst(%dma_wait3A_99 : memref<10112x64xf32, #tpu.memory_space<vmem_shared>>)
    %barrier3A_100 = arith.constant 0 : index
    tpu.barrier barrier_id(%barrier3A_100)
    "tpu.region"() ({
      %run_scoped3A = tpu.sem_alloc : memref<!tpu.dma_semaphore, #tpu.memory_space<semaphore_mem>>
      %dma_start3A_101 = arith.constant 0 : i32
      %dma_start3A_102 = tpu.memref_slice %arg7[%arg0, %mul3A_0, %dma_start3A_101] : memref<2x10112x64xf32, #tpu.memory_space<hbm>> -> memref<1x632x64xf32, #tpu.memory_space<hbm>>
      %dma_start3A_103 = tpu.memref_squeeze %dma_start3A_102 : memref<1x632x64xf32, #tpu.memory_space<hbm>> -> memref<632x64xf32, #tpu.memory_space<hbm>>
      %dma_start3A_104 = arith.constant 0 : i32
      %dma_start3A_105 = tpu.memref_slice %arg12[%mul3A_0, %dma_start3A_104] : memref<10112x64xf32, #tpu.memory_space<vmem_shared>> -> memref<632x64xf32, #tpu.memory_space<vmem_shared>>
      tpu.enqueue_dma source(%dma_start3A_105 : memref<632x64xf32, #tpu.memory_space<vmem_shared>>) target(%dma_start3A_103 : memref<632x64xf32, #tpu.memory_space<hbm>>) target_semaphore(%run_scoped3A : memref<!tpu.dma_semaphore, #tpu.memory_space<semaphore_mem>>)
      %dma_wait3A_106 = arith.constant 0 : i32
      %dma_wait3A_107 = tpu.memref_slice %arg7[%arg0, %mul3A_0, %dma_wait3A_106] : memref<2x10112x64xf32, #tpu.memory_space<hbm>> -> memref<1x632x64xf32, #tpu.memory_space<hbm>>
      %dma_wait3A_108 = tpu.memref_squeeze %dma_wait3A_107 : memref<1x632x64xf32, #tpu.memory_space<hbm>> -> memref<632x64xf32, #tpu.memory_space<hbm>>
      %dma_wait3A_109 = arith.constant 0 : i32
      %dma_wait3A_110 = tpu.memref_slice %arg12[%mul3A_0, %dma_wait3A_109] : memref<10112x64xf32, #tpu.memory_space<vmem_shared>> -> memref<632x64xf32, #tpu.memory_space<vmem_shared>>
      tpu.wait_dma2 semaphore(%run_scoped3A : memref<!tpu.dma_semaphore, #tpu.memory_space<semaphore_mem>>) src(%dma_wait3A_110 : memref<632x64xf32, #tpu.memory_space<vmem_shared>>) dst(%dma_wait3A_108 : memref<632x64xf32, #tpu.memory_space<hbm>>)
      tpu.yield
    }) : () -> ()
    "tpu.region"() ({
      %run_scoped3A = tpu.sem_alloc : memref<!tpu.dma_semaphore, #tpu.memory_space<semaphore_mem>>
      %dma_start3A_101 = arith.constant 0 : i32
      %dma_start3A_102 = tpu.memref_slice %arg8[%arg0, %mul3A_0, %dma_start3A_101] : memref<2x10112x16xf32, #tpu.memory_space<hbm>> -> memref<1x632x16xf32, #tpu.memory_space<hbm>>
      %dma_start3A_103 = tpu.memref_squeeze %dma_start3A_102 : memref<1x632x16xf32, #tpu.memory_space<hbm>> -> memref<632x16xf32, #tpu.memory_space<hbm>>
      %dma_start3A_104 = arith.constant 0 : i32
      %dma_start3A_105 = tpu.memref_slice %arg14[%mul3A_0, %dma_start3A_104] : memref<10112x16xf32, #tpu.memory_space<vmem_shared>> -> memref<632x16xf32, #tpu.memory_space<vmem_shared>>
      tpu.enqueue_dma source(%dma_start3A_105 : memref<632x16xf32, #tpu.memory_space<vmem_shared>>) target(%dma_start3A_103 : memref<632x16xf32, #tpu.memory_space<hbm>>) target_semaphore(%run_scoped3A : memref<!tpu.dma_semaphore, #tpu.memory_space<semaphore_mem>>)
      %dma_wait3A_106 = arith.constant 0 : i32
      %dma_wait3A_107 = tpu.memref_slice %arg8[%arg0, %mul3A_0, %dma_wait3A_106] : memref<2x10112x16xf32, #tpu.memory_space<hbm>> -> memref<1x632x16xf32, #tpu.memory_space<hbm>>
      %dma_wait3A_108 = tpu.memref_squeeze %dma_wait3A_107 : memref<1x632x16xf32, #tpu.memory_space<hbm>> -> memref<632x16xf32, #tpu.memory_space<hbm>>
      %dma_wait3A_109 = arith.constant 0 : i32
      %dma_wait3A_110 = tpu.memref_slice %arg14[%mul3A_0, %dma_wait3A_109] : memref<10112x16xf32, #tpu.memory_space<vmem_shared>> -> memref<632x16xf32, #tpu.memory_space<vmem_shared>>
      tpu.wait_dma2 semaphore(%run_scoped3A : memref<!tpu.dma_semaphore, #tpu.memory_space<semaphore_mem>>) src(%dma_wait3A_110 : memref<632x16xf32, #tpu.memory_space<vmem_shared>>) dst(%dma_wait3A_108 : memref<632x16xf32, #tpu.memory_space<hbm>>)
      tpu.yield
    }) : () -> ()
    return
  }
}

#map = affine_map<(d0, d1) -> (0, 0)>
#map1 = affine_map<(d0, d1) -> (0, 0, 0)>
module attributes {stable_mosaic.version = 14 : i64} {
  func.func @_seg_body(%arg0: i32, %arg1: i32, %arg2: memref<10000x64xf32, #tpu.memory_space<hbm>>, %arg3: memref<32x80x128xi32, #tpu.memory_space<hbm>>, %arg4: memref<32x80x128xi32, #tpu.memory_space<hbm>>, %arg5: memref<10112x64xf32, #tpu.memory_space<hbm>>, %arg6: memref<2x10112x64xf32, #tpu.memory_space<hbm>>, %arg7: memref<80x128xi32, #tpu.memory_space<vmem>>, %arg8: memref<80x128xi32, #tpu.memory_space<vmem>>, %arg9: memref<8x128x64xf32, #tpu.memory_space<vmem>>, %arg10: memref<10112x64xf32, #tpu.memory_space<vmem_shared>>, %arg11: memref<!tpu.dma_semaphore, #tpu.memory_space<semaphore_mem>>, %arg12: memref<!tpu.dma_semaphore, #tpu.memory_space<semaphore_mem>>, %arg13: memref<!tpu.dma_semaphore, #tpu.memory_space<semaphore_mem>>, %arg14: memref<!tpu.dma_semaphore, #tpu.memory_space<semaphore_mem>>, %arg15: memref<!tpu.dma_semaphore, #tpu.memory_space<semaphore_mem>>, %arg16: memref<!tpu.dma_semaphore, #tpu.memory_space<semaphore_mem>>, %arg17: memref<!tpu.dma_semaphore, #tpu.memory_space<semaphore_mem>>, %arg18: memref<!tpu.dma_semaphore, #tpu.memory_space<semaphore_mem>>, %arg19: memref<!tpu.dma_semaphore, #tpu.memory_space<semaphore_mem>>, %arg20: memref<!tpu.dma_semaphore, #tpu.memory_space<semaphore_mem>>, %arg21: memref<!tpu.dma_semaphore, #tpu.memory_space<semaphore_mem>>, %arg22: memref<!tpu.dma_semaphore, #tpu.memory_space<semaphore_mem>>, %arg23: memref<!tpu.dma_semaphore, #tpu.memory_space<semaphore_mem>>, %arg24: memref<!tpu.dma_semaphore, #tpu.memory_space<semaphore_mem>>, %arg25: memref<!tpu.dma_semaphore, #tpu.memory_space<semaphore_mem>>, %arg26: memref<!tpu.dma_semaphore, #tpu.memory_space<semaphore_mem>>, %arg27: memref<!tpu.dma_semaphore, #tpu.memory_space<semaphore_mem>>) attributes {dimension_semantics = [#tpu.dimension_semantics<core_parallel>, #tpu.dimension_semantics<subcore_parallel>], iteration_bounds = array<i64: 2, 16>, scalar_prefetch = 0 : i64, scratch_operands = 21 : i64, tpu.core_type = #tpu.core_type<sc_vector_subcore>, window_params = [{transform_indices = #map}, {transform_indices = #map1}, {transform_indices = #map1}, {transform_indices = #map}, {transform_indices = #map1}]} {
    %mul3A = arith.constant 632 : i32
    %mul3A_0 = arith.muli %arg1, %mul3A : i32
    "tpu.region"() ({
      %run_scoped3A = tpu.sem_alloc : memref<!tpu.dma_semaphore, #tpu.memory_space<semaphore_mem>>
      %dma_start3A_163 = arith.constant 0 : i32
      %dma_start3A_164 = tpu.memref_slice %arg10[%mul3A_0, %dma_start3A_163] : memref<10112x64xf32, #tpu.memory_space<vmem_shared>> -> memref<632x64xf32, #tpu.memory_space<vmem_shared>>
      %dma_start3A_165 = arith.constant 0 : i32
      %dma_start3A_166 = tpu.memref_slice %arg5[%mul3A_0, %dma_start3A_165] : memref<10112x64xf32, #tpu.memory_space<hbm>> -> memref<632x64xf32, #tpu.memory_space<hbm>>
      tpu.enqueue_dma source(%dma_start3A_166 : memref<632x64xf32, #tpu.memory_space<hbm>>) target(%dma_start3A_164 : memref<632x64xf32, #tpu.memory_space<vmem_shared>>) target_semaphore(%run_scoped3A : memref<!tpu.dma_semaphore, #tpu.memory_space<semaphore_mem>>)
      %dma_wait3A_167 = arith.constant 0 : i32
      %dma_wait3A_168 = tpu.memref_slice %arg10[%mul3A_0, %dma_wait3A_167] : memref<10112x64xf32, #tpu.memory_space<vmem_shared>> -> memref<632x64xf32, #tpu.memory_space<vmem_shared>>
      %dma_wait3A_169 = arith.constant 0 : i32
      %dma_wait3A_170 = tpu.memref_slice %arg5[%mul3A_0, %dma_wait3A_169] : memref<10112x64xf32, #tpu.memory_space<hbm>> -> memref<632x64xf32, #tpu.memory_space<hbm>>
      tpu.wait_dma2 semaphore(%run_scoped3A : memref<!tpu.dma_semaphore, #tpu.memory_space<semaphore_mem>>) src(%dma_wait3A_170 : memref<632x64xf32, #tpu.memory_space<hbm>>) dst(%dma_wait3A_168 : memref<632x64xf32, #tpu.memory_space<vmem_shared>>)
      tpu.yield
    }) : () -> ()
    %mul3A_1 = arith.constant 16 : i32
    %mul3A_2 = arith.muli %arg0, %mul3A_1 : i32
    %add3A = arith.addi %mul3A_2, %arg1 : i32
    "tpu.region"() ({
      %run_scoped3A = tpu.sem_alloc : memref<!tpu.dma_semaphore, #tpu.memory_space<semaphore_mem>>
      %dma_start3A_163 = arith.constant 0 : i32
      %dma_start3A_164 = arith.constant 0 : i32
      %dma_start3A_165 = tpu.memref_slice %arg3[%add3A, %dma_start3A_163, %dma_start3A_164] : memref<32x80x128xi32, #tpu.memory_space<hbm>> -> memref<1x80x128xi32, #tpu.memory_space<hbm>>
      %dma_start3A_166 = tpu.memref_squeeze %dma_start3A_165 : memref<1x80x128xi32, #tpu.memory_space<hbm>> -> memref<80x128xi32, #tpu.memory_space<hbm>>
      %dma_start3A_167 = arith.constant 0 : i32
      %dma_start3A_168 = arith.constant 0 : i32
      %dma_start3A_169 = tpu.memref_slice %arg3[%add3A, %dma_start3A_167, %dma_start3A_168] : memref<32x80x128xi32, #tpu.memory_space<hbm>> -> memref<1x80x128xi32, #tpu.memory_space<hbm>>
      %dma_start3A_170 = tpu.memref_squeeze %dma_start3A_169 : memref<1x80x128xi32, #tpu.memory_space<hbm>> -> memref<80x128xi32, #tpu.memory_space<hbm>>
      tpu.enqueue_dma source(%dma_start3A_170 : memref<80x128xi32, #tpu.memory_space<hbm>>) target(%arg7 : memref<80x128xi32, #tpu.memory_space<vmem>>) target_semaphore(%run_scoped3A : memref<!tpu.dma_semaphore, #tpu.memory_space<semaphore_mem>>)
      %dma_wait3A_171 = arith.constant 0 : i32
      %dma_wait3A_172 = arith.constant 0 : i32
      %dma_wait3A_173 = tpu.memref_slice %arg3[%add3A, %dma_wait3A_171, %dma_wait3A_172] : memref<32x80x128xi32, #tpu.memory_space<hbm>> -> memref<1x80x128xi32, #tpu.memory_space<hbm>>
      %dma_wait3A_174 = tpu.memref_squeeze %dma_wait3A_173 : memref<1x80x128xi32, #tpu.memory_space<hbm>> -> memref<80x128xi32, #tpu.memory_space<hbm>>
      %dma_wait3A_175 = arith.constant 0 : i32
      %dma_wait3A_176 = arith.constant 0 : i32
      %dma_wait3A_177 = tpu.memref_slice %arg3[%add3A, %dma_wait3A_175, %dma_wait3A_176] : memref<32x80x128xi32, #tpu.memory_space<hbm>> -> memref<1x80x128xi32, #tpu.memory_space<hbm>>
      %dma_wait3A_178 = tpu.memref_squeeze %dma_wait3A_177 : memref<1x80x128xi32, #tpu.memory_space<hbm>> -> memref<80x128xi32, #tpu.memory_space<hbm>>
      tpu.wait_dma2 semaphore(%run_scoped3A : memref<!tpu.dma_semaphore, #tpu.memory_space<semaphore_mem>>) src(%dma_wait3A_178 : memref<80x128xi32, #tpu.memory_space<hbm>>) dst(%arg7 : memref<80x128xi32, #tpu.memory_space<vmem>>)
      tpu.yield
    }) : () -> ()
    "tpu.region"() ({
      %run_scoped3A = tpu.sem_alloc : memref<!tpu.dma_semaphore, #tpu.memory_space<semaphore_mem>>
      %dma_start3A_163 = arith.constant 0 : i32
      %dma_start3A_164 = arith.constant 0 : i32
      %dma_start3A_165 = tpu.memref_slice %arg4[%add3A, %dma_start3A_163, %dma_start3A_164] : memref<32x80x128xi32, #tpu.memory_space<hbm>> -> memref<1x80x128xi32, #tpu.memory_space<hbm>>
      %dma_start3A_166 = tpu.memref_squeeze %dma_start3A_165 : memref<1x80x128xi32, #tpu.memory_space<hbm>> -> memref<80x128xi32, #tpu.memory_space<hbm>>
      %dma_start3A_167 = arith.constant 0 : i32
      %dma_start3A_168 = arith.constant 0 : i32
      %dma_start3A_169 = tpu.memref_slice %arg4[%add3A, %dma_start3A_167, %dma_start3A_168] : memref<32x80x128xi32, #tpu.memory_space<hbm>> -> memref<1x80x128xi32, #tpu.memory_space<hbm>>
      %dma_start3A_170 = tpu.memref_squeeze %dma_start3A_169 : memref<1x80x128xi32, #tpu.memory_space<hbm>> -> memref<80x128xi32, #tpu.memory_space<hbm>>
      tpu.enqueue_dma source(%dma_start3A_170 : memref<80x128xi32, #tpu.memory_space<hbm>>) target(%arg8 : memref<80x128xi32, #tpu.memory_space<vmem>>) target_semaphore(%run_scoped3A : memref<!tpu.dma_semaphore, #tpu.memory_space<semaphore_mem>>)
      %dma_wait3A_171 = arith.constant 0 : i32
      %dma_wait3A_172 = arith.constant 0 : i32
      %dma_wait3A_173 = tpu.memref_slice %arg4[%add3A, %dma_wait3A_171, %dma_wait3A_172] : memref<32x80x128xi32, #tpu.memory_space<hbm>> -> memref<1x80x128xi32, #tpu.memory_space<hbm>>
      %dma_wait3A_174 = tpu.memref_squeeze %dma_wait3A_173 : memref<1x80x128xi32, #tpu.memory_space<hbm>> -> memref<80x128xi32, #tpu.memory_space<hbm>>
      %dma_wait3A_175 = arith.constant 0 : i32
      %dma_wait3A_176 = arith.constant 0 : i32
      %dma_wait3A_177 = tpu.memref_slice %arg4[%add3A, %dma_wait3A_175, %dma_wait3A_176] : memref<32x80x128xi32, #tpu.memory_space<hbm>> -> memref<1x80x128xi32, #tpu.memory_space<hbm>>
      %dma_wait3A_178 = tpu.memref_squeeze %dma_wait3A_177 : memref<1x80x128xi32, #tpu.memory_space<hbm>> -> memref<80x128xi32, #tpu.memory_space<hbm>>
      tpu.wait_dma2 semaphore(%run_scoped3A : memref<!tpu.dma_semaphore, #tpu.memory_space<semaphore_mem>>) src(%dma_wait3A_178 : memref<80x128xi32, #tpu.memory_space<hbm>>) dst(%arg8 : memref<80x128xi32, #tpu.memory_space<vmem>>)
      tpu.yield
    }) : () -> ()
    %barrier3A = arith.constant 0 : index
    tpu.barrier barrier_id(%barrier3A)
    %dma_start3A = arith.constant 0 : i32
    %dma_start3A_3 = arith.constant 0 : i32
    %dma_start3A_4 = arith.constant 0 : i32
    %dma_start3A_5 = arith.constant 0 : i32
    %dma_start3A_6 = tpu.memref_slice %arg9[%dma_start3A_3, %dma_start3A_4, %dma_start3A_5] : memref<8x128x64xf32, #tpu.memory_space<vmem>> -> memref<1x128x64xf32, #tpu.memory_space<vmem>>
    %dma_start3A_7 = tpu.memref_squeeze %dma_start3A_6 : memref<1x128x64xf32, #tpu.memory_space<vmem>> -> memref<128x64xf32, #tpu.memory_space<vmem>>
    %dma_start3A_8 = arith.constant 0 : i32
    %dma_start3A_9 = tpu.memref_slice %arg7[%dma_start3A, %dma_start3A_8] : memref<80x128xi32, #tpu.memory_space<vmem>> -> memref<1x128xi32, #tpu.memory_space<vmem>>
    %dma_start3A_10 = tpu.memref_squeeze %dma_start3A_9 : memref<1x128xi32, #tpu.memory_space<vmem>> -> memref<128xi32, #tpu.memory_space<vmem>>
    %dma_start3A_11 = arith.constant 0 : i32
    %dma_start3A_12 = arith.constant 0 : i32
    %dma_start3A_13 = tpu.memref_slice %arg2[%dma_start3A_11, %dma_start3A_12] : memref<10000x64xf32, #tpu.memory_space<hbm>> -> memref<10000x64xf32, #tpu.memory_space<hbm>>
    tpu.enqueue_indirect_dma source(%dma_start3A_13 : memref<10000x64xf32, #tpu.memory_space<hbm>>) target(%dma_start3A_7 : memref<128x64xf32, #tpu.memory_space<vmem>>) offsets(%dma_start3A_10 : memref<128xi32, #tpu.memory_space<vmem>>) semaphore(%arg11 : memref<!tpu.dma_semaphore, #tpu.memory_space<semaphore_mem>>)
    %dma_start3A_14 = arith.constant 1 : i32
    %dma_start3A_15 = arith.constant 1 : i32
    %dma_start3A_16 = arith.constant 0 : i32
    %dma_start3A_17 = arith.constant 0 : i32
    %dma_start3A_18 = tpu.memref_slice %arg9[%dma_start3A_15, %dma_start3A_16, %dma_start3A_17] : memref<8x128x64xf32, #tpu.memory_space<vmem>> -> memref<1x128x64xf32, #tpu.memory_space<vmem>>
    %dma_start3A_19 = tpu.memref_squeeze %dma_start3A_18 : memref<1x128x64xf32, #tpu.memory_space<vmem>> -> memref<128x64xf32, #tpu.memory_space<vmem>>
    %dma_start3A_20 = arith.constant 0 : i32
    %dma_start3A_21 = tpu.memref_slice %arg7[%dma_start3A_14, %dma_start3A_20] : memref<80x128xi32, #tpu.memory_space<vmem>> -> memref<1x128xi32, #tpu.memory_space<vmem>>
    %dma_start3A_22 = tpu.memref_squeeze %dma_start3A_21 : memref<1x128xi32, #tpu.memory_space<vmem>> -> memref<128xi32, #tpu.memory_space<vmem>>
    %dma_start3A_23 = arith.constant 0 : i32
    %dma_start3A_24 = arith.constant 0 : i32
    %dma_start3A_25 = tpu.memref_slice %arg2[%dma_start3A_23, %dma_start3A_24] : memref<10000x64xf32, #tpu.memory_space<hbm>> -> memref<10000x64xf32, #tpu.memory_space<hbm>>
    tpu.enqueue_indirect_dma source(%dma_start3A_25 : memref<10000x64xf32, #tpu.memory_space<hbm>>) target(%dma_start3A_19 : memref<128x64xf32, #tpu.memory_space<vmem>>) offsets(%dma_start3A_22 : memref<128xi32, #tpu.memory_space<vmem>>) semaphore(%arg12 : memref<!tpu.dma_semaphore, #tpu.memory_space<semaphore_mem>>)
    %dma_start3A_26 = arith.constant 2 : i32
    %dma_start3A_27 = arith.constant 2 : i32
    %dma_start3A_28 = arith.constant 0 : i32
    %dma_start3A_29 = arith.constant 0 : i32
    %dma_start3A_30 = tpu.memref_slice %arg9[%dma_start3A_27, %dma_start3A_28, %dma_start3A_29] : memref<8x128x64xf32, #tpu.memory_space<vmem>> -> memref<1x128x64xf32, #tpu.memory_space<vmem>>
    %dma_start3A_31 = tpu.memref_squeeze %dma_start3A_30 : memref<1x128x64xf32, #tpu.memory_space<vmem>> -> memref<128x64xf32, #tpu.memory_space<vmem>>
    %dma_start3A_32 = arith.constant 0 : i32
    %dma_start3A_33 = tpu.memref_slice %arg7[%dma_start3A_26, %dma_start3A_32] : memref<80x128xi32, #tpu.memory_space<vmem>> -> memref<1x128xi32, #tpu.memory_space<vmem>>
    %dma_start3A_34 = tpu.memref_squeeze %dma_start3A_33 : memref<1x128xi32, #tpu.memory_space<vmem>> -> memref<128xi32, #tpu.memory_space<vmem>>
    %dma_start3A_35 = arith.constant 0 : i32
    %dma_start3A_36 = arith.constant 0 : i32
    %dma_start3A_37 = tpu.memref_slice %arg2[%dma_start3A_35, %dma_start3A_36] : memref<10000x64xf32, #tpu.memory_space<hbm>> -> memref<10000x64xf32, #tpu.memory_space<hbm>>
    tpu.enqueue_indirect_dma source(%dma_start3A_37 : memref<10000x64xf32, #tpu.memory_space<hbm>>) target(%dma_start3A_31 : memref<128x64xf32, #tpu.memory_space<vmem>>) offsets(%dma_start3A_34 : memref<128xi32, #tpu.memory_space<vmem>>) semaphore(%arg13 : memref<!tpu.dma_semaphore, #tpu.memory_space<semaphore_mem>>)
    %dma_start3A_38 = arith.constant 3 : i32
    %dma_start3A_39 = arith.constant 3 : i32
    %dma_start3A_40 = arith.constant 0 : i32
    %dma_start3A_41 = arith.constant 0 : i32
    %dma_start3A_42 = tpu.memref_slice %arg9[%dma_start3A_39, %dma_start3A_40, %dma_start3A_41] : memref<8x128x64xf32, #tpu.memory_space<vmem>> -> memref<1x128x64xf32, #tpu.memory_space<vmem>>
    %dma_start3A_43 = tpu.memref_squeeze %dma_start3A_42 : memref<1x128x64xf32, #tpu.memory_space<vmem>> -> memref<128x64xf32, #tpu.memory_space<vmem>>
    %dma_start3A_44 = arith.constant 0 : i32
    %dma_start3A_45 = tpu.memref_slice %arg7[%dma_start3A_38, %dma_start3A_44] : memref<80x128xi32, #tpu.memory_space<vmem>> -> memref<1x128xi32, #tpu.memory_space<vmem>>
    %dma_start3A_46 = tpu.memref_squeeze %dma_start3A_45 : memref<1x128xi32, #tpu.memory_space<vmem>> -> memref<128xi32, #tpu.memory_space<vmem>>
    %dma_start3A_47 = arith.constant 0 : i32
    %dma_start3A_48 = arith.constant 0 : i32
    %dma_start3A_49 = tpu.memref_slice %arg2[%dma_start3A_47, %dma_start3A_48] : memref<10000x64xf32, #tpu.memory_space<hbm>> -> memref<10000x64xf32, #tpu.memory_space<hbm>>
    tpu.enqueue_indirect_dma source(%dma_start3A_49 : memref<10000x64xf32, #tpu.memory_space<hbm>>) target(%dma_start3A_43 : memref<128x64xf32, #tpu.memory_space<vmem>>) offsets(%dma_start3A_46 : memref<128xi32, #tpu.memory_space<vmem>>) semaphore(%arg14 : memref<!tpu.dma_semaphore, #tpu.memory_space<semaphore_mem>>)
    %dma_start3A_50 = arith.constant 4 : i32
    %dma_start3A_51 = arith.constant 4 : i32
    %dma_start3A_52 = arith.constant 0 : i32
    %dma_start3A_53 = arith.constant 0 : i32
    %dma_start3A_54 = tpu.memref_slice %arg9[%dma_start3A_51, %dma_start3A_52, %dma_start3A_53] : memref<8x128x64xf32, #tpu.memory_space<vmem>> -> memref<1x128x64xf32, #tpu.memory_space<vmem>>
    %dma_start3A_55 = tpu.memref_squeeze %dma_start3A_54 : memref<1x128x64xf32, #tpu.memory_space<vmem>> -> memref<128x64xf32, #tpu.memory_space<vmem>>
    %dma_start3A_56 = arith.constant 0 : i32
    %dma_start3A_57 = tpu.memref_slice %arg7[%dma_start3A_50, %dma_start3A_56] : memref<80x128xi32, #tpu.memory_space<vmem>> -> memref<1x128xi32, #tpu.memory_space<vmem>>
    %dma_start3A_58 = tpu.memref_squeeze %dma_start3A_57 : memref<1x128xi32, #tpu.memory_space<vmem>> -> memref<128xi32, #tpu.memory_space<vmem>>
    %dma_start3A_59 = arith.constant 0 : i32
    %dma_start3A_60 = arith.constant 0 : i32
    %dma_start3A_61 = tpu.memref_slice %arg2[%dma_start3A_59, %dma_start3A_60] : memref<10000x64xf32, #tpu.memory_space<hbm>> -> memref<10000x64xf32, #tpu.memory_space<hbm>>
    tpu.enqueue_indirect_dma source(%dma_start3A_61 : memref<10000x64xf32, #tpu.memory_space<hbm>>) target(%dma_start3A_55 : memref<128x64xf32, #tpu.memory_space<vmem>>) offsets(%dma_start3A_58 : memref<128xi32, #tpu.memory_space<vmem>>) semaphore(%arg15 : memref<!tpu.dma_semaphore, #tpu.memory_space<semaphore_mem>>)
    %scan3A = arith.constant 0 : i32
    %scan3A_62 = arith.constant 0 : i32
    %scan3A_63 = arith.constant 10 : i32
    %scan3A_64 = arith.addi %scan3A_62, %scan3A_63 : i32
    %scan3A_65 = arith.constant 1 : i32
    scf.for %scan3A_163 = %scan3A_62 to %scan3A_64 step %scan3A_65  : i32 {
      %mul3A_164 = arith.constant 8 : i32
      %mul3A_165 = arith.muli %scan3A_163, %mul3A_164 : i32
      %add3A_166 = arith.constant 0 : i32
      %add3A_167 = arith.addi %mul3A_165, %add3A_166 : i32
      %add3A_168 = arith.constant 5 : i32
      %add3A_169 = arith.addi %add3A_167, %add3A_168 : i32
      %lt3A = arith.constant 80 : i32
      %lt3A_170 = arith.cmpi slt, %add3A_169, %lt3A : i32
      %convert_element_type3A = arith.extui %lt3A_170 : i1 to i32
      %cond3A = arith.constant 0 : i32
      %cond3A_171 = arith.cmpi ne, %convert_element_type3A, %cond3A : i32
      scf.if %cond3A_171 {
        %ge3A = arith.constant 8 : i32
        %ge3A_425 = arith.cmpi sge, %add3A_169, %ge3A : i32
        %convert_element_type3A_426 = arith.extui %ge3A_425 : i1 to i32
        %cond3A_427 = arith.constant 0 : i32
        %cond3A_428 = arith.cmpi ne, %convert_element_type3A_426, %cond3A_427 : i32
        scf.if %cond3A_428 {
          %sub3A = arith.constant 8 : i32
          %sub3A_440 = arith.subi %add3A_169, %sub3A : i32
          %dma_wait3A_441 = arith.constant 5 : i32
          %dma_wait3A_442 = arith.constant 0 : i32
          %dma_wait3A_443 = arith.constant 0 : i32
          %dma_wait3A_444 = tpu.memref_slice %arg9[%dma_wait3A_441, %dma_wait3A_442, %dma_wait3A_443] : memref<8x128x64xf32, #tpu.memory_space<vmem>> -> memref<1x128x64xf32, #tpu.memory_space<vmem>>
          %dma_wait3A_445 = tpu.memref_squeeze %dma_wait3A_444 : memref<1x128x64xf32, #tpu.memory_space<vmem>> -> memref<128x64xf32, #tpu.memory_space<vmem>>
          %dma_wait3A_446 = arith.constant 0 : i32
          %dma_wait3A_447 = tpu.memref_slice %arg8[%sub3A_440, %dma_wait3A_446] : memref<80x128xi32, #tpu.memory_space<vmem>> -> memref<1x128xi32, #tpu.memory_space<vmem>>
          %dma_wait3A_448 = tpu.memref_squeeze %dma_wait3A_447 : memref<1x128xi32, #tpu.memory_space<vmem>> -> memref<128xi32, #tpu.memory_space<vmem>>
          %dma_wait3A_449 = arith.constant 0 : i32
          %dma_wait3A_450 = arith.constant 0 : i32
          %dma_wait3A_451 = tpu.memref_slice %arg10[%dma_wait3A_449, %dma_wait3A_450] : memref<10112x64xf32, #tpu.memory_space<vmem_shared>> -> memref<10112x64xf32, #tpu.memory_space<vmem_shared>>
          tpu.wait_indirect_dma semaphore(%arg24 : memref<!tpu.dma_semaphore, #tpu.memory_space<semaphore_mem>>) src(%dma_wait3A_445 : memref<128x64xf32, #tpu.memory_space<vmem>>) dst(%dma_wait3A_451 : memref<10112x64xf32, #tpu.memory_space<vmem_shared>>)
        } else {
        }
        %dma_start3A_429 = arith.constant 5 : i32
        %dma_start3A_430 = arith.constant 0 : i32
        %dma_start3A_431 = arith.constant 0 : i32
        %dma_start3A_432 = tpu.memref_slice %arg9[%dma_start3A_429, %dma_start3A_430, %dma_start3A_431] : memref<8x128x64xf32, #tpu.memory_space<vmem>> -> memref<1x128x64xf32, #tpu.memory_space<vmem>>
        %dma_start3A_433 = tpu.memref_squeeze %dma_start3A_432 : memref<1x128x64xf32, #tpu.memory_space<vmem>> -> memref<128x64xf32, #tpu.memory_space<vmem>>
        %dma_start3A_434 = arith.constant 0 : i32
        %dma_start3A_435 = tpu.memref_slice %arg7[%add3A_169, %dma_start3A_434] : memref<80x128xi32, #tpu.memory_space<vmem>> -> memref<1x128xi32, #tpu.memory_space<vmem>>
        %dma_start3A_436 = tpu.memref_squeeze %dma_start3A_435 : memref<1x128xi32, #tpu.memory_space<vmem>> -> memref<128xi32, #tpu.memory_space<vmem>>
        %dma_start3A_437 = arith.constant 0 : i32
        %dma_start3A_438 = arith.constant 0 : i32
        %dma_start3A_439 = tpu.memref_slice %arg2[%dma_start3A_437, %dma_start3A_438] : memref<10000x64xf32, #tpu.memory_space<hbm>> -> memref<10000x64xf32, #tpu.memory_space<hbm>>
        tpu.enqueue_indirect_dma source(%dma_start3A_439 : memref<10000x64xf32, #tpu.memory_space<hbm>>) target(%dma_start3A_433 : memref<128x64xf32, #tpu.memory_space<vmem>>) offsets(%dma_start3A_436 : memref<128xi32, #tpu.memory_space<vmem>>) semaphore(%arg16 : memref<!tpu.dma_semaphore, #tpu.memory_space<semaphore_mem>>)
      } else {
      }
      %dma_wait3A_172 = arith.constant 0 : i32
      %dma_wait3A_173 = arith.constant 0 : i32
      %dma_wait3A_174 = arith.constant 0 : i32
      %dma_wait3A_175 = tpu.memref_slice %arg9[%dma_wait3A_172, %dma_wait3A_173, %dma_wait3A_174] : memref<8x128x64xf32, #tpu.memory_space<vmem>> -> memref<1x128x64xf32, #tpu.memory_space<vmem>>
      %dma_wait3A_176 = tpu.memref_squeeze %dma_wait3A_175 : memref<1x128x64xf32, #tpu.memory_space<vmem>> -> memref<128x64xf32, #tpu.memory_space<vmem>>
      %dma_wait3A_177 = arith.constant 0 : i32
      %dma_wait3A_178 = tpu.memref_slice %arg7[%add3A_167, %dma_wait3A_177] : memref<80x128xi32, #tpu.memory_space<vmem>> -> memref<1x128xi32, #tpu.memory_space<vmem>>
      %dma_wait3A_179 = tpu.memref_squeeze %dma_wait3A_178 : memref<1x128xi32, #tpu.memory_space<vmem>> -> memref<128xi32, #tpu.memory_space<vmem>>
      %dma_wait3A_180 = arith.constant 0 : i32
      %dma_wait3A_181 = arith.constant 0 : i32
      %dma_wait3A_182 = tpu.memref_slice %arg2[%dma_wait3A_180, %dma_wait3A_181] : memref<10000x64xf32, #tpu.memory_space<hbm>> -> memref<10000x64xf32, #tpu.memory_space<hbm>>
      tpu.wait_indirect_dma semaphore(%arg11 : memref<!tpu.dma_semaphore, #tpu.memory_space<semaphore_mem>>) src(%dma_wait3A_182 : memref<10000x64xf32, #tpu.memory_space<hbm>>) dst(%dma_wait3A_176 : memref<128x64xf32, #tpu.memory_space<vmem>>)
      %dma_start3A_183 = arith.constant 0 : i32
      %dma_start3A_184 = arith.constant 0 : i32
      %dma_start3A_185 = arith.constant 0 : i32
      %dma_start3A_186 = tpu.memref_slice %arg9[%dma_start3A_183, %dma_start3A_184, %dma_start3A_185] : memref<8x128x64xf32, #tpu.memory_space<vmem>> -> memref<1x128x64xf32, #tpu.memory_space<vmem>>
      %dma_start3A_187 = tpu.memref_squeeze %dma_start3A_186 : memref<1x128x64xf32, #tpu.memory_space<vmem>> -> memref<128x64xf32, #tpu.memory_space<vmem>>
      %dma_start3A_188 = arith.constant 0 : i32
      %dma_start3A_189 = tpu.memref_slice %arg8[%add3A_167, %dma_start3A_188] : memref<80x128xi32, #tpu.memory_space<vmem>> -> memref<1x128xi32, #tpu.memory_space<vmem>>
      %dma_start3A_190 = tpu.memref_squeeze %dma_start3A_189 : memref<1x128xi32, #tpu.memory_space<vmem>> -> memref<128xi32, #tpu.memory_space<vmem>>
      %dma_start3A_191 = arith.constant 0 : i32
      %dma_start3A_192 = arith.constant 0 : i32
      %dma_start3A_193 = tpu.memref_slice %arg10[%dma_start3A_191, %dma_start3A_192] : memref<10112x64xf32, #tpu.memory_space<vmem_shared>> -> memref<10112x64xf32, #tpu.memory_space<vmem_shared>>
      tpu.enqueue_indirect_dma source(%dma_start3A_187 : memref<128x64xf32, #tpu.memory_space<vmem>>) target(%dma_start3A_193 : memref<10112x64xf32, #tpu.memory_space<vmem_shared>>) offsets(%dma_start3A_190 : memref<128xi32, #tpu.memory_space<vmem>>) semaphore(%arg19 : memref<!tpu.dma_semaphore, #tpu.memory_space<semaphore_mem>>) {add = true}
      %mul3A_194 = arith.constant 8 : i32
      %mul3A_195 = arith.muli %scan3A_163, %mul3A_194 : i32
      %add3A_196 = arith.constant 1 : i32
      %add3A_197 = arith.addi %mul3A_195, %add3A_196 : i32
      %add3A_198 = arith.constant 5 : i32
      %add3A_199 = arith.addi %add3A_197, %add3A_198 : i32
      %lt3A_200 = arith.constant 80 : i32
      %lt3A_201 = arith.cmpi slt, %add3A_199, %lt3A_200 : i32
      %convert_element_type3A_202 = arith.extui %lt3A_201 : i1 to i32
      %cond3A_203 = arith.constant 0 : i32
      %cond3A_204 = arith.cmpi ne, %convert_element_type3A_202, %cond3A_203 : i32
      scf.if %cond3A_204 {
        %ge3A = arith.constant 8 : i32
        %ge3A_425 = arith.cmpi sge, %add3A_199, %ge3A : i32
        %convert_element_type3A_426 = arith.extui %ge3A_425 : i1 to i32
        %cond3A_427 = arith.constant 0 : i32
        %cond3A_428 = arith.cmpi ne, %convert_element_type3A_426, %cond3A_427 : i32
        scf.if %cond3A_428 {
          %sub3A = arith.constant 8 : i32
          %sub3A_440 = arith.subi %add3A_199, %sub3A : i32
          %dma_wait3A_441 = arith.constant 6 : i32
          %dma_wait3A_442 = arith.constant 0 : i32
          %dma_wait3A_443 = arith.constant 0 : i32
          %dma_wait3A_444 = tpu.memref_slice %arg9[%dma_wait3A_441, %dma_wait3A_442, %dma_wait3A_443] : memref<8x128x64xf32, #tpu.memory_space<vmem>> -> memref<1x128x64xf32, #tpu.memory_space<vmem>>
          %dma_wait3A_445 = tpu.memref_squeeze %dma_wait3A_444 : memref<1x128x64xf32, #tpu.memory_space<vmem>> -> memref<128x64xf32, #tpu.memory_space<vmem>>
          %dma_wait3A_446 = arith.constant 0 : i32
          %dma_wait3A_447 = tpu.memref_slice %arg8[%sub3A_440, %dma_wait3A_446] : memref<80x128xi32, #tpu.memory_space<vmem>> -> memref<1x128xi32, #tpu.memory_space<vmem>>
          %dma_wait3A_448 = tpu.memref_squeeze %dma_wait3A_447 : memref<1x128xi32, #tpu.memory_space<vmem>> -> memref<128xi32, #tpu.memory_space<vmem>>
          %dma_wait3A_449 = arith.constant 0 : i32
          %dma_wait3A_450 = arith.constant 0 : i32
          %dma_wait3A_451 = tpu.memref_slice %arg10[%dma_wait3A_449, %dma_wait3A_450] : memref<10112x64xf32, #tpu.memory_space<vmem_shared>> -> memref<10112x64xf32, #tpu.memory_space<vmem_shared>>
          tpu.wait_indirect_dma semaphore(%arg25 : memref<!tpu.dma_semaphore, #tpu.memory_space<semaphore_mem>>) src(%dma_wait3A_445 : memref<128x64xf32, #tpu.memory_space<vmem>>) dst(%dma_wait3A_451 : memref<10112x64xf32, #tpu.memory_space<vmem_shared>>)
        } else {
        }
        %dma_start3A_429 = arith.constant 6 : i32
        %dma_start3A_430 = arith.constant 0 : i32
        %dma_start3A_431 = arith.constant 0 : i32
        %dma_start3A_432 = tpu.memref_slice %arg9[%dma_start3A_429, %dma_start3A_430, %dma_start3A_431] : memref<8x128x64xf32, #tpu.memory_space<vmem>> -> memref<1x128x64xf32, #tpu.memory_space<vmem>>
        %dma_start3A_433 = tpu.memref_squeeze %dma_start3A_432 : memref<1x128x64xf32, #tpu.memory_space<vmem>> -> memref<128x64xf32, #tpu.memory_space<vmem>>
        %dma_start3A_434 = arith.constant 0 : i32
        %dma_start3A_435 = tpu.memref_slice %arg7[%add3A_199, %dma_start3A_434] : memref<80x128xi32, #tpu.memory_space<vmem>> -> memref<1x128xi32, #tpu.memory_space<vmem>>
        %dma_start3A_436 = tpu.memref_squeeze %dma_start3A_435 : memref<1x128xi32, #tpu.memory_space<vmem>> -> memref<128xi32, #tpu.memory_space<vmem>>
        %dma_start3A_437 = arith.constant 0 : i32
        %dma_start3A_438 = arith.constant 0 : i32
        %dma_start3A_439 = tpu.memref_slice %arg2[%dma_start3A_437, %dma_start3A_438] : memref<10000x64xf32, #tpu.memory_space<hbm>> -> memref<10000x64xf32, #tpu.memory_space<hbm>>
        tpu.enqueue_indirect_dma source(%dma_start3A_439 : memref<10000x64xf32, #tpu.memory_space<hbm>>) target(%dma_start3A_433 : memref<128x64xf32, #tpu.memory_space<vmem>>) offsets(%dma_start3A_436 : memref<128xi32, #tpu.memory_space<vmem>>) semaphore(%arg17 : memref<!tpu.dma_semaphore, #tpu.memory_space<semaphore_mem>>)
      } else {
      }
      %dma_wait3A_205 = arith.constant 1 : i32
      %dma_wait3A_206 = arith.constant 0 : i32
      %dma_wait3A_207 = arith.constant 0 : i32
      %dma_wait3A_208 = tpu.memref_slice %arg9[%dma_wait3A_205, %dma_wait3A_206, %dma_wait3A_207] : memref<8x128x64xf32, #tpu.memory_space<vmem>> -> memref<1x128x64xf32, #tpu.memory_space<vmem>>
      %dma_wait3A_209 = tpu.memref_squeeze %dma_wait3A_208 : memref<1x128x64xf32, #tpu.memory_space<vmem>> -> memref<128x64xf32, #tpu.memory_space<vmem>>
      %dma_wait3A_210 = arith.constant 0 : i32
      %dma_wait3A_211 = tpu.memref_slice %arg7[%add3A_197, %dma_wait3A_210] : memref<80x128xi32, #tpu.memory_space<vmem>> -> memref<1x128xi32, #tpu.memory_space<vmem>>
      %dma_wait3A_212 = tpu.memref_squeeze %dma_wait3A_211 : memref<1x128xi32, #tpu.memory_space<vmem>> -> memref<128xi32, #tpu.memory_space<vmem>>
      %dma_wait3A_213 = arith.constant 0 : i32
      %dma_wait3A_214 = arith.constant 0 : i32
      %dma_wait3A_215 = tpu.memref_slice %arg2[%dma_wait3A_213, %dma_wait3A_214] : memref<10000x64xf32, #tpu.memory_space<hbm>> -> memref<10000x64xf32, #tpu.memory_space<hbm>>
      tpu.wait_indirect_dma semaphore(%arg12 : memref<!tpu.dma_semaphore, #tpu.memory_space<semaphore_mem>>) src(%dma_wait3A_215 : memref<10000x64xf32, #tpu.memory_space<hbm>>) dst(%dma_wait3A_209 : memref<128x64xf32, #tpu.memory_space<vmem>>)
      %dma_start3A_216 = arith.constant 1 : i32
      %dma_start3A_217 = arith.constant 0 : i32
      %dma_start3A_218 = arith.constant 0 : i32
      %dma_start3A_219 = tpu.memref_slice %arg9[%dma_start3A_216, %dma_start3A_217, %dma_start3A_218] : memref<8x128x64xf32, #tpu.memory_space<vmem>> -> memref<1x128x64xf32, #tpu.memory_space<vmem>>
      %dma_start3A_220 = tpu.memref_squeeze %dma_start3A_219 : memref<1x128x64xf32, #tpu.memory_space<vmem>> -> memref<128x64xf32, #tpu.memory_space<vmem>>
      %dma_start3A_221 = arith.constant 0 : i32
      %dma_start3A_222 = tpu.memref_slice %arg8[%add3A_197, %dma_start3A_221] : memref<80x128xi32, #tpu.memory_space<vmem>> -> memref<1x128xi32, #tpu.memory_space<vmem>>
      %dma_start3A_223 = tpu.memref_squeeze %dma_start3A_222 : memref<1x128xi32, #tpu.memory_space<vmem>> -> memref<128xi32, #tpu.memory_space<vmem>>
      %dma_start3A_224 = arith.constant 0 : i32
      %dma_start3A_225 = arith.constant 0 : i32
      %dma_start3A_226 = tpu.memref_slice %arg10[%dma_start3A_224, %dma_start3A_225] : memref<10112x64xf32, #tpu.memory_space<vmem_shared>> -> memref<10112x64xf32, #tpu.memory_space<vmem_shared>>
      tpu.enqueue_indirect_dma source(%dma_start3A_220 : memref<128x64xf32, #tpu.memory_space<vmem>>) target(%dma_start3A_226 : memref<10112x64xf32, #tpu.memory_space<vmem_shared>>) offsets(%dma_start3A_223 : memref<128xi32, #tpu.memory_space<vmem>>) semaphore(%arg20 : memref<!tpu.dma_semaphore, #tpu.memory_space<semaphore_mem>>) {add = true}
      %mul3A_227 = arith.constant 8 : i32
      %mul3A_228 = arith.muli %scan3A_163, %mul3A_227 : i32
      %add3A_229 = arith.constant 2 : i32
      %add3A_230 = arith.addi %mul3A_228, %add3A_229 : i32
      %add3A_231 = arith.constant 5 : i32
      %add3A_232 = arith.addi %add3A_230, %add3A_231 : i32
      %lt3A_233 = arith.constant 80 : i32
      %lt3A_234 = arith.cmpi slt, %add3A_232, %lt3A_233 : i32
      %convert_element_type3A_235 = arith.extui %lt3A_234 : i1 to i32
      %cond3A_236 = arith.constant 0 : i32
      %cond3A_237 = arith.cmpi ne, %convert_element_type3A_235, %cond3A_236 : i32
      scf.if %cond3A_237 {
        %ge3A = arith.constant 8 : i32
        %ge3A_425 = arith.cmpi sge, %add3A_232, %ge3A : i32
        %convert_element_type3A_426 = arith.extui %ge3A_425 : i1 to i32
        %cond3A_427 = arith.constant 0 : i32
        %cond3A_428 = arith.cmpi ne, %convert_element_type3A_426, %cond3A_427 : i32
        scf.if %cond3A_428 {
          %sub3A = arith.constant 8 : i32
          %sub3A_440 = arith.subi %add3A_232, %sub3A : i32
          %dma_wait3A_441 = arith.constant 7 : i32
          %dma_wait3A_442 = arith.constant 0 : i32
          %dma_wait3A_443 = arith.constant 0 : i32
          %dma_wait3A_444 = tpu.memref_slice %arg9[%dma_wait3A_441, %dma_wait3A_442, %dma_wait3A_443] : memref<8x128x64xf32, #tpu.memory_space<vmem>> -> memref<1x128x64xf32, #tpu.memory_space<vmem>>
          %dma_wait3A_445 = tpu.memref_squeeze %dma_wait3A_444 : memref<1x128x64xf32, #tpu.memory_space<vmem>> -> memref<128x64xf32, #tpu.memory_space<vmem>>
          %dma_wait3A_446 = arith.constant 0 : i32
          %dma_wait3A_447 = tpu.memref_slice %arg8[%sub3A_440, %dma_wait3A_446] : memref<80x128xi32, #tpu.memory_space<vmem>> -> memref<1x128xi32, #tpu.memory_space<vmem>>
          %dma_wait3A_448 = tpu.memref_squeeze %dma_wait3A_447 : memref<1x128xi32, #tpu.memory_space<vmem>> -> memref<128xi32, #tpu.memory_space<vmem>>
          %dma_wait3A_449 = arith.constant 0 : i32
          %dma_wait3A_450 = arith.constant 0 : i32
          %dma_wait3A_451 = tpu.memref_slice %arg10[%dma_wait3A_449, %dma_wait3A_450] : memref<10112x64xf32, #tpu.memory_space<vmem_shared>> -> memref<10112x64xf32, #tpu.memory_space<vmem_shared>>
          tpu.wait_indirect_dma semaphore(%arg26 : memref<!tpu.dma_semaphore, #tpu.memory_space<semaphore_mem>>) src(%dma_wait3A_445 : memref<128x64xf32, #tpu.memory_space<vmem>>) dst(%dma_wait3A_451 : memref<10112x64xf32, #tpu.memory_space<vmem_shared>>)
        } else {
        }
        %dma_start3A_429 = arith.constant 7 : i32
        %dma_start3A_430 = arith.constant 0 : i32
        %dma_start3A_431 = arith.constant 0 : i32
        %dma_start3A_432 = tpu.memref_slice %arg9[%dma_start3A_429, %dma_start3A_430, %dma_start3A_431] : memref<8x128x64xf32, #tpu.memory_space<vmem>> -> memref<1x128x64xf32, #tpu.memory_space<vmem>>
        %dma_start3A_433 = tpu.memref_squeeze %dma_start3A_432 : memref<1x128x64xf32, #tpu.memory_space<vmem>> -> memref<128x64xf32, #tpu.memory_space<vmem>>
        %dma_start3A_434 = arith.constant 0 : i32
        %dma_start3A_435 = tpu.memref_slice %arg7[%add3A_232, %dma_start3A_434] : memref<80x128xi32, #tpu.memory_space<vmem>> -> memref<1x128xi32, #tpu.memory_space<vmem>>
        %dma_start3A_436 = tpu.memref_squeeze %dma_start3A_435 : memref<1x128xi32, #tpu.memory_space<vmem>> -> memref<128xi32, #tpu.memory_space<vmem>>
        %dma_start3A_437 = arith.constant 0 : i32
        %dma_start3A_438 = arith.constant 0 : i32
        %dma_start3A_439 = tpu.memref_slice %arg2[%dma_start3A_437, %dma_start3A_438] : memref<10000x64xf32, #tpu.memory_space<hbm>> -> memref<10000x64xf32, #tpu.memory_space<hbm>>
        tpu.enqueue_indirect_dma source(%dma_start3A_439 : memref<10000x64xf32, #tpu.memory_space<hbm>>) target(%dma_start3A_433 : memref<128x64xf32, #tpu.memory_space<vmem>>) offsets(%dma_start3A_436 : memref<128xi32, #tpu.memory_space<vmem>>) semaphore(%arg18 : memref<!tpu.dma_semaphore, #tpu.memory_space<semaphore_mem>>)
      } else {
      }
      %dma_wait3A_238 = arith.constant 2 : i32
      %dma_wait3A_239 = arith.constant 0 : i32
      %dma_wait3A_240 = arith.constant 0 : i32
      %dma_wait3A_241 = tpu.memref_slice %arg9[%dma_wait3A_238, %dma_wait3A_239, %dma_wait3A_240] : memref<8x128x64xf32, #tpu.memory_space<vmem>> -> memref<1x128x64xf32, #tpu.memory_space<vmem>>
      %dma_wait3A_242 = tpu.memref_squeeze %dma_wait3A_241 : memref<1x128x64xf32, #tpu.memory_space<vmem>> -> memref<128x64xf32, #tpu.memory_space<vmem>>
      %dma_wait3A_243 = arith.constant 0 : i32
      %dma_wait3A_244 = tpu.memref_slice %arg7[%add3A_230, %dma_wait3A_243] : memref<80x128xi32, #tpu.memory_space<vmem>> -> memref<1x128xi32, #tpu.memory_space<vmem>>
      %dma_wait3A_245 = tpu.memref_squeeze %dma_wait3A_244 : memref<1x128xi32, #tpu.memory_space<vmem>> -> memref<128xi32, #tpu.memory_space<vmem>>
      %dma_wait3A_246 = arith.constant 0 : i32
      %dma_wait3A_247 = arith.constant 0 : i32
      %dma_wait3A_248 = tpu.memref_slice %arg2[%dma_wait3A_246, %dma_wait3A_247] : memref<10000x64xf32, #tpu.memory_space<hbm>> -> memref<10000x64xf32, #tpu.memory_space<hbm>>
      tpu.wait_indirect_dma semaphore(%arg13 : memref<!tpu.dma_semaphore, #tpu.memory_space<semaphore_mem>>) src(%dma_wait3A_248 : memref<10000x64xf32, #tpu.memory_space<hbm>>) dst(%dma_wait3A_242 : memref<128x64xf32, #tpu.memory_space<vmem>>)
      %dma_start3A_249 = arith.constant 2 : i32
      %dma_start3A_250 = arith.constant 0 : i32
      %dma_start3A_251 = arith.constant 0 : i32
      %dma_start3A_252 = tpu.memref_slice %arg9[%dma_start3A_249, %dma_start3A_250, %dma_start3A_251] : memref<8x128x64xf32, #tpu.memory_space<vmem>> -> memref<1x128x64xf32, #tpu.memory_space<vmem>>
      %dma_start3A_253 = tpu.memref_squeeze %dma_start3A_252 : memref<1x128x64xf32, #tpu.memory_space<vmem>> -> memref<128x64xf32, #tpu.memory_space<vmem>>
      %dma_start3A_254 = arith.constant 0 : i32
      %dma_start3A_255 = tpu.memref_slice %arg8[%add3A_230, %dma_start3A_254] : memref<80x128xi32, #tpu.memory_space<vmem>> -> memref<1x128xi32, #tpu.memory_space<vmem>>
      %dma_start3A_256 = tpu.memref_squeeze %dma_start3A_255 : memref<1x128xi32, #tpu.memory_space<vmem>> -> memref<128xi32, #tpu.memory_space<vmem>>
      %dma_start3A_257 = arith.constant 0 : i32
      %dma_start3A_258 = arith.constant 0 : i32
      %dma_start3A_259 = tpu.memref_slice %arg10[%dma_start3A_257, %dma_start3A_258] : memref<10112x64xf32, #tpu.memory_space<vmem_shared>> -> memref<10112x64xf32, #tpu.memory_space<vmem_shared>>
      tpu.enqueue_indirect_dma source(%dma_start3A_253 : memref<128x64xf32, #tpu.memory_space<vmem>>) target(%dma_start3A_259 : memref<10112x64xf32, #tpu.memory_space<vmem_shared>>) offsets(%dma_start3A_256 : memref<128xi32, #tpu.memory_space<vmem>>) semaphore(%arg21 : memref<!tpu.dma_semaphore, #tpu.memory_space<semaphore_mem>>) {add = true}
      %mul3A_260 = arith.constant 8 : i32
      %mul3A_261 = arith.muli %scan3A_163, %mul3A_260 : i32
      %add3A_262 = arith.constant 3 : i32
      %add3A_263 = arith.addi %mul3A_261, %add3A_262 : i32
      %add3A_264 = arith.constant 5 : i32
      %add3A_265 = arith.addi %add3A_263, %add3A_264 : i32
      %lt3A_266 = arith.constant 80 : i32
      %lt3A_267 = arith.cmpi slt, %add3A_265, %lt3A_266 : i32
      %convert_element_type3A_268 = arith.extui %lt3A_267 : i1 to i32
      %cond3A_269 = arith.constant 0 : i32
      %cond3A_270 = arith.cmpi ne, %convert_element_type3A_268, %cond3A_269 : i32
      scf.if %cond3A_270 {
        %ge3A = arith.constant 8 : i32
        %ge3A_425 = arith.cmpi sge, %add3A_265, %ge3A : i32
        %convert_element_type3A_426 = arith.extui %ge3A_425 : i1 to i32
        %cond3A_427 = arith.constant 0 : i32
        %cond3A_428 = arith.cmpi ne, %convert_element_type3A_426, %cond3A_427 : i32
        scf.if %cond3A_428 {
          %sub3A = arith.constant 8 : i32
          %sub3A_440 = arith.subi %add3A_265, %sub3A : i32
          %dma_wait3A_441 = arith.constant 0 : i32
          %dma_wait3A_442 = arith.constant 0 : i32
          %dma_wait3A_443 = arith.constant 0 : i32
          %dma_wait3A_444 = tpu.memref_slice %arg9[%dma_wait3A_441, %dma_wait3A_442, %dma_wait3A_443] : memref<8x128x64xf32, #tpu.memory_space<vmem>> -> memref<1x128x64xf32, #tpu.memory_space<vmem>>
          %dma_wait3A_445 = tpu.memref_squeeze %dma_wait3A_444 : memref<1x128x64xf32, #tpu.memory_space<vmem>> -> memref<128x64xf32, #tpu.memory_space<vmem>>
          %dma_wait3A_446 = arith.constant 0 : i32
          %dma_wait3A_447 = tpu.memref_slice %arg8[%sub3A_440, %dma_wait3A_446] : memref<80x128xi32, #tpu.memory_space<vmem>> -> memref<1x128xi32, #tpu.memory_space<vmem>>
          %dma_wait3A_448 = tpu.memref_squeeze %dma_wait3A_447 : memref<1x128xi32, #tpu.memory_space<vmem>> -> memref<128xi32, #tpu.memory_space<vmem>>
          %dma_wait3A_449 = arith.constant 0 : i32
          %dma_wait3A_450 = arith.constant 0 : i32
          %dma_wait3A_451 = tpu.memref_slice %arg10[%dma_wait3A_449, %dma_wait3A_450] : memref<10112x64xf32, #tpu.memory_space<vmem_shared>> -> memref<10112x64xf32, #tpu.memory_space<vmem_shared>>
          tpu.wait_indirect_dma semaphore(%arg19 : memref<!tpu.dma_semaphore, #tpu.memory_space<semaphore_mem>>) src(%dma_wait3A_445 : memref<128x64xf32, #tpu.memory_space<vmem>>) dst(%dma_wait3A_451 : memref<10112x64xf32, #tpu.memory_space<vmem_shared>>)
        } else {
        }
        %dma_start3A_429 = arith.constant 0 : i32
        %dma_start3A_430 = arith.constant 0 : i32
        %dma_start3A_431 = arith.constant 0 : i32
        %dma_start3A_432 = tpu.memref_slice %arg9[%dma_start3A_429, %dma_start3A_430, %dma_start3A_431] : memref<8x128x64xf32, #tpu.memory_space<vmem>> -> memref<1x128x64xf32, #tpu.memory_space<vmem>>
        %dma_start3A_433 = tpu.memref_squeeze %dma_start3A_432 : memref<1x128x64xf32, #tpu.memory_space<vmem>> -> memref<128x64xf32, #tpu.memory_space<vmem>>
        %dma_start3A_434 = arith.constant 0 : i32
        %dma_start3A_435 = tpu.memref_slice %arg7[%add3A_265, %dma_start3A_434] : memref<80x128xi32, #tpu.memory_space<vmem>> -> memref<1x128xi32, #tpu.memory_space<vmem>>
        %dma_start3A_436 = tpu.memref_squeeze %dma_start3A_435 : memref<1x128xi32, #tpu.memory_space<vmem>> -> memref<128xi32, #tpu.memory_space<vmem>>
        %dma_start3A_437 = arith.constant 0 : i32
        %dma_start3A_438 = arith.constant 0 : i32
        %dma_start3A_439 = tpu.memref_slice %arg2[%dma_start3A_437, %dma_start3A_438] : memref<10000x64xf32, #tpu.memory_space<hbm>> -> memref<10000x64xf32, #tpu.memory_space<hbm>>
        tpu.enqueue_indirect_dma source(%dma_start3A_439 : memref<10000x64xf32, #tpu.memory_space<hbm>>) target(%dma_start3A_433 : memref<128x64xf32, #tpu.memory_space<vmem>>) offsets(%dma_start3A_436 : memref<128xi32, #tpu.memory_space<vmem>>) semaphore(%arg11 : memref<!tpu.dma_semaphore, #tpu.memory_space<semaphore_mem>>)
      } else {
      }
      %dma_wait3A_271 = arith.constant 3 : i32
      %dma_wait3A_272 = arith.constant 0 : i32
      %dma_wait3A_273 = arith.constant 0 : i32
      %dma_wait3A_274 = tpu.memref_slice %arg9[%dma_wait3A_271, %dma_wait3A_272, %dma_wait3A_273] : memref<8x128x64xf32, #tpu.memory_space<vmem>> -> memref<1x128x64xf32, #tpu.memory_space<vmem>>
      %dma_wait3A_275 = tpu.memref_squeeze %dma_wait3A_274 : memref<1x128x64xf32, #tpu.memory_space<vmem>> -> memref<128x64xf32, #tpu.memory_space<vmem>>
      %dma_wait3A_276 = arith.constant 0 : i32
      %dma_wait3A_277 = tpu.memref_slice %arg7[%add3A_263, %dma_wait3A_276] : memref<80x128xi32, #tpu.memory_space<vmem>> -> memref<1x128xi32, #tpu.memory_space<vmem>>
      %dma_wait3A_278 = tpu.memref_squeeze %dma_wait3A_277 : memref<1x128xi32, #tpu.memory_space<vmem>> -> memref<128xi32, #tpu.memory_space<vmem>>
      %dma_wait3A_279 = arith.constant 0 : i32
      %dma_wait3A_280 = arith.constant 0 : i32
      %dma_wait3A_281 = tpu.memref_slice %arg2[%dma_wait3A_279, %dma_wait3A_280] : memref<10000x64xf32, #tpu.memory_space<hbm>> -> memref<10000x64xf32, #tpu.memory_space<hbm>>
      tpu.wait_indirect_dma semaphore(%arg14 : memref<!tpu.dma_semaphore, #tpu.memory_space<semaphore_mem>>) src(%dma_wait3A_281 : memref<10000x64xf32, #tpu.memory_space<hbm>>) dst(%dma_wait3A_275 : memref<128x64xf32, #tpu.memory_space<vmem>>)
      %dma_start3A_282 = arith.constant 3 : i32
      %dma_start3A_283 = arith.constant 0 : i32
      %dma_start3A_284 = arith.constant 0 : i32
      %dma_start3A_285 = tpu.memref_slice %arg9[%dma_start3A_282, %dma_start3A_283, %dma_start3A_284] : memref<8x128x64xf32, #tpu.memory_space<vmem>> -> memref<1x128x64xf32, #tpu.memory_space<vmem>>
      %dma_start3A_286 = tpu.memref_squeeze %dma_start3A_285 : memref<1x128x64xf32, #tpu.memory_space<vmem>> -> memref<128x64xf32, #tpu.memory_space<vmem>>
      %dma_start3A_287 = arith.constant 0 : i32
      %dma_start3A_288 = tpu.memref_slice %arg8[%add3A_263, %dma_start3A_287] : memref<80x128xi32, #tpu.memory_space<vmem>> -> memref<1x128xi32, #tpu.memory_space<vmem>>
      %dma_start3A_289 = tpu.memref_squeeze %dma_start3A_288 : memref<1x128xi32, #tpu.memory_space<vmem>> -> memref<128xi32, #tpu.memory_space<vmem>>
      %dma_start3A_290 = arith.constant 0 : i32
      %dma_start3A_291 = arith.constant 0 : i32
      %dma_start3A_292 = tpu.memref_slice %arg10[%dma_start3A_290, %dma_start3A_291] : memref<10112x64xf32, #tpu.memory_space<vmem_shared>> -> memref<10112x64xf32, #tpu.memory_space<vmem_shared>>
      tpu.enqueue_indirect_dma source(%dma_start3A_286 : memref<128x64xf32, #tpu.memory_space<vmem>>) target(%dma_start3A_292 : memref<10112x64xf32, #tpu.memory_space<vmem_shared>>) offsets(%dma_start3A_289 : memref<128xi32, #tpu.memory_space<vmem>>) semaphore(%arg22 : memref<!tpu.dma_semaphore, #tpu.memory_space<semaphore_mem>>) {add = true}
      %mul3A_293 = arith.constant 8 : i32
      %mul3A_294 = arith.muli %scan3A_163, %mul3A_293 : i32
      %add3A_295 = arith.constant 4 : i32
      %add3A_296 = arith.addi %mul3A_294, %add3A_295 : i32
      %add3A_297 = arith.constant 5 : i32
      %add3A_298 = arith.addi %add3A_296, %add3A_297 : i32
      %lt3A_299 = arith.constant 80 : i32
      %lt3A_300 = arith.cmpi slt, %add3A_298, %lt3A_299 : i32
      %convert_element_type3A_301 = arith.extui %lt3A_300 : i1 to i32
      %cond3A_302 = arith.constant 0 : i32
      %cond3A_303 = arith.cmpi ne, %convert_element_type3A_301, %cond3A_302 : i32
      scf.if %cond3A_303 {
        %ge3A = arith.constant 8 : i32
        %ge3A_425 = arith.cmpi sge, %add3A_298, %ge3A : i32
        %convert_element_type3A_426 = arith.extui %ge3A_425 : i1 to i32
        %cond3A_427 = arith.constant 0 : i32
        %cond3A_428 = arith.cmpi ne, %convert_element_type3A_426, %cond3A_427 : i32
        scf.if %cond3A_428 {
          %sub3A = arith.constant 8 : i32
          %sub3A_440 = arith.subi %add3A_298, %sub3A : i32
          %dma_wait3A_441 = arith.constant 1 : i32
          %dma_wait3A_442 = arith.constant 0 : i32
          %dma_wait3A_443 = arith.constant 0 : i32
          %dma_wait3A_444 = tpu.memref_slice %arg9[%dma_wait3A_441, %dma_wait3A_442, %dma_wait3A_443] : memref<8x128x64xf32, #tpu.memory_space<vmem>> -> memref<1x128x64xf32, #tpu.memory_space<vmem>>
          %dma_wait3A_445 = tpu.memref_squeeze %dma_wait3A_444 : memref<1x128x64xf32, #tpu.memory_space<vmem>> -> memref<128x64xf32, #tpu.memory_space<vmem>>
          %dma_wait3A_446 = arith.constant 0 : i32
          %dma_wait3A_447 = tpu.memref_slice %arg8[%sub3A_440, %dma_wait3A_446] : memref<80x128xi32, #tpu.memory_space<vmem>> -> memref<1x128xi32, #tpu.memory_space<vmem>>
          %dma_wait3A_448 = tpu.memref_squeeze %dma_wait3A_447 : memref<1x128xi32, #tpu.memory_space<vmem>> -> memref<128xi32, #tpu.memory_space<vmem>>
          %dma_wait3A_449 = arith.constant 0 : i32
          %dma_wait3A_450 = arith.constant 0 : i32
          %dma_wait3A_451 = tpu.memref_slice %arg10[%dma_wait3A_449, %dma_wait3A_450] : memref<10112x64xf32, #tpu.memory_space<vmem_shared>> -> memref<10112x64xf32, #tpu.memory_space<vmem_shared>>
          tpu.wait_indirect_dma semaphore(%arg20 : memref<!tpu.dma_semaphore, #tpu.memory_space<semaphore_mem>>) src(%dma_wait3A_445 : memref<128x64xf32, #tpu.memory_space<vmem>>) dst(%dma_wait3A_451 : memref<10112x64xf32, #tpu.memory_space<vmem_shared>>)
        } else {
        }
        %dma_start3A_429 = arith.constant 1 : i32
        %dma_start3A_430 = arith.constant 0 : i32
        %dma_start3A_431 = arith.constant 0 : i32
        %dma_start3A_432 = tpu.memref_slice %arg9[%dma_start3A_429, %dma_start3A_430, %dma_start3A_431] : memref<8x128x64xf32, #tpu.memory_space<vmem>> -> memref<1x128x64xf32, #tpu.memory_space<vmem>>
        %dma_start3A_433 = tpu.memref_squeeze %dma_start3A_432 : memref<1x128x64xf32, #tpu.memory_space<vmem>> -> memref<128x64xf32, #tpu.memory_space<vmem>>
        %dma_start3A_434 = arith.constant 0 : i32
        %dma_start3A_435 = tpu.memref_slice %arg7[%add3A_298, %dma_start3A_434] : memref<80x128xi32, #tpu.memory_space<vmem>> -> memref<1x128xi32, #tpu.memory_space<vmem>>
        %dma_start3A_436 = tpu.memref_squeeze %dma_start3A_435 : memref<1x128xi32, #tpu.memory_space<vmem>> -> memref<128xi32, #tpu.memory_space<vmem>>
        %dma_start3A_437 = arith.constant 0 : i32
        %dma_start3A_438 = arith.constant 0 : i32
        %dma_start3A_439 = tpu.memref_slice %arg2[%dma_start3A_437, %dma_start3A_438] : memref<10000x64xf32, #tpu.memory_space<hbm>> -> memref<10000x64xf32, #tpu.memory_space<hbm>>
        tpu.enqueue_indirect_dma source(%dma_start3A_439 : memref<10000x64xf32, #tpu.memory_space<hbm>>) target(%dma_start3A_433 : memref<128x64xf32, #tpu.memory_space<vmem>>) offsets(%dma_start3A_436 : memref<128xi32, #tpu.memory_space<vmem>>) semaphore(%arg12 : memref<!tpu.dma_semaphore, #tpu.memory_space<semaphore_mem>>)
      } else {
      }
      %dma_wait3A_304 = arith.constant 4 : i32
      %dma_wait3A_305 = arith.constant 0 : i32
      %dma_wait3A_306 = arith.constant 0 : i32
      %dma_wait3A_307 = tpu.memref_slice %arg9[%dma_wait3A_304, %dma_wait3A_305, %dma_wait3A_306] : memref<8x128x64xf32, #tpu.memory_space<vmem>> -> memref<1x128x64xf32, #tpu.memory_space<vmem>>
      %dma_wait3A_308 = tpu.memref_squeeze %dma_wait3A_307 : memref<1x128x64xf32, #tpu.memory_space<vmem>> -> memref<128x64xf32, #tpu.memory_space<vmem>>
      %dma_wait3A_309 = arith.constant 0 : i32
      %dma_wait3A_310 = tpu.memref_slice %arg7[%add3A_296, %dma_wait3A_309] : memref<80x128xi32, #tpu.memory_space<vmem>> -> memref<1x128xi32, #tpu.memory_space<vmem>>
      %dma_wait3A_311 = tpu.memref_squeeze %dma_wait3A_310 : memref<1x128xi32, #tpu.memory_space<vmem>> -> memref<128xi32, #tpu.memory_space<vmem>>
      %dma_wait3A_312 = arith.constant 0 : i32
      %dma_wait3A_313 = arith.constant 0 : i32
      %dma_wait3A_314 = tpu.memref_slice %arg2[%dma_wait3A_312, %dma_wait3A_313] : memref<10000x64xf32, #tpu.memory_space<hbm>> -> memref<10000x64xf32, #tpu.memory_space<hbm>>
      tpu.wait_indirect_dma semaphore(%arg15 : memref<!tpu.dma_semaphore, #tpu.memory_space<semaphore_mem>>) src(%dma_wait3A_314 : memref<10000x64xf32, #tpu.memory_space<hbm>>) dst(%dma_wait3A_308 : memref<128x64xf32, #tpu.memory_space<vmem>>)
      %dma_start3A_315 = arith.constant 4 : i32
      %dma_start3A_316 = arith.constant 0 : i32
      %dma_start3A_317 = arith.constant 0 : i32
      %dma_start3A_318 = tpu.memref_slice %arg9[%dma_start3A_315, %dma_start3A_316, %dma_start3A_317] : memref<8x128x64xf32, #tpu.memory_space<vmem>> -> memref<1x128x64xf32, #tpu.memory_space<vmem>>
      %dma_start3A_319 = tpu.memref_squeeze %dma_start3A_318 : memref<1x128x64xf32, #tpu.memory_space<vmem>> -> memref<128x64xf32, #tpu.memory_space<vmem>>
      %dma_start3A_320 = arith.constant 0 : i32
      %dma_start3A_321 = tpu.memref_slice %arg8[%add3A_296, %dma_start3A_320] : memref<80x128xi32, #tpu.memory_space<vmem>> -> memref<1x128xi32, #tpu.memory_space<vmem>>
      %dma_start3A_322 = tpu.memref_squeeze %dma_start3A_321 : memref<1x128xi32, #tpu.memory_space<vmem>> -> memref<128xi32, #tpu.memory_space<vmem>>
      %dma_start3A_323 = arith.constant 0 : i32
      %dma_start3A_324 = arith.constant 0 : i32
      %dma_start3A_325 = tpu.memref_slice %arg10[%dma_start3A_323, %dma_start3A_324] : memref<10112x64xf32, #tpu.memory_space<vmem_shared>> -> memref<10112x64xf32, #tpu.memory_space<vmem_shared>>
      tpu.enqueue_indirect_dma source(%dma_start3A_319 : memref<128x64xf32, #tpu.memory_space<vmem>>) target(%dma_start3A_325 : memref<10112x64xf32, #tpu.memory_space<vmem_shared>>) offsets(%dma_start3A_322 : memref<128xi32, #tpu.memory_space<vmem>>) semaphore(%arg23 : memref<!tpu.dma_semaphore, #tpu.memory_space<semaphore_mem>>) {add = true}
      %mul3A_326 = arith.constant 8 : i32
      %mul3A_327 = arith.muli %scan3A_163, %mul3A_326 : i32
      %add3A_328 = arith.constant 5 : i32
      %add3A_329 = arith.addi %mul3A_327, %add3A_328 : i32
      %add3A_330 = arith.constant 5 : i32
      %add3A_331 = arith.addi %add3A_329, %add3A_330 : i32
      %lt3A_332 = arith.constant 80 : i32
      %lt3A_333 = arith.cmpi slt, %add3A_331, %lt3A_332 : i32
      %convert_element_type3A_334 = arith.extui %lt3A_333 : i1 to i32
      %cond3A_335 = arith.constant 0 : i32
      %cond3A_336 = arith.cmpi ne, %convert_element_type3A_334, %cond3A_335 : i32
      scf.if %cond3A_336 {
        %ge3A = arith.constant 8 : i32
        %ge3A_425 = arith.cmpi sge, %add3A_331, %ge3A : i32
        %convert_element_type3A_426 = arith.extui %ge3A_425 : i1 to i32
        %cond3A_427 = arith.constant 0 : i32
        %cond3A_428 = arith.cmpi ne, %convert_element_type3A_426, %cond3A_427 : i32
        scf.if %cond3A_428 {
          %sub3A = arith.constant 8 : i32
          %sub3A_440 = arith.subi %add3A_331, %sub3A : i32
          %dma_wait3A_441 = arith.constant 2 : i32
          %dma_wait3A_442 = arith.constant 0 : i32
          %dma_wait3A_443 = arith.constant 0 : i32
          %dma_wait3A_444 = tpu.memref_slice %arg9[%dma_wait3A_441, %dma_wait3A_442, %dma_wait3A_443] : memref<8x128x64xf32, #tpu.memory_space<vmem>> -> memref<1x128x64xf32, #tpu.memory_space<vmem>>
          %dma_wait3A_445 = tpu.memref_squeeze %dma_wait3A_444 : memref<1x128x64xf32, #tpu.memory_space<vmem>> -> memref<128x64xf32, #tpu.memory_space<vmem>>
          %dma_wait3A_446 = arith.constant 0 : i32
          %dma_wait3A_447 = tpu.memref_slice %arg8[%sub3A_440, %dma_wait3A_446] : memref<80x128xi32, #tpu.memory_space<vmem>> -> memref<1x128xi32, #tpu.memory_space<vmem>>
          %dma_wait3A_448 = tpu.memref_squeeze %dma_wait3A_447 : memref<1x128xi32, #tpu.memory_space<vmem>> -> memref<128xi32, #tpu.memory_space<vmem>>
          %dma_wait3A_449 = arith.constant 0 : i32
          %dma_wait3A_450 = arith.constant 0 : i32
          %dma_wait3A_451 = tpu.memref_slice %arg10[%dma_wait3A_449, %dma_wait3A_450] : memref<10112x64xf32, #tpu.memory_space<vmem_shared>> -> memref<10112x64xf32, #tpu.memory_space<vmem_shared>>
          tpu.wait_indirect_dma semaphore(%arg21 : memref<!tpu.dma_semaphore, #tpu.memory_space<semaphore_mem>>) src(%dma_wait3A_445 : memref<128x64xf32, #tpu.memory_space<vmem>>) dst(%dma_wait3A_451 : memref<10112x64xf32, #tpu.memory_space<vmem_shared>>)
        } else {
        }
        %dma_start3A_429 = arith.constant 2 : i32
        %dma_start3A_430 = arith.constant 0 : i32
        %dma_start3A_431 = arith.constant 0 : i32
        %dma_start3A_432 = tpu.memref_slice %arg9[%dma_start3A_429, %dma_start3A_430, %dma_start3A_431] : memref<8x128x64xf32, #tpu.memory_space<vmem>> -> memref<1x128x64xf32, #tpu.memory_space<vmem>>
        %dma_start3A_433 = tpu.memref_squeeze %dma_start3A_432 : memref<1x128x64xf32, #tpu.memory_space<vmem>> -> memref<128x64xf32, #tpu.memory_space<vmem>>
        %dma_start3A_434 = arith.constant 0 : i32
        %dma_start3A_435 = tpu.memref_slice %arg7[%add3A_331, %dma_start3A_434] : memref<80x128xi32, #tpu.memory_space<vmem>> -> memref<1x128xi32, #tpu.memory_space<vmem>>
        %dma_start3A_436 = tpu.memref_squeeze %dma_start3A_435 : memref<1x128xi32, #tpu.memory_space<vmem>> -> memref<128xi32, #tpu.memory_space<vmem>>
        %dma_start3A_437 = arith.constant 0 : i32
        %dma_start3A_438 = arith.constant 0 : i32
        %dma_start3A_439 = tpu.memref_slice %arg2[%dma_start3A_437, %dma_start3A_438] : memref<10000x64xf32, #tpu.memory_space<hbm>> -> memref<10000x64xf32, #tpu.memory_space<hbm>>
        tpu.enqueue_indirect_dma source(%dma_start3A_439 : memref<10000x64xf32, #tpu.memory_space<hbm>>) target(%dma_start3A_433 : memref<128x64xf32, #tpu.memory_space<vmem>>) offsets(%dma_start3A_436 : memref<128xi32, #tpu.memory_space<vmem>>) semaphore(%arg13 : memref<!tpu.dma_semaphore, #tpu.memory_space<semaphore_mem>>)
      } else {
      }
      %dma_wait3A_337 = arith.constant 5 : i32
      %dma_wait3A_338 = arith.constant 0 : i32
      %dma_wait3A_339 = arith.constant 0 : i32
      %dma_wait3A_340 = tpu.memref_slice %arg9[%dma_wait3A_337, %dma_wait3A_338, %dma_wait3A_339] : memref<8x128x64xf32, #tpu.memory_space<vmem>> -> memref<1x128x64xf32, #tpu.memory_space<vmem>>
      %dma_wait3A_341 = tpu.memref_squeeze %dma_wait3A_340 : memref<1x128x64xf32, #tpu.memory_space<vmem>> -> memref<128x64xf32, #tpu.memory_space<vmem>>
      %dma_wait3A_342 = arith.constant 0 : i32
      %dma_wait3A_343 = tpu.memref_slice %arg7[%add3A_329, %dma_wait3A_342] : memref<80x128xi32, #tpu.memory_space<vmem>> -> memref<1x128xi32, #tpu.memory_space<vmem>>
      %dma_wait3A_344 = tpu.memref_squeeze %dma_wait3A_343 : memref<1x128xi32, #tpu.memory_space<vmem>> -> memref<128xi32, #tpu.memory_space<vmem>>
      %dma_wait3A_345 = arith.constant 0 : i32
      %dma_wait3A_346 = arith.constant 0 : i32
      %dma_wait3A_347 = tpu.memref_slice %arg2[%dma_wait3A_345, %dma_wait3A_346] : memref<10000x64xf32, #tpu.memory_space<hbm>> -> memref<10000x64xf32, #tpu.memory_space<hbm>>
      tpu.wait_indirect_dma semaphore(%arg16 : memref<!tpu.dma_semaphore, #tpu.memory_space<semaphore_mem>>) src(%dma_wait3A_347 : memref<10000x64xf32, #tpu.memory_space<hbm>>) dst(%dma_wait3A_341 : memref<128x64xf32, #tpu.memory_space<vmem>>)
      %dma_start3A_348 = arith.constant 5 : i32
      %dma_start3A_349 = arith.constant 0 : i32
      %dma_start3A_350 = arith.constant 0 : i32
      %dma_start3A_351 = tpu.memref_slice %arg9[%dma_start3A_348, %dma_start3A_349, %dma_start3A_350] : memref<8x128x64xf32, #tpu.memory_space<vmem>> -> memref<1x128x64xf32, #tpu.memory_space<vmem>>
      %dma_start3A_352 = tpu.memref_squeeze %dma_start3A_351 : memref<1x128x64xf32, #tpu.memory_space<vmem>> -> memref<128x64xf32, #tpu.memory_space<vmem>>
      %dma_start3A_353 = arith.constant 0 : i32
      %dma_start3A_354 = tpu.memref_slice %arg8[%add3A_329, %dma_start3A_353] : memref<80x128xi32, #tpu.memory_space<vmem>> -> memref<1x128xi32, #tpu.memory_space<vmem>>
      %dma_start3A_355 = tpu.memref_squeeze %dma_start3A_354 : memref<1x128xi32, #tpu.memory_space<vmem>> -> memref<128xi32, #tpu.memory_space<vmem>>
      %dma_start3A_356 = arith.constant 0 : i32
      %dma_start3A_357 = arith.constant 0 : i32
      %dma_start3A_358 = tpu.memref_slice %arg10[%dma_start3A_356, %dma_start3A_357] : memref<10112x64xf32, #tpu.memory_space<vmem_shared>> -> memref<10112x64xf32, #tpu.memory_space<vmem_shared>>
      tpu.enqueue_indirect_dma source(%dma_start3A_352 : memref<128x64xf32, #tpu.memory_space<vmem>>) target(%dma_start3A_358 : memref<10112x64xf32, #tpu.memory_space<vmem_shared>>) offsets(%dma_start3A_355 : memref<128xi32, #tpu.memory_space<vmem>>) semaphore(%arg24 : memref<!tpu.dma_semaphore, #tpu.memory_space<semaphore_mem>>) {add = true}
      %mul3A_359 = arith.constant 8 : i32
      %mul3A_360 = arith.muli %scan3A_163, %mul3A_359 : i32
      %add3A_361 = arith.constant 6 : i32
      %add3A_362 = arith.addi %mul3A_360, %add3A_361 : i32
      %add3A_363 = arith.constant 5 : i32
      %add3A_364 = arith.addi %add3A_362, %add3A_363 : i32
      %lt3A_365 = arith.constant 80 : i32
      %lt3A_366 = arith.cmpi slt, %add3A_364, %lt3A_365 : i32
      %convert_element_type3A_367 = arith.extui %lt3A_366 : i1 to i32
      %cond3A_368 = arith.constant 0 : i32
      %cond3A_369 = arith.cmpi ne, %convert_element_type3A_367, %cond3A_368 : i32
      scf.if %cond3A_369 {
        %ge3A = arith.constant 8 : i32
        %ge3A_425 = arith.cmpi sge, %add3A_364, %ge3A : i32
        %convert_element_type3A_426 = arith.extui %ge3A_425 : i1 to i32
        %cond3A_427 = arith.constant 0 : i32
        %cond3A_428 = arith.cmpi ne, %convert_element_type3A_426, %cond3A_427 : i32
        scf.if %cond3A_428 {
          %sub3A = arith.constant 8 : i32
          %sub3A_440 = arith.subi %add3A_364, %sub3A : i32
          %dma_wait3A_441 = arith.constant 3 : i32
          %dma_wait3A_442 = arith.constant 0 : i32
          %dma_wait3A_443 = arith.constant 0 : i32
          %dma_wait3A_444 = tpu.memref_slice %arg9[%dma_wait3A_441, %dma_wait3A_442, %dma_wait3A_443] : memref<8x128x64xf32, #tpu.memory_space<vmem>> -> memref<1x128x64xf32, #tpu.memory_space<vmem>>
          %dma_wait3A_445 = tpu.memref_squeeze %dma_wait3A_444 : memref<1x128x64xf32, #tpu.memory_space<vmem>> -> memref<128x64xf32, #tpu.memory_space<vmem>>
          %dma_wait3A_446 = arith.constant 0 : i32
          %dma_wait3A_447 = tpu.memref_slice %arg8[%sub3A_440, %dma_wait3A_446] : memref<80x128xi32, #tpu.memory_space<vmem>> -> memref<1x128xi32, #tpu.memory_space<vmem>>
          %dma_wait3A_448 = tpu.memref_squeeze %dma_wait3A_447 : memref<1x128xi32, #tpu.memory_space<vmem>> -> memref<128xi32, #tpu.memory_space<vmem>>
          %dma_wait3A_449 = arith.constant 0 : i32
          %dma_wait3A_450 = arith.constant 0 : i32
          %dma_wait3A_451 = tpu.memref_slice %arg10[%dma_wait3A_449, %dma_wait3A_450] : memref<10112x64xf32, #tpu.memory_space<vmem_shared>> -> memref<10112x64xf32, #tpu.memory_space<vmem_shared>>
          tpu.wait_indirect_dma semaphore(%arg22 : memref<!tpu.dma_semaphore, #tpu.memory_space<semaphore_mem>>) src(%dma_wait3A_445 : memref<128x64xf32, #tpu.memory_space<vmem>>) dst(%dma_wait3A_451 : memref<10112x64xf32, #tpu.memory_space<vmem_shared>>)
        } else {
        }
        %dma_start3A_429 = arith.constant 3 : i32
        %dma_start3A_430 = arith.constant 0 : i32
        %dma_start3A_431 = arith.constant 0 : i32
        %dma_start3A_432 = tpu.memref_slice %arg9[%dma_start3A_429, %dma_start3A_430, %dma_start3A_431] : memref<8x128x64xf32, #tpu.memory_space<vmem>> -> memref<1x128x64xf32, #tpu.memory_space<vmem>>
        %dma_start3A_433 = tpu.memref_squeeze %dma_start3A_432 : memref<1x128x64xf32, #tpu.memory_space<vmem>> -> memref<128x64xf32, #tpu.memory_space<vmem>>
        %dma_start3A_434 = arith.constant 0 : i32
        %dma_start3A_435 = tpu.memref_slice %arg7[%add3A_364, %dma_start3A_434] : memref<80x128xi32, #tpu.memory_space<vmem>> -> memref<1x128xi32, #tpu.memory_space<vmem>>
        %dma_start3A_436 = tpu.memref_squeeze %dma_start3A_435 : memref<1x128xi32, #tpu.memory_space<vmem>> -> memref<128xi32, #tpu.memory_space<vmem>>
        %dma_start3A_437 = arith.constant 0 : i32
        %dma_start3A_438 = arith.constant 0 : i32
        %dma_start3A_439 = tpu.memref_slice %arg2[%dma_start3A_437, %dma_start3A_438] : memref<10000x64xf32, #tpu.memory_space<hbm>> -> memref<10000x64xf32, #tpu.memory_space<hbm>>
        tpu.enqueue_indirect_dma source(%dma_start3A_439 : memref<10000x64xf32, #tpu.memory_space<hbm>>) target(%dma_start3A_433 : memref<128x64xf32, #tpu.memory_space<vmem>>) offsets(%dma_start3A_436 : memref<128xi32, #tpu.memory_space<vmem>>) semaphore(%arg14 : memref<!tpu.dma_semaphore, #tpu.memory_space<semaphore_mem>>)
      } else {
      }
      %dma_wait3A_370 = arith.constant 6 : i32
      %dma_wait3A_371 = arith.constant 0 : i32
      %dma_wait3A_372 = arith.constant 0 : i32
      %dma_wait3A_373 = tpu.memref_slice %arg9[%dma_wait3A_370, %dma_wait3A_371, %dma_wait3A_372] : memref<8x128x64xf32, #tpu.memory_space<vmem>> -> memref<1x128x64xf32, #tpu.memory_space<vmem>>
      %dma_wait3A_374 = tpu.memref_squeeze %dma_wait3A_373 : memref<1x128x64xf32, #tpu.memory_space<vmem>> -> memref<128x64xf32, #tpu.memory_space<vmem>>
      %dma_wait3A_375 = arith.constant 0 : i32
      %dma_wait3A_376 = tpu.memref_slice %arg7[%add3A_362, %dma_wait3A_375] : memref<80x128xi32, #tpu.memory_space<vmem>> -> memref<1x128xi32, #tpu.memory_space<vmem>>
      %dma_wait3A_377 = tpu.memref_squeeze %dma_wait3A_376 : memref<1x128xi32, #tpu.memory_space<vmem>> -> memref<128xi32, #tpu.memory_space<vmem>>
      %dma_wait3A_378 = arith.constant 0 : i32
      %dma_wait3A_379 = arith.constant 0 : i32
      %dma_wait3A_380 = tpu.memref_slice %arg2[%dma_wait3A_378, %dma_wait3A_379] : memref<10000x64xf32, #tpu.memory_space<hbm>> -> memref<10000x64xf32, #tpu.memory_space<hbm>>
      tpu.wait_indirect_dma semaphore(%arg17 : memref<!tpu.dma_semaphore, #tpu.memory_space<semaphore_mem>>) src(%dma_wait3A_380 : memref<10000x64xf32, #tpu.memory_space<hbm>>) dst(%dma_wait3A_374 : memref<128x64xf32, #tpu.memory_space<vmem>>)
      %dma_start3A_381 = arith.constant 6 : i32
      %dma_start3A_382 = arith.constant 0 : i32
      %dma_start3A_383 = arith.constant 0 : i32
      %dma_start3A_384 = tpu.memref_slice %arg9[%dma_start3A_381, %dma_start3A_382, %dma_start3A_383] : memref<8x128x64xf32, #tpu.memory_space<vmem>> -> memref<1x128x64xf32, #tpu.memory_space<vmem>>
      %dma_start3A_385 = tpu.memref_squeeze %dma_start3A_384 : memref<1x128x64xf32, #tpu.memory_space<vmem>> -> memref<128x64xf32, #tpu.memory_space<vmem>>
      %dma_start3A_386 = arith.constant 0 : i32
      %dma_start3A_387 = tpu.memref_slice %arg8[%add3A_362, %dma_start3A_386] : memref<80x128xi32, #tpu.memory_space<vmem>> -> memref<1x128xi32, #tpu.memory_space<vmem>>
      %dma_start3A_388 = tpu.memref_squeeze %dma_start3A_387 : memref<1x128xi32, #tpu.memory_space<vmem>> -> memref<128xi32, #tpu.memory_space<vmem>>
      %dma_start3A_389 = arith.constant 0 : i32
      %dma_start3A_390 = arith.constant 0 : i32
      %dma_start3A_391 = tpu.memref_slice %arg10[%dma_start3A_389, %dma_start3A_390] : memref<10112x64xf32, #tpu.memory_space<vmem_shared>> -> memref<10112x64xf32, #tpu.memory_space<vmem_shared>>
      tpu.enqueue_indirect_dma source(%dma_start3A_385 : memref<128x64xf32, #tpu.memory_space<vmem>>) target(%dma_start3A_391 : memref<10112x64xf32, #tpu.memory_space<vmem_shared>>) offsets(%dma_start3A_388 : memref<128xi32, #tpu.memory_space<vmem>>) semaphore(%arg25 : memref<!tpu.dma_semaphore, #tpu.memory_space<semaphore_mem>>) {add = true}
      %mul3A_392 = arith.constant 8 : i32
      %mul3A_393 = arith.muli %scan3A_163, %mul3A_392 : i32
      %add3A_394 = arith.constant 7 : i32
      %add3A_395 = arith.addi %mul3A_393, %add3A_394 : i32
      %add3A_396 = arith.constant 5 : i32
      %add3A_397 = arith.addi %add3A_395, %add3A_396 : i32
      %lt3A_398 = arith.constant 80 : i32
      %lt3A_399 = arith.cmpi slt, %add3A_397, %lt3A_398 : i32
      %convert_element_type3A_400 = arith.extui %lt3A_399 : i1 to i32
      %cond3A_401 = arith.constant 0 : i32
      %cond3A_402 = arith.cmpi ne, %convert_element_type3A_400, %cond3A_401 : i32
      scf.if %cond3A_402 {
        %ge3A = arith.constant 8 : i32
        %ge3A_425 = arith.cmpi sge, %add3A_397, %ge3A : i32
        %convert_element_type3A_426 = arith.extui %ge3A_425 : i1 to i32
        %cond3A_427 = arith.constant 0 : i32
        %cond3A_428 = arith.cmpi ne, %convert_element_type3A_426, %cond3A_427 : i32
        scf.if %cond3A_428 {
          %sub3A = arith.constant 8 : i32
          %sub3A_440 = arith.subi %add3A_397, %sub3A : i32
          %dma_wait3A_441 = arith.constant 4 : i32
          %dma_wait3A_442 = arith.constant 0 : i32
          %dma_wait3A_443 = arith.constant 0 : i32
          %dma_wait3A_444 = tpu.memref_slice %arg9[%dma_wait3A_441, %dma_wait3A_442, %dma_wait3A_443] : memref<8x128x64xf32, #tpu.memory_space<vmem>> -> memref<1x128x64xf32, #tpu.memory_space<vmem>>
          %dma_wait3A_445 = tpu.memref_squeeze %dma_wait3A_444 : memref<1x128x64xf32, #tpu.memory_space<vmem>> -> memref<128x64xf32, #tpu.memory_space<vmem>>
          %dma_wait3A_446 = arith.constant 0 : i32
          %dma_wait3A_447 = tpu.memref_slice %arg8[%sub3A_440, %dma_wait3A_446] : memref<80x128xi32, #tpu.memory_space<vmem>> -> memref<1x128xi32, #tpu.memory_space<vmem>>
          %dma_wait3A_448 = tpu.memref_squeeze %dma_wait3A_447 : memref<1x128xi32, #tpu.memory_space<vmem>> -> memref<128xi32, #tpu.memory_space<vmem>>
          %dma_wait3A_449 = arith.constant 0 : i32
          %dma_wait3A_450 = arith.constant 0 : i32
          %dma_wait3A_451 = tpu.memref_slice %arg10[%dma_wait3A_449, %dma_wait3A_450] : memref<10112x64xf32, #tpu.memory_space<vmem_shared>> -> memref<10112x64xf32, #tpu.memory_space<vmem_shared>>
          tpu.wait_indirect_dma semaphore(%arg23 : memref<!tpu.dma_semaphore, #tpu.memory_space<semaphore_mem>>) src(%dma_wait3A_445 : memref<128x64xf32, #tpu.memory_space<vmem>>) dst(%dma_wait3A_451 : memref<10112x64xf32, #tpu.memory_space<vmem_shared>>)
        } else {
        }
        %dma_start3A_429 = arith.constant 4 : i32
        %dma_start3A_430 = arith.constant 0 : i32
        %dma_start3A_431 = arith.constant 0 : i32
        %dma_start3A_432 = tpu.memref_slice %arg9[%dma_start3A_429, %dma_start3A_430, %dma_start3A_431] : memref<8x128x64xf32, #tpu.memory_space<vmem>> -> memref<1x128x64xf32, #tpu.memory_space<vmem>>
        %dma_start3A_433 = tpu.memref_squeeze %dma_start3A_432 : memref<1x128x64xf32, #tpu.memory_space<vmem>> -> memref<128x64xf32, #tpu.memory_space<vmem>>
        %dma_start3A_434 = arith.constant 0 : i32
        %dma_start3A_435 = tpu.memref_slice %arg7[%add3A_397, %dma_start3A_434] : memref<80x128xi32, #tpu.memory_space<vmem>> -> memref<1x128xi32, #tpu.memory_space<vmem>>
        %dma_start3A_436 = tpu.memref_squeeze %dma_start3A_435 : memref<1x128xi32, #tpu.memory_space<vmem>> -> memref<128xi32, #tpu.memory_space<vmem>>
        %dma_start3A_437 = arith.constant 0 : i32
        %dma_start3A_438 = arith.constant 0 : i32
        %dma_start3A_439 = tpu.memref_slice %arg2[%dma_start3A_437, %dma_start3A_438] : memref<10000x64xf32, #tpu.memory_space<hbm>> -> memref<10000x64xf32, #tpu.memory_space<hbm>>
        tpu.enqueue_indirect_dma source(%dma_start3A_439 : memref<10000x64xf32, #tpu.memory_space<hbm>>) target(%dma_start3A_433 : memref<128x64xf32, #tpu.memory_space<vmem>>) offsets(%dma_start3A_436 : memref<128xi32, #tpu.memory_space<vmem>>) semaphore(%arg15 : memref<!tpu.dma_semaphore, #tpu.memory_space<semaphore_mem>>)
      } else {
      }
      %dma_wait3A_403 = arith.constant 7 : i32
      %dma_wait3A_404 = arith.constant 0 : i32
      %dma_wait3A_405 = arith.constant 0 : i32
      %dma_wait3A_406 = tpu.memref_slice %arg9[%dma_wait3A_403, %dma_wait3A_404, %dma_wait3A_405] : memref<8x128x64xf32, #tpu.memory_space<vmem>> -> memref<1x128x64xf32, #tpu.memory_space<vmem>>
      %dma_wait3A_407 = tpu.memref_squeeze %dma_wait3A_406 : memref<1x128x64xf32, #tpu.memory_space<vmem>> -> memref<128x64xf32, #tpu.memory_space<vmem>>
      %dma_wait3A_408 = arith.constant 0 : i32
      %dma_wait3A_409 = tpu.memref_slice %arg7[%add3A_395, %dma_wait3A_408] : memref<80x128xi32, #tpu.memory_space<vmem>> -> memref<1x128xi32, #tpu.memory_space<vmem>>
      %dma_wait3A_410 = tpu.memref_squeeze %dma_wait3A_409 : memref<1x128xi32, #tpu.memory_space<vmem>> -> memref<128xi32, #tpu.memory_space<vmem>>
      %dma_wait3A_411 = arith.constant 0 : i32
      %dma_wait3A_412 = arith.constant 0 : i32
      %dma_wait3A_413 = tpu.memref_slice %arg2[%dma_wait3A_411, %dma_wait3A_412] : memref<10000x64xf32, #tpu.memory_space<hbm>> -> memref<10000x64xf32, #tpu.memory_space<hbm>>
      tpu.wait_indirect_dma semaphore(%arg18 : memref<!tpu.dma_semaphore, #tpu.memory_space<semaphore_mem>>) src(%dma_wait3A_413 : memref<10000x64xf32, #tpu.memory_space<hbm>>) dst(%dma_wait3A_407 : memref<128x64xf32, #tpu.memory_space<vmem>>)
      %dma_start3A_414 = arith.constant 7 : i32
      %dma_start3A_415 = arith.constant 0 : i32
      %dma_start3A_416 = arith.constant 0 : i32
      %dma_start3A_417 = tpu.memref_slice %arg9[%dma_start3A_414, %dma_start3A_415, %dma_start3A_416] : memref<8x128x64xf32, #tpu.memory_space<vmem>> -> memref<1x128x64xf32, #tpu.memory_space<vmem>>
      %dma_start3A_418 = tpu.memref_squeeze %dma_start3A_417 : memref<1x128x64xf32, #tpu.memory_space<vmem>> -> memref<128x64xf32, #tpu.memory_space<vmem>>
      %dma_start3A_419 = arith.constant 0 : i32
      %dma_start3A_420 = tpu.memref_slice %arg8[%add3A_395, %dma_start3A_419] : memref<80x128xi32, #tpu.memory_space<vmem>> -> memref<1x128xi32, #tpu.memory_space<vmem>>
      %dma_start3A_421 = tpu.memref_squeeze %dma_start3A_420 : memref<1x128xi32, #tpu.memory_space<vmem>> -> memref<128xi32, #tpu.memory_space<vmem>>
      %dma_start3A_422 = arith.constant 0 : i32
      %dma_start3A_423 = arith.constant 0 : i32
      %dma_start3A_424 = tpu.memref_slice %arg10[%dma_start3A_422, %dma_start3A_423] : memref<10112x64xf32, #tpu.memory_space<vmem_shared>> -> memref<10112x64xf32, #tpu.memory_space<vmem_shared>>
      tpu.enqueue_indirect_dma source(%dma_start3A_418 : memref<128x64xf32, #tpu.memory_space<vmem>>) target(%dma_start3A_424 : memref<10112x64xf32, #tpu.memory_space<vmem_shared>>) offsets(%dma_start3A_421 : memref<128xi32, #tpu.memory_space<vmem>>) semaphore(%arg26 : memref<!tpu.dma_semaphore, #tpu.memory_space<semaphore_mem>>) {add = true}
    }
    %scan3A_66 = arith.constant 10 : i32
    %dma_wait3A = arith.constant 0 : i32
    %dma_wait3A_67 = arith.constant 72 : i32
    %dma_wait3A_68 = arith.constant 0 : i32
    %dma_wait3A_69 = arith.constant 0 : i32
    %dma_wait3A_70 = tpu.memref_slice %arg9[%dma_wait3A, %dma_wait3A_68, %dma_wait3A_69] : memref<8x128x64xf32, #tpu.memory_space<vmem>> -> memref<1x128x64xf32, #tpu.memory_space<vmem>>
    %dma_wait3A_71 = tpu.memref_squeeze %dma_wait3A_70 : memref<1x128x64xf32, #tpu.memory_space<vmem>> -> memref<128x64xf32, #tpu.memory_space<vmem>>
    %dma_wait3A_72 = arith.constant 0 : i32
    %dma_wait3A_73 = tpu.memref_slice %arg8[%dma_wait3A_67, %dma_wait3A_72] : memref<80x128xi32, #tpu.memory_space<vmem>> -> memref<1x128xi32, #tpu.memory_space<vmem>>
    %dma_wait3A_74 = tpu.memref_squeeze %dma_wait3A_73 : memref<1x128xi32, #tpu.memory_space<vmem>> -> memref<128xi32, #tpu.memory_space<vmem>>
    %dma_wait3A_75 = arith.constant 0 : i32
    %dma_wait3A_76 = arith.constant 0 : i32
    %dma_wait3A_77 = tpu.memref_slice %arg10[%dma_wait3A_75, %dma_wait3A_76] : memref<10112x64xf32, #tpu.memory_space<vmem_shared>> -> memref<10112x64xf32, #tpu.memory_space<vmem_shared>>
    tpu.wait_indirect_dma semaphore(%arg19 : memref<!tpu.dma_semaphore, #tpu.memory_space<semaphore_mem>>) src(%dma_wait3A_71 : memref<128x64xf32, #tpu.memory_space<vmem>>) dst(%dma_wait3A_77 : memref<10112x64xf32, #tpu.memory_space<vmem_shared>>)
    %dma_wait3A_78 = arith.constant 1 : i32
    %dma_wait3A_79 = arith.constant 73 : i32
    %dma_wait3A_80 = arith.constant 0 : i32
    %dma_wait3A_81 = arith.constant 0 : i32
    %dma_wait3A_82 = tpu.memref_slice %arg9[%dma_wait3A_78, %dma_wait3A_80, %dma_wait3A_81] : memref<8x128x64xf32, #tpu.memory_space<vmem>> -> memref<1x128x64xf32, #tpu.memory_space<vmem>>
    %dma_wait3A_83 = tpu.memref_squeeze %dma_wait3A_82 : memref<1x128x64xf32, #tpu.memory_space<vmem>> -> memref<128x64xf32, #tpu.memory_space<vmem>>
    %dma_wait3A_84 = arith.constant 0 : i32
    %dma_wait3A_85 = tpu.memref_slice %arg8[%dma_wait3A_79, %dma_wait3A_84] : memref<80x128xi32, #tpu.memory_space<vmem>> -> memref<1x128xi32, #tpu.memory_space<vmem>>
    %dma_wait3A_86 = tpu.memref_squeeze %dma_wait3A_85 : memref<1x128xi32, #tpu.memory_space<vmem>> -> memref<128xi32, #tpu.memory_space<vmem>>
    %dma_wait3A_87 = arith.constant 0 : i32
    %dma_wait3A_88 = arith.constant 0 : i32
    %dma_wait3A_89 = tpu.memref_slice %arg10[%dma_wait3A_87, %dma_wait3A_88] : memref<10112x64xf32, #tpu.memory_space<vmem_shared>> -> memref<10112x64xf32, #tpu.memory_space<vmem_shared>>
    tpu.wait_indirect_dma semaphore(%arg20 : memref<!tpu.dma_semaphore, #tpu.memory_space<semaphore_mem>>) src(%dma_wait3A_83 : memref<128x64xf32, #tpu.memory_space<vmem>>) dst(%dma_wait3A_89 : memref<10112x64xf32, #tpu.memory_space<vmem_shared>>)
    %dma_wait3A_90 = arith.constant 2 : i32
    %dma_wait3A_91 = arith.constant 74 : i32
    %dma_wait3A_92 = arith.constant 0 : i32
    %dma_wait3A_93 = arith.constant 0 : i32
    %dma_wait3A_94 = tpu.memref_slice %arg9[%dma_wait3A_90, %dma_wait3A_92, %dma_wait3A_93] : memref<8x128x64xf32, #tpu.memory_space<vmem>> -> memref<1x128x64xf32, #tpu.memory_space<vmem>>
    %dma_wait3A_95 = tpu.memref_squeeze %dma_wait3A_94 : memref<1x128x64xf32, #tpu.memory_space<vmem>> -> memref<128x64xf32, #tpu.memory_space<vmem>>
    %dma_wait3A_96 = arith.constant 0 : i32
    %dma_wait3A_97 = tpu.memref_slice %arg8[%dma_wait3A_91, %dma_wait3A_96] : memref<80x128xi32, #tpu.memory_space<vmem>> -> memref<1x128xi32, #tpu.memory_space<vmem>>
    %dma_wait3A_98 = tpu.memref_squeeze %dma_wait3A_97 : memref<1x128xi32, #tpu.memory_space<vmem>> -> memref<128xi32, #tpu.memory_space<vmem>>
    %dma_wait3A_99 = arith.constant 0 : i32
    %dma_wait3A_100 = arith.constant 0 : i32
    %dma_wait3A_101 = tpu.memref_slice %arg10[%dma_wait3A_99, %dma_wait3A_100] : memref<10112x64xf32, #tpu.memory_space<vmem_shared>> -> memref<10112x64xf32, #tpu.memory_space<vmem_shared>>
    tpu.wait_indirect_dma semaphore(%arg21 : memref<!tpu.dma_semaphore, #tpu.memory_space<semaphore_mem>>) src(%dma_wait3A_95 : memref<128x64xf32, #tpu.memory_space<vmem>>) dst(%dma_wait3A_101 : memref<10112x64xf32, #tpu.memory_space<vmem_shared>>)
    %dma_wait3A_102 = arith.constant 3 : i32
    %dma_wait3A_103 = arith.constant 75 : i32
    %dma_wait3A_104 = arith.constant 0 : i32
    %dma_wait3A_105 = arith.constant 0 : i32
    %dma_wait3A_106 = tpu.memref_slice %arg9[%dma_wait3A_102, %dma_wait3A_104, %dma_wait3A_105] : memref<8x128x64xf32, #tpu.memory_space<vmem>> -> memref<1x128x64xf32, #tpu.memory_space<vmem>>
    %dma_wait3A_107 = tpu.memref_squeeze %dma_wait3A_106 : memref<1x128x64xf32, #tpu.memory_space<vmem>> -> memref<128x64xf32, #tpu.memory_space<vmem>>
    %dma_wait3A_108 = arith.constant 0 : i32
    %dma_wait3A_109 = tpu.memref_slice %arg8[%dma_wait3A_103, %dma_wait3A_108] : memref<80x128xi32, #tpu.memory_space<vmem>> -> memref<1x128xi32, #tpu.memory_space<vmem>>
    %dma_wait3A_110 = tpu.memref_squeeze %dma_wait3A_109 : memref<1x128xi32, #tpu.memory_space<vmem>> -> memref<128xi32, #tpu.memory_space<vmem>>
    %dma_wait3A_111 = arith.constant 0 : i32
    %dma_wait3A_112 = arith.constant 0 : i32
    %dma_wait3A_113 = tpu.memref_slice %arg10[%dma_wait3A_111, %dma_wait3A_112] : memref<10112x64xf32, #tpu.memory_space<vmem_shared>> -> memref<10112x64xf32, #tpu.memory_space<vmem_shared>>
    tpu.wait_indirect_dma semaphore(%arg22 : memref<!tpu.dma_semaphore, #tpu.memory_space<semaphore_mem>>) src(%dma_wait3A_107 : memref<128x64xf32, #tpu.memory_space<vmem>>) dst(%dma_wait3A_113 : memref<10112x64xf32, #tpu.memory_space<vmem_shared>>)
    %dma_wait3A_114 = arith.constant 4 : i32
    %dma_wait3A_115 = arith.constant 76 : i32
    %dma_wait3A_116 = arith.constant 0 : i32
    %dma_wait3A_117 = arith.constant 0 : i32
    %dma_wait3A_118 = tpu.memref_slice %arg9[%dma_wait3A_114, %dma_wait3A_116, %dma_wait3A_117] : memref<8x128x64xf32, #tpu.memory_space<vmem>> -> memref<1x128x64xf32, #tpu.memory_space<vmem>>
    %dma_wait3A_119 = tpu.memref_squeeze %dma_wait3A_118 : memref<1x128x64xf32, #tpu.memory_space<vmem>> -> memref<128x64xf32, #tpu.memory_space<vmem>>
    %dma_wait3A_120 = arith.constant 0 : i32
    %dma_wait3A_121 = tpu.memref_slice %arg8[%dma_wait3A_115, %dma_wait3A_120] : memref<80x128xi32, #tpu.memory_space<vmem>> -> memref<1x128xi32, #tpu.memory_space<vmem>>
    %dma_wait3A_122 = tpu.memref_squeeze %dma_wait3A_121 : memref<1x128xi32, #tpu.memory_space<vmem>> -> memref<128xi32, #tpu.memory_space<vmem>>
    %dma_wait3A_123 = arith.constant 0 : i32
    %dma_wait3A_124 = arith.constant 0 : i32
    %dma_wait3A_125 = tpu.memref_slice %arg10[%dma_wait3A_123, %dma_wait3A_124] : memref<10112x64xf32, #tpu.memory_space<vmem_shared>> -> memref<10112x64xf32, #tpu.memory_space<vmem_shared>>
    tpu.wait_indirect_dma semaphore(%arg23 : memref<!tpu.dma_semaphore, #tpu.memory_space<semaphore_mem>>) src(%dma_wait3A_119 : memref<128x64xf32, #tpu.memory_space<vmem>>) dst(%dma_wait3A_125 : memref<10112x64xf32, #tpu.memory_space<vmem_shared>>)
    %dma_wait3A_126 = arith.constant 5 : i32
    %dma_wait3A_127 = arith.constant 77 : i32
    %dma_wait3A_128 = arith.constant 0 : i32
    %dma_wait3A_129 = arith.constant 0 : i32
    %dma_wait3A_130 = tpu.memref_slice %arg9[%dma_wait3A_126, %dma_wait3A_128, %dma_wait3A_129] : memref<8x128x64xf32, #tpu.memory_space<vmem>> -> memref<1x128x64xf32, #tpu.memory_space<vmem>>
    %dma_wait3A_131 = tpu.memref_squeeze %dma_wait3A_130 : memref<1x128x64xf32, #tpu.memory_space<vmem>> -> memref<128x64xf32, #tpu.memory_space<vmem>>
    %dma_wait3A_132 = arith.constant 0 : i32
    %dma_wait3A_133 = tpu.memref_slice %arg8[%dma_wait3A_127, %dma_wait3A_132] : memref<80x128xi32, #tpu.memory_space<vmem>> -> memref<1x128xi32, #tpu.memory_space<vmem>>
    %dma_wait3A_134 = tpu.memref_squeeze %dma_wait3A_133 : memref<1x128xi32, #tpu.memory_space<vmem>> -> memref<128xi32, #tpu.memory_space<vmem>>
    %dma_wait3A_135 = arith.constant 0 : i32
    %dma_wait3A_136 = arith.constant 0 : i32
    %dma_wait3A_137 = tpu.memref_slice %arg10[%dma_wait3A_135, %dma_wait3A_136] : memref<10112x64xf32, #tpu.memory_space<vmem_shared>> -> memref<10112x64xf32, #tpu.memory_space<vmem_shared>>
    tpu.wait_indirect_dma semaphore(%arg24 : memref<!tpu.dma_semaphore, #tpu.memory_space<semaphore_mem>>) src(%dma_wait3A_131 : memref<128x64xf32, #tpu.memory_space<vmem>>) dst(%dma_wait3A_137 : memref<10112x64xf32, #tpu.memory_space<vmem_shared>>)
    %dma_wait3A_138 = arith.constant 6 : i32
    %dma_wait3A_139 = arith.constant 78 : i32
    %dma_wait3A_140 = arith.constant 0 : i32
    %dma_wait3A_141 = arith.constant 0 : i32
    %dma_wait3A_142 = tpu.memref_slice %arg9[%dma_wait3A_138, %dma_wait3A_140, %dma_wait3A_141] : memref<8x128x64xf32, #tpu.memory_space<vmem>> -> memref<1x128x64xf32, #tpu.memory_space<vmem>>
    %dma_wait3A_143 = tpu.memref_squeeze %dma_wait3A_142 : memref<1x128x64xf32, #tpu.memory_space<vmem>> -> memref<128x64xf32, #tpu.memory_space<vmem>>
    %dma_wait3A_144 = arith.constant 0 : i32
    %dma_wait3A_145 = tpu.memref_slice %arg8[%dma_wait3A_139, %dma_wait3A_144] : memref<80x128xi32, #tpu.memory_space<vmem>> -> memref<1x128xi32, #tpu.memory_space<vmem>>
    %dma_wait3A_146 = tpu.memref_squeeze %dma_wait3A_145 : memref<1x128xi32, #tpu.memory_space<vmem>> -> memref<128xi32, #tpu.memory_space<vmem>>
    %dma_wait3A_147 = arith.constant 0 : i32
    %dma_wait3A_148 = arith.constant 0 : i32
    %dma_wait3A_149 = tpu.memref_slice %arg10[%dma_wait3A_147, %dma_wait3A_148] : memref<10112x64xf32, #tpu.memory_space<vmem_shared>> -> memref<10112x64xf32, #tpu.memory_space<vmem_shared>>
    tpu.wait_indirect_dma semaphore(%arg25 : memref<!tpu.dma_semaphore, #tpu.memory_space<semaphore_mem>>) src(%dma_wait3A_143 : memref<128x64xf32, #tpu.memory_space<vmem>>) dst(%dma_wait3A_149 : memref<10112x64xf32, #tpu.memory_space<vmem_shared>>)
    %dma_wait3A_150 = arith.constant 7 : i32
    %dma_wait3A_151 = arith.constant 79 : i32
    %dma_wait3A_152 = arith.constant 0 : i32
    %dma_wait3A_153 = arith.constant 0 : i32
    %dma_wait3A_154 = tpu.memref_slice %arg9[%dma_wait3A_150, %dma_wait3A_152, %dma_wait3A_153] : memref<8x128x64xf32, #tpu.memory_space<vmem>> -> memref<1x128x64xf32, #tpu.memory_space<vmem>>
    %dma_wait3A_155 = tpu.memref_squeeze %dma_wait3A_154 : memref<1x128x64xf32, #tpu.memory_space<vmem>> -> memref<128x64xf32, #tpu.memory_space<vmem>>
    %dma_wait3A_156 = arith.constant 0 : i32
    %dma_wait3A_157 = tpu.memref_slice %arg8[%dma_wait3A_151, %dma_wait3A_156] : memref<80x128xi32, #tpu.memory_space<vmem>> -> memref<1x128xi32, #tpu.memory_space<vmem>>
    %dma_wait3A_158 = tpu.memref_squeeze %dma_wait3A_157 : memref<1x128xi32, #tpu.memory_space<vmem>> -> memref<128xi32, #tpu.memory_space<vmem>>
    %dma_wait3A_159 = arith.constant 0 : i32
    %dma_wait3A_160 = arith.constant 0 : i32
    %dma_wait3A_161 = tpu.memref_slice %arg10[%dma_wait3A_159, %dma_wait3A_160] : memref<10112x64xf32, #tpu.memory_space<vmem_shared>> -> memref<10112x64xf32, #tpu.memory_space<vmem_shared>>
    tpu.wait_indirect_dma semaphore(%arg26 : memref<!tpu.dma_semaphore, #tpu.memory_space<semaphore_mem>>) src(%dma_wait3A_155 : memref<128x64xf32, #tpu.memory_space<vmem>>) dst(%dma_wait3A_161 : memref<10112x64xf32, #tpu.memory_space<vmem_shared>>)
    %barrier3A_162 = arith.constant 0 : index
    tpu.barrier barrier_id(%barrier3A_162)
    "tpu.region"() ({
      %run_scoped3A = tpu.sem_alloc : memref<!tpu.dma_semaphore, #tpu.memory_space<semaphore_mem>>
      %dma_start3A_163 = arith.constant 0 : i32
      %dma_start3A_164 = tpu.memref_slice %arg6[%arg0, %mul3A_0, %dma_start3A_163] : memref<2x10112x64xf32, #tpu.memory_space<hbm>> -> memref<1x632x64xf32, #tpu.memory_space<hbm>>
      %dma_start3A_165 = tpu.memref_squeeze %dma_start3A_164 : memref<1x632x64xf32, #tpu.memory_space<hbm>> -> memref<632x64xf32, #tpu.memory_space<hbm>>
      %dma_start3A_166 = arith.constant 0 : i32
      %dma_start3A_167 = tpu.memref_slice %arg10[%mul3A_0, %dma_start3A_166] : memref<10112x64xf32, #tpu.memory_space<vmem_shared>> -> memref<632x64xf32, #tpu.memory_space<vmem_shared>>
      tpu.enqueue_dma source(%dma_start3A_167 : memref<632x64xf32, #tpu.memory_space<vmem_shared>>) target(%dma_start3A_165 : memref<632x64xf32, #tpu.memory_space<hbm>>) target_semaphore(%run_scoped3A : memref<!tpu.dma_semaphore, #tpu.memory_space<semaphore_mem>>)
      %dma_wait3A_168 = arith.constant 0 : i32
      %dma_wait3A_169 = tpu.memref_slice %arg6[%arg0, %mul3A_0, %dma_wait3A_168] : memref<2x10112x64xf32, #tpu.memory_space<hbm>> -> memref<1x632x64xf32, #tpu.memory_space<hbm>>
      %dma_wait3A_170 = tpu.memref_squeeze %dma_wait3A_169 : memref<1x632x64xf32, #tpu.memory_space<hbm>> -> memref<632x64xf32, #tpu.memory_space<hbm>>
      %dma_wait3A_171 = arith.constant 0 : i32
      %dma_wait3A_172 = tpu.memref_slice %arg10[%mul3A_0, %dma_wait3A_171] : memref<10112x64xf32, #tpu.memory_space<vmem_shared>> -> memref<632x64xf32, #tpu.memory_space<vmem_shared>>
      tpu.wait_dma2 semaphore(%run_scoped3A : memref<!tpu.dma_semaphore, #tpu.memory_space<semaphore_mem>>) src(%dma_wait3A_172 : memref<632x64xf32, #tpu.memory_space<vmem_shared>>) dst(%dma_wait3A_170 : memref<632x64xf32, #tpu.memory_space<hbm>>)
      tpu.yield
    }) : () -> ()
    return
  }
}

module attributes {stable_mosaic.version = 14 : i64} {
  func.func @_mm2_body(%arg0: i32, %arg1: memref<1000x128xf32, #tpu.memory_space<vmem>>, %arg2: memref<2x128x64xf32, #tpu.memory_space<vmem>>, %arg3: memref<128x128xf32, #tpu.memory_space<vmem>>, %arg4: memref<2x1000x64xf32, #tpu.memory_space<vmem>>, %arg5: memref<1000x128xf32, #tpu.memory_space<vmem>>) attributes {dimension_semantics = [#tpu.dimension_semantics<arbitrary>], iteration_bounds = array<i64: 10>, scalar_prefetch = 0 : i64, scratch_operands = 0 : i64, tpu.core_type = #tpu.core_type<tc>, window_params = [{transform_indices = @transform_0, window_bounds = array<i64: 1000, 128>}, {pipeline_mode = #tpu.pipeline_mode<synchronous>, transform_indices = @transform_1, window_bounds = array<i64: 2, 128, 64>}, {pipeline_mode = #tpu.pipeline_mode<synchronous>, transform_indices = @transform_2, window_bounds = array<i64: 128, 128>}, {transform_indices = @transform_3, window_bounds = array<i64: 2, 1000, 64>}, {transform_indices = @transform_4, window_bounds = array<i64: 1000, 128>}]} {
    %get3A = arith.constant 0 : index
    %get3A_0 = arith.constant 0 : index
    %get3A_1 = vector.load %arg1[%get3A, %get3A_0] : memref<1000x128xf32, #tpu.memory_space<vmem>>, vector<1000x128xf32>
    %get3A_2 = arith.constant 0 : index
    %get3A_3 = arith.constant 0 : index
    %get3A_4 = arith.constant 0 : index
    %get3A_5 = vector.load %arg2[%get3A_2, %get3A_3, %get3A_4] : memref<2x128x64xf32, #tpu.memory_space<vmem>>, vector<1x128x64xf32>
    %get3A_6 = vector.shape_cast %get3A_5 : vector<1x128x64xf32> to vector<128x64xf32>
    %dot_general3A = arith.constant dense<0.000000e+00> : vector<1000x64xf32>
    %dot_general3A_7 = tpu.matmul %get3A_1, %get3A_6, %dot_general3A {dimension_numbers = #tpu.dot_dimension_numbers<[1], [0], [0], [1], [0, 0, 1, 1], [], []>, transpose_lhs_hint = false} : vector<1000x128xf32>, vector<128x64xf32>, vector<1000x64xf32> -> vector<1000x64xf32>
    %swap3A = arith.constant 0 : index
    %swap3A_8 = arith.constant 0 : index
    %swap3A_9 = arith.constant 0 : index
    %swap3A_10 = vector.load %arg4[%swap3A, %swap3A_8, %swap3A_9] : memref<2x1000x64xf32, #tpu.memory_space<vmem>>, vector<1x1000x64xf32>
    %swap3A_11 = vector.shape_cast %swap3A_10 : vector<1x1000x64xf32> to vector<1000x64xf32>
    %swap3A_12 = vector.shape_cast %dot_general3A_7 : vector<1000x64xf32> to vector<1x1000x64xf32>
    tpu.vector_store %arg4[%swap3A, %swap3A_8, %swap3A_9], %swap3A_12 {strides = array<i32>} : memref<2x1000x64xf32, #tpu.memory_space<vmem>>, vector<1x1000x64xf32>,
    %get3A_13 = arith.constant 1 : index
    %get3A_14 = arith.constant 0 : index
    %get3A_15 = arith.constant 0 : index
    %get3A_16 = vector.load %arg2[%get3A_13, %get3A_14, %get3A_15] : memref<2x128x64xf32, #tpu.memory_space<vmem>>, vector<1x128x64xf32>
    %get3A_17 = vector.shape_cast %get3A_16 : vector<1x128x64xf32> to vector<128x64xf32>
    %dot_general3A_18 = arith.constant dense<0.000000e+00> : vector<1000x64xf32>
    %dot_general3A_19 = tpu.matmul %get3A_1, %get3A_17, %dot_general3A_18 {dimension_numbers = #tpu.dot_dimension_numbers<[1], [0], [0], [1], [0, 0, 1, 1], [], []>, transpose_lhs_hint = false} : vector<1000x128xf32>, vector<128x64xf32>, vector<1000x64xf32> -> vector<1000x64xf32>
    %swap3A_20 = arith.constant 1 : index
    %swap3A_21 = arith.constant 0 : index
    %swap3A_22 = arith.constant 0 : index
    %swap3A_23 = vector.load %arg4[%swap3A_20, %swap3A_21, %swap3A_22] : memref<2x1000x64xf32, #tpu.memory_space<vmem>>, vector<1x1000x64xf32>
    %swap3A_24 = vector.shape_cast %swap3A_23 : vector<1x1000x64xf32> to vector<1000x64xf32>
    %swap3A_25 = vector.shape_cast %dot_general3A_19 : vector<1000x64xf32> to vector<1x1000x64xf32>
    tpu.vector_store %arg4[%swap3A_20, %swap3A_21, %swap3A_22], %swap3A_25 {strides = array<i32>} : memref<2x1000x64xf32, #tpu.memory_space<vmem>>, vector<1x1000x64xf32>,
    %get3A_26 = arith.constant 0 : index
    %get3A_27 = arith.constant 0 : index
    %get3A_28 = vector.load %arg3[%get3A_26, %get3A_27] : memref<128x128xf32, #tpu.memory_space<vmem>>, vector<128x128xf32>
    %dot_general3A_29 = arith.constant dense<0.000000e+00> : vector<1000x128xf32>
    %dot_general3A_30 = tpu.matmul %get3A_1, %get3A_28, %dot_general3A_29 {dimension_numbers = #tpu.dot_dimension_numbers<[1], [0], [0], [1], [0, 0, 1, 1], [], []>, transpose_lhs_hint = false} : vector<1000x128xf32>, vector<128x128xf32>, vector<1000x128xf32> -> vector<1000x128xf32>
    %swap3A_31 = arith.constant 0 : index
    %swap3A_32 = arith.constant 0 : index
    %swap3A_33 = vector.load %arg5[%swap3A_31, %swap3A_32] : memref<1000x128xf32, #tpu.memory_space<vmem>>, vector<1000x128xf32>
    tpu.vector_store %arg5[%swap3A_31, %swap3A_32], %dot_general3A_30 {strides = array<i32>} : memref<1000x128xf32, #tpu.memory_space<vmem>>, vector<1000x128xf32>,
    return
  }
  func.func @transform_0(%arg0: i32) -> (i32, i32) {
    %c0_i32 = arith.constant 0 : i32
    %c0_i32_0 = arith.constant 0 : i32
    return %arg0, %c0_i32 : i32, i32
  }
  func.func @transform_1(%arg0: i32) -> (i32, i32, i32) {
    %c0_i32 = arith.constant 0 : i32
    %c0_i32_0 = arith.constant 0 : i32
    %c0_i32_1 = arith.constant 0 : i32
    %c0_i32_2 = arith.constant 0 : i32
    return %c0_i32, %c0_i32_0, %c0_i32_1 : i32, i32, i32
  }
  func.func @transform_2(%arg0: i32) -> (i32, i32) {
    %c0_i32 = arith.constant 0 : i32
    %c0_i32_0 = arith.constant 0 : i32
    %c0_i32_1 = arith.constant 0 : i32
    return %c0_i32, %c0_i32_0 : i32, i32
  }
  func.func @transform_3(%arg0: i32) -> (i32, i32, i32) {
    %c0_i32 = arith.constant 0 : i32
    %c0_i32_0 = arith.constant 0 : i32
    %c0_i32_1 = arith.constant 0 : i32
    return %c0_i32, %arg0, %c0_i32_0 : i32, i32, i32
  }
  func.func @transform_4(%arg0: i32) -> (i32, i32) {
    %c0_i32 = arith.constant 0 : i32
    %c0_i32_0 = arith.constant 0 : i32
    return %arg0, %c0_i32 : i32, i32
  }
}

module attributes {stable_mosaic.version = 14 : i64} {
  func.func @_mid_body(%arg0: i32, %arg1: memref<2x1000x64xf32, #tpu.memory_space<vmem>>, %arg2: memref<2x1000x16xf32, #tpu.memory_space<vmem>>, %arg3: memref<1000x128xf32, #tpu.memory_space<vmem>>, %arg4: memref<1x128xf32, #tpu.memory_space<vmem>>, %arg5: memref<1x128xf32, #tpu.memory_space<vmem>>, %arg6: memref<1x128xf32, #tpu.memory_space<vmem>>, %arg7: memref<2x128x64xf32, #tpu.memory_space<vmem>>, %arg8: memref<128x128xf32, #tpu.memory_space<vmem>>, %arg9: memref<2x1000x64xf32, #tpu.memory_space<vmem>>, %arg10: memref<1000x128xf32, #tpu.memory_space<vmem>>) attributes {dimension_semantics = [#tpu.dimension_semantics<arbitrary>], iteration_bounds = array<i64: 10>, scalar_prefetch = 0 : i64, scratch_operands = 0 : i64, tpu.core_type = #tpu.core_type<tc>, window_params = [{transform_indices = @transform_0, window_bounds = array<i64: 2, 1000, 64>}, {transform_indices = @transform_1, window_bounds = array<i64: 2, 1000, 16>}, {transform_indices = @transform_2, window_bounds = array<i64: 1000, 128>}, {pipeline_mode = #tpu.pipeline_mode<synchronous>, transform_indices = @transform_3, window_bounds = array<i64: 1, 128>}, {pipeline_mode = #tpu.pipeline_mode<synchronous>, transform_indices = @transform_4, window_bounds = array<i64: 1, 128>}, {pipeline_mode = #tpu.pipeline_mode<synchronous>, transform_indices = @transform_5, window_bounds = array<i64: 1, 128>}, {pipeline_mode = #tpu.pipeline_mode<synchronous>, transform_indices = @transform_6, window_bounds = array<i64: 2, 128, 64>}, {pipeline_mode = #tpu.pipeline_mode<synchronous>, transform_indices = @transform_7, window_bounds = array<i64: 128, 128>}, {transform_indices = @transform_8, window_bounds = array<i64: 2, 1000, 64>}, {transform_indices = @transform_9, window_bounds = array<i64: 1000, 128>}]} {
    %get3A = arith.constant 0 : index
    %get3A_0 = arith.constant 0 : index
    %get3A_1 = arith.constant 0 : index
    %get3A_2 = vector.load %arg1[%get3A, %get3A_0, %get3A_1] : memref<2x1000x64xf32, #tpu.memory_space<vmem>>, vector<1x1000x64xf32>
    %get3A_3 = vector.shape_cast %get3A_2 : vector<1x1000x64xf32> to vector<1000x64xf32>
    %get3A_4 = arith.constant 1 : index
    %get3A_5 = arith.constant 0 : index
    %get3A_6 = arith.constant 0 : index
    %get3A_7 = vector.load %arg1[%get3A_4, %get3A_5, %get3A_6] : memref<2x1000x64xf32, #tpu.memory_space<vmem>>, vector<1x1000x64xf32>
    %get3A_8 = vector.shape_cast %get3A_7 : vector<1x1000x64xf32> to vector<1000x64xf32>
    %concatenate3A = tpu.concatenate %get3A_3, %get3A_8 in 1 : vector<1000x64xf32>, vector<1000x64xf32> -> vector<1000x128xf32>
    %get3A_9 = arith.constant 0 : index
    %get3A_10 = arith.constant 0 : index
    %get3A_11 = arith.constant 0 : index
    %get3A_12 = vector.load %arg2[%get3A_9, %get3A_10, %get3A_11] : memref<2x1000x16xf32, #tpu.memory_space<vmem>>, vector<1x1000x1xf32>
    %get3A_13 = vector.shape_cast %get3A_12 : vector<1x1000x1xf32> to vector<1000x1xf32>
    %get3A_14 = arith.constant 1 : index
    %get3A_15 = arith.constant 0 : index
    %get3A_16 = arith.constant 0 : index
    %get3A_17 = vector.load %arg2[%get3A_14, %get3A_15, %get3A_16] : memref<2x1000x16xf32, #tpu.memory_space<vmem>>, vector<1x1000x1xf32>
    %get3A_18 = vector.shape_cast %get3A_17 : vector<1x1000x1xf32> to vector<1000x1xf32>
    %add3A = arith.addf %get3A_13, %get3A_18 : vector<1000x1xf32>
    %max3A = arith.constant 1.000000e+00 : f32
    %max3A_19 = vector.broadcast %max3A : f32 to vector<1000x1xf32>
    %max3A_20 = arith.maximumf %add3A, %max3A_19 : vector<1000x1xf32>
    %div3A = vector.broadcast %max3A_20 : vector<1000x1xf32> to vector<1000x128xf32>
    %div3A_21 = arith.divf %concatenate3A, %div3A : vector<1000x128xf32>
    %get3A_22 = arith.constant 0 : index
    %get3A_23 = arith.constant 0 : index
    %get3A_24 = vector.load %arg4[%get3A_22, %get3A_23] : memref<1x128xf32, #tpu.memory_space<vmem>>, vector<1x128xf32>
    %add3A_25 = vector.broadcast %get3A_24 : vector<1x128xf32> to vector<1000x128xf32>
    %add3A_26 = arith.addf %div3A_21, %add3A_25 : vector<1000x128xf32>
    %get3A_27 = arith.constant 0 : index
    %get3A_28 = arith.constant 0 : index
    %get3A_29 = vector.load %arg3[%get3A_27, %get3A_28] : memref<1000x128xf32, #tpu.memory_space<vmem>>, vector<1000x128xf32>
    %add3A_30 = arith.addf %add3A_26, %get3A_29 : vector<1000x128xf32>
    %reduce_sum3A = arith.constant dense<0.000000e+00> : vector<1000xf32>
    %reduce_sum3A_31 = vector.multi_reduction <add>, %add3A_30, %reduce_sum3A [1] : vector<1000x128xf32> to vector<1000xf32>
    %broadcast_in_dim3A = vector.shape_cast %reduce_sum3A_31 : vector<1000xf32> to vector<1000x1xf32>
    %div3A_32 = arith.constant 1.280000e+02 : f32
    %div3A_33 = vector.broadcast %div3A_32 : f32 to vector<1000x1xf32>
    %div3A_34 = arith.divf %broadcast_in_dim3A, %div3A_33 : vector<1000x1xf32>
    %sub3A = vector.broadcast %div3A_34 : vector<1000x1xf32> to vector<1000x128xf32>
    %sub3A_35 = arith.subf %add3A_30, %sub3A : vector<1000x128xf32>
    %integer_pow3A = arith.mulf %sub3A_35, %sub3A_35 : vector<1000x128xf32>
    %reduce_sum3A_36 = arith.constant dense<0.000000e+00> : vector<1000xf32>
    %reduce_sum3A_37 = vector.multi_reduction <add>, %integer_pow3A, %reduce_sum3A_36 [1] : vector<1000x128xf32> to vector<1000xf32>
    %broadcast_in_dim3A_38 = vector.shape_cast %reduce_sum3A_37 : vector<1000xf32> to vector<1000x1xf32>
    %div3A_39 = arith.constant 1.280000e+02 : f32
    %div3A_40 = vector.broadcast %div3A_39 : f32 to vector<1000x1xf32>
    %div3A_41 = arith.divf %broadcast_in_dim3A_38, %div3A_40 : vector<1000x1xf32>
    %sub3A_42 = vector.broadcast %div3A_34 : vector<1000x1xf32> to vector<1000x128xf32>
    %sub3A_43 = arith.subf %add3A_30, %sub3A_42 : vector<1000x128xf32>
    %add3A_44 = arith.constant 9.99999974E-6 : f32
    %add3A_45 = vector.broadcast %add3A_44 : f32 to vector<1000x1xf32>
    %add3A_46 = arith.addf %div3A_41, %add3A_45 : vector<1000x1xf32>
    %sqrt3A = math.sqrt %add3A_46 : vector<1000x1xf32>
    %div3A_47 = vector.broadcast %sqrt3A : vector<1000x1xf32> to vector<1000x128xf32>
    %div3A_48 = arith.divf %sub3A_43, %div3A_47 : vector<1000x128xf32>
    %get3A_49 = arith.constant 0 : index
    %get3A_50 = arith.constant 0 : index
    %get3A_51 = vector.load %arg5[%get3A_49, %get3A_50] : memref<1x128xf32, #tpu.memory_space<vmem>>, vector<1x128xf32>
    %mul3A = vector.broadcast %get3A_51 : vector<1x128xf32> to vector<1000x128xf32>
    %mul3A_52 = arith.mulf %div3A_48, %mul3A : vector<1000x128xf32>
    %get3A_53 = arith.constant 0 : index
    %get3A_54 = arith.constant 0 : index
    %get3A_55 = vector.load %arg6[%get3A_53, %get3A_54] : memref<1x128xf32, #tpu.memory_space<vmem>>, vector<1x128xf32>
    %add3A_56 = vector.broadcast %get3A_55 : vector<1x128xf32> to vector<1000x128xf32>
    %add3A_57 = arith.addf %mul3A_52, %add3A_56 : vector<1000x128xf32>
    %max3A_58 = arith.constant 0.000000e+00 : f32
    %max3A_59 = vector.broadcast %max3A_58 : f32 to vector<1000x128xf32>
    %max3A_60 = arith.maximumf %add3A_57, %max3A_59 : vector<1000x128xf32>
    %get3A_61 = arith.constant 0 : index
    %get3A_62 = arith.constant 0 : index
    %get3A_63 = arith.constant 0 : index
    %get3A_64 = vector.load %arg7[%get3A_61, %get3A_62, %get3A_63] : memref<2x128x64xf32, #tpu.memory_space<vmem>>, vector<1x128x64xf32>
    %get3A_65 = vector.shape_cast %get3A_64 : vector<1x128x64xf32> to vector<128x64xf32>
    %dot_general3A = arith.constant dense<0.000000e+00> : vector<1000x64xf32>
    %dot_general3A_66 = tpu.matmul %max3A_60, %get3A_65, %dot_general3A {dimension_numbers = #tpu.dot_dimension_numbers<[1], [0], [0], [1], [0, 0, 1, 1], [], []>, transpose_lhs_hint = false} : vector<1000x128xf32>, vector<128x64xf32>, vector<1000x64xf32> -> vector<1000x64xf32>
    %swap3A = arith.constant 0 : index
    %swap3A_67 = arith.constant 0 : index
    %swap3A_68 = arith.constant 0 : index
    %swap3A_69 = vector.load %arg9[%swap3A, %swap3A_67, %swap3A_68] : memref<2x1000x64xf32, #tpu.memory_space<vmem>>, vector<1x1000x64xf32>
    %swap3A_70 = vector.shape_cast %swap3A_69 : vector<1x1000x64xf32> to vector<1000x64xf32>
    %swap3A_71 = vector.shape_cast %dot_general3A_66 : vector<1000x64xf32> to vector<1x1000x64xf32>
    tpu.vector_store %arg9[%swap3A, %swap3A_67, %swap3A_68], %swap3A_71 {strides = array<i32>} : memref<2x1000x64xf32, #tpu.memory_space<vmem>>, vector<1x1000x64xf32>,
    %get3A_72 = arith.constant 1 : index
    %get3A_73 = arith.constant 0 : index
    %get3A_74 = arith.constant 0 : index
    %get3A_75 = vector.load %arg7[%get3A_72, %get3A_73, %get3A_74] : memref<2x128x64xf32, #tpu.memory_space<vmem>>, vector<1x128x64xf32>
    %get3A_76 = vector.shape_cast %get3A_75 : vector<1x128x64xf32> to vector<128x64xf32>
    %dot_general3A_77 = arith.constant dense<0.000000e+00> : vector<1000x64xf32>
    %dot_general3A_78 = tpu.matmul %max3A_60, %get3A_76, %dot_general3A_77 {dimension_numbers = #tpu.dot_dimension_numbers<[1], [0], [0], [1], [0, 0, 1, 1], [], []>, transpose_lhs_hint = false} : vector<1000x128xf32>, vector<128x64xf32>, vector<1000x64xf32> -> vector<1000x64xf32>
    %swap3A_79 = arith.constant 1 : index
    %swap3A_80 = arith.constant 0 : index
    %swap3A_81 = arith.constant 0 : index
    %swap3A_82 = vector.load %arg9[%swap3A_79, %swap3A_80, %swap3A_81] : memref<2x1000x64xf32, #tpu.memory_space<vmem>>, vector<1x1000x64xf32>
    %swap3A_83 = vector.shape_cast %swap3A_82 : vector<1x1000x64xf32> to vector<1000x64xf32>
    %swap3A_84 = vector.shape_cast %dot_general3A_78 : vector<1000x64xf32> to vector<1x1000x64xf32>
    tpu.vector_store %arg9[%swap3A_79, %swap3A_80, %swap3A_81], %swap3A_84 {strides = array<i32>} : memref<2x1000x64xf32, #tpu.memory_space<vmem>>, vector<1x1000x64xf32>,
    %get3A_85 = arith.constant 0 : index
    %get3A_86 = arith.constant 0 : index
    %get3A_87 = vector.load %arg8[%get3A_85, %get3A_86] : memref<128x128xf32, #tpu.memory_space<vmem>>, vector<128x128xf32>
    %dot_general3A_88 = arith.constant dense<0.000000e+00> : vector<1000x128xf32>
    %dot_general3A_89 = tpu.matmul %max3A_60, %get3A_87, %dot_general3A_88 {dimension_numbers = #tpu.dot_dimension_numbers<[1], [0], [0], [1], [0, 0, 1, 1], [], []>, transpose_lhs_hint = false} : vector<1000x128xf32>, vector<128x128xf32>, vector<1000x128xf32> -> vector<1000x128xf32>
    %swap3A_90 = arith.constant 0 : index
    %swap3A_91 = arith.constant 0 : index
    %swap3A_92 = vector.load %arg10[%swap3A_90, %swap3A_91] : memref<1000x128xf32, #tpu.memory_space<vmem>>, vector<1000x128xf32>
    tpu.vector_store %arg10[%swap3A_90, %swap3A_91], %dot_general3A_89 {strides = array<i32>} : memref<1000x128xf32, #tpu.memory_space<vmem>>, vector<1000x128xf32>,
    return
  }
  func.func @transform_0(%arg0: i32) -> (i32, i32, i32) {
    %c0_i32 = arith.constant 0 : i32
    %c0_i32_0 = arith.constant 0 : i32
    %c0_i32_1 = arith.constant 0 : i32
    return %c0_i32, %arg0, %c0_i32_0 : i32, i32, i32
  }
  func.func @transform_1(%arg0: i32) -> (i32, i32, i32) {
    %c0_i32 = arith.constant 0 : i32
    %c0_i32_0 = arith.constant 0 : i32
    %c0_i32_1 = arith.constant 0 : i32
    return %c0_i32, %arg0, %c0_i32_0 : i32, i32, i32
  }
  func.func @transform_2(%arg0: i32) -> (i32, i32) {
    %c0_i32 = arith.constant 0 : i32
    %c0_i32_0 = arith.constant 0 : i32
    return %arg0, %c0_i32 : i32, i32
  }
  func.func @transform_3(%arg0: i32) -> (i32, i32) {
    %c0_i32 = arith.constant 0 : i32
    %c0_i32_0 = arith.constant 0 : i32
    %c0_i32_1 = arith.constant 0 : i32
    return %c0_i32, %c0_i32_0 : i32, i32
  }
  func.func @transform_4(%arg0: i32) -> (i32, i32) {
    %c0_i32 = arith.constant 0 : i32
    %c0_i32_0 = arith.constant 0 : i32
    %c0_i32_1 = arith.constant 0 : i32
    return %c0_i32, %c0_i32_0 : i32, i32
  }
  func.func @transform_5(%arg0: i32) -> (i32, i32) {
    %c0_i32 = arith.constant 0 : i32
    %c0_i32_0 = arith.constant 0 : i32
    %c0_i32_1 = arith.constant 0 : i32
    return %c0_i32, %c0_i32_0 : i32, i32
  }
  func.func @transform_6(%arg0: i32) -> (i32, i32, i32) {
    %c0_i32 = arith.constant 0 : i32
    %c0_i32_0 = arith.constant 0 : i32
    %c0_i32_1 = arith.constant 0 : i32
    %c0_i32_2 = arith.constant 0 : i32
    return %c0_i32, %c0_i32_0, %c0_i32_1 : i32, i32, i32
  }
  func.func @transform_7(%arg0: i32) -> (i32, i32) {
    %c0_i32 = arith.constant 0 : i32
    %c0_i32_0 = arith.constant 0 : i32
    %c0_i32_1 = arith.constant 0 : i32
    return %c0_i32, %c0_i32_0 : i32, i32
  }
  func.func @transform_8(%arg0: i32) -> (i32, i32, i32) {
    %c0_i32 = arith.constant 0 : i32
    %c0_i32_0 = arith.constant 0 : i32
    %c0_i32_1 = arith.constant 0 : i32
    return %c0_i32, %arg0, %c0_i32_0 : i32, i32, i32
  }
  func.func @transform_9(%arg0: i32) -> (i32, i32) {
    %c0_i32 = arith.constant 0 : i32
    %c0_i32_0 = arith.constant 0 : i32
    return %arg0, %c0_i32 : i32, i32
  }
}

module attributes {stable_mosaic.version = 14 : i64} {
  func.func @_mid_body(%arg0: i32, %arg1: memref<2x1000x64xf32, #tpu.memory_space<vmem>>, %arg2: memref<2x1000x16xf32, #tpu.memory_space<vmem>>, %arg3: memref<1000x128xf32, #tpu.memory_space<vmem>>, %arg4: memref<1x128xf32, #tpu.memory_space<vmem>>, %arg5: memref<1x128xf32, #tpu.memory_space<vmem>>, %arg6: memref<1x128xf32, #tpu.memory_space<vmem>>, %arg7: memref<128x64xf32, #tpu.memory_space<vmem>>, %arg8: memref<128x64xf32, #tpu.memory_space<vmem>>, %arg9: memref<1000x64xf32, #tpu.memory_space<vmem>>, %arg10: memref<1000x64xf32, #tpu.memory_space<vmem>>) attributes {dimension_semantics = [#tpu.dimension_semantics<arbitrary>], iteration_bounds = array<i64: 10>, scalar_prefetch = 0 : i64, scratch_operands = 0 : i64, tpu.core_type = #tpu.core_type<tc>, window_params = [{transform_indices = @transform_0, window_bounds = array<i64: 2, 1000, 64>}, {transform_indices = @transform_1, window_bounds = array<i64: 2, 1000, 16>}, {transform_indices = @transform_2, window_bounds = array<i64: 1000, 128>}, {pipeline_mode = #tpu.pipeline_mode<synchronous>, transform_indices = @transform_3, window_bounds = array<i64: 1, 128>}, {pipeline_mode = #tpu.pipeline_mode<synchronous>, transform_indices = @transform_4, window_bounds = array<i64: 1, 128>}, {pipeline_mode = #tpu.pipeline_mode<synchronous>, transform_indices = @transform_5, window_bounds = array<i64: 1, 128>}, {pipeline_mode = #tpu.pipeline_mode<synchronous>, transform_indices = @transform_6, window_bounds = array<i64: 128, 64>}, {pipeline_mode = #tpu.pipeline_mode<synchronous>, transform_indices = @transform_7, window_bounds = array<i64: 128, 64>}, {transform_indices = @transform_8, window_bounds = array<i64: 1000, 64>}, {transform_indices = @transform_9, window_bounds = array<i64: 1000, 64>}]} {
    %get3A = arith.constant 0 : index
    %get3A_0 = arith.constant 0 : index
    %get3A_1 = arith.constant 0 : index
    %get3A_2 = vector.load %arg1[%get3A, %get3A_0, %get3A_1] : memref<2x1000x64xf32, #tpu.memory_space<vmem>>, vector<1x1000x64xf32>
    %get3A_3 = vector.shape_cast %get3A_2 : vector<1x1000x64xf32> to vector<1000x64xf32>
    %get3A_4 = arith.constant 1 : index
    %get3A_5 = arith.constant 0 : index
    %get3A_6 = arith.constant 0 : index
    %get3A_7 = vector.load %arg1[%get3A_4, %get3A_5, %get3A_6] : memref<2x1000x64xf32, #tpu.memory_space<vmem>>, vector<1x1000x64xf32>
    %get3A_8 = vector.shape_cast %get3A_7 : vector<1x1000x64xf32> to vector<1000x64xf32>
    %concatenate3A = tpu.concatenate %get3A_3, %get3A_8 in 1 : vector<1000x64xf32>, vector<1000x64xf32> -> vector<1000x128xf32>
    %get3A_9 = arith.constant 0 : index
    %get3A_10 = arith.constant 0 : index
    %get3A_11 = arith.constant 0 : index
    %get3A_12 = vector.load %arg2[%get3A_9, %get3A_10, %get3A_11] : memref<2x1000x16xf32, #tpu.memory_space<vmem>>, vector<1x1000x1xf32>
    %get3A_13 = vector.shape_cast %get3A_12 : vector<1x1000x1xf32> to vector<1000x1xf32>
    %get3A_14 = arith.constant 1 : index
    %get3A_15 = arith.constant 0 : index
    %get3A_16 = arith.constant 0 : index
    %get3A_17 = vector.load %arg2[%get3A_14, %get3A_15, %get3A_16] : memref<2x1000x16xf32, #tpu.memory_space<vmem>>, vector<1x1000x1xf32>
    %get3A_18 = vector.shape_cast %get3A_17 : vector<1x1000x1xf32> to vector<1000x1xf32>
    %add3A = arith.addf %get3A_13, %get3A_18 : vector<1000x1xf32>
    %max3A = arith.constant 1.000000e+00 : f32
    %max3A_19 = vector.broadcast %max3A : f32 to vector<1000x1xf32>
    %max3A_20 = arith.maximumf %add3A, %max3A_19 : vector<1000x1xf32>
    %div3A = vector.broadcast %max3A_20 : vector<1000x1xf32> to vector<1000x128xf32>
    %div3A_21 = arith.divf %concatenate3A, %div3A : vector<1000x128xf32>
    %get3A_22 = arith.constant 0 : index
    %get3A_23 = arith.constant 0 : index
    %get3A_24 = vector.load %arg4[%get3A_22, %get3A_23] : memref<1x128xf32, #tpu.memory_space<vmem>>, vector<1x128xf32>
    %add3A_25 = vector.broadcast %get3A_24 : vector<1x128xf32> to vector<1000x128xf32>
    %add3A_26 = arith.addf %div3A_21, %add3A_25 : vector<1000x128xf32>
    %get3A_27 = arith.constant 0 : index
    %get3A_28 = arith.constant 0 : index
    %get3A_29 = vector.load %arg3[%get3A_27, %get3A_28] : memref<1000x128xf32, #tpu.memory_space<vmem>>, vector<1000x128xf32>
    %add3A_30 = arith.addf %add3A_26, %get3A_29 : vector<1000x128xf32>
    %reduce_sum3A = arith.constant dense<0.000000e+00> : vector<1000xf32>
    %reduce_sum3A_31 = vector.multi_reduction <add>, %add3A_30, %reduce_sum3A [1] : vector<1000x128xf32> to vector<1000xf32>
    %broadcast_in_dim3A = vector.shape_cast %reduce_sum3A_31 : vector<1000xf32> to vector<1000x1xf32>
    %div3A_32 = arith.constant 1.280000e+02 : f32
    %div3A_33 = vector.broadcast %div3A_32 : f32 to vector<1000x1xf32>
    %div3A_34 = arith.divf %broadcast_in_dim3A, %div3A_33 : vector<1000x1xf32>
    %sub3A = vector.broadcast %div3A_34 : vector<1000x1xf32> to vector<1000x128xf32>
    %sub3A_35 = arith.subf %add3A_30, %sub3A : vector<1000x128xf32>
    %integer_pow3A = arith.mulf %sub3A_35, %sub3A_35 : vector<1000x128xf32>
    %reduce_sum3A_36 = arith.constant dense<0.000000e+00> : vector<1000xf32>
    %reduce_sum3A_37 = vector.multi_reduction <add>, %integer_pow3A, %reduce_sum3A_36 [1] : vector<1000x128xf32> to vector<1000xf32>
    %broadcast_in_dim3A_38 = vector.shape_cast %reduce_sum3A_37 : vector<1000xf32> to vector<1000x1xf32>
    %div3A_39 = arith.constant 1.280000e+02 : f32
    %div3A_40 = vector.broadcast %div3A_39 : f32 to vector<1000x1xf32>
    %div3A_41 = arith.divf %broadcast_in_dim3A_38, %div3A_40 : vector<1000x1xf32>
    %sub3A_42 = vector.broadcast %div3A_34 : vector<1000x1xf32> to vector<1000x128xf32>
    %sub3A_43 = arith.subf %add3A_30, %sub3A_42 : vector<1000x128xf32>
    %add3A_44 = arith.constant 9.99999974E-6 : f32
    %add3A_45 = vector.broadcast %add3A_44 : f32 to vector<1000x1xf32>
    %add3A_46 = arith.addf %div3A_41, %add3A_45 : vector<1000x1xf32>
    %sqrt3A = math.sqrt %add3A_46 : vector<1000x1xf32>
    %div3A_47 = vector.broadcast %sqrt3A : vector<1000x1xf32> to vector<1000x128xf32>
    %div3A_48 = arith.divf %sub3A_43, %div3A_47 : vector<1000x128xf32>
    %get3A_49 = arith.constant 0 : index
    %get3A_50 = arith.constant 0 : index
    %get3A_51 = vector.load %arg5[%get3A_49, %get3A_50] : memref<1x128xf32, #tpu.memory_space<vmem>>, vector<1x128xf32>
    %mul3A = vector.broadcast %get3A_51 : vector<1x128xf32> to vector<1000x128xf32>
    %mul3A_52 = arith.mulf %div3A_48, %mul3A : vector<1000x128xf32>
    %get3A_53 = arith.constant 0 : index
    %get3A_54 = arith.constant 0 : index
    %get3A_55 = vector.load %arg6[%get3A_53, %get3A_54] : memref<1x128xf32, #tpu.memory_space<vmem>>, vector<1x128xf32>
    %add3A_56 = vector.broadcast %get3A_55 : vector<1x128xf32> to vector<1000x128xf32>
    %add3A_57 = arith.addf %mul3A_52, %add3A_56 : vector<1000x128xf32>
    %max3A_58 = arith.constant 0.000000e+00 : f32
    %max3A_59 = vector.broadcast %max3A_58 : f32 to vector<1000x128xf32>
    %max3A_60 = arith.maximumf %add3A_57, %max3A_59 : vector<1000x128xf32>
    %get3A_61 = arith.constant 0 : index
    %get3A_62 = arith.constant 0 : index
    %get3A_63 = vector.load %arg7[%get3A_61, %get3A_62] : memref<128x64xf32, #tpu.memory_space<vmem>>, vector<128x64xf32>
    %dot_general3A = arith.constant dense<0.000000e+00> : vector<1000x64xf32>
    %dot_general3A_64 = tpu.matmul %max3A_60, %get3A_63, %dot_general3A {dimension_numbers = #tpu.dot_dimension_numbers<[1], [0], [0], [1], [0, 0, 1, 1], [], []>, transpose_lhs_hint = false} : vector<1000x128xf32>, vector<128x64xf32>, vector<1000x64xf32> -> vector<1000x64xf32>
    %swap3A = arith.constant 0 : index
    %swap3A_65 = arith.constant 0 : index
    %swap3A_66 = vector.load %arg9[%swap3A, %swap3A_65] : memref<1000x64xf32, #tpu.memory_space<vmem>>, vector<1000x64xf32>
    tpu.vector_store %arg9[%swap3A, %swap3A_65], %dot_general3A_64 {strides = array<i32>} : memref<1000x64xf32, #tpu.memory_space<vmem>>, vector<1000x64xf32>,
    %get3A_67 = arith.constant 0 : index
    %get3A_68 = arith.constant 0 : index
    %get3A_69 = vector.load %arg8[%get3A_67, %get3A_68] : memref<128x64xf32, #tpu.memory_space<vmem>>, vector<128x64xf32>
    %dot_general3A_70 = arith.constant dense<0.000000e+00> : vector<1000x64xf32>
    %dot_general3A_71 = tpu.matmul %max3A_60, %get3A_69, %dot_general3A_70 {dimension_numbers = #tpu.dot_dimension_numbers<[1], [0], [0], [1], [0, 0, 1, 1], [], []>, transpose_lhs_hint = false} : vector<1000x128xf32>, vector<128x64xf32>, vector<1000x64xf32> -> vector<1000x64xf32>
    %swap3A_72 = arith.constant 0 : index
    %swap3A_73 = arith.constant 0 : index
    %swap3A_74 = vector.load %arg10[%swap3A_72, %swap3A_73] : memref<1000x64xf32, #tpu.memory_space<vmem>>, vector<1000x64xf32>
    tpu.vector_store %arg10[%swap3A_72, %swap3A_73], %dot_general3A_71 {strides = array<i32>} : memref<1000x64xf32, #tpu.memory_space<vmem>>, vector<1000x64xf32>,
    return
  }
  func.func @transform_0(%arg0: i32) -> (i32, i32, i32) {
    %c0_i32 = arith.constant 0 : i32
    %c0_i32_0 = arith.constant 0 : i32
    %c0_i32_1 = arith.constant 0 : i32
    return %c0_i32, %arg0, %c0_i32_0 : i32, i32, i32
  }
  func.func @transform_1(%arg0: i32) -> (i32, i32, i32) {
    %c0_i32 = arith.constant 0 : i32
    %c0_i32_0 = arith.constant 0 : i32
    %c0_i32_1 = arith.constant 0 : i32
    return %c0_i32, %arg0, %c0_i32_0 : i32, i32, i32
  }
  func.func @transform_2(%arg0: i32) -> (i32, i32) {
    %c0_i32 = arith.constant 0 : i32
    %c0_i32_0 = arith.constant 0 : i32
    return %arg0, %c0_i32 : i32, i32
  }
  func.func @transform_3(%arg0: i32) -> (i32, i32) {
    %c0_i32 = arith.constant 0 : i32
    %c0_i32_0 = arith.constant 0 : i32
    %c0_i32_1 = arith.constant 0 : i32
    return %c0_i32, %c0_i32_0 : i32, i32
  }
  func.func @transform_4(%arg0: i32) -> (i32, i32) {
    %c0_i32 = arith.constant 0 : i32
    %c0_i32_0 = arith.constant 0 : i32
    %c0_i32_1 = arith.constant 0 : i32
    return %c0_i32, %c0_i32_0 : i32, i32
  }
  func.func @transform_5(%arg0: i32) -> (i32, i32) {
    %c0_i32 = arith.constant 0 : i32
    %c0_i32_0 = arith.constant 0 : i32
    %c0_i32_1 = arith.constant 0 : i32
    return %c0_i32, %c0_i32_0 : i32, i32
  }
  func.func @transform_6(%arg0: i32) -> (i32, i32) {
    %c0_i32 = arith.constant 0 : i32
    %c0_i32_0 = arith.constant 0 : i32
    %c0_i32_1 = arith.constant 0 : i32
    return %c0_i32, %c0_i32_0 : i32, i32
  }
  func.func @transform_7(%arg0: i32) -> (i32, i32) {
    %c0_i32 = arith.constant 0 : i32
    %c0_i32_0 = arith.constant 0 : i32
    %c0_i32_1 = arith.constant 0 : i32
    return %c0_i32, %c0_i32_0 : i32, i32
  }
  func.func @transform_8(%arg0: i32) -> (i32, i32) {
    %c0_i32 = arith.constant 0 : i32
    %c0_i32_0 = arith.constant 0 : i32
    return %arg0, %c0_i32 : i32, i32
  }
  func.func @transform_9(%arg0: i32) -> (i32, i32) {
    %c0_i32 = arith.constant 0 : i32
    %c0_i32_0 = arith.constant 0 : i32
    return %arg0, %c0_i32 : i32, i32
  }
}

module attributes {stable_mosaic.version = 14 : i64} {
  func.func @_fin_body(%arg0: i32, %arg1: memref<2x1000x64xf32, #tpu.memory_space<vmem>>, %arg2: memref<2x1000x16xf32, #tpu.memory_space<vmem>>, %arg3: memref<1000x64xf32, #tpu.memory_space<vmem>>, %arg4: memref<1x64xf32, #tpu.memory_space<vmem>>, %arg5: memref<1000x64xf32, #tpu.memory_space<vmem>>) attributes {dimension_semantics = [#tpu.dimension_semantics<arbitrary>], iteration_bounds = array<i64: 10>, scalar_prefetch = 0 : i64, scratch_operands = 0 : i64, tpu.core_type = #tpu.core_type<tc>, window_params = [{transform_indices = @transform_0, window_bounds = array<i64: 2, 1000, 64>}, {transform_indices = @transform_1, window_bounds = array<i64: 2, 1000, 16>}, {transform_indices = @transform_2, window_bounds = array<i64: 1000, 64>}, {pipeline_mode = #tpu.pipeline_mode<synchronous>, transform_indices = @transform_3, window_bounds = array<i64: 1, 64>}, {transform_indices = @transform_4, window_bounds = array<i64: 1000, 64>}]} {
    %get3A = arith.constant 0 : index
    %get3A_0 = arith.constant 0 : index
    %get3A_1 = arith.constant 0 : index
    %get3A_2 = vector.load %arg1[%get3A, %get3A_0, %get3A_1] : memref<2x1000x64xf32, #tpu.memory_space<vmem>>, vector<1x1000x64xf32>
    %get3A_3 = vector.shape_cast %get3A_2 : vector<1x1000x64xf32> to vector<1000x64xf32>
    %get3A_4 = arith.constant 1 : index
    %get3A_5 = arith.constant 0 : index
    %get3A_6 = arith.constant 0 : index
    %get3A_7 = vector.load %arg1[%get3A_4, %get3A_5, %get3A_6] : memref<2x1000x64xf32, #tpu.memory_space<vmem>>, vector<1x1000x64xf32>
    %get3A_8 = vector.shape_cast %get3A_7 : vector<1x1000x64xf32> to vector<1000x64xf32>
    %add3A = arith.addf %get3A_3, %get3A_8 : vector<1000x64xf32>
    %get3A_9 = arith.constant 0 : index
    %get3A_10 = arith.constant 0 : index
    %get3A_11 = arith.constant 0 : index
    %get3A_12 = vector.load %arg2[%get3A_9, %get3A_10, %get3A_11] : memref<2x1000x16xf32, #tpu.memory_space<vmem>>, vector<1x1000x1xf32>
    %get3A_13 = vector.shape_cast %get3A_12 : vector<1x1000x1xf32> to vector<1000x1xf32>
    %get3A_14 = arith.constant 1 : index
    %get3A_15 = arith.constant 0 : index
    %get3A_16 = arith.constant 0 : index
    %get3A_17 = vector.load %arg2[%get3A_14, %get3A_15, %get3A_16] : memref<2x1000x16xf32, #tpu.memory_space<vmem>>, vector<1x1000x1xf32>
    %get3A_18 = vector.shape_cast %get3A_17 : vector<1x1000x1xf32> to vector<1000x1xf32>
    %add3A_19 = arith.addf %get3A_13, %get3A_18 : vector<1000x1xf32>
    %max3A = arith.constant 1.000000e+00 : f32
    %max3A_20 = vector.broadcast %max3A : f32 to vector<1000x1xf32>
    %max3A_21 = arith.maximumf %add3A_19, %max3A_20 : vector<1000x1xf32>
    %div3A = vector.broadcast %max3A_21 : vector<1000x1xf32> to vector<1000x64xf32>
    %div3A_22 = arith.divf %add3A, %div3A : vector<1000x64xf32>
    %get3A_23 = arith.constant 0 : index
    %get3A_24 = arith.constant 0 : index
    %get3A_25 = vector.load %arg4[%get3A_23, %get3A_24] : memref<1x64xf32, #tpu.memory_space<vmem>>, vector<1x64xf32>
    %add3A_26 = vector.broadcast %get3A_25 : vector<1x64xf32> to vector<1000x64xf32>
    %add3A_27 = arith.addf %div3A_22, %add3A_26 : vector<1000x64xf32>
    %get3A_28 = arith.constant 0 : index
    %get3A_29 = arith.constant 0 : index
    %get3A_30 = vector.load %arg3[%get3A_28, %get3A_29] : memref<1000x64xf32, #tpu.memory_space<vmem>>, vector<1000x64xf32>
    %add3A_31 = arith.addf %add3A_27, %get3A_30 : vector<1000x64xf32>
    %swap3A = arith.constant 0 : index
    %swap3A_32 = arith.constant 0 : index
    %swap3A_33 = vector.load %arg5[%swap3A, %swap3A_32] : memref<1000x64xf32, #tpu.memory_space<vmem>>, vector<1000x64xf32>
    tpu.vector_store %arg5[%swap3A, %swap3A_32], %add3A_31 {strides = array<i32>} : memref<1000x64xf32, #tpu.memory_space<vmem>>, vector<1000x64xf32>,
    return
  }
  func.func @transform_0(%arg0: i32) -> (i32, i32, i32) {
    %c0_i32 = arith.constant 0 : i32
    %c0_i32_0 = arith.constant 0 : i32
    %c0_i32_1 = arith.constant 0 : i32
    return %c0_i32, %arg0, %c0_i32_0 : i32, i32, i32
  }
  func.func @transform_1(%arg0: i32) -> (i32, i32, i32) {
    %c0_i32 = arith.constant 0 : i32
    %c0_i32_0 = arith.constant 0 : i32
    %c0_i32_1 = arith.constant 0 : i32
    return %c0_i32, %arg0, %c0_i32_0 : i32, i32, i32
  }
  func.func @transform_2(%arg0: i32) -> (i32, i32) {
    %c0_i32 = arith.constant 0 : i32
    %c0_i32_0 = arith.constant 0 : i32
    return %arg0, %c0_i32 : i32, i32
  }
  func.func @transform_3(%arg0: i32) -> (i32, i32) {
    %c0_i32 = arith.constant 0 : i32
    %c0_i32_0 = arith.constant 0 : i32
    %c0_i32_1 = arith.constant 0 : i32
    return %c0_i32, %c0_i32_0 : i32, i32
  }
  func.func @transform_4(%arg0: i32) -> (i32, i32) {
    %c0_i32 = arith.constant 0 : i32
    %c0_i32_0 = arith.constant 0 : i32
    return %arg0, %c0_i32 : i32, i32
  }
}

</mosaic_0001>

<sc_bundles>
// kernel: kernel.12.cloned.1.call-start
scs
__scs_entry_jumppad:
0x0: {  	(pc) =	sbr.rel $0x88, $3  }
0x1: {  	(tag) =	ssettag $0x0;
	lr =	simm.s32 $0x1  }
0x2: {  	[smem:$0x3F94] =	sst lr;
	_ =	strace $0xD0000000  }
0x3: {  	_ = 	snop  }
0x4: {  	_ = 	snop  }
0x5: {  	_ = 	snop  }
0x6: {  	_ = 	snop  }
0x7: {  	_ = 	snop  }
__scs_overlays_trampoline_lowered:
0x8: {  	[smem:$0x3FA3] =	sst s0  }
0x9: {  	[smem:$0x3FA4] =	sst s1  }
0xa: {  	[smem:$0x3FA5] =	sst s2  }
0xb: {  	[smem:$0x3FA6] =	sst s3  }
0xc: {  	[smem:$0x3FA7] =	sst s4  }
0xd: {  	[smem:$0x3FA8] =	sst s5  }
0xe: {  	[smem:$0x3FA9] =	sst s6  }
0xf: {  	[smem:$0x3FAA] =	sst s7  }
0x10: {  	[smem:$0x3FAB] =	sst s8  }
0x11: {  	[smem:$0x3FAC] =	sst s9;
	s0 =	simm.s32 @!p0 $0x0  }
0x12: {  	s1 =	sld [smem:$0x3F92];
	s0 =	simm.s32 @p0 $0x1  }
0x13: {  	[smem:$0x3FAD] =	sst s0;
	s0 =	simm.s32 @!p1 $0x0  }
0x14: {  	s2 =	sld [smem:$0x3F91];
	s0 =	simm.s32 @p1 $0x1  }
0x15: {  	[smem:$0x3FAE] =	sst s0;
	s0 =	simm.s32 @!p2 $0x0  }
0x16: {  	s3 =	sld [smem:$0x3FDB];
	s0 =	simm.s32 @p2 $0x1  }
0x17: {  	s4 =	simm.s32 $0x1BF5;
	[smem:$0x3FB0] =	sst s0  }
0x18: {  	s0 =	sld [smem:$0x3F93];
	_ =	swait.ge [sflag:s4], $0x0  }
0x19: {  	s7 =	sld [smem:$0x3F94]  }
0x1a: {  	s8 =	sadd.s32 $0xFFFFE003, lr  }
0x1b: {  	s9 =	sadd.s32 $0xFFFFFEF7, lr;
	s5 =	simm.s32 $0xFFFFFFFF;
	p2 =	slt.u32 s8, $0xFFFFF086  }
0x1c: {  	p1 =	slt.u32 s9, $0xF7A;
	s5 =	simm.s32 @!p2 $0x0  }
0x1d: {  	s5 =	simm.s32 @p1 $0x1;
	p0 =	seq.s32 s7, s2  }
0x1e: {  	s7 =	smul.u32 @!p0 $0xF7A, s2;
	p2 =	seq.s32 @!p0 s5, $0x0  }
0x1f: {  	s9 =	smul.u32 $0xF7A, s1;
	s8 =	simm.s32 @!p0 $0x1BF5;
	p2 =	por !p2, p0  }
0x20: {  	[sflag:s8] =	ssyncset.s32 @!p0 $0xFFFFF086;
	s6 =	sadd.s32 @!p0 s3, s7;
	s7 =	simm.s32 @!p0 $0x108  }
0x21: {  	s3 =	sadd.s32 s3, s9;
	s6 =	sadd.s32 @!p0 $0x88, s6;
	s7 =	simm.s32 @p2 $0x1082  }
0x22: {  	[simem:s7], [sflag:s8] =	dma.local @!p0 [hbm:s6], $0xF7A  }
0x23: {  	s9 =	sor.u32 $0xD0000000, s2;
	s6 =	simm.s32 $0x108;
	_ =	swait.ge @!p0 [sflag:s8], $0x0  }
0x24: {  	s3 =	sadd.s32 $0x88, s3;
	s6 =	simm.s32 @!p1 $0x1082;
	[sflag:s4] =	ssyncset.s32 $0xFFFFF086  }
0x25: {  	[simem:s6], [sflag:s4] =	dma.local [hbm:s3], $0xF7A  }
0x26: {  	[smem:$0x3F94] =	sst s1;
	(tag) =	ssettag s2;
	_ =	strace s9  }
0x27: {  	s1 =	sld [smem:$0x3FA4]  }
0x28: {  	s2 =	sld [smem:$0x3FA5]  }
0x29: {  	s4 =	sld [smem:$0x3FA7]  }
0x2a: {  	p0 =	seq.s32 s5, $0x0;
	s5 =	sld [smem:$0x3FA8]  }
0x2b: {  	s6 =	sld [smem:$0x3FA9]  }
0x2c: {  	s7 =	sld [smem:$0x3FAA]  }
0x2d: {  	s3 =	simm.s32 $0x108;
	s8 =	sld [smem:$0x3FAB]  }
0x2e: {  	s3 =	simm.s32 @!p0 $0x1082;
	s9 =	sld [smem:$0x3FAC]  }
0x2f: {  	lr =	sadd.s32 s0, s3;
	s0 =	sld [smem:$0x3FA3]  }
0x30: {  	s3 =	sld [smem:$0x3FA6]  }
0x31: {  	[smem:$0x3FAF] =	sst s10  }
0x32: {  	s10 =	sld [smem:$0x3FAD];
	_ =	sdelay $0x3  }
0x33: {  	p0 =	seq.s32 s10, $0x1;
	s10 =	sld [smem:$0x3FAF];
	_ =	sdelay $0x3  }
0x34: {  	[smem:$0x3FAF] =	sst s10  }
0x35: {  	s10 =	sld [smem:$0x3FAE];
	_ =	sdelay $0x3  }
0x36: {  	p1 =	seq.s32 s10, $0x1;
	s10 =	sld [smem:$0x3FAF];
	_ =	sdelay $0x3  }
0x37: {  	[smem:$0x3FAF] =	sst s10  }
0x38: {  	s10 =	sld [smem:$0x3FB0]  }
0x39: {  	_ = 	snop;
	(pc) =	sbr.ind lr, $3  }
0x3a: {  	_ = 	snop  }
0x3b: {  	_ = 	snop  }
0x3c: {  	p2 =	seq.s32 s10, $0x1;
	s10 =	sld [smem:$0x3FAF]  }
0x3d: {  	_ =	shalt  }
0x3e: {  	_ =	shalt  }
0x3f: {  	_ =	shalt  }
0x40: {  	_ =	shalt  }
0x41: {  	_ =	shalt  }
0x42: {  	_ =	shalt  }
0x43: {  	_ =	shalt  }
0x44: {  	_ =	shalt  }
0x45: {  	_ =	shalt  }
0x46: {  	_ =	shalt  }
0x47: {  	_ =	shalt  }
0x48: {  	_ =	shalt  }
0x49: {  	_ =	shalt  }
0x4a: {  	_ =	shalt  }
0x4b: {  	_ =	shalt  }
0x4c: {  	_ =	shalt  }
0x4d: {  	_ =	shalt  }
0x4e: {  	_ =	shalt  }
0x4f: {  	_ =	shalt  }
0x50: {  	_ =	shalt  }
0x51: {  	_ =	shalt  }
0x52: {  	_ =	shalt  }
0x53: {  	_ =	shalt  }
0x54: {  	_ =	shalt  }
0x55: {  	_ =	shalt  }
0x56: {  	_ =	shalt  }
0x57: {  	_ =	shalt  }
0x58: {  	_ =	shalt  }
0x59: {  	_ =	shalt  }
0x5a: {  	_ =	shalt  }
0x5b: {  	_ =	shalt  }
0x5c: {  	_ =	shalt  }
0x5d: {  	_ =	shalt  }
0x5e: {  	_ =	shalt  }
0x5f: {  	_ =	shalt  }
0x60: {  	_ =	shalt  }
0x61: {  	_ =	shalt  }
0x62: {  	_ =	shalt  }
0x63: {  	_ =	shalt  }
0x64: {  	_ =	shalt  }
0x65: {  	_ =	shalt  }
0x66: {  	_ =	shalt  }
0x67: {  	_ =	shalt  }
0x68: {  	_ =	shalt  }
0x69: {  	_ =	shalt  }
0x6a: {  	_ =	shalt  }
0x6b: {  	_ =	shalt  }
0x6c: {  	_ =	shalt  }
0x6d: {  	_ =	shalt  }
0x6e: {  	_ =	shalt  }
0x6f: {  	_ =	shalt  }
0x70: {  	_ =	shalt  }
0x71: {  	_ =	shalt  }
0x72: {  	_ =	shalt  }
0x73: {  	_ =	shalt  }
0x74: {  	_ =	shalt  }
0x75: {  	_ =	shalt  }
0x76: {  	_ =	shalt  }
0x77: {  	_ =	shalt  }
0x78: {  	_ =	shalt  }
0x79: {  	_ =	shalt  }
0x7a: {  	_ =	shalt  }
0x7b: {  	_ =	shalt  }
0x7c: {  	_ =	shalt  }
0x7d: {  	_ =	shalt  }
0x7e: {  	_ =	shalt  }
0x7f: {  	_ =	shalt  }
0x80: {  	_ =	shalt  }
0x81: {  	_ =	shalt  }
0x82: {  	_ =	shalt  }
0x83: {  	_ =	shalt  }
0x84: {  	_ =	shalt  }
0x85: {  	_ =	shalt  }
0x86: {  	_ =	shalt  }
0x87: {  	_ =	shalt  }
.Lfunc_end0:
.L_simem_size_0:
called_computation.1_lowered:
.L_overlay_start_0:
0x88: {  	s2 =	sld [smem:$0x3FD9]  }
0x89: {  	s3 =	sld [smem:$0x3FFE];
	_ =	sdelay $0x1  }
0x8a: {  	s1 =	srdreg.scid  }
0x8b: {  	s0 =	sand.u32 $0x1, s1  }
0x8c: {  	s17 =	sshll.u32 s0, $0xA;
	s2 =	sadd.s32 s3, s2  }
0x8d: {  	s2 =	sadd.s32 s2, s17  }
0x8e: {  	[smem:$0x3FBB] =	sst s2  }
0x8f: {  	_ = 	snop  }
0x90: {  	s2 =	sld [smem:$0x3FD0];
	(tm) =	ssettm $0x1  }
0x91: {  	s18 =	sld [smem:$0x3FFB];
	_ =	sdelay $0x3  }
0x92: {  	_ =	strace s18  }
0x93: {  	s3 =	sld [smem:$0x3FFC];
	_ =	sdelay $0x3  }
0x94: {  	_ =	strace s3  }
0x95: {  	s3 =	sld [smem:$0x3FFD];
	_ =	sdelay $0x3  }
0x96: {  	_ =	strace s3  }
0x97: {  	_ =	strace $0x8FFFFFFF  }
0x98: {  	s19 =	sld [smem:$0x3FDB];
	_ =	sdelay $0x1  }
0x99: {  	s4 =	simm.s32 $_scs_section_size  }
0x9a: {  	s5 =	simm.s32 $_size__tile_overlayer_lowered;
	s6 =	simm.s32 $_tile_overlayer_lowered  }
0x9b: {  	s22 =	simm.s32 $0x1BFF;
	s21 =	sshll.u32 s6, $0x1;
	s3 =	sadd.s32 s4, s19  }
0x9c: {  	s7 =	simm.s32 $0x0;
	s20 =	sshll.u32 s5, $0x1;
	s5 =	sadd.s32 s21, s3  }
0x9d: {  	[timem:s7], [sflag:s22] =	dma.local [hbm:s5], s20  }
0x9e: {  	_ =	swait.ge [sflag:s22], s20  }
0x9f: {  	s4 =	ssub.s32 $0x0, s20;
	[sflag:s22] =	ssyncset.done $0x0  }
0xa0: {  	[sflag:s22] =	ssyncadd.s32 s4;
	_ =	sdelay $0x1  }
0xa1: {  	s23 =	simm.s32 $0x1B8B  }
0xa2: {  	_ =	swait.ge [sflag:s23], $0x1  }
0xa3: {  	[sflag:s23] =	ssyncset.done $0x0  }
0xa4: {  	s25 =	simm.s32 $0x1B8E;
	s24 =	sld [smem:$0x3FFE];
	[sflag:s23] =	ssyncadd.s32 $0xFFFFFFFF  }
0xa5: {  	s26 =	simm.s32 $execute0_lowered;
	[smem:$0x3FD2] =	sst s25  }
0xa6: {  	s5 =	sshll.u32 s26, $0x1;
	_ =	strace $0x80000049;
	[dreg:$0x1] =	wrdreg $0xFFFFFFFF  }
0xa7: {  	s28 =	simm.s32 $_size_execute0_lowered;
	s3 =	sadd.s32 s3, s5;
	[dreg:$0x0] =	wrdreg $0x0  }
0xa8: {  	s5 =	sshll.u32 s28, $0x1;
	[dreg:$0x2] =	wrdreg s3  }
0xa9: {  	[dreg:$0x3] =	wrdreg s5  }
0xaa: {  	[dreg:$0x4] =	wrdreg $0xC0  }
0xab: {  	_ =	task [dreg:s7], $0x5FFFF  }
0xac: {  	[dreg:$0x1] =	wrdreg $0xFFFFFFFF  }
0xad: {  	[dreg:$0x0] =	wrdreg $0x60  }
0xae: {  	[dreg:$0x2] =	wrdreg s24  }
0xaf: {  	[dreg:$0x3] =	wrdreg s2  }
0xb0: {  	[dreg:$0x4] =	wrdreg $0x140000  }
0xb1: {  	[dreg:$0x5] =	wrdreg $0x9  }
0xb2: {  	_ =	task.clear_ibuf [dreg:s7], $0x6FFFF;
	_ =	strace $0x90000049  }
0xb3: {  	s29 =	simm.s32 $0x9;
	_ =	strace $0x8000004B  }
0xb4: {  	_ =	swait.ge [sflag:s29], $0x1  }
0xb5: {  	[sflag:s29] =	ssyncadd.s32 $0xFFFFFFFF  }
0xb6: {  	_ =	strace $0x9000004B  }
0xb7: {  	_ =	sfence  }
0xb8: {  	s30 =	sld [smem:$0x0];
	_ =	sdelay $0x2  }
0xb9: {  	s31 =	sshll.u32 s1, $0xD;
	s1 =	sshrl.u32 s1, $0x2  }
0xba: {  	s3 =	sand.u32 $0x4000, s31;
	s1 =	sadd.s32 s1, s30  }
0xbb: {  	s0 =	sor.u32 s3, s0;
	s1 =	sshll.u32 s1, $0x11  }
0xbc: {  	s0 =	sor.u32 s1, s0  }
0xbd: {  	s0 =	sadd.s32 $0x8F2B, s0  }
0xbe: {  	[sflag:s0] =	ssyncadd.remote.s32 $0x1  }
0xbf: {  	_ =	sfence.sel $0xFFFF  }
0xc0: {  	[dreg:$0x0] =	wrdreg $0xFFFFFFFF;
	(pc) =	sbr.abs _section_cstart, $3  }
0xc1: {  	[dreg:$0x1] =	wrdreg $0xFFFFFFFF  }
0xc2: {  	_ =	task.clear_ibuf [dreg:s7], $0x2FFFF;
	_ =	strace $0x9FFFFFFF  }
0xc3: {  	(tm) =	ssettm $0x7FFFFFFF  }
tec
execute0_lowered:
.L_overlay_start_1:
0x0: {  	(tag) =	ssettag $0x1  }
0x1: {  	s0 =	rddreg [dreg:$0x0]  }
0x2: {  	s1 =	rddreg [dreg:$0x1]  }
0x3: {  	s2 =	rddreg [dreg:$0x2];
	s4 =	srdreg.scid  }
0x4: {  	s12 =	stileid.u32;
	s3 =	simm.s32 $0x0;
	s13 =	simm.s32 $0x5000  }
0x5: {  	s14 =	simm.s32 $0x80;
	s15 =	simm.s32 $0xA000;
	s16 =	simm.s32 $0xC000  }
0x6: {  	s18 =	simm.s32 $0xE000;
	s20 =	simm.s32 $0x10000;
	s21 =	simm.s32 $0x1  }
0x7: {  	s23 =	simm.s32 $0x12000;
	s29 =	simm.s32 $0x3;
	s31 =	simm.s32 $0x7  }
0x8: {  	s19 =	simm.s32 $0x8;
	s30 =	simm.s32 $0x9;
	s5 =	smul.u32 $0x9E00, s12  }
0x9: {  	s28 =	simm.s32 $0x0;
	s4 =	sand.u32 $0x1, s4;
	s8 =	smul.u32 $0xA00, s12  }
0xa: {  	[smem:$0x7FF] =	sst s3;
	s26 =	sshll.u32 s12, $0x6;
	s6 =	smul.u32 $0x9E000, s4  }
0xb: {  	s12 =	simm.s32 $0xB;
	s7 =	smul.u32 $0x13880, s4;
	s4 =	ssub.s32 $0x2, s4  }
0xc: {  	_ =	strace $0x8000004A;
	s24 =	sshrl.u32 s4, $0x1;
	s8 =	sadd.s32 s8, s0  }
0xd: {  	s11 =	sadd.s32 s5, s2;
	s25 =	sshrl.u32 s5, $0x3;
	s6 =	sadd.s32 s5, s6  }
0xe: {  	s9 =	sadd.s32 s7, s0;
	s10 =	ssub.s32 s4, s24;
	s1 =	sadd.s32 s1, s25  }
0xf: {  	s5 =	sor.u32 $0x1C0B, s26;
	s7 =	sadd.s32 $0x2EA00, s8;
	s11 =	sshrl.u32 s11, $0x3  }
0x10: {  	s24 =	simm.s32 $0x2;
	s26 =	simm.s32 $0x6;
	s25 =	simm.s32 $0x5  }
0x11: {  	s6 =	sshrl.u32 s6, $0x3;
	[dreg:$0x4] =	wrdreg s1;
	s10 =	smax.u32 s10, $0x1  }
0x12: {  	s1 =	simm.s32 $0x4;
	s0 =	sadd.s32 s6, s0;
	s6 =	sadd.s32 $0x38A00, s8  }
0x13: {  	s8 =	sadd.s32 $0x2800, s9;
	s9 =	sadd.s32 $0x42A00, s0;
	s0 =	simm.s32 $0xA  }
.LBB2_1:
0x14: {  	s4 =	rddreg [dreg:$0x4]  }
0x15: {  	[spmem:s11], [sflag:s5] =	dma.local [hbm:s4], $0x13C0  }
0x16: {  	_ =	swait.ge [sflag:s12], $0x13C0  }
0x17: {  	[sflag:s12] =	ssyncset.done $0x0  }
0x18: {  	[sflag:s12] =	ssyncadd.s32 $0xFFFFEC40  }
0x19: {  	[tilespmem:s3], [sflag:$0xB] =	stream.linear.gather [hbm4b:s6+s3], $0x5000, $0x38;
	[tilespmem:$0x1DE00] =	vst v63  }
0x1a: {  	_ =	swait.ge [sflag:s12], $0x5000  }
0x1b: {  	[sflag:s12] =	ssyncset.done $0x0  }
0x1c: {  	[sflag:s12] =	ssyncadd.s32 $0xFFFFB000  }
0x1d: {  	[tilespmem:s13], [sflag:$0xB] =	stream.linear.gather [hbm4b:s7+s3], $0x5000, $0x38;
	[tilespmem:$0x1DE00] =	vst v63  }
0x1e: {  	_ =	swait.ge [sflag:s12], $0x5000  }
0x1f: {  	[sflag:s12] =	ssyncset.done $0x0  }
0x20: {  	[sflag:s12] =	ssyncadd.s32 $0xFFFFB000  }
0x21: {  	[bflag:$0x0] =	sbarrier.arrive $0xFFFF  }
0x22: {  	[tilespmem:s15], [sflag:$0x1] =	stream.indirect.gather [hbm4b:s8+s14], $0x40, s3, s14, $0xb8;
	[tilespmem:$0x1DE00] =	vst v63  }
0x23: {  	_ = 	snop  }
0x24: {  	[tilespmem:s16], [sflag:$0x2] =	stream.indirect.gather [hbm4b:s8+s14], $0x40, s14, s14, $0xb8;
	[tilespmem:$0x1DE00] =	vst v63  }
0x25: {  	s17 =	simm.s32 $0x100  }
0x26: {  	[tilespmem:s18], [sflag:$0x3] =	stream.indirect.gather [hbm4b:s8+s14], $0x40, s17, s14, $0xb8;
	[tilespmem:$0x1DE00] =	vst v63  }
0x27: {  	s22 =	simm.s32 $0x180  }
0x28: {  	[tilespmem:s20], [sflag:$0x4] =	stream.indirect.gather [hbm4b:s8+s14], $0x40, s22, s14, $0xb8;
	[tilespmem:$0x1DE00] =	vst v63  }
0x29: {  	_ =	swait.ge [sflag:s21], $0x2000  }
0x2a: {  	[sflag:s21] =	ssyncset.done $0x0  }
0x2b: {  	[sflag:s21] =	ssyncadd.s32 $0xFFFFE000  }
0x2c: {  	[spmem:s2] =	stream.indirect.scatter.add.f32 [tilespmem:s15], [sflag:$0x6], $0x40, s13, s14, $0xb8;
	[tilespmem:$0x1DE00] =	vst v63  }
0x2d: {  	s17 =	simm.s32 $0x200  }
0x2e: {  	[tilespmem:s23], [sflag:$0x5] =	stream.indirect.gather [hbm4b:s8+s14], $0x40, s17, s14, $0xb8;
	[tilespmem:$0x1DE00] =	vst v63  }
0x2f: {  	_ =	swait.ge [sflag:s24], $0x2000  }
0x30: {  	[sflag:s24] =	ssyncset.done $0x0  }
0x31: {  	s22 =	simm.s32 $0x5080;
	[sflag:s24] =	ssyncadd.s32 $0xFFFFE000  }
0x32: {  	[spmem:s2] =	stream.indirect.scatter.add.f32 [tilespmem:s16], [sflag:$0x7], $0x40, s22, s14, $0xb8;
	[tilespmem:$0x1DE00] =	vst v63  }
0x33: {  	_ =	swait.ge [sflag:s26], $0x2000  }
0x34: {  	[sflag:s26] =	ssyncset.done $0x0  }
0x35: {  	s17 =	simm.s32 $0x280;
	[sflag:s26] =	ssyncadd.s32 $0xFFFFE000  }
0x36: {  	[tilespmem:s15], [sflag:$0x1] =	stream.indirect.gather [hbm4b:s8+s14], $0x40, s17, s14, $0xb8;
	[tilespmem:$0x1DE00] =	vst v63  }
0x37: {  	_ =	swait.ge [sflag:s29], $0x2000  }
0x38: {  	[sflag:s29] =	ssyncset.done $0x0  }
0x39: {  	s22 =	simm.s32 $0x5100;
	[sflag:s29] =	ssyncadd.s32 $0xFFFFE000  }
0x3a: {  	[spmem:s2] =	stream.indirect.scatter.add.f32 [tilespmem:s18], [sflag:$0x8], $0x40, s22, s14, $0xb8;
	[tilespmem:$0x1DE00] =	vst v63  }
0x3b: {  	_ =	swait.ge [sflag:s31], $0x2000  }
0x3c: {  	[sflag:s31] =	ssyncset.done $0x0  }
0x3d: {  	s17 =	simm.s32 $0x300;
	[sflag:s31] =	ssyncadd.s32 $0xFFFFE000  }
0x3e: {  	[tilespmem:s16], [sflag:$0x2] =	stream.indirect.gather [hbm4b:s8+s14], $0x40, s17, s14, $0xb8;
	[tilespmem:$0x1DE00] =	vst v63  }
0x3f: {  	_ =	swait.ge [sflag:s1], $0x2000  }
0x40: {  	[sflag:s1] =	ssyncset.done $0x0  }
0x41: {  	s22 =	simm.s32 $0x5180;
	[sflag:s1] =	ssyncadd.s32 $0xFFFFE000  }
0x42: {  	[spmem:s2] =	stream.indirect.scatter.add.f32 [tilespmem:s20], [sflag:$0x9], $0x40, s22, s14, $0xb8;
	[tilespmem:$0x1DE00] =	vst v63  }
0x43: {  	_ =	swait.ge [sflag:s19], $0x2000  }
0x44: {  	[sflag:s19] =	ssyncset.done $0x0  }
0x45: {  	s17 =	simm.s32 $0x380;
	[sflag:s19] =	ssyncadd.s32 $0xFFFFE000  }
0x46: {  	[tilespmem:s18], [sflag:$0x3] =	stream.indirect.gather [hbm4b:s8+s14], $0x40, s17, s14, $0xb8;
	[tilespmem:$0x1DE00] =	vst v63  }
0x47: {  	_ =	swait.ge [sflag:s25], $0x2000  }
0x48: {  	[sflag:s25] =	ssyncset.done $0x0  }
0x49: {  	s22 =	simm.s32 $0x5200;
	[sflag:s25] =	ssyncadd.s32 $0xFFFFE000  }
0x4a: {  	[spmem:s2] =	stream.indirect.scatter.add.f32 [tilespmem:s23], [sflag:$0xA], $0x40, s22, s14, $0xb8;
	[tilespmem:$0x1DE00] =	vst v63  }
0x4b: {  	_ =	swait.ge [sflag:s30], $0x2000  }
0x4c: {  	[sflag:s30] =	ssyncset.done $0x0  }
0x4d: {  	s17 =	simm.s32 $0x400;
	[sflag:s30] =	ssyncadd.s32 $0xFFFFE000  }
0x4e: {  	[tilespmem:s20], [sflag:$0x4] =	stream.indirect.gather [hbm4b:s8+s14], $0x40, s17, s14, $0xb8;
	[tilespmem:$0x1DE00] =	vst v63  }
0x4f: {  	_ =	swait.ge [sflag:s21], $0x2000  }
0x50: {  	[sflag:s21] =	ssyncset.done $0x0  }
0x51: {  	s4 =	simm.s32 $0x5280;
	[sflag:s21] =	ssyncadd.s32 $0xFFFFE000  }
0x52: {  	[spmem:s2] =	stream.indirect.scatter.add.f32 [tilespmem:s15], [sflag:$0x6], $0x40, s4, s14, $0xb8;
	[tilespmem:$0x1DE00] =	vst v63  }
0x53: {  	_ =	swait.ge [sflag:s0], $0x2000  }
0x54: {  	[sflag:s0] =	ssyncset.done $0x0  }
0x55: {  	s22 =	simm.s32 $0x480;
	[sflag:s0] =	ssyncadd.s32 $0xFFFFE000  }
0x56: {  	[tilespmem:s23], [sflag:$0x5] =	stream.indirect.gather [hbm4b:s8+s14], $0x40, s22, s14, $0xb8;
	[tilespmem:$0x1DE00] =	vst v63  }
0x57: {  	_ =	swait.ge [sflag:s24], $0x2000  }
0x58: {  	[sflag:s24] =	ssyncset.done $0x0  }
0x59: {  	s4 =	simm.s32 $0x5300;
	[sflag:s24] =	ssyncadd.s32 $0xFFFFE000  }
0x5a: {  	[spmem:s2] =	stream.indirect.scatter.add.f32 [tilespmem:s16], [sflag:$0x7], $0x40, s4, s14, $0xb8;
	[tilespmem:$0x1DE00] =	vst v63  }
0x5b: {  	_ =	swait.ge [sflag:s26], $0x2000  }
0x5c: {  	[sflag:s26] =	ssyncset.done $0x0  }
0x5d: {  	s22 =	simm.s32 $0x500;
	[sflag:s26] =	ssyncadd.s32 $0xFFFFE000  }
0x5e: {  	[tilespmem:s15], [sflag:$0x1] =	stream.indirect.gather [hbm4b:s8+s14], $0x40, s22, s14, $0xb8;
	[tilespmem:$0x1DE00] =	vst v63  }
0x5f: {  	_ =	swait.ge [sflag:s29], $0x2000  }
0x60: {  	[sflag:s29] =	ssyncset.done $0x0  }
0x61: {  	s4 =	simm.s32 $0x5380;
	[sflag:s29] =	ssyncadd.s32 $0xFFFFE000  }
0x62: {  	[spmem:s2] =	stream.indirect.scatter.add.f32 [tilespmem:s18], [sflag:$0x8], $0x40, s4, s14, $0xb8;
	[tilespmem:$0x1DE00] =	vst v63  }
0x63: {  	_ =	swait.ge [sflag:s31], $0x2000  }
0x64: {  	[sflag:s31] =	ssyncset.done $0x0  }
0x65: {  	s22 =	simm.s32 $0x580;
	[sflag:s31] =	ssyncadd.s32 $0xFFFFE000  }
0x66: {  	[tilespmem:s16], [sflag:$0x2] =	stream.indirect.gather [hbm4b:s8+s14], $0x40, s22, s14, $0xb8;
	[tilespmem:$0x1DE00] =	vst v63  }
0x67: {  	_ =	swait.ge [sflag:s1], $0x2000  }
0x68: {  	[sflag:s1] =	ssyncset.done $0x0  }
0x69: {  	s4 =	simm.s32 $0x5400;
	[sflag:s1] =	ssyncadd.s32 $0xFFFFE000  }
0x6a: {  	[spmem:s2] =	stream.indirect.scatter.add.f32 [tilespmem:s20], [sflag:$0x9], $0x40, s4, s14, $0xb8;
	[tilespmem:$0x1DE00] =	vst v63  }
0x6b: {  	_ =	swait.ge [sflag:s19], $0x2000  }
0x6c: {  	[sflag:s19] =	ssyncset.done $0x0  }
0x6d: {  	s22 =	simm.s32 $0x600;
	[sflag:s19] =	ssyncadd.s32 $0xFFFFE000  }
0x6e: {  	[tilespmem:s18], [sflag:$0x3] =	stream.indirect.gather [hbm4b:s8+s14], $0x40, s22, s14, $0xb8;
	[tilespmem:$0x1DE00] =	vst v63  }
0x6f: {  	_ =	swait.ge [sflag:s25], $0x2000  }
0x70: {  	[sflag:s25] =	ssyncset.done $0x0  }
0x71: {  	s17 =	simm.s32 $0xA00;
	s22 =	simm.s32 $0x5480;
	[sflag:s25] =	ssyncadd.s32 $0xFFFFE000  }
.LBB2_2:
0x72: {  	[spmem:s2] =	stream.indirect.scatter.add.f32 [tilespmem:s23], [sflag:$0xA], $0x40, s22, s14, $0xb8;
	[tilespmem:$0x1DE00] =	vst v63  }
0x73: {  	s22 =	smov.u32 s17;
	s17 =	sadd.s32 $0xA00, s17;
	_ =	swait.ge [sflag:s30], $0x2000  }
0x74: {  	s22 =	sshra.s32 s22, $0x2;
	p0 =	sne.s32 s17, $0x12C00;
	[sflag:s30] =	ssyncset.done $0x0  }
0x75: {  	s4 =	sadd.s32 $0x400, s22;
	[sflag:s30] =	ssyncadd.s32 $0xFFFFE000  }
0x76: {  	[tilespmem:s20], [sflag:$0x4] =	stream.indirect.gather [hbm4b:s8+s14], $0x40, s4, s14, $0xb8;
	[tilespmem:$0x1DE00] =	vst v63  }
0x77: {  	_ =	swait.ge [sflag:s21], $0x2000  }
0x78: {  	[sflag:s21] =	ssyncset.done $0x0  }
0x79: {  	s4 =	sadd.s32 $0x5280, s22;
	[sflag:s21] =	ssyncadd.s32 $0xFFFFE000  }
0x7a: {  	[spmem:s2] =	stream.indirect.scatter.add.f32 [tilespmem:s15], [sflag:$0x6], $0x40, s4, s14, $0xb8;
	[tilespmem:$0x1DE00] =	vst v63  }
0x7b: {  	_ =	swait.ge [sflag:s0], $0x2000  }
0x7c: {  	[sflag:s0] =	ssyncset.done $0x0  }
0x7d: {  	s4 =	sadd.s32 $0x480, s22;
	[sflag:s0] =	ssyncadd.s32 $0xFFFFE000  }
0x7e: {  	[tilespmem:s23], [sflag:$0x5] =	stream.indirect.gather [hbm4b:s8+s14], $0x40, s4, s14, $0xb8;
	[tilespmem:$0x1DE00] =	vst v63  }
0x7f: {  	_ =	swait.ge [sflag:s24], $0x2000  }
0x80: {  	[sflag:s24] =	ssyncset.done $0x0  }
0x81: {  	s4 =	sadd.s32 $0x5300, s22;
	[sflag:s24] =	ssyncadd.s32 $0xFFFFE000  }
0x82: {  	[spmem:s2] =	stream.indirect.scatter.add.f32 [tilespmem:s16], [sflag:$0x7], $0x40, s4, s14, $0xb8;
	[tilespmem:$0x1DE00] =	vst v63  }
0x83: {  	_ =	swait.ge [sflag:s26], $0x2000  }
0x84: {  	[sflag:s26] =	ssyncset.done $0x0  }
0x85: {  	s4 =	sadd.s32 $0x500, s22;
	[sflag:s26] =	ssyncadd.s32 $0xFFFFE000  }
0x86: {  	[tilespmem:s15], [sflag:$0x1] =	stream.indirect.gather [hbm4b:s8+s14], $0x40, s4, s14, $0xb8;
	[tilespmem:$0x1DE00] =	vst v63  }
0x87: {  	_ =	swait.ge [sflag:s29], $0x2000  }
0x88: {  	[sflag:s29] =	ssyncset.done $0x0  }
0x89: {  	s4 =	sadd.s32 $0x5380, s22;
	[sflag:s29] =	ssyncadd.s32 $0xFFFFE000  }
0x8a: {  	[spmem:s2] =	stream.indirect.scatter.add.f32 [tilespmem:s18], [sflag:$0x8], $0x40, s4, s14, $0xb8;
	[tilespmem:$0x1DE00] =	vst v63  }
0x8b: {  	_ =	swait.ge [sflag:s31], $0x2000  }
0x8c: {  	[sflag:s31] =	ssyncset.done $0x0  }
0x8d: {  	s4 =	sadd.s32 $0x580, s22;
	[sflag:s31] =	ssyncadd.s32 $0xFFFFE000  }
0x8e: {  	[tilespmem:s16], [sflag:$0x2] =	stream.indirect.gather [hbm4b:s8+s14], $0x40, s4, s14, $0xb8;
	[tilespmem:$0x1DE00] =	vst v63  }
0x8f: {  	_ =	swait.ge [sflag:s1], $0x2000  }
0x90: {  	[sflag:s1] =	ssyncset.done $0x0  }
0x91: {  	s4 =	sadd.s32 $0x5400, s22;
	[sflag:s1] =	ssyncadd.s32 $0xFFFFE000  }
0x92: {  	[spmem:s2] =	stream.indirect.scatter.add.f32 [tilespmem:s20], [sflag:$0x9], $0x40, s4, s14, $0xb8;
	[tilespmem:$0x1DE00] =	vst v63  }
0x93: {  	_ =	swait.ge [sflag:s19], $0x2000  }
0x94: {  	[sflag:s19] =	ssyncset.done $0x0  }
.Ltmp0:
0x95: {  	s4 =	sadd.s32 $0x600, s22;
	[sflag:s19] =	ssyncadd.s32 $0xFFFFE000;
	(pc) =	sbr.rel @p0 .LBB2_2-.Ltmp0, $4  }
0x96: {  	[tilespmem:s18], [sflag:$0x3] =	stream.indirect.gather [hbm4b:s8+s14], $0x40, s4, s14, $0xb8;
	[tilespmem:$0x1DE00] =	vst v63  }
0x97: {  	_ =	swait.ge [sflag:s25], $0x2000  }
0x98: {  	[sflag:s25] =	ssyncset.done $0x0  }
0x99: {  	s22 =	sadd.s32 $0x5480, s22;
	[sflag:s25] =	ssyncadd.s32 $0xFFFFE000  }
0x9a: {  	[spmem:s2] =	stream.indirect.scatter.add.f32 [tilespmem:s23], [sflag:$0xA], $0x40, s22, s14, $0xb8;
	[tilespmem:$0x1DE00] =	vst v63  }
0x9b: {  	_ =	swait.ge [sflag:s30], $0x2000  }
0x9c: {  	s4 =	sshra.s32 s17, $0x2;
	[sflag:s30] =	ssyncset.done $0x0  }
0x9d: {  	s17 =	sadd.s32 $0x400, s4;
	[sflag:s30] =	ssyncadd.s32 $0xFFFFE000  }
0x9e: {  	[tilespmem:s20], [sflag:$0x4] =	stream.indirect.gather [hbm4b:s8+s14], $0x40, s17, s14, $0xb8;
	[tilespmem:$0x1DE00] =	vst v63  }
0x9f: {  	_ =	swait.ge [sflag:s21], $0x2000  }
0xa0: {  	[sflag:s21] =	ssyncset.done $0x0  }
0xa1: {  	s22 =	sadd.s32 $0x5280, s4;
	[sflag:s21] =	ssyncadd.s32 $0xFFFFE000  }
0xa2: {  	[spmem:s2] =	stream.indirect.scatter.add.f32 [tilespmem:s15], [sflag:$0x6], $0x40, s22, s14, $0xb8;
	[tilespmem:$0x1DE00] =	vst v63  }
0xa3: {  	_ =	swait.ge [sflag:s0], $0x2000  }
0xa4: {  	[sflag:s0] =	ssyncset.done $0x0  }
0xa5: {  	s22 =	simm.s32 $0x4F80;
	[sflag:s0] =	ssyncadd.s32 $0xFFFFE000  }
0xa6: {  	[tilespmem:s23], [sflag:$0x5] =	stream.indirect.gather [hbm4b:s8+s14], $0x40, s22, s14, $0xb8;
	[tilespmem:$0x1DE00] =	vst v63  }
0xa7: {  	_ =	swait.ge [sflag:s24], $0x2000  }
0xa8: {  	[sflag:s24] =	ssyncset.done $0x0  }
0xa9: {  	s22 =	sadd.s32 $0x5300, s4;
	[sflag:s24] =	ssyncadd.s32 $0xFFFFE000  }
0xaa: {  	[spmem:s2] =	stream.indirect.scatter.add.f32 [tilespmem:s16], [sflag:$0x7], $0x40, s22, s14, $0xb8;
	[tilespmem:$0x1DE00] =	vst v63  }
0xab: {  	_ =	swait.ge [sflag:s29], $0x2000  }
0xac: {  	[sflag:s29] =	ssyncset.done $0x0  }
0xad: {  	s22 =	sadd.s32 $0x5380, s4;
	[sflag:s29] =	ssyncadd.s32 $0xFFFFE000  }
0xae: {  	[spmem:s2] =	stream.indirect.scatter.add.f32 [tilespmem:s18], [sflag:$0x8], $0x40, s22, s14, $0xb8;
	[tilespmem:$0x1DE00] =	vst v63  }
0xaf: {  	_ =	swait.ge [sflag:s1], $0x2000  }
0xb0: {  	[sflag:s1] =	ssyncset.done $0x0  }
0xb1: {  	s4 =	sadd.s32 $0x5400, s4;
	[sflag:s1] =	ssyncadd.s32 $0xFFFFE000  }
0xb2: {  	[spmem:s2] =	stream.indirect.scatter.add.f32 [tilespmem:s20], [sflag:$0x9], $0x40, s4, s14, $0xb8;
	[tilespmem:$0x1DE00] =	vst v63  }
0xb3: {  	_ =	swait.ge [sflag:s25], $0x2000  }
0xb4: {  	[sflag:s25] =	ssyncset.done $0x0  }
0xb5: {  	s22 =	simm.s32 $0x9F80;
	[sflag:s25] =	ssyncadd.s32 $0xFFFFE000  }
0xb6: {  	[spmem:s2] =	stream.indirect.scatter.add.f32 [tilespmem:s23], [sflag:$0xA], $0x40, s22, s14, $0xb8;
	[tilespmem:$0x1DE00] =	vst v63  }
0xb7: {  	_ =	swait.ge [sflag:s26], $0x2000  }
0xb8: {  	[sflag:s26] =	ssyncset.done $0x0  }
0xb9: {  	[sflag:s26] =	ssyncadd.s32 $0xFFFFE000  }
0xba: {  	_ =	swait.ge [sflag:s31], $0x2000  }
0xbb: {  	[sflag:s31] =	ssyncset.done $0x0  }
0xbc: {  	[sflag:s31] =	ssyncadd.s32 $0xFFFFE000  }
0xbd: {  	_ =	swait.ge [sflag:s19], $0x2000  }
0xbe: {  	[sflag:s19] =	ssyncset.done $0x0  }
0xbf: {  	[sflag:s19] =	ssyncadd.s32 $0xFFFFE000  }
0xc0: {  	_ =	swait.ge [sflag:s30], $0x2000  }
0xc1: {  	[sflag:s30] =	ssyncset.done $0x0  }
0xc2: {  	[sflag:s30] =	ssyncadd.s32 $0xFFFFE000  }
0xc3: {  	_ =	swait.ge [sflag:s0], $0x2000  }
0xc4: {  	s28 =	sadd.s32 $0x1, s28;
	[sflag:s0] =	ssyncset.done $0x0  }
0xc5: {  	p0 =	sne.s32 s28, s10;
	[sflag:s0] =	ssyncadd.s32 $0xFFFFE000  }
.Ltmp1:
0xc6: {  	[bflag:$0x0] =	sbarrier.arrive $0xFFFF;
	(pc) =	sbr.rel @p0 .LBB2_1-.Ltmp1, $4  }
0xc7: {  	[hbm:s9], [sflag:s5] =	dma.local [spmem:s11], $0x13C0  }
0xc8: {  	_ =	swait.ge [sflag:s12], $0x13C0  }
0xc9: {  	[sflag:s12] =	ssyncset.done $0x0  }
0xca: {  	[sflag:s12] =	ssyncadd.s32 $0xFFFFEC40  }
0xcb: {  	_ =	sfence.sel $0x180000  }
0xcc: {  	[bflag:$0x0] =	sbarrier.arrive $0xFFFF  }
0xcd: {  	_ =	strace $0x9000004A  }
0xce: {  	s0 =	stileid.u32;
	[bflag:$0x2] =	sbarrier.arrive $0xFFFF  }
0xcf: {  	p0 =	sne.s32 s0, $0x0;
	s0 =	rddreg [dreg:$0x3]  }
0xd0: {  	s0 =	sadd.s32 @!p0 $0x100000, s0  }
0xd1: {  	[sflag:s0] =	ssyncadd.tile.s32 @!p0 $0x1;
	_ =	shalt  }
.Lfunc_end2:
_tile_overlayer_lowered:
.L_overlay_start_2:
0xd2: {  	(tag) =	ssettag $0x2  }
0xd3: {  	s0 =	rddreg [dreg:$0x0];
	s2 =	stileid.u32  }
0xd4: {  	s1 =	rddreg [dreg:$0x1];
	p0 =	sne.s32 s2, $0x0  }
0xd5: {  	s3 =	rddreg [dreg:$0x2];
	[bflag:$0x3] =	sbarrier.arrive $0xFFFF;
	s2 =	simm.s32 @!p0 $0x1C0B  }
0xd6: {  	[timem:s3], [sflag:s2] =	dma.local @!p0 [hbm:s0], s1  }
0xd7: {  	s0 =	simm.s32 @!p0 $0xB  }
0xd8: {  	_ =	swait.ge @!p0 [sflag:s0], s1  }
0xd9: {  	s1 =	ssub.s32 @!p0 $0x0, s1;
	[sflag:s0] =	ssyncset.done @!p0 $0x0  }
0xda: {  	[sflag:s0] =	ssyncadd.s32 @!p0 s1  }
0xdb: {  	[bflag:$0x3] =	sbarrier.arrive $0xFFFF  }
0xdc: {  	_ =	shalt  }

// kernel: kernel.15.cloned.1.call-start
scs
__scs_entry_jumppad:
0x0: {  	(pc) =	sbr.rel $0x88, $3  }
0x1: {  	(tag) =	ssettag $0x0;
	lr =	simm.s32 $0x1  }
0x2: {  	[smem:$0x3F94] =	sst lr;
	_ =	strace $0xD0000000  }
0x3: {  	_ = 	snop  }
0x4: {  	_ = 	snop  }
0x5: {  	_ = 	snop  }
0x6: {  	_ = 	snop  }
0x7: {  	_ = 	snop  }
__scs_overlays_trampoline_lowered:
0x8: {  	[smem:$0x3FA3] =	sst s0  }
0x9: {  	[smem:$0x3FA4] =	sst s1  }
0xa: {  	[smem:$0x3FA5] =	sst s2  }
0xb: {  	[smem:$0x3FA6] =	sst s3  }
0xc: {  	[smem:$0x3FA7] =	sst s4  }
0xd: {  	[smem:$0x3FA8] =	sst s5  }
0xe: {  	[smem:$0x3FA9] =	sst s6  }
0xf: {  	[smem:$0x3FAA] =	sst s7  }
0x10: {  	[smem:$0x3FAB] =	sst s8  }
0x11: {  	[smem:$0x3FAC] =	sst s9;
	s0 =	simm.s32 @!p0 $0x0  }
0x12: {  	s1 =	sld [smem:$0x3F92];
	s0 =	simm.s32 @p0 $0x1  }
0x13: {  	[smem:$0x3FAD] =	sst s0;
	s0 =	simm.s32 @!p1 $0x0  }
0x14: {  	s2 =	sld [smem:$0x3F91];
	s0 =	simm.s32 @p1 $0x1  }
0x15: {  	[smem:$0x3FAE] =	sst s0;
	s0 =	simm.s32 @!p2 $0x0  }
0x16: {  	s3 =	sld [smem:$0x3FDB];
	s0 =	simm.s32 @p2 $0x1  }
0x17: {  	s4 =	simm.s32 $0x1BF5;
	[smem:$0x3FB0] =	sst s0  }
0x18: {  	s0 =	sld [smem:$0x3F93];
	_ =	swait.ge [sflag:s4], $0x0  }
0x19: {  	s7 =	sld [smem:$0x3F94]  }
0x1a: {  	s8 =	sadd.s32 $0xFFFFE003, lr  }
0x1b: {  	s9 =	sadd.s32 $0xFFFFFEF7, lr;
	s5 =	simm.s32 $0xFFFFFFFF;
	p2 =	slt.u32 s8, $0xFFFFF086  }
0x1c: {  	p1 =	slt.u32 s9, $0xF7A;
	s5 =	simm.s32 @!p2 $0x0  }
0x1d: {  	s5 =	simm.s32 @p1 $0x1;
	p0 =	seq.s32 s7, s2  }
0x1e: {  	s7 =	smul.u32 @!p0 $0xF7A, s2;
	p2 =	seq.s32 @!p0 s5, $0x0  }
0x1f: {  	s9 =	smul.u32 $0xF7A, s1;
	s8 =	simm.s32 @!p0 $0x1BF5;
	p2 =	por !p2, p0  }
0x20: {  	[sflag:s8] =	ssyncset.s32 @!p0 $0xFFFFF086;
	s6 =	sadd.s32 @!p0 s3, s7;
	s7 =	simm.s32 @!p0 $0x108  }
0x21: {  	s3 =	sadd.s32 s3, s9;
	s6 =	sadd.s32 @!p0 $0x88, s6;
	s7 =	simm.s32 @p2 $0x1082  }
0x22: {  	[simem:s7], [sflag:s8] =	dma.local @!p0 [hbm:s6], $0xF7A  }
0x23: {  	s9 =	sor.u32 $0xD0000000, s2;
	s6 =	simm.s32 $0x108;
	_ =	swait.ge @!p0 [sflag:s8], $0x0  }
0x24: {  	s3 =	sadd.s32 $0x88, s3;
	s6 =	simm.s32 @!p1 $0x1082;
	[sflag:s4] =	ssyncset.s32 $0xFFFFF086  }
0x25: {  	[simem:s6], [sflag:s4] =	dma.local [hbm:s3], $0xF7A  }
0x26: {  	[smem:$0x3F94] =	sst s1;
	(tag) =	ssettag s2;
	_ =	strace s9  }
0x27: {  	s1 =	sld [smem:$0x3FA4]  }
0x28: {  	s2 =	sld [smem:$0x3FA5]  }
0x29: {  	s4 =	sld [smem:$0x3FA7]  }
0x2a: {  	p0 =	seq.s32 s5, $0x0;
	s5 =	sld [smem:$0x3FA8]  }
0x2b: {  	s6 =	sld [smem:$0x3FA9]  }
0x2c: {  	s7 =	sld [smem:$0x3FAA]  }
0x2d: {  	s3 =	simm.s32 $0x108;
	s8 =	sld [smem:$0x3FAB]  }
0x2e: {  	s3 =	simm.s32 @!p0 $0x1082;
	s9 =	sld [smem:$0x3FAC]  }
0x2f: {  	lr =	sadd.s32 s0, s3;
	s0 =	sld [smem:$0x3FA3]  }
0x30: {  	s3 =	sld [smem:$0x3FA6]  }
0x31: {  	[smem:$0x3FAF] =	sst s10  }
0x32: {  	s10 =	sld [smem:$0x3FAD];
	_ =	sdelay $0x3  }
0x33: {  	p0 =	seq.s32 s10, $0x1;
	s10 =	sld [smem:$0x3FAF];
	_ =	sdelay $0x3  }
0x34: {  	[smem:$0x3FAF] =	sst s10  }
0x35: {  	s10 =	sld [smem:$0x3FAE];
	_ =	sdelay $0x3  }
0x36: {  	p1 =	seq.s32 s10, $0x1;
	s10 =	sld [smem:$0x3FAF];
	_ =	sdelay $0x3  }
0x37: {  	[smem:$0x3FAF] =	sst s10  }
0x38: {  	s10 =	sld [smem:$0x3FB0]  }
0x39: {  	_ = 	snop;
	(pc) =	sbr.ind lr, $3  }
0x3a: {  	_ = 	snop  }
0x3b: {  	_ = 	snop  }
0x3c: {  	p2 =	seq.s32 s10, $0x1;
	s10 =	sld [smem:$0x3FAF]  }
0x3d: {  	_ =	shalt  }
0x3e: {  	_ =	shalt  }
0x3f: {  	_ =	shalt  }
0x40: {  	_ =	shalt  }
0x41: {  	_ =	shalt  }
0x42: {  	_ =	shalt  }
0x43: {  	_ =	shalt  }
0x44: {  	_ =	shalt  }
0x45: {  	_ =	shalt  }
0x46: {  	_ =	shalt  }
0x47: {  	_ =	shalt  }
0x48: {  	_ =	shalt  }
0x49: {  	_ =	shalt  }
0x4a: {  	_ =	shalt  }
0x4b: {  	_ =	shalt  }
0x4c: {  	_ =	shalt  }
0x4d: {  	_ =	shalt  }
0x4e: {  	_ =	shalt  }
0x4f: {  	_ =	shalt  }
0x50: {  	_ =	shalt  }
0x51: {  	_ =	shalt  }
0x52: {  	_ =	shalt  }
0x53: {  	_ =	shalt  }
0x54: {  	_ =	shalt  }
0x55: {  	_ =	shalt  }
0x56: {  	_ =	shalt  }
0x57: {  	_ =	shalt  }
0x58: {  	_ =	shalt  }
0x59: {  	_ =	shalt  }
0x5a: {  	_ =	shalt  }
0x5b: {  	_ =	shalt  }
0x5c: {  	_ =	shalt  }
0x5d: {  	_ =	shalt  }
0x5e: {  	_ =	shalt  }
0x5f: {  	_ =	shalt  }
0x60: {  	_ =	shalt  }
0x61: {  	_ =	shalt  }
0x62: {  	_ =	shalt  }
0x63: {  	_ =	shalt  }
0x64: {  	_ =	shalt  }
0x65: {  	_ =	shalt  }
0x66: {  	_ =	shalt  }
0x67: {  	_ =	shalt  }
0x68: {  	_ =	shalt  }
0x69: {  	_ =	shalt  }
0x6a: {  	_ =	shalt  }
0x6b: {  	_ =	shalt  }
0x6c: {  	_ =	shalt  }
0x6d: {  	_ =	shalt  }
0x6e: {  	_ =	shalt  }
0x6f: {  	_ =	shalt  }
0x70: {  	_ =	shalt  }
0x71: {  	_ =	shalt  }
0x72: {  	_ =	shalt  }
0x73: {  	_ =	shalt  }
0x74: {  	_ =	shalt  }
0x75: {  	_ =	shalt  }
0x76: {  	_ =	shalt  }
0x77: {  	_ =	shalt  }
0x78: {  	_ =	shalt  }
0x79: {  	_ =	shalt  }
0x7a: {  	_ =	shalt  }
0x7b: {  	_ =	shalt  }
0x7c: {  	_ =	shalt  }
0x7d: {  	_ =	shalt  }
0x7e: {  	_ =	shalt  }
0x7f: {  	_ =	shalt  }
0x80: {  	_ =	shalt  }
0x81: {  	_ =	shalt  }
0x82: {  	_ =	shalt  }
0x83: {  	_ =	shalt  }
0x84: {  	_ =	shalt  }
0x85: {  	_ =	shalt  }
0x86: {  	_ =	shalt  }
0x87: {  	_ =	shalt  }
.Lfunc_end0:
.L_simem_size_0:
called_computation.2_lowered:
.L_overlay_start_0:
0x88: {  	s2 =	sld [smem:$0x3FD9]  }
0x89: {  	s3 =	sld [smem:$0x3FFE];
	_ =	sdelay $0x1  }
0x8a: {  	s1 =	srdreg.scid  }
0x8b: {  	s0 =	sand.u32 $0x1, s1  }
0x8c: {  	s17 =	sshll.u32 s0, $0xA;
	s2 =	sadd.s32 s3, s2  }
0x8d: {  	s2 =	sadd.s32 s2, s17  }
0x8e: {  	[smem:$0x3FBB] =	sst s2  }
0x8f: {  	_ = 	snop  }
0x90: {  	s2 =	sld [smem:$0x3FD0];
	(tm) =	ssettm $0x1  }
0x91: {  	s18 =	sld [smem:$0x3FFB];
	_ =	sdelay $0x3  }
0x92: {  	_ =	strace s18  }
0x93: {  	s3 =	sld [smem:$0x3FFC];
	_ =	sdelay $0x3  }
0x94: {  	_ =	strace s3  }
0x95: {  	s3 =	sld [smem:$0x3FFD];
	_ =	sdelay $0x3  }
0x96: {  	_ =	strace s3  }
0x97: {  	_ =	strace $0x8FFFFFFF  }
0x98: {  	s19 =	sld [smem:$0x3FDB];
	_ =	sdelay $0x1  }
0x99: {  	s4 =	simm.s32 $_scs_section_size  }
0x9a: {  	s5 =	simm.s32 $_size__tile_overlayer_lowered;
	s6 =	simm.s32 $_tile_overlayer_lowered  }
0x9b: {  	s22 =	simm.s32 $0x1BFF;
	s21 =	sshll.u32 s6, $0x1;
	s3 =	sadd.s32 s4, s19  }
0x9c: {  	s7 =	simm.s32 $0x0;
	s20 =	sshll.u32 s5, $0x1;
	s5 =	sadd.s32 s21, s3  }
0x9d: {  	[timem:s7], [sflag:s22] =	dma.local [hbm:s5], s20  }
0x9e: {  	_ =	swait.ge [sflag:s22], s20  }
0x9f: {  	s4 =	ssub.s32 $0x0, s20;
	[sflag:s22] =	ssyncset.done $0x0  }
0xa0: {  	[sflag:s22] =	ssyncadd.s32 s4;
	_ =	sdelay $0x1  }
0xa1: {  	s23 =	simm.s32 $0x1B8B  }
0xa2: {  	_ =	swait.ge [sflag:s23], $0x1  }
0xa3: {  	[sflag:s23] =	ssyncset.done $0x0  }
0xa4: {  	s25 =	simm.s32 $0x1B8E;
	s24 =	sld [smem:$0x3FFE];
	[sflag:s23] =	ssyncadd.s32 $0xFFFFFFFF  }
0xa5: {  	s26 =	simm.s32 $execute0_lowered;
	[smem:$0x3FD2] =	sst s25  }
0xa6: {  	s5 =	sshll.u32 s26, $0x1;
	_ =	strace $0x8000004C;
	[dreg:$0x1] =	wrdreg $0xFFFFFFFF  }
0xa7: {  	s28 =	simm.s32 $_size_execute0_lowered;
	s3 =	sadd.s32 s3, s5;
	[dreg:$0x0] =	wrdreg $0x0  }
0xa8: {  	s5 =	sshll.u32 s28, $0x1;
	[dreg:$0x2] =	wrdreg s3  }
0xa9: {  	[dreg:$0x3] =	wrdreg s5  }
0xaa: {  	[dreg:$0x4] =	wrdreg $0xC0  }
0xab: {  	_ =	task [dreg:s7], $0x5FFFF  }
0xac: {  	[dreg:$0x1] =	wrdreg $0xFFFFFFFF  }
0xad: {  	[dreg:$0x0] =	wrdreg $0x60  }
0xae: {  	[dreg:$0x2] =	wrdreg s24  }
0xaf: {  	[dreg:$0x3] =	wrdreg s2  }
0xb0: {  	[dreg:$0x4] =	wrdreg $0x150000  }
0xb1: {  	[dreg:$0x5] =	wrdreg $0x9  }
0xb2: {  	_ =	task.clear_ibuf [dreg:s7], $0x6FFFF;
	_ =	strace $0x9000004C  }
0xb3: {  	s29 =	simm.s32 $0x9;
	_ =	strace $0x8000004E  }
0xb4: {  	_ =	swait.ge [sflag:s29], $0x1  }
0xb5: {  	[sflag:s29] =	ssyncadd.s32 $0xFFFFFFFF  }
0xb6: {  	_ =	strace $0x9000004E  }
0xb7: {  	_ =	sfence  }
0xb8: {  	s30 =	sld [smem:$0x0];
	_ =	sdelay $0x2  }
0xb9: {  	s31 =	sshll.u32 s1, $0xD;
	s1 =	sshrl.u32 s1, $0x2  }
0xba: {  	s3 =	sand.u32 $0x4000, s31;
	s1 =	sadd.s32 s1, s30  }
0xbb: {  	s0 =	sor.u32 s3, s0;
	s1 =	sshll.u32 s1, $0x11  }
0xbc: {  	s0 =	sor.u32 s1, s0  }
0xbd: {  	s0 =	sadd.s32 $0x8F2B, s0  }
0xbe: {  	[sflag:s0] =	ssyncadd.remote.s32 $0x1  }
0xbf: {  	_ =	sfence.sel $0xFFFF  }
0xc0: {  	[dreg:$0x0] =	wrdreg $0xFFFFFFFF;
	(pc) =	sbr.abs _section_cstart, $3  }
0xc1: {  	[dreg:$0x1] =	wrdreg $0xFFFFFFFF  }
0xc2: {  	_ =	task.clear_ibuf [dreg:s7], $0x2FFFF;
	_ =	strace $0x9FFFFFFF  }
0xc3: {  	(tm) =	ssettm $0x7FFFFFFF  }
tec
execute0_lowered:
.L_overlay_start_1:
0x0: {  	(tag) =	ssettag $0x1  }
0x1: {  	s0 =	rddreg [dreg:$0x0]  }
0x2: {  	s1 =	rddreg [dreg:$0x1]  }
0x3: {  	s2 =	rddreg [dreg:$0x2]  }
0x4: {  	s3 =	srdreg.scid;
	s9 =	stileid.u32  }
0x5: {  	s6 =	simm.s32 $0x0;
	s14 =	simm.s32 $0x80;
	s15 =	simm.s32 $0x5000  }
0x6: {  	s16 =	simm.s32 $0x7000;
	s18 =	simm.s32 $0x9000;
	s26 =	simm.s32 $0xF000  }
0x7: {  	s28 =	simm.s32 $0x3;
	s29 =	simm.s32 $0x5;
	s30 =	simm.s32 $0x7  }
0x8: {  	s31 =	simm.s32 $0x8;
	s3 =	sand.u32 $0x1, s3;
	s5 =	smul.u32 $0x9E00, s9  }
0x9: {  	[smem:$0x7FF] =	sst s6;
	s22 =	sshll.u32 s9, $0x6;
	s4 =	sshll.u32 s3, $0x4  }
0xa: {  	s20 =	smul.u32 $0x9E000, s3;
	_ =	strace $0x8000004D;
	s3 =	ssub.s32 $0x2, s3  }
0xb: {  	[dreg:$0x4] =	wrdreg s26;
	s26 =	simm.s32 $0x13000;
	s4 =	sor.u32 s9, s4  }
0xc: {  	s8 =	sshrl.u32 s3, $0x1;
	s21 =	sshrl.u32 s5, $0x3;
	s7 =	smul.u32 $0x500, s4  }
0xd: {  	s4 =	sadd.s32 $0x2800, s0;
	s6 =	sadd.s32 s5, s20;
	s3 =	ssub.s32 s3, s8  }
0xe: {  	s5 =	sadd.s32 s5, s2;
	s1 =	sadd.s32 s1, s21;
	s6 =	sshrl.u32 s6, $0x3  }
0xf: {  	[dreg:$0x5] =	wrdreg s1;
	s1 =	sor.u32 $0x1C11, s22;
	s25 =	smax.u32 s3, $0x1  }
0x10: {  	s3 =	sshrl.u32 s5, $0x3;
	s5 =	simm.s32 $0x11;
	[dreg:$0xa] =	wrdreg s25  }
0x11: {  	s22 =	simm.s32 $0xD000;
	s7 =	sadd.s32 s7, s0;
	[dreg:$0x6] =	wrdreg s1  }
0x12: {  	s0 =	sadd.s32 s6, s0;
	[dreg:$0xb] =	wrdreg s3;
	s23 =	sadd.s32 $0x38A00, s7  }
0x13: {  	s25 =	simm.s32 $0x2;
	s24 =	sadd.s32 $0x2EA00, s7;
	[dreg:$0x7] =	wrdreg s23  }
0x14: {  	s6 =	simm.s32 $0x0;
	s0 =	sadd.s32 $0x42A00, s0;
	[dreg:$0x8] =	wrdreg s24  }
0x15: {  	[dreg:$0x9] =	wrdreg s0;
	s23 =	simm.s32 $0x1;
	s24 =	simm.s32 $0x11000  }
.LBB2_1:
0x16: {  	[dreg:$0xc] =	wrdreg s6  }
0x17: {  	s0 =	rddreg [dreg:$0x5]  }
0x18: {  	[spmem:s3], [sflag:s1] =	dma.local [hbm:s0], $0x13C0  }
0x19: {  	_ =	swait.ge [sflag:s5], $0x13C0  }
0x1a: {  	[sflag:s5] =	ssyncset.done $0x0  }
0x1b: {  	s17 =	simm.s32 $0x0;
	s19 =	rddreg [dreg:$0x7];
	[sflag:s5] =	ssyncadd.s32 $0xFFFFEC40  }
0x1c: {  	[tilespmem:s17], [sflag:$0x11] =	stream.linear.gather [hbm4b:s19+s17], $0x2800, $0x38;
	[tilespmem:$0x1EE00] =	vst v63  }
0x1d: {  	_ =	swait.ge [sflag:s5], $0x2800  }
0x1e: {  	[sflag:s5] =	ssyncset.done $0x0  }
0x1f: {  	s21 =	simm.s32 $0x2800;
	s20 =	rddreg [dreg:$0x8];
	[sflag:s5] =	ssyncadd.s32 $0xFFFFD800  }
0x20: {  	[tilespmem:s21], [sflag:$0x11] =	stream.linear.gather [hbm4b:s20+s17], $0x2800, $0x38;
	[tilespmem:$0x1EE00] =	vst v63  }
0x21: {  	_ =	swait.ge [sflag:s5], $0x2800  }
0x22: {  	[sflag:s5] =	ssyncset.done $0x0  }
0x23: {  	[sflag:s5] =	ssyncadd.s32 $0xFFFFD800  }
0x24: {  	[bflag:$0x0] =	sbarrier.arrive $0xFFFF  }
0x25: {  	[tilespmem:s15], [sflag:$0x1] =	stream.indirect.gather [hbm4b:s4+s14], $0x40, s17, s14, $0xb8;
	[tilespmem:$0x1EE00] =	vst v63  }
0x26: {  	_ = 	snop  }
0x27: {  	[tilespmem:s16], [sflag:$0x2] =	stream.indirect.gather [hbm4b:s4+s14], $0x40, s14, s14, $0xb8;
	[tilespmem:$0x1EE00] =	vst v63  }
0x28: {  	s5 =	simm.s32 $0x100  }
0x29: {  	[tilespmem:s18], [sflag:$0x3] =	stream.indirect.gather [hbm4b:s4+s14], $0x40, s5, s14, $0xb8;
	[tilespmem:$0x1EE00] =	vst v63  }
0x2a: {  	s6 =	simm.s32 $0x180;
	s7 =	simm.s32 $0xB000;
	p0 =	por $0x1, $0x1  }
0x2b: {  	[tilespmem:s7], [sflag:$0x4] =	stream.indirect.gather [hbm4b:s4+s14], $0x40, s6, s14, $0xb8;
	[tilespmem:$0x1EE00] =	vst v63  }
0x2c: {  	s8 =	simm.s32 $0x200;
	s0 =	simm.s32 @!p0 $0xE  }
0x2d: {  	[tilespmem:s22], [sflag:$0x5] =	stream.indirect.gather [hbm4b:s4+s14], $0x40, s8, s14, $0xb8;
	[tilespmem:$0x1EE00] =	vst v63  }
0x2e: {  	_ =	swait.ge @!p0 [sflag:s0], $0x2000  }
0x2f: {  	[sflag:s0] =	ssyncset.done @!p0 $0x0  }
0x30: {  	s10 =	simm.s32 $0x280;
	s9 =	rddreg [dreg:$0x4];
	[sflag:s0] =	ssyncadd.s32 @!p0 $0xFFFFE000  }
0x31: {  	[tilespmem:s9], [sflag:$0x6] =	stream.indirect.gather [hbm4b:s4+s14], $0x40, s10, s14, $0xb8;
	[tilespmem:$0x1EE00] =	vst v63  }
0x32: {  	_ =	swait.ge [sflag:s23], $0x2000  }
0x33: {  	[sflag:s23] =	ssyncset.done $0x0  }
0x34: {  	s11 =	simm.s32 $0x2800;
	s1 =	simm.s32 @!p0 $0xF;
	[sflag:s23] =	ssyncadd.s32 $0xFFFFE000  }
0x35: {  	[spmem:s2] =	stream.indirect.scatter.add.f32 [tilespmem:s15], [sflag:$0x9], $0x40, s11, s14, $0xb8;
	[tilespmem:$0x1EE00] =	vst v63  }
0x36: {  	_ =	swait.ge @!p0 [sflag:s1], $0x2000  }
0x37: {  	[sflag:s1] =	ssyncset.done @!p0 $0x0  }
0x38: {  	s12 =	simm.s32 $0x300;
	[sflag:s1] =	ssyncadd.s32 @!p0 $0xFFFFE000  }
0x39: {  	[tilespmem:s24], [sflag:$0x7] =	stream.indirect.gather [hbm4b:s4+s14], $0x40, s12, s14, $0xb8;
	[tilespmem:$0x1EE00] =	vst v63  }
0x3a: {  	_ =	swait.ge [sflag:s25], $0x2000  }
0x3b: {  	[sflag:s25] =	ssyncset.done $0x0  }
0x3c: {  	s13 =	simm.s32 $0x2880;
	s1 =	simm.s32 @!p0 $0x10;
	[sflag:s25] =	ssyncadd.s32 $0xFFFFE000  }
0x3d: {  	[spmem:s2] =	stream.indirect.scatter.add.f32 [tilespmem:s16], [sflag:$0xA], $0x40, s13, s14, $0xb8;
	[tilespmem:$0x1EE00] =	vst v63  }
0x3e: {  	_ =	swait.ge @!p0 [sflag:s1], $0x2000  }
0x3f: {  	[sflag:s1] =	ssyncset.done @!p0 $0x0  }
0x40: {  	s17 =	simm.s32 $0x380;
	[sflag:s1] =	ssyncadd.s32 @!p0 $0xFFFFE000  }
0x41: {  	[tilespmem:s26], [sflag:$0x8] =	stream.indirect.gather [hbm4b:s4+s14], $0x40, s17, s14, $0xb8;
	[tilespmem:$0x1EE00] =	vst v63  }
0x42: {  	_ =	swait.ge [sflag:s28], $0x2000  }
0x43: {  	p0 =	por $0x0, $0x0;
	[sflag:s28] =	ssyncset.done $0x0  }
0x44: {  	s19 =	simm.s32 $0x2900;
	s1 =	simm.s32 @p0 $0x4;
	[sflag:s28] =	ssyncadd.s32 $0xFFFFE000  }
0x45: {  	[spmem:s2] =	stream.indirect.scatter.add.f32 [tilespmem:s18], [sflag:$0xB], $0x40, s19, s14, $0xb8;
	[tilespmem:$0x1EE00] =	vst v63  }
0x46: {  	_ =	swait.ge @p0 [sflag:s1], $0x2000  }
0x47: {  	s0 =	simm.s32 @p0 $0x2980;
	s3 =	simm.s32 @p0 $0x80;
	[sflag:s1] =	ssyncset.done @p0 $0x0  }
0x48: {  	s8 =	simm.s32 @p0 $0xB000;
	[sflag:s1] =	ssyncadd.s32 @p0 $0xFFFFE000;
	s1 =	simm.s32 @!p0 $0x9  }
0x49: {  	[spmem:s2] =	stream.indirect.scatter.add.f32 @p0 [tilespmem:s8], [sflag:$0xC], $0x40, s0, s3, $0xb8;
	[tilespmem:$0x1EE00] =	vst v63  }
0x4a: {  	_ =	swait.ge @!p0 [sflag:s1], $0x2000  }
0x4b: {  	s9 =	simm.s32 @!p0 $0x5000;
	s0 =	simm.s32 @!p0 $0x400;
	[sflag:s1] =	ssyncset.done @!p0 $0x0  }
0x4c: {  	s8 =	simm.s32 @!p0 $0x80;
	[sflag:s1] =	ssyncadd.s32 @!p0 $0xFFFFE000;
	s1 =	simm.s32 @!p0 $0x4  }
0x4d: {  	[tilespmem:s9], [sflag:$0x1] =	stream.indirect.gather @!p0 [hbm4b:s4+s8], $0x40, s0, s8, $0xb8;
	[tilespmem:$0x1EE00] =	vst v63  }
0x4e: {  	_ =	swait.ge @!p0 [sflag:s1], $0x2000  }
0x4f: {  	s0 =	simm.s32 @!p0 $0x2980;
	[sflag:s1] =	ssyncset.done @!p0 $0x0  }
0x50: {  	s9 =	simm.s32 @!p0 $0xB000;
	[sflag:s1] =	ssyncadd.s32 @!p0 $0xFFFFE000;
	s1 =	simm.s32 @!p0 $0xA  }
0x51: {  	[spmem:s2] =	stream.indirect.scatter.add.f32 @!p0 [tilespmem:s9], [sflag:$0xC], $0x40, s0, s8, $0xb8;
	[tilespmem:$0x1EE00] =	vst v63  }
0x52: {  	_ =	swait.ge @!p0 [sflag:s1], $0x2000  }
0x53: {  	[sflag:s1] =	ssyncset.done @!p0 $0x0  }
0x54: {  	s0 =	simm.s32 @!p0 $0x480;
	[sflag:s1] =	ssyncadd.s32 @!p0 $0xFFFFE000;
	s1 =	simm.s32 @!p0 $0x7000  }
0x55: {  	[tilespmem:s1], [sflag:$0x2] =	stream.indirect.gather @!p0 [hbm4b:s4+s8], $0x40, s0, s8, $0xb8;
	[tilespmem:$0x1EE00] =	vst v63  }
0x56: {  	_ =	swait.ge [sflag:s29], $0x2000  }
0x57: {  	[sflag:s29] =	ssyncset.done $0x0  }
0x58: {  	s20 =	simm.s32 $0x2A00;
	s1 =	simm.s32 @p0 $0x6;
	[sflag:s29] =	ssyncadd.s32 $0xFFFFE000  }
0x59: {  	[spmem:s2] =	stream.indirect.scatter.add.f32 [tilespmem:s22], [sflag:$0xD], $0x40, s20, s14, $0xb8;
	[tilespmem:$0x1EE00] =	vst v63  }
0x5a: {  	_ =	swait.ge @p0 [sflag:s1], $0x2000  }
0x5b: {  	[sflag:s1] =	ssyncset.done @p0 $0x0  }
0x5c: {  	s0 =	simm.s32 @p0 $0x2A80;
	[sflag:s1] =	ssyncadd.s32 @p0 $0xFFFFE000;
	s1 =	simm.s32 @p0 $0xF000  }
0x5d: {  	[spmem:s2] =	stream.indirect.scatter.add.f32 @p0 [tilespmem:s1], [sflag:$0xE], $0x40, s0, s3, $0xb8;
	[tilespmem:$0x1EE00] =	vst v63  }
0x5e: {  	s0 =	simm.s32 @!p0 $0xB  }
0x5f: {  	_ =	swait.ge @!p0 [sflag:s0], $0x2000  }
0x60: {  	[sflag:s0] =	ssyncset.done @!p0 $0x0  }
0x61: {  	s1 =	simm.s32 @!p0 $0x500;
	[sflag:s0] =	ssyncadd.s32 @!p0 $0xFFFFE000;
	s0 =	simm.s32 @!p0 $0x9000  }
0x62: {  	[tilespmem:s0], [sflag:$0x3] =	stream.indirect.gather @!p0 [hbm4b:s4+s8], $0x40, s1, s8, $0xb8;
	[tilespmem:$0x1EE00] =	vst v63  }
0x63: {  	s0 =	simm.s32 @!p0 $0x6  }
0x64: {  	_ =	swait.ge @!p0 [sflag:s0], $0x2000  }
0x65: {  	[sflag:s0] =	ssyncset.done @!p0 $0x0  }
0x66: {  	s1 =	simm.s32 @!p0 $0x2A80;
	[sflag:s0] =	ssyncadd.s32 @!p0 $0xFFFFE000;
	s0 =	simm.s32 @!p0 $0xF000  }
0x67: {  	[spmem:s2] =	stream.indirect.scatter.add.f32 @!p0 [tilespmem:s0], [sflag:$0xE], $0x40, s1, s8, $0xb8;
	[tilespmem:$0x1EE00] =	vst v63  }
0x68: {  	s0 =	simm.s32 @!p0 $0xC  }
0x69: {  	_ =	swait.ge @!p0 [sflag:s0], $0x2000  }
0x6a: {  	[sflag:s0] =	ssyncset.done @!p0 $0x0  }
0x6b: {  	[sflag:s0] =	ssyncadd.s32 @!p0 $0xFFFFE000;
	s0 =	simm.s32 @!p0 $0x580  }
0x6c: {  	[tilespmem:s9], [sflag:$0x4] =	stream.indirect.gather @!p0 [hbm4b:s4+s8], $0x40, s0, s8, $0xb8;
	[tilespmem:$0x1EE00] =	vst v63  }
0x6d: {  	_ =	swait.ge [sflag:s30], $0x2000  }
0x6e: {  	[sflag:s30] =	ssyncset.done $0x0  }
0x6f: {  	s21 =	simm.s32 $0x2B00;
	s1 =	simm.s32 @!p0 $0xD;
	[sflag:s30] =	ssyncadd.s32 $0xFFFFE000  }
0x70: {  	[spmem:s2] =	stream.indirect.scatter.add.f32 [tilespmem:s24], [sflag:$0xF], $0x40, s21, s14, $0xb8;
	[tilespmem:$0x1EE00] =	vst v63  }
0x71: {  	_ =	swait.ge @!p0 [sflag:s1], $0x2000  }
0x72: {  	p1 =	por $0x0, $0x0;
	s10 =	simm.s32 $0x2B80;
	[sflag:s1] =	ssyncset.done @!p0 $0x0  }
0x73: {  	s0 =	simm.s32 @!p0 $0x600;
	[sflag:s1] =	ssyncadd.s32 @!p0 $0xFFFFE000;
	s1 =	simm.s32 @!p0 $0xD000  }
0x74: {  	[tilespmem:s1], [sflag:$0x5] =	stream.indirect.gather @!p0 [hbm4b:s4+s8], $0x40, s0, s8, $0xb8;
	[tilespmem:$0x1EE00] =	vst v63  }
0x75: {  	s9 =	simm.s32 $0x2000;
	s8 =	simm.s32 $0x1000;
	_ =	swait.ge [sflag:s31], $0x2000  }
.LBB2_2:
0x76: {  	[sflag:s31] =	ssyncset.done $0x0  }
0x77: {  	s1 =	simm.s32 @!p1 $0xE;
	[sflag:s31] =	ssyncadd.s32 $0xFFFFE000  }
0x78: {  	[spmem:s2] =	stream.indirect.scatter.add.f32 [tilespmem:s26], [sflag:$0x10], $0x40, s10, s14, $0xb8;
	[tilespmem:$0x1EE00] =	vst v63  }
0x79: {  	_ =	swait.ge @!p1 [sflag:s1], $0x2000  }
0x7a: {  	s3 =	sshra.s32 s8, $0x2;
	[sflag:s1] =	ssyncset.done @!p1 $0x0  }
0x7b: {  	s17 =	sadd.s32 $0x280, s3;
	s13 =	rddreg [dreg:$0x4];
	[sflag:s1] =	ssyncadd.s32 @!p1 $0xFFFFE000  }
0x7c: {  	[tilespmem:s13], [sflag:$0x6] =	stream.indirect.gather [hbm4b:s4+s14], $0x40, s17, s14, $0xb8;
	[tilespmem:$0x1EE00] =	vst v63  }
0x7d: {  	_ =	swait.ge [sflag:s23], $0x2000  }
0x7e: {  	[sflag:s23] =	ssyncset.done $0x0  }
0x7f: {  	s19 =	sadd.s32 $0x2800, s3;
	s13 =	simm.s32 @!p1 $0xF;
	[sflag:s23] =	ssyncadd.s32 $0xFFFFE000  }
0x80: {  	[spmem:s2] =	stream.indirect.scatter.add.f32 [tilespmem:s15], [sflag:$0x9], $0x40, s19, s14, $0xb8;
	[tilespmem:$0x1EE00] =	vst v63  }
0x81: {  	_ =	swait.ge @!p1 [sflag:s13], $0x2000  }
0x82: {  	[sflag:s13] =	ssyncset.done @!p1 $0x0  }
0x83: {  	s20 =	sadd.s32 $0x300, s3;
	[sflag:s13] =	ssyncadd.s32 @!p1 $0xFFFFE000  }
0x84: {  	[tilespmem:s24], [sflag:$0x7] =	stream.indirect.gather [hbm4b:s4+s14], $0x40, s20, s14, $0xb8;
	[tilespmem:$0x1EE00] =	vst v63  }
0x85: {  	_ =	swait.ge [sflag:s25], $0x2000  }
0x86: {  	[sflag:s25] =	ssyncset.done $0x0  }
0x87: {  	s21 =	sadd.s32 $0x2880, s3;
	s13 =	simm.s32 @!p1 $0x10;
	[sflag:s25] =	ssyncadd.s32 $0xFFFFE000  }
0x88: {  	[spmem:s2] =	stream.indirect.scatter.add.f32 [tilespmem:s16], [sflag:$0xA], $0x40, s21, s14, $0xb8;
	[tilespmem:$0x1EE00] =	vst v63  }
0x89: {  	_ =	swait.ge @!p1 [sflag:s13], $0x2000  }
0x8a: {  	[sflag:s13] =	ssyncset.done @!p1 $0x0  }
0x8b: {  	s5 =	sadd.s32 $0x380, s3;
	[sflag:s13] =	ssyncadd.s32 @!p1 $0xFFFFE000  }
0x8c: {  	[tilespmem:s26], [sflag:$0x8] =	stream.indirect.gather [hbm4b:s4+s14], $0x40, s5, s14, $0xb8;
	[tilespmem:$0x1EE00] =	vst v63  }
0x8d: {  	_ =	swait.ge [sflag:s28], $0x2000  }
0x8e: {  	p1 =	seq.s32 s8, $0x9000;
	[sflag:s28] =	ssyncset.done $0x0  }
0x8f: {  	s6 =	sadd.s32 $0x2900, s3;
	s13 =	simm.s32 @p1 $0x4;
	[sflag:s28] =	ssyncadd.s32 $0xFFFFE000  }
0x90: {  	[spmem:s2] =	stream.indirect.scatter.add.f32 [tilespmem:s18], [sflag:$0xB], $0x40, s6, s14, $0xb8;
	[tilespmem:$0x1EE00] =	vst v63  }
0x91: {  	s17 =	sshra.s32 @p1 s8, $0x2;
	_ =	swait.ge @p1 [sflag:s13], $0x2000  }
0x92: {  	s19 =	simm.s32 @p1 $0x80;
	s20 =	simm.s32 @p1 $0xB000;
	[sflag:s13] =	ssyncset.done @p1 $0x0  }
0x93: {  	s1 =	sadd.s32 @p1 $0x2980, s17;
	[sflag:s13] =	ssyncadd.s32 @p1 $0xFFFFE000;
	s13 =	simm.s32 @!p1 $0x9  }
0x94: {  	[spmem:s2] =	stream.indirect.scatter.add.f32 @p1 [tilespmem:s20], [sflag:$0xC], $0x40, s1, s19, $0xb8;
	[tilespmem:$0x1EE00] =	vst v63  }
0x95: {  	s8 =	sshra.s32 @!p1 s8, $0x2;
	_ =	swait.ge @!p1 [sflag:s13], $0x2000  }
0x96: {  	s21 =	sadd.s32 @!p1 $0x400, s8;
	s1 =	simm.s32 @!p1 $0x80;
	[sflag:s13] =	ssyncset.done @!p1 $0x0  }
0x97: {  	s20 =	simm.s32 @!p1 $0x5000;
	[sflag:s13] =	ssyncadd.s32 @!p1 $0xFFFFE000;
	s13 =	simm.s32 @!p1 $0x4  }
0x98: {  	[tilespmem:s20], [sflag:$0x1] =	stream.indirect.gather @!p1 [hbm4b:s4+s1], $0x40, s21, s1, $0xb8;
	[tilespmem:$0x1EE00] =	vst v63  }
0x99: {  	s0 =	smov.u32 s9;
	s7 =	simm.s32 @!p1 $0xA;
	_ =	swait.ge @!p1 [sflag:s13], $0x2000  }
0x9a: {  	s5 =	sadd.s32 @!p1 $0x2980, s8;
	s11 =	sadd.s32 @p1 $0x2A80, s17;
	[sflag:s13] =	ssyncset.done @!p1 $0x0  }
0x9b: {  	s12 =	sadd.s32 @!p1 $0x2A80, s8;
	s17 =	simm.s32 @!p1 $0xB000;
	[sflag:s13] =	ssyncadd.s32 @!p1 $0xFFFFE000  }
0x9c: {  	[spmem:s2] =	stream.indirect.scatter.add.f32 @!p1 [tilespmem:s17], [sflag:$0xC], $0x40, s5, s1, $0xb8;
	[tilespmem:$0x1EE00] =	vst v63  }
0x9d: {  	s6 =	sadd.s32 @!p1 $0x480, s8;
	s21 =	sadd.s32 @!p1 $0x500, s8;
	_ =	swait.ge @!p1 [sflag:s7], $0x2000  }
0x9e: {  	s20 =	sadd.s32 @!p1 $0x580, s8;
	s13 =	sadd.s32 @!p1 $0x600, s8;
	[sflag:s7] =	ssyncset.done @!p1 $0x0  }
0x9f: {  	s8 =	smov.u32 s0;
	s0 =	simm.s32 @!p1 $0x7000;
	[sflag:s7] =	ssyncadd.s32 @!p1 $0xFFFFE000  }
0xa0: {  	[tilespmem:s0], [sflag:$0x2] =	stream.indirect.gather @!p1 [hbm4b:s4+s1], $0x40, s6, s1, $0xb8;
	[tilespmem:$0x1EE00] =	vst v63  }
0xa1: {  	_ =	swait.ge [sflag:s29], $0x2000  }
0xa2: {  	[sflag:s29] =	ssyncset.done $0x0  }
0xa3: {  	s5 =	simm.s32 @p1 $0x6;
	s7 =	sadd.s32 $0x2A00, s3;
	[sflag:s29] =	ssyncadd.s32 $0xFFFFE000  }
0xa4: {  	[spmem:s2] =	stream.indirect.scatter.add.f32 [tilespmem:s22], [sflag:$0xD], $0x40, s7, s14, $0xb8;
	[tilespmem:$0x1EE00] =	vst v63  }
0xa5: {  	_ =	swait.ge @p1 [sflag:s5], $0x2000  }
0xa6: {  	[sflag:s5] =	ssyncset.done @p1 $0x0  }
0xa7: {  	s0 =	simm.s32 @p1 $0xF000;
	[sflag:s5] =	ssyncadd.s32 @p1 $0xFFFFE000;
	s5 =	simm.s32 @!p1 $0xB  }
0xa8: {  	[spmem:s2] =	stream.indirect.scatter.add.f32 @p1 [tilespmem:s0], [sflag:$0xE], $0x40, s11, s19, $0xb8;
	[tilespmem:$0x1EE00] =	vst v63  }
0xa9: {  	_ =	swait.ge @!p1 [sflag:s5], $0x2000  }
0xaa: {  	[sflag:s5] =	ssyncset.done @!p1 $0x0  }
0xab: {  	s0 =	simm.s32 @!p1 $0x9000;
	[sflag:s5] =	ssyncadd.s32 @!p1 $0xFFFFE000;
	s5 =	simm.s32 @!p1 $0x6  }
0xac: {  	[tilespmem:s0], [sflag:$0x3] =	stream.indirect.gather @!p1 [hbm4b:s4+s1], $0x40, s21, s1, $0xb8;
	[tilespmem:$0x1EE00] =	vst v63  }
0xad: {  	_ =	swait.ge @!p1 [sflag:s5], $0x2000  }
0xae: {  	[sflag:s5] =	ssyncset.done @!p1 $0x0  }
0xaf: {  	s0 =	simm.s32 @!p1 $0xF000;
	[sflag:s5] =	ssyncadd.s32 @!p1 $0xFFFFE000;
	s5 =	simm.s32 @!p1 $0xC  }
0xb0: {  	[spmem:s2] =	stream.indirect.scatter.add.f32 @!p1 [tilespmem:s0], [sflag:$0xE], $0x40, s12, s1, $0xb8;
	[tilespmem:$0x1EE00] =	vst v63  }
0xb1: {  	_ =	swait.ge @!p1 [sflag:s5], $0x2000  }
0xb2: {  	[sflag:s5] =	ssyncset.done @!p1 $0x0  }
0xb3: {  	[sflag:s5] =	ssyncadd.s32 @!p1 $0xFFFFE000  }
0xb4: {  	[tilespmem:s17], [sflag:$0x4] =	stream.indirect.gather @!p1 [hbm4b:s4+s1], $0x40, s20, s1, $0xb8;
	[tilespmem:$0x1EE00] =	vst v63  }
0xb5: {  	s9 =	sadd.s32 $0x1000, s9;
	_ =	swait.ge [sflag:s30], $0x2000  }
0xb6: {  	p0 =	sne.s32 s9, $0xA000;
	s10 =	sadd.s32 $0x2B80, s3;
	[sflag:s30] =	ssyncset.done $0x0  }
0xb7: {  	s21 =	sadd.s32 $0x2B00, s3;
	s3 =	simm.s32 @!p1 $0xD;
	[sflag:s30] =	ssyncadd.s32 $0xFFFFE000  }
0xb8: {  	[spmem:s2] =	stream.indirect.scatter.add.f32 [tilespmem:s24], [sflag:$0xF], $0x40, s21, s14, $0xb8;
	[tilespmem:$0x1EE00] =	vst v63  }
.Ltmp0:
0xb9: {  	_ =	swait.ge @!p1 [sflag:s3], $0x2000;
	(pc) =	sbr.rel @p0 .LBB2_2-.Ltmp0, $4  }
0xba: {  	[sflag:s3] =	ssyncset.done @!p1 $0x0  }
0xbb: {  	s0 =	simm.s32 @!p1 $0xD000;
	[sflag:s3] =	ssyncadd.s32 @!p1 $0xFFFFE000  }
0xbc: {  	[tilespmem:s0], [sflag:$0x5] =	stream.indirect.gather @!p1 [hbm4b:s4+s1], $0x40, s13, s1, $0xb8;
	[tilespmem:$0x1EE00] =	vst v63  }
0xbd: {  	p1 =	seq.s32 s8, $0x0;
	_ =	swait.ge [sflag:s31], $0x2000  }
0xbe: {  	[sflag:s31] =	ssyncset.done $0x0  }
0xbf: {  	s1 =	simm.s32 @!p1 $0xE;
	[sflag:s31] =	ssyncadd.s32 $0xFFFFE000  }
0xc0: {  	[spmem:s2] =	stream.indirect.scatter.add.f32 [tilespmem:s26], [sflag:$0x10], $0x40, s10, s14, $0xb8;
	[tilespmem:$0x1EE00] =	vst v63  }
0xc1: {  	_ =	swait.ge @!p1 [sflag:s1], $0x2000  }
0xc2: {  	s0 =	sshra.s32 s8, $0x2;
	[sflag:s1] =	ssyncset.done @!p1 $0x0  }
0xc3: {  	s11 =	sadd.s32 $0x280, s0;
	s3 =	rddreg [dreg:$0x4];
	[sflag:s1] =	ssyncadd.s32 @!p1 $0xFFFFE000  }
0xc4: {  	[tilespmem:s3], [sflag:$0x6] =	stream.indirect.gather [hbm4b:s4+s14], $0x40, s11, s14, $0xb8;
	[tilespmem:$0x1EE00] =	vst v63  }
0xc5: {  	_ =	swait.ge [sflag:s23], $0x2000  }
0xc6: {  	[sflag:s23] =	ssyncset.done $0x0  }
0xc7: {  	s12 =	sadd.s32 $0x2800, s0;
	s3 =	simm.s32 @!p1 $0xF;
	[sflag:s23] =	ssyncadd.s32 $0xFFFFE000  }
0xc8: {  	[spmem:s2] =	stream.indirect.scatter.add.f32 [tilespmem:s15], [sflag:$0x9], $0x40, s12, s14, $0xb8;
	[tilespmem:$0x1EE00] =	vst v63  }
0xc9: {  	_ =	swait.ge @!p1 [sflag:s3], $0x2000  }
0xca: {  	[sflag:s3] =	ssyncset.done @!p1 $0x0  }
0xcb: {  	s13 =	sadd.s32 $0x300, s0;
	[sflag:s3] =	ssyncadd.s32 @!p1 $0xFFFFE000  }
0xcc: {  	[tilespmem:s24], [sflag:$0x7] =	stream.indirect.gather [hbm4b:s4+s14], $0x40, s13, s14, $0xb8;
	[tilespmem:$0x1EE00] =	vst v63  }
0xcd: {  	_ =	swait.ge [sflag:s25], $0x2000  }
0xce: {  	[sflag:s25] =	ssyncset.done $0x0  }
0xcf: {  	s17 =	sadd.s32 $0x2880, s0;
	s3 =	simm.s32 @!p1 $0x10;
	[sflag:s25] =	ssyncadd.s32 $0xFFFFE000  }
0xd0: {  	[spmem:s2] =	stream.indirect.scatter.add.f32 [tilespmem:s16], [sflag:$0xA], $0x40, s17, s14, $0xb8;
	[tilespmem:$0x1EE00] =	vst v63  }
0xd1: {  	_ =	swait.ge @!p1 [sflag:s3], $0x2000  }
0xd2: {  	[sflag:s3] =	ssyncset.done @!p1 $0x0  }
0xd3: {  	s19 =	sadd.s32 $0x380, s0;
	[sflag:s3] =	ssyncadd.s32 @!p1 $0xFFFFE000  }
0xd4: {  	[tilespmem:s26], [sflag:$0x8] =	stream.indirect.gather [hbm4b:s4+s14], $0x40, s19, s14, $0xb8;
	[tilespmem:$0x1EE00] =	vst v63  }
0xd5: {  	_ =	swait.ge [sflag:s28], $0x2000  }
0xd6: {  	p0 =	seq.s32 s8, $0x9000;
	[sflag:s28] =	ssyncset.done $0x0  }
0xd7: {  	s20 =	sadd.s32 $0x2900, s0;
	s3 =	simm.s32 @p0 $0x4;
	[sflag:s28] =	ssyncadd.s32 $0xFFFFE000  }
0xd8: {  	[spmem:s2] =	stream.indirect.scatter.add.f32 [tilespmem:s18], [sflag:$0xB], $0x40, s20, s14, $0xb8;
	[tilespmem:$0x1EE00] =	vst v63  }
0xd9: {  	s6 =	simm.s32 @p0 $0x80;
	_ =	swait.ge @p0 [sflag:s3], $0x2000  }
0xda: {  	s7 =	simm.s32 @p0 $0xB000;
	s1 =	sshra.s32 @p0 s8, $0x2;
	[sflag:s3] =	ssyncset.done @p0 $0x0  }
0xdb: {  	s5 =	sadd.s32 @p0 $0x2980, s1;
	[sflag:s3] =	ssyncadd.s32 @p0 $0xFFFFE000;
	s3 =	simm.s32 @!p0 $0x9  }
0xdc: {  	[spmem:s2] =	stream.indirect.scatter.add.f32 @p0 [tilespmem:s7], [sflag:$0xC], $0x40, s5, s6, $0xb8;
	[tilespmem:$0x1EE00] =	vst v63  }
0xdd: {  	s9 =	simm.s32 @!p0 $0x5000;
	_ =	swait.ge @!p0 [sflag:s3], $0x2000  }
0xde: {  	s5 =	sshra.s32 @!p0 s8, $0x2;
	s8 =	simm.s32 @!p0 $0x80;
	[sflag:s3] =	ssyncset.done @!p0 $0x0  }
0xdf: {  	s7 =	sadd.s32 @!p0 $0x400, s5;
	[sflag:s3] =	ssyncadd.s32 @!p0 $0xFFFFE000;
	s3 =	simm.s32 @!p0 $0x4  }
0xe0: {  	[tilespmem:s9], [sflag:$0x1] =	stream.indirect.gather @!p0 [hbm4b:s4+s8], $0x40, s7, s8, $0xb8;
	[tilespmem:$0x1EE00] =	vst v63  }
0xe1: {  	_ =	swait.ge @!p0 [sflag:s3], $0x2000  }
0xe2: {  	s7 =	sadd.s32 @!p0 $0x2980, s5;
	[sflag:s3] =	ssyncset.done @!p0 $0x0  }
0xe3: {  	s9 =	simm.s32 @!p0 $0xB000;
	[sflag:s3] =	ssyncadd.s32 @!p0 $0xFFFFE000;
	s3 =	simm.s32 @!p0 $0xA  }
0xe4: {  	[spmem:s2] =	stream.indirect.scatter.add.f32 @!p0 [tilespmem:s9], [sflag:$0xC], $0x40, s7, s8, $0xb8;
	[tilespmem:$0x1EE00] =	vst v63  }
0xe5: {  	_ =	swait.ge @!p0 [sflag:s3], $0x2000  }
0xe6: {  	[sflag:s3] =	ssyncset.done @!p0 $0x0  }
0xe7: {  	s7 =	sadd.s32 @!p0 $0x480, s5;
	[sflag:s3] =	ssyncadd.s32 @!p0 $0xFFFFE000;
	s3 =	simm.s32 @!p0 $0x7000  }
0xe8: {  	[tilespmem:s3], [sflag:$0x2] =	stream.indirect.gather @!p0 [hbm4b:s4+s8], $0x40, s7, s8, $0xb8;
	[tilespmem:$0x1EE00] =	vst v63  }
0xe9: {  	_ =	swait.ge [sflag:s29], $0x2000  }
0xea: {  	[sflag:s29] =	ssyncset.done $0x0  }
0xeb: {  	s21 =	sadd.s32 $0x2A00, s0;
	s3 =	simm.s32 @p0 $0x6;
	[sflag:s29] =	ssyncadd.s32 $0xFFFFE000  }
0xec: {  	[spmem:s2] =	stream.indirect.scatter.add.f32 [tilespmem:s22], [sflag:$0xD], $0x40, s21, s14, $0xb8;
	[tilespmem:$0x1EE00] =	vst v63  }
0xed: {  	_ =	swait.ge @p0 [sflag:s3], $0x2000  }
0xee: {  	[sflag:s3] =	ssyncset.done @p0 $0x0  }
0xef: {  	s1 =	sadd.s32 @p0 $0x2A80, s1;
	[sflag:s3] =	ssyncadd.s32 @p0 $0xFFFFE000;
	s3 =	simm.s32 @p0 $0xF000  }
0xf0: {  	[spmem:s2] =	stream.indirect.scatter.add.f32 @p0 [tilespmem:s3], [sflag:$0xE], $0x40, s1, s6, $0xb8;
	[tilespmem:$0x1EE00] =	vst v63  }
0xf1: {  	s1 =	simm.s32 @!p0 $0xB  }
0xf2: {  	_ =	swait.ge @!p0 [sflag:s1], $0x2000  }
0xf3: {  	[sflag:s1] =	ssyncset.done @!p0 $0x0  }
0xf4: {  	s3 =	sadd.s32 @!p0 $0x500, s5;
	[sflag:s1] =	ssyncadd.s32 @!p0 $0xFFFFE000;
	s1 =	simm.s32 @!p0 $0x9000  }
0xf5: {  	[tilespmem:s1], [sflag:$0x3] =	stream.indirect.gather @!p0 [hbm4b:s4+s8], $0x40, s3, s8, $0xb8;
	[tilespmem:$0x1EE00] =	vst v63  }
0xf6: {  	s1 =	simm.s32 @!p0 $0x6  }
0xf7: {  	_ =	swait.ge @!p0 [sflag:s1], $0x2000  }
0xf8: {  	[sflag:s1] =	ssyncset.done @!p0 $0x0  }
0xf9: {  	s3 =	sadd.s32 @!p0 $0x2A80, s5;
	[sflag:s1] =	ssyncadd.s32 @!p0 $0xFFFFE000;
	s1 =	simm.s32 @!p0 $0xF000  }
0xfa: {  	[spmem:s2] =	stream.indirect.scatter.add.f32 @!p0 [tilespmem:s1], [sflag:$0xE], $0x40, s3, s8, $0xb8;
	[tilespmem:$0x1EE00] =	vst v63  }
0xfb: {  	s1 =	simm.s32 @!p0 $0xC  }
0xfc: {  	_ =	swait.ge @!p0 [sflag:s1], $0x2000  }
0xfd: {  	[sflag:s1] =	ssyncset.done @!p0 $0x0  }
0xfe: {  	[sflag:s1] =	ssyncadd.s32 @!p0 $0xFFFFE000;
	s1 =	sadd.s32 @!p0 $0x580, s5  }
0xff: {  	[tilespmem:s9], [sflag:$0x4] =	stream.indirect.gather @!p0 [hbm4b:s4+s8], $0x40, s1, s8, $0xb8;
	[tilespmem:$0x1EE00] =	vst v63  }
0x100: {  	_ =	swait.ge [sflag:s30], $0x2000  }
0x101: {  	[sflag:s30] =	ssyncset.done $0x0  }
0x102: {  	s6 =	sadd.s32 $0x2B00, s0;
	s1 =	simm.s32 @!p0 $0xD;
	[sflag:s30] =	ssyncadd.s32 $0xFFFFE000  }
0x103: {  	[spmem:s2] =	stream.indirect.scatter.add.f32 [tilespmem:s24], [sflag:$0xF], $0x40, s6, s14, $0xb8;
	[tilespmem:$0x1EE00] =	vst v63  }
0x104: {  	_ =	swait.ge @!p0 [sflag:s1], $0x2000  }
0x105: {  	[sflag:s1] =	ssyncset.done @!p0 $0x0  }
0x106: {  	s3 =	sadd.s32 @!p0 $0x600, s5;
	[sflag:s1] =	ssyncadd.s32 @!p0 $0xFFFFE000;
	s1 =	simm.s32 @!p0 $0xD000  }
0x107: {  	[tilespmem:s1], [sflag:$0x5] =	stream.indirect.gather @!p0 [hbm4b:s4+s8], $0x40, s3, s8, $0xb8;
	[tilespmem:$0x1EE00] =	vst v63  }
0x108: {  	_ =	swait.ge [sflag:s31], $0x2000  }
0x109: {  	[sflag:s31] =	ssyncset.done $0x0  }
0x10a: {  	s7 =	simm.s32 $0x9;
	s0 =	sadd.s32 $0x2B80, s0;
	[sflag:s31] =	ssyncadd.s32 $0xFFFFE000  }
0x10b: {  	[spmem:s2] =	stream.indirect.scatter.add.f32 [tilespmem:s26], [sflag:$0x10], $0x40, s0, s14, $0xb8;
	[tilespmem:$0x1EE00] =	vst v63  }
0x10c: {  	_ =	swait.ge [sflag:s7], $0x2000  }
0x10d: {  	[sflag:s7] =	ssyncset.done $0x0  }
0x10e: {  	s8 =	simm.s32 $0xA;
	[sflag:s7] =	ssyncadd.s32 $0xFFFFE000  }
0x10f: {  	_ =	swait.ge [sflag:s8], $0x2000  }
0x110: {  	[sflag:s8] =	ssyncset.done $0x0  }
0x111: {  	s9 =	simm.s32 $0xB;
	[sflag:s8] =	ssyncadd.s32 $0xFFFFE000  }
0x112: {  	_ =	swait.ge [sflag:s9], $0x2000  }
0x113: {  	[sflag:s9] =	ssyncset.done $0x0  }
0x114: {  	s10 =	simm.s32 $0xC;
	[sflag:s9] =	ssyncadd.s32 $0xFFFFE000  }
0x115: {  	_ =	swait.ge [sflag:s10], $0x2000  }
0x116: {  	[sflag:s10] =	ssyncset.done $0x0  }
0x117: {  	s11 =	simm.s32 $0xD;
	[sflag:s10] =	ssyncadd.s32 $0xFFFFE000  }
0x118: {  	_ =	swait.ge [sflag:s11], $0x2000  }
0x119: {  	[sflag:s11] =	ssyncset.done $0x0  }
0x11a: {  	s12 =	simm.s32 $0xE;
	[sflag:s11] =	ssyncadd.s32 $0xFFFFE000  }
0x11b: {  	_ =	swait.ge [sflag:s12], $0x2000  }
0x11c: {  	[sflag:s12] =	ssyncset.done $0x0  }
0x11d: {  	s13 =	simm.s32 $0xF;
	[sflag:s12] =	ssyncadd.s32 $0xFFFFE000  }
0x11e: {  	_ =	swait.ge [sflag:s13], $0x2000  }
0x11f: {  	[sflag:s13] =	ssyncset.done $0x0  }
0x120: {  	s17 =	simm.s32 $0x10;
	[sflag:s13] =	ssyncadd.s32 $0xFFFFE000  }
0x121: {  	_ =	swait.ge [sflag:s17], $0x2000  }
0x122: {  	[sflag:s17] =	ssyncset.done $0x0  }
0x123: {  	[sflag:s17] =	ssyncadd.s32 $0xFFFFE000  }
0x124: {  	[bflag:$0x0] =	sbarrier.arrive $0xFFFF  }
0x125: {  	s1 =	rddreg [dreg:$0x6]  }
0x126: {  	s19 =	rddreg [dreg:$0x9]  }
0x127: {  	s5 =	simm.s32 $0x11;
	s3 =	rddreg [dreg:$0xb]  }
0x128: {  	[hbm:s19], [sflag:s1] =	dma.local [spmem:s3], $0x13C0  }
0x129: {  	_ =	swait.ge [sflag:s5], $0x13C0  }
0x12a: {  	s20 =	rddreg [dreg:$0xc]  }
0x12b: {  	s21 =	rddreg [dreg:$0xa];
	s6 =	sadd.s32 $0x1, s20  }
0x12c: {  	p0 =	sne.s32 s6, s21  }
.Ltmp1:
0x12d: {  	_ = 	snop;
	(pc) =	sbr.rel @p0 .LBB2_1-.Ltmp1, $3  }
0x12e: {  	_ =	sdelay $0x1  }
0x12f: {  	[sflag:s5] =	ssyncset.done $0x0  }
0x130: {  	[sflag:s5] =	ssyncadd.s32 $0xFFFFEC40  }
0x131: {  	_ =	sfence.sel $0x180000  }
0x132: {  	[bflag:$0x0] =	sbarrier.arrive $0xFFFF  }
0x133: {  	_ =	strace $0x9000004D  }
0x134: {  	s0 =	stileid.u32;
	[bflag:$0x2] =	sbarrier.arrive $0xFFFF  }
0x135: {  	p0 =	sne.s32 s0, $0x0;
	s0 =	rddreg [dreg:$0x3]  }
0x136: {  	s0 =	sadd.s32 @!p0 $0x100000, s0  }
0x137: {  	[sflag:s0] =	ssyncadd.tile.s32 @!p0 $0x1;
	_ =	shalt  }
.Lfunc_end2:
_tile_overlayer_lowered:
.L_overlay_start_2:
0x138: {  	(tag) =	ssettag $0x2  }
0x139: {  	s0 =	rddreg [dreg:$0x0];
	s2 =	stileid.u32  }
0x13a: {  	s1 =	rddreg [dreg:$0x1];
	p0 =	sne.s32 s2, $0x0  }
0x13b: {  	s3 =	rddreg [dreg:$0x2];
	[bflag:$0x3] =	sbarrier.arrive $0xFFFF;
	s2 =	simm.s32 @!p0 $0x1C11  }
0x13c: {  	[timem:s3], [sflag:s2] =	dma.local @!p0 [hbm:s0], s1  }
0x13d: {  	s0 =	simm.s32 @!p0 $0x11  }
0x13e: {  	_ =	swait.ge @!p0 [sflag:s0], s1  }
0x13f: {  	s1 =	ssub.s32 @!p0 $0x0, s1;
	[sflag:s0] =	ssyncset.done @!p0 $0x0  }
0x140: {  	[sflag:s0] =	ssyncadd.s32 @!p0 s1  }
0x141: {  	[bflag:$0x3] =	sbarrier.arrive $0xFFFF  }
0x142: {  	_ =	shalt  }

// kernel: kernel.9.cloned.1.call-start
scs
__scs_entry_jumppad:
0x0: {  	(pc) =	sbr.rel $0x88, $3  }
0x1: {  	(tag) =	ssettag $0x0;
	lr =	simm.s32 $0x1  }
0x2: {  	[smem:$0x3F94] =	sst lr;
	_ =	strace $0xD0000000  }
0x3: {  	_ = 	snop  }
0x4: {  	_ = 	snop  }
0x5: {  	_ = 	snop  }
0x6: {  	_ = 	snop  }
0x7: {  	_ = 	snop  }
__scs_overlays_trampoline_lowered:
0x8: {  	[smem:$0x3FA3] =	sst s0  }
0x9: {  	[smem:$0x3FA4] =	sst s1  }
0xa: {  	[smem:$0x3FA5] =	sst s2  }
0xb: {  	[smem:$0x3FA6] =	sst s3  }
0xc: {  	[smem:$0x3FA7] =	sst s4  }
0xd: {  	[smem:$0x3FA8] =	sst s5  }
0xe: {  	[smem:$0x3FA9] =	sst s6  }
0xf: {  	[smem:$0x3FAA] =	sst s7  }
0x10: {  	[smem:$0x3FAB] =	sst s8  }
0x11: {  	[smem:$0x3FAC] =	sst s9;
	s0 =	simm.s32 @!p0 $0x0  }
0x12: {  	s1 =	sld [smem:$0x3F92];
	s0 =	simm.s32 @p0 $0x1  }
0x13: {  	[smem:$0x3FAD] =	sst s0;
	s0 =	simm.s32 @!p1 $0x0  }
0x14: {  	s2 =	sld [smem:$0x3F91];
	s0 =	simm.s32 @p1 $0x1  }
0x15: {  	[smem:$0x3FAE] =	sst s0;
	s0 =	simm.s32 @!p2 $0x0  }
0x16: {  	s3 =	sld [smem:$0x3FDB];
	s0 =	simm.s32 @p2 $0x1  }
0x17: {  	s4 =	simm.s32 $0x1BF5;
	[smem:$0x3FB0] =	sst s0  }
0x18: {  	s0 =	sld [smem:$0x3F93];
	_ =	swait.ge [sflag:s4], $0x0  }
0x19: {  	s7 =	sld [smem:$0x3F94]  }
0x1a: {  	s8 =	sadd.s32 $0xFFFFE003, lr  }
0x1b: {  	s9 =	sadd.s32 $0xFFFFFEF7, lr;
	s5 =	simm.s32 $0xFFFFFFFF;
	p2 =	slt.u32 s8, $0xFFFFF086  }
0x1c: {  	p1 =	slt.u32 s9, $0xF7A;
	s5 =	simm.s32 @!p2 $0x0  }
0x1d: {  	s5 =	simm.s32 @p1 $0x1;
	p0 =	seq.s32 s7, s2  }
0x1e: {  	s7 =	smul.u32 @!p0 $0xF7A, s2;
	p2 =	seq.s32 @!p0 s5, $0x0  }
0x1f: {  	s9 =	smul.u32 $0xF7A, s1;
	s8 =	simm.s32 @!p0 $0x1BF5;
	p2 =	por !p2, p0  }
0x20: {  	[sflag:s8] =	ssyncset.s32 @!p0 $0xFFFFF086;
	s6 =	sadd.s32 @!p0 s3, s7;
	s7 =	simm.s32 @!p0 $0x108  }
0x21: {  	s3 =	sadd.s32 s3, s9;
	s6 =	sadd.s32 @!p0 $0x88, s6;
	s7 =	simm.s32 @p2 $0x1082  }
0x22: {  	[simem:s7], [sflag:s8] =	dma.local @!p0 [hbm:s6], $0xF7A  }
0x23: {  	s9 =	sor.u32 $0xD0000000, s2;
	s6 =	simm.s32 $0x108;
	_ =	swait.ge @!p0 [sflag:s8], $0x0  }
0x24: {  	s3 =	sadd.s32 $0x88, s3;
	s6 =	simm.s32 @!p1 $0x1082;
	[sflag:s4] =	ssyncset.s32 $0xFFFFF086  }
0x25: {  	[simem:s6], [sflag:s4] =	dma.local [hbm:s3], $0xF7A  }
0x26: {  	[smem:$0x3F94] =	sst s1;
	(tag) =	ssettag s2;
	_ =	strace s9  }
0x27: {  	s1 =	sld [smem:$0x3FA4]  }
0x28: {  	s2 =	sld [smem:$0x3FA5]  }
0x29: {  	s4 =	sld [smem:$0x3FA7]  }
0x2a: {  	p0 =	seq.s32 s5, $0x0;
	s5 =	sld [smem:$0x3FA8]  }
0x2b: {  	s6 =	sld [smem:$0x3FA9]  }
0x2c: {  	s7 =	sld [smem:$0x3FAA]  }
0x2d: {  	s3 =	simm.s32 $0x108;
	s8 =	sld [smem:$0x3FAB]  }
0x2e: {  	s3 =	simm.s32 @!p0 $0x1082;
	s9 =	sld [smem:$0x3FAC]  }
0x2f: {  	lr =	sadd.s32 s0, s3;
	s0 =	sld [smem:$0x3FA3]  }
0x30: {  	s3 =	sld [smem:$0x3FA6]  }
0x31: {  	[smem:$0x3FAF] =	sst s10  }
0x32: {  	s10 =	sld [smem:$0x3FAD];
	_ =	sdelay $0x3  }
0x33: {  	p0 =	seq.s32 s10, $0x1;
	s10 =	sld [smem:$0x3FAF];
	_ =	sdelay $0x3  }
0x34: {  	[smem:$0x3FAF] =	sst s10  }
0x35: {  	s10 =	sld [smem:$0x3FAE];
	_ =	sdelay $0x3  }
0x36: {  	p1 =	seq.s32 s10, $0x1;
	s10 =	sld [smem:$0x3FAF];
	_ =	sdelay $0x3  }
0x37: {  	[smem:$0x3FAF] =	sst s10  }
0x38: {  	s10 =	sld [smem:$0x3FB0]  }
0x39: {  	_ = 	snop;
	(pc) =	sbr.ind lr, $3  }
0x3a: {  	_ = 	snop  }
0x3b: {  	_ = 	snop  }
0x3c: {  	p2 =	seq.s32 s10, $0x1;
	s10 =	sld [smem:$0x3FAF]  }
0x3d: {  	_ =	shalt  }
0x3e: {  	_ =	shalt  }
0x3f: {  	_ =	shalt  }
0x40: {  	_ =	shalt  }
0x41: {  	_ =	shalt  }
0x42: {  	_ =	shalt  }
0x43: {  	_ =	shalt  }
0x44: {  	_ =	shalt  }
0x45: {  	_ =	shalt  }
0x46: {  	_ =	shalt  }
0x47: {  	_ =	shalt  }
0x48: {  	_ =	shalt  }
0x49: {  	_ =	shalt  }
0x4a: {  	_ =	shalt  }
0x4b: {  	_ =	shalt  }
0x4c: {  	_ =	shalt  }
0x4d: {  	_ =	shalt  }
0x4e: {  	_ =	shalt  }
0x4f: {  	_ =	shalt  }
0x50: {  	_ =	shalt  }
0x51: {  	_ =	shalt  }
0x52: {  	_ =	shalt  }
0x53: {  	_ =	shalt  }
0x54: {  	_ =	shalt  }
0x55: {  	_ =	shalt  }
0x56: {  	_ =	shalt  }
0x57: {  	_ =	shalt  }
0x58: {  	_ =	shalt  }
0x59: {  	_ =	shalt  }
0x5a: {  	_ =	shalt  }
0x5b: {  	_ =	shalt  }
0x5c: {  	_ =	shalt  }
0x5d: {  	_ =	shalt  }
0x5e: {  	_ =	shalt  }
0x5f: {  	_ =	shalt  }
0x60: {  	_ =	shalt  }
0x61: {  	_ =	shalt  }
0x62: {  	_ =	shalt  }
0x63: {  	_ =	shalt  }
0x64: {  	_ =	shalt  }
0x65: {  	_ =	shalt  }
0x66: {  	_ =	shalt  }
0x67: {  	_ =	shalt  }
0x68: {  	_ =	shalt  }
0x69: {  	_ =	shalt  }
0x6a: {  	_ =	shalt  }
0x6b: {  	_ =	shalt  }
0x6c: {  	_ =	shalt  }
0x6d: {  	_ =	shalt  }
0x6e: {  	_ =	shalt  }
0x6f: {  	_ =	shalt  }
0x70: {  	_ =	shalt  }
0x71: {  	_ =	shalt  }
0x72: {  	_ =	shalt  }
0x73: {  	_ =	shalt  }
0x74: {  	_ =	shalt  }
0x75: {  	_ =	shalt  }
0x76: {  	_ =	shalt  }
0x77: {  	_ =	shalt  }
0x78: {  	_ =	shalt  }
0x79: {  	_ =	shalt  }
0x7a: {  	_ =	shalt  }
0x7b: {  	_ =	shalt  }
0x7c: {  	_ =	shalt  }
0x7d: {  	_ =	shalt  }
0x7e: {  	_ =	shalt  }
0x7f: {  	_ =	shalt  }
0x80: {  	_ =	shalt  }
0x81: {  	_ =	shalt  }
0x82: {  	_ =	shalt  }
0x83: {  	_ =	shalt  }
0x84: {  	_ =	shalt  }
0x85: {  	_ =	shalt  }
0x86: {  	_ =	shalt  }
0x87: {  	_ =	shalt  }
.Lfunc_end0:
.L_simem_size_0:
called_computation_lowered:
.L_overlay_start_0:
0x88: {  	s2 =	sld [smem:$0x3FD9]  }
0x89: {  	s3 =	sld [smem:$0x3FFE];
	_ =	sdelay $0x1  }
0x8a: {  	s1 =	srdreg.scid  }
0x8b: {  	s0 =	sand.u32 $0x1, s1  }
0x8c: {  	s17 =	sshll.u32 s0, $0xA;
	s2 =	sadd.s32 s3, s2  }
0x8d: {  	s2 =	sadd.s32 s2, s17  }
0x8e: {  	[smem:$0x3FBB] =	sst s2  }
0x8f: {  	_ = 	snop  }
0x90: {  	s2 =	sld [smem:$0x3FD0];
	(tm) =	ssettm $0x1  }
0x91: {  	s18 =	sld [smem:$0x3FFB];
	_ =	sdelay $0x3  }
0x92: {  	_ =	strace s18  }
0x93: {  	s3 =	sld [smem:$0x3FFC];
	_ =	sdelay $0x3  }
0x94: {  	_ =	strace s3  }
0x95: {  	s3 =	sld [smem:$0x3FFD];
	_ =	sdelay $0x3  }
0x96: {  	_ =	strace s3  }
0x97: {  	_ =	strace $0x8FFFFFFF  }
0x98: {  	s19 =	sld [smem:$0x3FDB];
	_ =	sdelay $0x1  }
0x99: {  	s4 =	simm.s32 $_scs_section_size  }
0x9a: {  	s5 =	simm.s32 $_size__tile_overlayer_lowered;
	s6 =	simm.s32 $_tile_overlayer_lowered  }
0x9b: {  	s22 =	simm.s32 $0x1BFF;
	s21 =	sshll.u32 s6, $0x1;
	s3 =	sadd.s32 s4, s19  }
0x9c: {  	s7 =	simm.s32 $0x0;
	s20 =	sshll.u32 s5, $0x1;
	s5 =	sadd.s32 s21, s3  }
0x9d: {  	[timem:s7], [sflag:s22] =	dma.local [hbm:s5], s20  }
0x9e: {  	_ =	swait.ge [sflag:s22], s20  }
0x9f: {  	s4 =	ssub.s32 $0x0, s20;
	[sflag:s22] =	ssyncset.done $0x0  }
0xa0: {  	[sflag:s22] =	ssyncadd.s32 s4;
	_ =	sdelay $0x1  }
0xa1: {  	s23 =	simm.s32 $0x1B8B  }
0xa2: {  	_ =	swait.ge [sflag:s23], $0x1  }
0xa3: {  	[sflag:s23] =	ssyncset.done $0x0  }
0xa4: {  	s25 =	simm.s32 $0x1B8E;
	s24 =	sld [smem:$0x3FFE];
	[sflag:s23] =	ssyncadd.s32 $0xFFFFFFFF  }
0xa5: {  	s26 =	simm.s32 $execute0_lowered;
	[smem:$0x3FD2] =	sst s25  }
0xa6: {  	s5 =	sshll.u32 s26, $0x1;
	_ =	strace $0x80000046;
	[dreg:$0x1] =	wrdreg $0xFFFFFFFF  }
0xa7: {  	s28 =	simm.s32 $_size_execute0_lowered;
	s3 =	sadd.s32 s3, s5;
	[dreg:$0x0] =	wrdreg $0x0  }
0xa8: {  	s5 =	sshll.u32 s28, $0x1;
	[dreg:$0x2] =	wrdreg s3  }
0xa9: {  	[dreg:$0x3] =	wrdreg s5  }
0xaa: {  	[dreg:$0x4] =	wrdreg $0xC0  }
0xab: {  	_ =	task [dreg:s7], $0x5FFFF  }
0xac: {  	[dreg:$0x1] =	wrdreg $0xFFFFFFFF  }
0xad: {  	[dreg:$0x0] =	wrdreg $0x60  }
0xae: {  	[dreg:$0x2] =	wrdreg s24  }
0xaf: {  	[dreg:$0x3] =	wrdreg s2  }
0xb0: {  	[dreg:$0x4] =	wrdreg $0x120000  }
0xb1: {  	[dreg:$0x5] =	wrdreg $0x1C6000  }
0xb2: {  	[dreg:$0x6] =	wrdreg $0x9  }
0xb3: {  	_ =	task.clear_ibuf [dreg:s7], $0x7FFFF;
	_ =	strace $0x90000046  }
0xb4: {  	s29 =	simm.s32 $0x9;
	_ =	strace $0x80000048  }
0xb5: {  	_ =	swait.ge [sflag:s29], $0x1  }
0xb6: {  	[sflag:s29] =	ssyncadd.s32 $0xFFFFFFFF  }
0xb7: {  	_ =	strace $0x90000048  }
0xb8: {  	_ =	sfence  }
0xb9: {  	s30 =	sld [smem:$0x0];
	_ =	sdelay $0x2  }
0xba: {  	s31 =	sshll.u32 s1, $0xD;
	s1 =	sshrl.u32 s1, $0x2  }
0xbb: {  	s3 =	sand.u32 $0x4000, s31;
	s1 =	sadd.s32 s1, s30  }
0xbc: {  	s0 =	sor.u32 s3, s0;
	s1 =	sshll.u32 s1, $0x11  }
0xbd: {  	s0 =	sor.u32 s1, s0  }
0xbe: {  	s0 =	sadd.s32 $0x8F2B, s0  }
0xbf: {  	[sflag:s0] =	ssyncadd.remote.s32 $0x1  }
0xc0: {  	_ =	sfence.sel $0xFFFF  }
0xc1: {  	[dreg:$0x0] =	wrdreg $0xFFFFFFFF;
	(pc) =	sbr.abs _section_cstart, $3  }
0xc2: {  	[dreg:$0x1] =	wrdreg $0xFFFFFFFF  }
0xc3: {  	_ =	task.clear_ibuf [dreg:s7], $0x2FFFF;
	_ =	strace $0x9FFFFFFF  }
0xc4: {  	(tm) =	ssettm $0x7FFFFFFF  }
0xc5: {  	_ =	shalt  }
tec
execute0_lowered:
.L_overlay_start_1:
0x0: {  	(tag) =	ssettag $0x1  }
0x1: {  	s0 =	rddreg [dreg:$0x0];
	s1 =	srdreg.scid  }
0x2: {  	s5 =	rddreg [dreg:$0x1];
	s15 =	stileid.u32  }
0x3: {  	s2 =	rddreg [dreg:$0x2];
	s7 =	smul.u32 $0xA00, s15  }
0x4: {  	s3 =	rddreg [dreg:$0x3];
	s8 =	smul.u32 $0x2780, s15  }
0x5: {  	s4 =	simm.s32 $0x0;
	s1 =	sand.u32 $0x1, s1;
	s9 =	smul.u32 $0x9E00, s15  }
0x6: {  	s28 =	simm.s32 $0x1;
	s29 =	simm.s32 $0x5;
	s6 =	smul.u32 $0x13880, s1  }
0x7: {  	s31 =	simm.s32 $0x2;
	[smem:$0x7FF] =	sst s4;
	s10 =	smul.u32 $0x9E000, s1  }
0x8: {  	s20 =	sshll.u32 s15, $0x6;
	_ =	strace $0x80000047;
	s11 =	smul.u32 $0x27800, s1  }
0x9: {  	s1 =	ssub.s32 $0x2, s1;
	s7 =	sadd.s32 s7, s0;
	s14 =	sshrl.u32 s8, $0x3  }
0xa: {  	s18 =	sshrl.u32 s1, $0x1;
	s19 =	sshrl.u32 s9, $0x3;
	s21 =	sadd.s32 s8, s3  }
0xb: {  	s12 =	sadd.s32 s6, s0;
	s13 =	sadd.s32 s14, s0;
	s16 =	sadd.s32 s9, s10  }
0xc: {  	s17 =	sadd.s32 s8, s11;
	s1 =	ssub.s32 s1, s18;
	s9 =	sadd.s32 s9, s2  }
0xd: {  	s5 =	sadd.s32 s5, s19;
	s23 =	sadd.s32 $0x38A00, s7;
	s24 =	sadd.s32 $0x2EA00, s7  }
0xe: {  	s18 =	simm.s32 $0x1BE00;
	s19 =	simm.s32 $0x5000;
	[dreg:$0x5] =	wrdreg s5  }
0xf: {  	s8 =	simm.s32 $0x9;
	s6 =	sshrl.u32 s16, $0x3;
	[dreg:$0x8] =	wrdreg s23  }
0x10: {  	s10 =	sshrl.u32 s17, $0x3;
	s22 =	sadd.s32 $0x29A00, s13;
	[dreg:$0x9] =	wrdreg s24  }
0x11: {  	s11 =	sadd.s32 $0x2800, s12;
	s30 =	smax.u32 s1, $0x1;
	s15 =	sshrl.u32 s9, $0x3  }
0x12: {  	s16 =	simm.s32 $0xA;
	s17 =	sshrl.u32 s21, $0x3;
	s21 =	simm.s32 $0xA000  }
0x13: {  	s24 =	simm.s32 $0xE000;
	s23 =	simm.s32 $0x7;
	s5 =	simm.s32 $0x4  }
0x14: {  	s9 =	simm.s32 $0x8;
	s1 =	simm.s32 $0x0;
	s14 =	sadd.s32 s6, s0  }
0x15: {  	s10 =	sadd.s32 s10, s0;
	s6 =	sor.u32 $0x1C0A, s20;
	[dreg:$0x6] =	wrdreg s22  }
0x16: {  	s0 =	sadd.s32 $0x2E900, s0;
	[dreg:$0xc] =	wrdreg s30;
	s20 =	simm.s32 $0x80  }
0x17: {  	s22 =	simm.s32 $0xC000;
	[dreg:$0x7] =	wrdreg s0;
	s25 =	sadd.s32 $0x4C800, s14  }
0x18: {  	s26 =	sadd.s32 $0x42A00, s10;
	s0 =	simm.s32 $0x6;
	[dreg:$0xa] =	wrdreg s25  }
0x19: {  	[dreg:$0xb] =	wrdreg s26;
	s26 =	simm.s32 $0x10000;
	s25 =	simm.s32 $0x3  }
.LBB2_1:
0x1a: {  	s7 =	rddreg [dreg:$0x5]  }
0x1b: {  	[spmem:s15], [sflag:s6] =	dma.local [hbm:s7], $0x13C0  }
0x1c: {  	_ =	swait.ge [sflag:s16], $0x13C0  }
0x1d: {  	[sflag:s16] =	ssyncset.done $0x0  }
0x1e: {  	s14 =	rddreg [dreg:$0x6];
	[sflag:s16] =	ssyncadd.s32 $0xFFFFEC40  }
0x1f: {  	[spmem:s17], [sflag:s6] =	dma.local [hbm:s14], $0x4F0  }
0x20: {  	_ =	swait.ge [sflag:s16], $0x4F0  }
0x21: {  	[sflag:s16] =	ssyncset.done $0x0  }
0x22: {  	s10 =	rddreg [dreg:$0x7];
	[sflag:s16] =	ssyncadd.s32 $0xFFFFFB10  }
0x23: {  	[tilespmem:s18], [sflag:$0xA] =	stream.linear.gather [hbm4b:s10+s4], $0x800, $0x38;
	[tilespmem:$0x1ED80] =	vst v63  }
0x24: {  	_ =	swait.ge [sflag:s16], $0x800  }
0x25: {  	[sflag:s16] =	ssyncset.done $0x0  }
0x26: {  	s12 =	rddreg [dreg:$0x8];
	[sflag:s16] =	ssyncadd.s32 $0xFFFFF800  }
0x27: {  	[tilespmem:s4], [sflag:$0xA] =	stream.linear.gather [hbm4b:s12+s4], $0x5000, $0x38;
	[tilespmem:$0x1ED80] =	vst v63  }
0x28: {  	_ =	swait.ge [sflag:s16], $0x5000  }
0x29: {  	[sflag:s16] =	ssyncset.done $0x0  }
0x2a: {  	s13 =	rddreg [dreg:$0x9];
	[sflag:s16] =	ssyncadd.s32 $0xFFFFB000  }
0x2b: {  	[tilespmem:s19], [sflag:$0xA] =	stream.linear.gather [hbm4b:s13+s4], $0x5000, $0x38;
	[tilespmem:$0x1ED80] =	vst v63  }
0x2c: {  	_ =	swait.ge [sflag:s16], $0x5000  }
0x2d: {  	[sflag:s16] =	ssyncset.done $0x0  }
0x2e: {  	[sflag:s16] =	ssyncadd.s32 $0xFFFFB000  }
0x2f: {  	[bflag:$0x0] =	sbarrier.arrive $0xFFFF  }
0x30: {  	[tilespmem:s21], [sflag:$0x1] =	stream.indirect.gather [hbm4b:s11+s20], $0x40, s4, s20, $0xb8;
	[tilespmem:$0x1ED80] =	vst v63  }
0x31: {  	_ = 	snop  }
0x32: {  	[tilespmem:s22], [sflag:$0x2] =	stream.indirect.gather [hbm4b:s11+s20], $0x40, s20, s20, $0xb8;
	[tilespmem:$0x1ED80] =	vst v63  }
0x33: {  	s14 =	simm.s32 $0x100  }
0x34: {  	[tilespmem:s24], [sflag:$0x3] =	stream.indirect.gather [hbm4b:s11+s20], $0x40, s14, s20, $0xb8;
	[tilespmem:$0x1ED80] =	vst v63  }
0x35: {  	s10 =	simm.s32 $0x180  }
0x36: {  	[tilespmem:s26], [sflag:$0x4] =	stream.indirect.gather [hbm4b:s11+s20], $0x40, s10, s20, $0xb8;
	[tilespmem:$0x1ED80] =	vst v63  }
0x37: {  	_ =	swait.ge [sflag:s28], $0x2000  }
0x38: {  	[sflag:s28] =	ssyncset.done $0x0  }
0x39: {  	[sflag:s28] =	ssyncadd.s32 $0xFFFFE000  }
0x3a: {  	[spmem:s2] =	stream.indirect.scatter.add.f32 [tilespmem:s21], [sflag:$0x5], $0x40, s19, s20, $0xb8;
	[tilespmem:$0x1ED80] =	vst v63  }
0x3b: {  	_ =	swait.ge [sflag:s29], $0x2000  }
0x3c: {  	[sflag:s29] =	ssyncset.done $0x0  }
0x3d: {  	s12 =	simm.s32 $0x200;
	[sflag:s29] =	ssyncadd.s32 $0xFFFFE000  }
0x3e: {  	[tilespmem:s21], [sflag:$0x1] =	stream.indirect.gather [hbm4b:s11+s20], $0x40, s12, s20, $0xb8;
	[tilespmem:$0x1ED80] =	vst v63  }
0x3f: {  	_ =	swait.ge [sflag:s31], $0x2000  }
0x40: {  	[sflag:s31] =	ssyncset.done $0x0  }
0x41: {  	s7 =	simm.s32 $0x5080;
	[sflag:s31] =	ssyncadd.s32 $0xFFFFE000  }
0x42: {  	[spmem:s2] =	stream.indirect.scatter.add.f32 [tilespmem:s22], [sflag:$0x6], $0x40, s7, s20, $0xb8;
	[tilespmem:$0x1ED80] =	vst v63  }
0x43: {  	_ =	swait.ge [sflag:s0], $0x2000  }
0x44: {  	[sflag:s0] =	ssyncset.done $0x0  }
0x45: {  	s10 =	simm.s32 $0x280;
	[sflag:s0] =	ssyncadd.s32 $0xFFFFE000  }
0x46: {  	[tilespmem:s22], [sflag:$0x2] =	stream.indirect.gather [hbm4b:s11+s20], $0x40, s10, s20, $0xb8;
	[tilespmem:$0x1ED80] =	vst v63  }
0x47: {  	_ =	swait.ge [sflag:s25], $0x2000  }
0x48: {  	[sflag:s25] =	ssyncset.done $0x0  }
0x49: {  	s13 =	simm.s32 $0x5100;
	[sflag:s25] =	ssyncadd.s32 $0xFFFFE000  }
0x4a: {  	[spmem:s2] =	stream.indirect.scatter.add.f32 [tilespmem:s24], [sflag:$0x7], $0x40, s13, s20, $0xb8;
	[tilespmem:$0x1ED80] =	vst v63  }
0x4b: {  	_ =	swait.ge [sflag:s23], $0x2000  }
0x4c: {  	[sflag:s23] =	ssyncset.done $0x0  }
0x4d: {  	s12 =	simm.s32 $0x300;
	[sflag:s23] =	ssyncadd.s32 $0xFFFFE000  }
0x4e: {  	[tilespmem:s24], [sflag:$0x3] =	stream.indirect.gather [hbm4b:s11+s20], $0x40, s12, s20, $0xb8;
	[tilespmem:$0x1ED80] =	vst v63  }
0x4f: {  	_ =	swait.ge [sflag:s5], $0x2000  }
0x50: {  	[sflag:s5] =	ssyncset.done $0x0  }
0x51: {  	s14 =	simm.s32 $0x5180;
	[sflag:s5] =	ssyncadd.s32 $0xFFFFE000  }
0x52: {  	[spmem:s2] =	stream.indirect.scatter.add.f32 [tilespmem:s26], [sflag:$0x8], $0x40, s14, s20, $0xb8;
	[tilespmem:$0x1ED80] =	vst v63  }
0x53: {  	_ = 	snop  }
0x54: {  	[spmem:s3] =	stream.indirect.scatter.add.f32 [tilespmem:s18], [sflag:$0x9], $0x10, s19, s20, $0xb8;
	[tilespmem:$0x1ED80] =	vst v63  }
0x55: {  	_ = 	snop  }
0x56: {  	[spmem:s3] =	stream.indirect.scatter.add.f32 [tilespmem:s18], [sflag:$0x9], $0x10, s7, s20, $0xb8;
	[tilespmem:$0x1ED80] =	vst v63  }
0x57: {  	_ = 	snop  }
0x58: {  	[spmem:s3] =	stream.indirect.scatter.add.f32 [tilespmem:s18], [sflag:$0x9], $0x10, s13, s20, $0xb8;
	[tilespmem:$0x1ED80] =	vst v63  }
0x59: {  	_ = 	snop  }
0x5a: {  	[spmem:s3] =	stream.indirect.scatter.add.f32 [tilespmem:s18], [sflag:$0x9], $0x10, s14, s20, $0xb8;
	[tilespmem:$0x1ED80] =	vst v63  }
0x5b: {  	_ =	swait.ge [sflag:s8], $0x800  }
0x5c: {  	[sflag:s8] =	ssyncset.done $0x0  }
0x5d: {  	[sflag:s8] =	ssyncadd.s32 $0xFFFFF800  }
0x5e: {  	_ =	swait.ge [sflag:s8], $0x800  }
0x5f: {  	[sflag:s8] =	ssyncset.done $0x0  }
0x60: {  	[sflag:s8] =	ssyncadd.s32 $0xFFFFF800  }
0x61: {  	_ =	swait.ge [sflag:s8], $0x800  }
0x62: {  	[sflag:s8] =	ssyncset.done $0x0  }
0x63: {  	[sflag:s8] =	ssyncadd.s32 $0xFFFFF800  }
0x64: {  	_ =	swait.ge [sflag:s8], $0x800  }
0x65: {  	[sflag:s8] =	ssyncset.done $0x0  }
0x66: {  	[sflag:s8] =	ssyncadd.s32 $0xFFFFF800  }
0x67: {  	_ =	swait.ge [sflag:s9], $0x2000  }
0x68: {  	[sflag:s9] =	ssyncset.done $0x0  }
0x69: {  	s10 =	simm.s32 $0x380;
	[sflag:s9] =	ssyncadd.s32 $0xFFFFE000  }
0x6a: {  	[tilespmem:s26], [sflag:$0x4] =	stream.indirect.gather [hbm4b:s11+s20], $0x40, s10, s20, $0xb8;
	[tilespmem:$0x1ED80] =	vst v63  }
0x6b: {  	_ =	swait.ge [sflag:s28], $0x2000  }
0x6c: {  	[sflag:s28] =	ssyncset.done $0x0  }
0x6d: {  	s7 =	simm.s32 $0x5200;
	[sflag:s28] =	ssyncadd.s32 $0xFFFFE000  }
0x6e: {  	[spmem:s2] =	stream.indirect.scatter.add.f32 [tilespmem:s21], [sflag:$0x5], $0x40, s7, s20, $0xb8;
	[tilespmem:$0x1ED80] =	vst v63  }
0x6f: {  	_ =	swait.ge [sflag:s29], $0x2000  }
0x70: {  	[sflag:s29] =	ssyncset.done $0x0  }
0x71: {  	s30 =	simm.s32 $0x400;
	[sflag:s29] =	ssyncadd.s32 $0xFFFFE000  }
0x72: {  	[tilespmem:s21], [sflag:$0x1] =	stream.indirect.gather [hbm4b:s11+s20], $0x40, s30, s20, $0xb8;
	[tilespmem:$0x1ED80] =	vst v63  }
0x73: {  	_ =	swait.ge [sflag:s31], $0x2000  }
0x74: {  	[sflag:s31] =	ssyncset.done $0x0  }
0x75: {  	s30 =	simm.s32 $0x5280;
	[sflag:s31] =	ssyncadd.s32 $0xFFFFE000  }
0x76: {  	[spmem:s2] =	stream.indirect.scatter.add.f32 [tilespmem:s22], [sflag:$0x6], $0x40, s30, s20, $0xb8;
	[tilespmem:$0x1ED80] =	vst v63  }
0x77: {  	_ =	swait.ge [sflag:s0], $0x2000  }
0x78: {  	[sflag:s0] =	ssyncset.done $0x0  }
0x79: {  	s12 =	simm.s32 $0x480;
	[sflag:s0] =	ssyncadd.s32 $0xFFFFE000  }
0x7a: {  	[tilespmem:s22], [sflag:$0x2] =	stream.indirect.gather [hbm4b:s11+s20], $0x40, s12, s20, $0xb8;
	[tilespmem:$0x1ED80] =	vst v63  }
0x7b: {  	_ =	swait.ge [sflag:s25], $0x2000  }
0x7c: {  	[sflag:s25] =	ssyncset.done $0x0  }
0x7d: {  	s10 =	simm.s32 $0x5300;
	[sflag:s25] =	ssyncadd.s32 $0xFFFFE000  }
0x7e: {  	[spmem:s2] =	stream.indirect.scatter.add.f32 [tilespmem:s24], [sflag:$0x7], $0x40, s10, s20, $0xb8;
	[tilespmem:$0x1ED80] =	vst v63  }
0x7f: {  	_ =	swait.ge [sflag:s23], $0x2000  }
0x80: {  	[sflag:s23] =	ssyncset.done $0x0  }
0x81: {  	s13 =	simm.s32 $0x500;
	[sflag:s23] =	ssyncadd.s32 $0xFFFFE000  }
0x82: {  	[tilespmem:s24], [sflag:$0x3] =	stream.indirect.gather [hbm4b:s11+s20], $0x40, s13, s20, $0xb8;
	[tilespmem:$0x1ED80] =	vst v63  }
0x83: {  	_ =	swait.ge [sflag:s5], $0x2000  }
0x84: {  	[sflag:s5] =	ssyncset.done $0x0  }
0x85: {  	s14 =	simm.s32 $0x5380;
	[sflag:s5] =	ssyncadd.s32 $0xFFFFE000  }
0x86: {  	[spmem:s2] =	stream.indirect.scatter.add.f32 [tilespmem:s26], [sflag:$0x8], $0x40, s14, s20, $0xb8;
	[tilespmem:$0x1ED80] =	vst v63  }
0x87: {  	_ = 	snop  }
0x88: {  	[spmem:s3] =	stream.indirect.scatter.add.f32 [tilespmem:s18], [sflag:$0x9], $0x10, s7, s20, $0xb8;
	[tilespmem:$0x1ED80] =	vst v63  }
0x89: {  	_ = 	snop  }
0x8a: {  	[spmem:s3] =	stream.indirect.scatter.add.f32 [tilespmem:s18], [sflag:$0x9], $0x10, s30, s20, $0xb8;
	[tilespmem:$0x1ED80] =	vst v63  }
0x8b: {  	_ = 	snop  }
0x8c: {  	[spmem:s3] =	stream.indirect.scatter.add.f32 [tilespmem:s18], [sflag:$0x9], $0x10, s10, s20, $0xb8;
	[tilespmem:$0x1ED80] =	vst v63  }
0x8d: {  	_ = 	snop  }
0x8e: {  	[spmem:s3] =	stream.indirect.scatter.add.f32 [tilespmem:s18], [sflag:$0x9], $0x10, s14, s20, $0xb8;
	[tilespmem:$0x1ED80] =	vst v63  }
0x8f: {  	_ =	swait.ge [sflag:s8], $0x800  }
0x90: {  	[sflag:s8] =	ssyncset.done $0x0  }
0x91: {  	[sflag:s8] =	ssyncadd.s32 $0xFFFFF800  }
0x92: {  	_ =	swait.ge [sflag:s8], $0x800  }
0x93: {  	[sflag:s8] =	ssyncset.done $0x0  }
0x94: {  	[sflag:s8] =	ssyncadd.s32 $0xFFFFF800  }
0x95: {  	_ =	swait.ge [sflag:s8], $0x800  }
0x96: {  	[sflag:s8] =	ssyncset.done $0x0  }
0x97: {  	[sflag:s8] =	ssyncadd.s32 $0xFFFFF800  }
0x98: {  	_ =	swait.ge [sflag:s8], $0x800  }
0x99: {  	s30 =	simm.s32 $0x800;
	[sflag:s8] =	ssyncset.done $0x0  }
.LBB2_2:
0x9a: {  	p0 =	sne.s32 s30, $0x12800  }
0x9b: {  	[sflag:s8] =	ssyncadd.s32 $0xFFFFF800;
	s7 =	smov.u32 s30;
	s30 =	sadd.s32 $0x800, s30  }
0x9c: {  	_ =	swait.ge [sflag:s9], $0x2000  }
0x9d: {  	s7 =	sshra.s32 s7, $0x2;
	[sflag:s9] =	ssyncset.done $0x0  }
0x9e: {  	s10 =	sadd.s32 $0x380, s7;
	[sflag:s9] =	ssyncadd.s32 $0xFFFFE000  }
0x9f: {  	[tilespmem:s26], [sflag:$0x4] =	stream.indirect.gather [hbm4b:s11+s20], $0x40, s10, s20, $0xb8;
	[tilespmem:$0x1ED80] =	vst v63  }
0xa0: {  	_ =	swait.ge [sflag:s28], $0x2000  }
0xa1: {  	[sflag:s28] =	ssyncset.done $0x0  }
0xa2: {  	s10 =	sadd.s32 $0x5200, s7;
	[sflag:s28] =	ssyncadd.s32 $0xFFFFE000  }
0xa3: {  	[spmem:s2] =	stream.indirect.scatter.add.f32 [tilespmem:s21], [sflag:$0x5], $0x40, s10, s20, $0xb8;
	[tilespmem:$0x1ED80] =	vst v63  }
0xa4: {  	_ =	swait.ge [sflag:s29], $0x2000  }
0xa5: {  	[sflag:s29] =	ssyncset.done $0x0  }
0xa6: {  	s12 =	sadd.s32 $0x400, s7;
	[sflag:s29] =	ssyncadd.s32 $0xFFFFE000  }
0xa7: {  	[tilespmem:s21], [sflag:$0x1] =	stream.indirect.gather [hbm4b:s11+s20], $0x40, s12, s20, $0xb8;
	[tilespmem:$0x1ED80] =	vst v63  }
0xa8: {  	_ =	swait.ge [sflag:s31], $0x2000  }
0xa9: {  	[sflag:s31] =	ssyncset.done $0x0  }
0xaa: {  	s12 =	sadd.s32 $0x5280, s7;
	[sflag:s31] =	ssyncadd.s32 $0xFFFFE000  }
0xab: {  	[spmem:s2] =	stream.indirect.scatter.add.f32 [tilespmem:s22], [sflag:$0x6], $0x40, s12, s20, $0xb8;
	[tilespmem:$0x1ED80] =	vst v63  }
0xac: {  	_ =	swait.ge [sflag:s0], $0x2000  }
0xad: {  	[sflag:s0] =	ssyncset.done $0x0  }
0xae: {  	s13 =	sadd.s32 $0x480, s7;
	[sflag:s0] =	ssyncadd.s32 $0xFFFFE000  }
0xaf: {  	[tilespmem:s22], [sflag:$0x2] =	stream.indirect.gather [hbm4b:s11+s20], $0x40, s13, s20, $0xb8;
	[tilespmem:$0x1ED80] =	vst v63  }
0xb0: {  	_ =	swait.ge [sflag:s25], $0x2000  }
0xb1: {  	[sflag:s25] =	ssyncset.done $0x0  }
0xb2: {  	s13 =	sadd.s32 $0x5300, s7;
	[sflag:s25] =	ssyncadd.s32 $0xFFFFE000  }
0xb3: {  	[spmem:s2] =	stream.indirect.scatter.add.f32 [tilespmem:s24], [sflag:$0x7], $0x40, s13, s20, $0xb8;
	[tilespmem:$0x1ED80] =	vst v63  }
0xb4: {  	_ =	swait.ge [sflag:s23], $0x2000  }
0xb5: {  	[sflag:s23] =	ssyncset.done $0x0  }
0xb6: {  	s14 =	sadd.s32 $0x500, s7;
	[sflag:s23] =	ssyncadd.s32 $0xFFFFE000  }
0xb7: {  	[tilespmem:s24], [sflag:$0x3] =	stream.indirect.gather [hbm4b:s11+s20], $0x40, s14, s20, $0xb8;
	[tilespmem:$0x1ED80] =	vst v63  }
0xb8: {  	_ =	swait.ge [sflag:s5], $0x2000  }
0xb9: {  	[sflag:s5] =	ssyncset.done $0x0  }
0xba: {  	s7 =	sadd.s32 $0x5380, s7;
	[sflag:s5] =	ssyncadd.s32 $0xFFFFE000  }
0xbb: {  	[spmem:s2] =	stream.indirect.scatter.add.f32 [tilespmem:s26], [sflag:$0x8], $0x40, s7, s20, $0xb8;
	[tilespmem:$0x1ED80] =	vst v63  }
0xbc: {  	_ = 	snop  }
0xbd: {  	[spmem:s3] =	stream.indirect.scatter.add.f32 [tilespmem:s18], [sflag:$0x9], $0x10, s10, s20, $0xb8;
	[tilespmem:$0x1ED80] =	vst v63  }
0xbe: {  	_ = 	snop  }
0xbf: {  	[spmem:s3] =	stream.indirect.scatter.add.f32 [tilespmem:s18], [sflag:$0x9], $0x10, s12, s20, $0xb8;
	[tilespmem:$0x1ED80] =	vst v63  }
0xc0: {  	_ = 	snop  }
0xc1: {  	[spmem:s3] =	stream.indirect.scatter.add.f32 [tilespmem:s18], [sflag:$0x9], $0x10, s13, s20, $0xb8;
	[tilespmem:$0x1ED80] =	vst v63  }
0xc2: {  	_ = 	snop  }
0xc3: {  	[spmem:s3] =	stream.indirect.scatter.add.f32 [tilespmem:s18], [sflag:$0x9], $0x10, s7, s20, $0xb8;
	[tilespmem:$0x1ED80] =	vst v63  }
0xc4: {  	_ =	swait.ge [sflag:s8], $0x800  }
0xc5: {  	[sflag:s8] =	ssyncset.done $0x0  }
0xc6: {  	[sflag:s8] =	ssyncadd.s32 $0xFFFFF800  }
0xc7: {  	_ =	swait.ge [sflag:s8], $0x800  }
0xc8: {  	[sflag:s8] =	ssyncset.done $0x0  }
0xc9: {  	[sflag:s8] =	ssyncadd.s32 $0xFFFFF800  }
.Ltmp0:
0xca: {  	_ =	swait.ge [sflag:s8], $0x800;
	(pc) =	sbr.rel @p0 .LBB2_2-.Ltmp0, $4  }
0xcb: {  	[sflag:s8] =	ssyncset.done $0x0  }
0xcc: {  	[sflag:s8] =	ssyncadd.s32 $0xFFFFF800  }
0xcd: {  	_ =	swait.ge [sflag:s8], $0x800  }
0xce: {  	[sflag:s8] =	ssyncset.done $0x0  }
0xcf: {  	[sflag:s8] =	ssyncadd.s32 $0xFFFFF800  }
0xd0: {  	_ =	swait.ge [sflag:s9], $0x2000  }
0xd1: {  	[sflag:s9] =	ssyncset.done $0x0  }
0xd2: {  	s7 =	simm.s32 $0x4F80;
	[sflag:s9] =	ssyncadd.s32 $0xFFFFE000  }
0xd3: {  	[tilespmem:s26], [sflag:$0x4] =	stream.indirect.gather [hbm4b:s11+s20], $0x40, s7, s20, $0xb8;
	[tilespmem:$0x1ED80] =	vst v63  }
0xd4: {  	_ =	swait.ge [sflag:s28], $0x2000  }
0xd5: {  	[sflag:s28] =	ssyncset.done $0x0  }
0xd6: {  	s30 =	simm.s32 $0x9E00;
	[sflag:s28] =	ssyncadd.s32 $0xFFFFE000  }
0xd7: {  	[spmem:s2] =	stream.indirect.scatter.add.f32 [tilespmem:s21], [sflag:$0x5], $0x40, s30, s20, $0xb8;
	[tilespmem:$0x1ED80] =	vst v63  }
0xd8: {  	_ =	swait.ge [sflag:s31], $0x2000  }
0xd9: {  	[sflag:s31] =	ssyncset.done $0x0  }
0xda: {  	s10 =	simm.s32 $0x9E80;
	[sflag:s31] =	ssyncadd.s32 $0xFFFFE000  }
0xdb: {  	[spmem:s2] =	stream.indirect.scatter.add.f32 [tilespmem:s22], [sflag:$0x6], $0x40, s10, s20, $0xb8;
	[tilespmem:$0x1ED80] =	vst v63  }
0xdc: {  	_ =	swait.ge [sflag:s25], $0x2000  }
0xdd: {  	[sflag:s25] =	ssyncset.done $0x0  }
0xde: {  	s12 =	simm.s32 $0x9F00;
	[sflag:s25] =	ssyncadd.s32 $0xFFFFE000  }
0xdf: {  	[spmem:s2] =	stream.indirect.scatter.add.f32 [tilespmem:s24], [sflag:$0x7], $0x40, s12, s20, $0xb8;
	[tilespmem:$0x1ED80] =	vst v63  }
0xe0: {  	_ =	swait.ge [sflag:s5], $0x2000  }
0xe1: {  	[sflag:s5] =	ssyncset.done $0x0  }
0xe2: {  	s13 =	simm.s32 $0x9F80;
	[sflag:s5] =	ssyncadd.s32 $0xFFFFE000  }
0xe3: {  	[spmem:s2] =	stream.indirect.scatter.add.f32 [tilespmem:s26], [sflag:$0x8], $0x40, s13, s20, $0xb8;
	[tilespmem:$0x1ED80] =	vst v63  }
0xe4: {  	_ = 	snop  }
0xe5: {  	[spmem:s3] =	stream.indirect.scatter.add.f32 [tilespmem:s18], [sflag:$0x9], $0x10, s30, s20, $0xb8;
	[tilespmem:$0x1ED80] =	vst v63  }
0xe6: {  	_ = 	snop  }
0xe7: {  	[spmem:s3] =	stream.indirect.scatter.add.f32 [tilespmem:s18], [sflag:$0x9], $0x10, s10, s20, $0xb8;
	[tilespmem:$0x1ED80] =	vst v63  }
0xe8: {  	_ = 	snop  }
0xe9: {  	[spmem:s3] =	stream.indirect.scatter.add.f32 [tilespmem:s18], [sflag:$0x9], $0x10, s12, s20, $0xb8;
	[tilespmem:$0x1ED80] =	vst v63  }
0xea: {  	_ = 	snop  }
0xeb: {  	[spmem:s3] =	stream.indirect.scatter.add.f32 [tilespmem:s18], [sflag:$0x9], $0x10, s13, s20, $0xb8;
	[tilespmem:$0x1ED80] =	vst v63  }
0xec: {  	_ =	swait.ge [sflag:s8], $0x800  }
0xed: {  	[sflag:s8] =	ssyncset.done $0x0  }
0xee: {  	[sflag:s8] =	ssyncadd.s32 $0xFFFFF800  }
0xef: {  	_ =	swait.ge [sflag:s8], $0x800  }
0xf0: {  	[sflag:s8] =	ssyncset.done $0x0  }
0xf1: {  	[sflag:s8] =	ssyncadd.s32 $0xFFFFF800  }
0xf2: {  	_ =	swait.ge [sflag:s8], $0x800  }
0xf3: {  	[sflag:s8] =	ssyncset.done $0x0  }
0xf4: {  	[sflag:s8] =	ssyncadd.s32 $0xFFFFF800  }
0xf5: {  	_ =	swait.ge [sflag:s8], $0x800  }
0xf6: {  	[sflag:s8] =	ssyncset.done $0x0  }
0xf7: {  	[sflag:s8] =	ssyncadd.s32 $0xFFFFF800  }
0xf8: {  	_ =	swait.ge [sflag:s29], $0x2000  }
0xf9: {  	[sflag:s29] =	ssyncset.done $0x0  }
0xfa: {  	[sflag:s29] =	ssyncadd.s32 $0xFFFFE000  }
0xfb: {  	_ =	swait.ge [sflag:s0], $0x2000  }
0xfc: {  	[sflag:s0] =	ssyncset.done $0x0  }
0xfd: {  	[sflag:s0] =	ssyncadd.s32 $0xFFFFE000  }
0xfe: {  	_ =	swait.ge [sflag:s23], $0x2000  }
0xff: {  	[sflag:s23] =	ssyncset.done $0x0  }
0x100: {  	[sflag:s23] =	ssyncadd.s32 $0xFFFFE000  }
0x101: {  	_ =	swait.ge [sflag:s9], $0x2000  }
0x102: {  	[sflag:s9] =	ssyncset.done $0x0  }
0x103: {  	[sflag:s9] =	ssyncadd.s32 $0xFFFFE000  }
0x104: {  	[bflag:$0x0] =	sbarrier.arrive $0xFFFF  }
0x105: {  	s13 =	rddreg [dreg:$0xa]  }
0x106: {  	[hbm:s13], [sflag:s6] =	dma.local [spmem:s15], $0x13C0  }
0x107: {  	_ =	swait.ge [sflag:s16], $0x13C0  }
0x108: {  	[sflag:s16] =	ssyncset.done $0x0  }
0x109: {  	s14 =	rddreg [dreg:$0xb];
	[sflag:s16] =	ssyncadd.s32 $0xFFFFEC40  }
0x10a: {  	[hbm:s14], [sflag:s6] =	dma.local [spmem:s17], $0x4F0  }
0x10b: {  	_ =	swait.ge [sflag:s16], $0x4F0  }
0x10c: {  	s1 =	sadd.s32 $0x1, s1;
	s30 =	rddreg [dreg:$0xc]  }
0x10d: {  	p0 =	sne.s32 s1, s30  }
.Ltmp1:
0x10e: {  	_ = 	snop;
	(pc) =	sbr.rel @p0 .LBB2_1-.Ltmp1, $3  }
0x10f: {  	_ =	sdelay $0x1  }
0x110: {  	[sflag:s16] =	ssyncset.done $0x0  }
0x111: {  	[sflag:s16] =	ssyncadd.s32 $0xFFFFFB10  }
0x112: {  	_ =	sfence.sel $0x180000  }
0x113: {  	[bflag:$0x0] =	sbarrier.arrive $0xFFFF  }
0x114: {  	_ =	strace $0x90000047  }
0x115: {  	s0 =	stileid.u32;
	[bflag:$0x2] =	sbarrier.arrive $0xFFFF  }
0x116: {  	p0 =	sne.s32 s0, $0x0;
	s0 =	rddreg [dreg:$0x4]  }
0x117: {  	s0 =	sadd.s32 @!p0 $0x100000, s0  }
0x118: {  	[sflag:s0] =	ssyncadd.tile.s32 @!p0 $0x1;
	_ =	shalt  }
.Lfunc_end2:
_tile_overlayer_lowered:
.L_overlay_start_2:
0x119: {  	(tag) =	ssettag $0x2  }
0x11a: {  	s0 =	rddreg [dreg:$0x0];
	s2 =	stileid.u32  }
0x11b: {  	s1 =	rddreg [dreg:$0x1];
	p0 =	sne.s32 s2, $0x0  }
0x11c: {  	s3 =	rddreg [dreg:$0x2];
	[bflag:$0x3] =	sbarrier.arrive $0xFFFF;
	s2 =	simm.s32 @!p0 $0x1C0A  }
0x11d: {  	[timem:s3], [sflag:s2] =	dma.local @!p0 [hbm:s0], s1  }
0x11e: {  	s0 =	simm.s32 @!p0 $0xA  }
0x11f: {  	_ =	swait.ge @!p0 [sflag:s0], s1  }
0x120: {  	s1 =	ssub.s32 @!p0 $0x0, s1;
	[sflag:s0] =	ssyncset.done @!p0 $0x0  }
0x121: {  	[sflag:s0] =	ssyncadd.s32 @!p0 s1  }
0x122: {  	[bflag:$0x3] =	sbarrier.arrive $0xFFFF  }
0x123: {  	_ =	shalt  }

</sc_bundles>
